<compile_context>
chip_gen: v7x
topology: tpu7x:2x2x1
jax: 0.10.2.dev20260603
libtpu: 0.0.44.dev20260713+nightly
codegen_flags: <defaults>
</compile_context>

<pallas_src>
import functools

import jax
import jax.numpy as jnp
from jax import lax
from jax.experimental import pallas as pl
from jax.experimental.pallas import tpu as pltpu
from jax.experimental.pallas import tpu_sc as plsc

NC = 2
NS = 16
NW = NC * NS



def _mm_score_body(x_ref, w_ref, asrc_ref, adst_ref, h_ref, s_ref, d_ref):
    h = jnp.dot(x_ref[...], w_ref[...], preferred_element_type=jnp.float32)
    h_ref[...] = h
    s_ref[...] = jnp.sum(h * asrc_ref[...], axis=1)[:, None]
    d_ref[...] = jnp.sum(h * adst_ref[...], axis=1)[:, None]


def _mm_score(x, W, a_src, a_dst, rb=1000):
    n, dd = x.shape
    hh = W.shape[1]
    return pl.pallas_call(
        _mm_score_body,
        grid=(n // rb,),
        in_specs=[
            pl.BlockSpec((rb, dd), lambda i: (i, 0)),
            pl.BlockSpec((dd, hh), lambda i: (0, 0)),
            pl.BlockSpec((1, hh), lambda i: (0, 0)),
            pl.BlockSpec((1, hh), lambda i: (0, 0)),
        ],
        out_specs=[
            pl.BlockSpec((rb, hh), lambda i: (i, 0)),
            pl.BlockSpec((rb, 1), lambda i: (i, 0)),
            pl.BlockSpec((rb, 1), lambda i: (i, 0)),
        ],
        out_shape=[
            jax.ShapeDtypeStruct((n, hh), jnp.float32),
            jax.ShapeDtypeStruct((n, 1), jnp.float32),
            jax.ShapeDtypeStruct((n, 1), jnp.float32),
        ],
    )(x, W, a_src.reshape(1, -1), a_dst.reshape(1, -1))


def _agg_body(acc_ref, den0_ref, den1_ref, out_ref, st_ref):
    i = pl.program_id(0)
    a = acc_ref[0] + acc_ref[1]
    dn = den0_ref[...] + den1_ref[...]
    o = a / (dn + 1e-9)
    out_ref[...] = o

    @pl.when(i == 0)
    def _():
        st_ref[...] = jnp.zeros_like(st_ref)

    st_ref[0:1, :] += jnp.sum(o, axis=0)[None, :]
    st_ref[1:2, :] += jnp.sum(o * o, axis=0)[None, :]


def _agg(acc, den, rb=1000):
    _, n, hh = acc.shape
    nb = n // rb
    return pl.pallas_call(
        _agg_body,
        grid=(nb,),
        in_specs=[
            pl.BlockSpec((2, rb, hh), lambda i: (0, i, 0)),
            pl.BlockSpec((rb, 1), lambda i: (i, 0)),
            pl.BlockSpec((rb, 1), lambda i, nb=nb: (nb + i, 0)),
        ],
        out_specs=[
            pl.BlockSpec((rb, hh), lambda i: (i, 0)),
            pl.BlockSpec((8, hh), lambda i: (0, 0)),
        ],
        out_shape=[
            jax.ShapeDtypeStruct((n, hh), jnp.float32),
            jax.ShapeDtypeStruct((8, hh), jnp.float32),
        ],
    )(acc, den, den)


def _bn(o_ref, st_ref, g_ref, b_ref, n):
    mu = st_ref[0:1, :] / n
    var = st_ref[1:2, :] / n - mu * mu
    xb = g_ref[...] * (o_ref[...] - mu) * lax.rsqrt(var + 1e-5) + b_ref[...]
    return jnp.maximum(xb, 0.0)


def _bn_mm_score_body(o_ref, st_ref, g_ref, b_ref, w_ref, asrc_ref, adst_ref,
                      h_ref, s_ref, d_ref, *, n):
    xb = _bn(o_ref, st_ref, g_ref, b_ref, n)
    h = jnp.dot(xb, w_ref[...], preferred_element_type=jnp.float32)
    h_ref[...] = h
    s_ref[...] = jnp.sum(h * asrc_ref[...], axis=1)[:, None]
    d_ref[...] = jnp.sum(h * adst_ref[...], axis=1)[:, None]


def _bn_mm_score(o, st, gamma, beta, W, a_src, a_dst, rb=1000):
    n, hh = o.shape
    return pl.pallas_call(
        functools.partial(_bn_mm_score_body, n=float(n)),
        grid=(n // rb,),
        in_specs=[
            pl.BlockSpec((rb, hh), lambda i: (i, 0)),
            pl.BlockSpec((8, hh), lambda i: (0, 0)),
            pl.BlockSpec((1, hh), lambda i: (0, 0)),
            pl.BlockSpec((1, hh), lambda i: (0, 0)),
            pl.BlockSpec((hh, hh), lambda i: (0, 0)),
            pl.BlockSpec((1, hh), lambda i: (0, 0)),
            pl.BlockSpec((1, hh), lambda i: (0, 0)),
        ],
        out_specs=[
            pl.BlockSpec((rb, hh), lambda i: (i, 0)),
            pl.BlockSpec((rb, 1), lambda i: (i, 0)),
            pl.BlockSpec((rb, 1), lambda i: (i, 0)),
        ],
        out_shape=[
            jax.ShapeDtypeStruct((n, hh), jnp.float32),
            jax.ShapeDtypeStruct((n, 1), jnp.float32),
            jax.ShapeDtypeStruct((n, 1), jnp.float32),
        ],
    )(o, st, gamma.reshape(1, -1), beta.reshape(1, -1), W,
      a_src.reshape(1, -1), a_dst.reshape(1, -1))


def _bn_dense_body(o_ref, st_ref, g_ref, b_ref, wd_ref, bd_ref, out_ref, *, n):
    xb = _bn(o_ref, st_ref, g_ref, b_ref, n)
    out_ref[...] = jnp.dot(xb, wd_ref[...],
                           preferred_element_type=jnp.float32) + bd_ref[...]


def _bn_dense(o, st, gamma, beta, Wd, bd, nstat, rb=1024):
    n, hh = o.shape
    cdim = Wd.shape[1]
    return pl.pallas_call(
        functools.partial(_bn_dense_body, n=float(nstat)),
        grid=(n // rb,),
        in_specs=[
            pl.BlockSpec((rb, hh), lambda i: (i, 0)),
            pl.BlockSpec((8, hh), lambda i: (0, 0)),
            pl.BlockSpec((1, hh), lambda i: (0, 0)),
            pl.BlockSpec((1, hh), lambda i: (0, 0)),
            pl.BlockSpec((hh, cdim), lambda i: (0, 0)),
            pl.BlockSpec((1, cdim), lambda i: (0, 0)),
        ],
        out_specs=pl.BlockSpec((rb, cdim), lambda i: (i, 0)),
        out_shape=jax.ShapeDtypeStruct((n, cdim), jnp.float32),
    )(o, st, gamma.reshape(1, -1), beta.reshape(1, -1), Wd, bd.reshape(1, -1))



def _edge_pass(src2, dst2, s, d, h):
    nchunks = src2.shape[0]
    n = s.shape[0]
    hh = h.shape[1]
    nv = hh // 16
    np_den = ((n + 16 * NS - 1) // (16 * NS)) * 16 * NS
    dpt = np_den // NS
    mesh = plsc.VectorSubcoreMesh(core_axis_name="c", subcore_axis_name="s")

    @functools.partial(
        pl.kernel,
        out_type=[
            jax.ShapeDtypeStruct((NC * n, hh), jnp.float32),
            jax.ShapeDtypeStruct((NC * n,), jnp.float32),
        ],
        mesh=mesh,
        scratch_types=[
            pltpu.VMEM((n,), jnp.float32),
            pltpu.VMEM((n,), jnp.float32),
            pltpu.VMEM((128, hh), jnp.float32),
            pltpu.VMEM((128,), jnp.int32),
            pltpu.VMEM((128,), jnp.int32),
            pltpu.VMEM((128,), jnp.float32),
            pltpu.VMEM((dpt,), jnp.float32),
            pltpu.VMEM_SHARED((n, hh), jnp.float32),
            pltpu.VMEM_SHARED((np_den,), jnp.float32),
            pltpu.SemaphoreType.DMA,
        ],
        compiler_params=pltpu.CompilerParams(needs_layout_passes=False),
    )
    def k(src_hbm, dst_hbm, s_hbm, d_hbm, h_hbm, acc_out, den_out,
          s_v, d_v, rows, csrc, cdst, exbuf, zden, acc_sh, den_sh, sem):
        cid = lax.axis_index("c")
        sid = lax.axis_index("s")
        wid = sid * NC + cid

        def zrow(r, _):
            for v in range(nv):
                rows[r, pl.ds(v * 16, 16)] = jnp.zeros((16,), jnp.float32)
            return 0
        lax.fori_loop(0, 128, zrow, 0)

        def zd(j, _):
            zden[pl.ds(j * 16, 16)] = jnp.zeros((16,), jnp.float32)
            return 0
        lax.fori_loop(0, dpt // 16, zd, 0)

        cq, cr = divmod(n // 128, NS)
        cbase = cq * sid + jnp.minimum(sid, cr)
        ccount = cq + jnp.where(sid < cr, 1, 0)
        tail = n - (n // 128) * 128

        def zacc(kk, _):
            pltpu.sync_copy(rows, acc_sh.at[pl.ds((cbase + kk) * 128, 128)])
            return 0
        lax.fori_loop(0, ccount, zacc, 0)
        if tail:
            @pl.when(sid == NS - 1)
            def _():
                pltpu.sync_copy(rows.at[pl.ds(0, tail)],
                                acc_sh.at[pl.ds(n - tail, tail)])
        pltpu.sync_copy(zden, den_sh.at[pl.ds(sid * dpt, dpt)])

        pltpu.sync_copy(s_hbm, s_v)
        pltpu.sync_copy(d_hbm, d_v)
        plsc.subcore_barrier()

        q, r = divmod(nchunks, NW)
        base = q * wid + jnp.minimum(wid, r)
        count = q + jnp.where(wid < r, 1, 0)

        def chunk(kk, _):
            c = base + kk
            pltpu.sync_copy(src_hbm.at[c], csrc)
            g = pltpu.async_copy(h_hbm.at[csrc], rows, sem)
            pltpu.sync_copy(dst_hbm.at[c], cdst)
            for j in range(8):
                si = csrc[pl.ds(j * 16, 16)]
                di = cdst[pl.ds(j * 16, 16)]
                z = plsc.load_gather(s_v, [si]) + plsc.load_gather(d_v, [di])
                e = jnp.maximum(z, 0.2 * z)
                exbuf[pl.ds(j * 16, 16)] = jnp.exp(e)
            pltpu.sync_copy(exbuf, den_sh.at[cdst], add=True)
            g.wait()

            def wrow(rr, _):
                r2 = rr * 2
                bex0 = plsc.load_gather(
                    exbuf, [jnp.zeros((16,), jnp.int32) + r2])
                bex1 = plsc.load_gather(
                    exbuf, [jnp.zeros((16,), jnp.int32) + (r2 + 1)])
                for v in range(nv):
                    sl = pl.ds(v * 16, 16)
                    rows[r2, sl] = rows[r2, sl] * bex0
                    rows[r2 + 1, sl] = rows[r2 + 1, sl] * bex1
                return 0
            lax.fori_loop(0, 64, wrow, 0)
            pltpu.sync_copy(rows, acc_sh.at[cdst], add=True)
            return 0

        lax.fori_loop(0, count, chunk, 0)
        plsc.subcore_barrier()

        def facc(kk, _):
            off = (cbase + kk) * 128
            pltpu.sync_copy(acc_sh.at[pl.ds(off, 128)], rows)
            pltpu.sync_copy(rows, acc_out.at[pl.ds(cid * n + off, 128)])
            return 0
        lax.fori_loop(0, ccount, facc, 0)
        if tail:
            @pl.when(sid == NS - 1)
            def _():
                pltpu.sync_copy(acc_sh.at[pl.ds(n - tail, tail)],
                                rows.at[pl.ds(0, tail)])
                pltpu.sync_copy(rows.at[pl.ds(0, tail)],
                                acc_out.at[pl.ds(cid * n + n - tail, tail)])

        dlast = n - (NS - 1) * dpt

        @pl.when(sid < NS - 1)
        def _():
            pltpu.sync_copy(den_sh.at[pl.ds(sid * dpt, dpt)], zden)
            pltpu.sync_copy(zden, den_out.at[pl.ds(cid * n + sid * dpt, dpt)])

        @pl.when(sid == NS - 1)
        def _():
            pltpu.sync_copy(den_sh.at[pl.ds((NS - 1) * dpt, dlast)],
                            zden.at[pl.ds(0, dlast)])
            pltpu.sync_copy(zden.at[pl.ds(0, dlast)],
                            den_out.at[pl.ds(cid * n + (NS - 1) * dpt, dlast)])

    return k(src2, dst2, s, d, h)


def _gather_rows(tab, idx):
    n, cdim = tab.shape
    b = idx.shape[0]
    per = b // NW
    mesh = plsc.VectorSubcoreMesh(core_axis_name="c", subcore_axis_name="s")

    @functools.partial(
        pl.kernel,
        out_type=jax.ShapeDtypeStruct((b, cdim), jnp.float32),
        mesh=mesh,
        scratch_types=[
            pltpu.VMEM((per,), jnp.int32),
            pltpu.VMEM((per, cdim), jnp.float32),
            pltpu.SemaphoreType.DMA,
        ],
    )
    def k(tab_hbm, idx_hbm, out_hbm, idx_v, rows_v, sem):
        cid = lax.axis_index("c")
        sid = lax.axis_index("s")
        wid = sid * NC + cid
        base = wid * per
        pltpu.sync_copy(idx_hbm.at[pl.ds(base, per)], idx_v)
        pltpu.async_copy(tab_hbm.at[idx_v], rows_v, sem).wait()
        pltpu.sync_copy(rows_v, out_hbm.at[pl.ds(base, per)])

    return k(tab, idx)



def kernel(x, edge_index, idx, W1, a1_src, a1_dst, gamma1, beta1,
           W2, a2_src, a2_dst, gamma2, beta2, Wd, bd):
    n = x.shape[0]
    e = edge_index.shape[1]
    hh = W1.shape[1]

    src2 = edge_index[0].astype(jnp.int32).reshape(e // 128, 128)
    dst2 = edge_index[1].astype(jnp.int32).reshape(e // 128, 128)

    h1, s1, d1 = _mm_score(x, W1, a1_src, a1_dst)
    acc1, den1 = _edge_pass(src2, dst2, s1.reshape(-1), d1.reshape(-1), h1)
    out1, st1 = _agg(acc1.reshape(NC, n, hh), den1.reshape(NC * n, 1))

    h2, s2, d2 = _bn_mm_score(out1, st1, gamma1, beta1, W2, a2_src, a2_dst)
    acc2, den2 = _edge_pass(src2, dst2, s2.reshape(-1), d2.reshape(-1), h2)
    out2, st2 = _agg(acc2.reshape(NC, n, hh), den2.reshape(NC * n, 1))

    g = _gather_rows(out2, idx.astype(jnp.int32))
    return _bn_dense(g, st2, gamma2, beta2, Wd, bd, nstat=n)

# --- scband reference (transcript-rebuilt; emitter-appended) ---
"""Pipeline reference for scband-gat-13159779795714 (READ-ONLY COPY).

The authoritative reference and input builder live on the scoring server;
editing this copy changes nothing except your own understanding.
"""

import jax, jax.numpy as jnp
import numpy as np

N = 10000
E = 320000
D = 128
H = 128
C = 16
B = 1024


def setup_inputs(seed: int = 0) -> dict:
    key = jax.random.key(seed)
    ks = jax.random.split(key, 16)
    x = jax.random.normal(ks[0], (N, D), dtype=jnp.float32)
    edge_index = jax.random.randint(ks[1], (2, E), 0, N)
    idx = jax.random.randint(ks[2], (B,), 0, N)
    W1 = jax.random.normal(ks[3], (D, H), dtype=jnp.float32) * (1.0 / np.sqrt(D))
    a1_src = jax.random.normal(ks[4], (H,), dtype=jnp.float32) * 0.1
    a1_dst = jax.random.normal(ks[5], (H,), dtype=jnp.float32) * 0.1
    gamma1 = jnp.ones((H,), dtype=jnp.float32)
    beta1 = jnp.zeros((H,), dtype=jnp.float32)
    W2 = jax.random.normal(ks[6], (H, H), dtype=jnp.float32) * (1.0 / np.sqrt(H))
    a2_src = jax.random.normal(ks[7], (H,), dtype=jnp.float32) * 0.1
    a2_dst = jax.random.normal(ks[8], (H,), dtype=jnp.float32) * 0.1
    gamma2 = jnp.ones((H,), dtype=jnp.float32)
    beta2 = jnp.zeros((H,), dtype=jnp.float32)
    Wd = jax.random.normal(ks[9], (H, C), dtype=jnp.float32) * (1.0 / np.sqrt(H))
    bd = jnp.zeros((C,), dtype=jnp.float32)
    return {"x": x, "edge_index": edge_index, "idx": idx,
            "W1": W1, "a1_src": a1_src, "a1_dst": a1_dst, "gamma1": gamma1, "beta1": beta1,
            "W2": W2, "a2_src": a2_src, "a2_dst": a2_dst, "gamma2": gamma2, "beta2": beta2,
            "Wd": Wd, "bd": bd}


def _gat_layer(x, src, dst, W, a_src, a_dst):
    # GraphAttention (single head, linear activation):
    # h = x W ; e_ij = LeakyReLU(a_dst.h_i + a_src.h_j) over edges j->i ; softmax over
    # incoming neighbors of each dst node ; out_i = sum_j alpha_ij h_j
    h = x @ W
    s = h @ a_src  # per-node score as source/neighbor
    d = h @ a_dst  # per-node score as destination/self
    e = jax.nn.leaky_relu(d[dst] + s[src], negative_slope=0.2)
    m = jax.ops.segment_max(e, dst, num_segments=N)
    ex = jnp.exp(e - m[dst])
    denom = jax.ops.segment_sum(ex, dst, num_segments=N)
    alpha = ex / (denom[dst] + 1e-9)
    out = jax.ops.segment_sum(alpha[:, None] * h[src], dst, num_segments=N)
    return out


def _batchnorm(x, gamma, beta):
    mu = jnp.mean(x, axis=0)
    var = jnp.var(x, axis=0)
    return gamma * (x - mu) / jnp.sqrt(var + 1e-05) + beta


def reference(x, edge_index, idx, W1, a1_src, a1_dst, gamma1, beta1,
              W2, a2_src, a2_dst, gamma2, beta2, Wd, bd):
    src = edge_index[0]
    dst = edge_index[1]
    h = _gat_layer(x, src, dst, W1, a1_src, a1_dst)
    h = jax.nn.relu(_batchnorm(h, gamma1, beta1))
    h = _gat_layer(h, src, dst, W2, a2_src, a2_dst)
    h = jax.nn.relu(_batchnorm(h, gamma2, beta2))
    out = h @ Wd + bd
    return out[idx]

if __name__ == "__main__":
    import jax
    _d = setup_inputs()
    print(jax.jit(kernel)(*tuple(_d.values())))

</pallas_src>

<mosaic_0001>
#map = affine_map<(d0, d1) -> (0, 0)>
#map1 = affine_map<(d0, d1) -> (0)>
module attributes {stable_mosaic.version = 14 : i64} {
  func.func @k(%arg0: i32, %arg1: i32, %arg2: memref<2500x128xi32, #tpu.memory_space<hbm>>, %arg3: memref<2500x128xi32, #tpu.memory_space<hbm>>, %arg4: memref<10000xf32, #tpu.memory_space<hbm>>, %arg5: memref<10000xf32, #tpu.memory_space<hbm>>, %arg6: memref<10000x128xf32, #tpu.memory_space<hbm>>, %arg7: memref<20000x128xf32, #tpu.memory_space<hbm>>, %arg8: memref<20000xf32, #tpu.memory_space<hbm>>, %arg9: memref<10000xf32, #tpu.memory_space<vmem>>, %arg10: memref<10000xf32, #tpu.memory_space<vmem>>, %arg11: memref<128x128xf32, #tpu.memory_space<vmem>>, %arg12: memref<128xi32, #tpu.memory_space<vmem>>, %arg13: memref<128xi32, #tpu.memory_space<vmem>>, %arg14: memref<128xf32, #tpu.memory_space<vmem>>, %arg15: memref<640xf32, #tpu.memory_space<vmem>>, %arg16: memref<10000x128xf32, #tpu.memory_space<vmem_shared>>, %arg17: memref<10240xf32, #tpu.memory_space<vmem_shared>>, %arg18: memref<!tpu.dma_semaphore, #tpu.memory_space<semaphore_mem>>) attributes {dimension_semantics = [#tpu.dimension_semantics<core_parallel>, #tpu.dimension_semantics<subcore_parallel>], iteration_bounds = array<i64: 2, 16>, scalar_prefetch = 0 : i64, scratch_operands = 10 : i64, tpu.core_type = #tpu.core_type<sc_vector_subcore>, window_params = [{transform_indices = #map}, {transform_indices = #map}, {transform_indices = #map1}, {transform_indices = #map1}, {transform_indices = #map}, {transform_indices = #map}, {transform_indices = #map1}]} {
    %mul3A = arith.constant 2 : i32
    %mul3A_0 = arith.muli %arg1, %mul3A : i32
    %add3A = arith.addi %mul3A_0, %arg0 : i32
    %scan3A = arith.constant 0 : i32
    %scan3A_1 = arith.constant 0 : i32
    %scan3A_2 = arith.constant 128 : i32
    %scan3A_3 = arith.addi %scan3A_1, %scan3A_2 : i32
    %scan3A_4 = arith.constant 1 : i32
    %scan3A_5 = scf.for %scan3A_89 = %scan3A_1 to %scan3A_3 step %scan3A_4 iter_args(%scan3A_90 = %scan3A) -> (i32)  : i32 {
      %broadcast_in_dim3A = arith.constant 0.000000e+00 : f32
      %broadcast_in_dim3A_91 = vector.broadcast %broadcast_in_dim3A : f32 to vector<16xf32>
      %swap3A = arith.index_cast %scan3A_89 : i32 to index
      %swap3A_92 = arith.constant 0 : index
      %swap3A_93 = tpu.vector_load %arg11[%swap3A, %swap3A_92] {strides = array<i32>} : memref<128x128xf32, #tpu.memory_space<vmem>>, vector<16xf32>,
      tpu.vector_store %arg11[%swap3A, %swap3A_92], %broadcast_in_dim3A_91 {strides = array<i32>} : memref<128x128xf32, #tpu.memory_space<vmem>>, vector<16xf32>,
      %broadcast_in_dim3A_94 = arith.constant 0.000000e+00 : f32
      %broadcast_in_dim3A_95 = vector.broadcast %broadcast_in_dim3A_94 : f32 to vector<16xf32>
      %swap3A_96 = arith.index_cast %scan3A_89 : i32 to index
      %swap3A_97 = arith.constant 16 : index
      %swap3A_98 = tpu.vector_load %arg11[%swap3A_96, %swap3A_97] {strides = array<i32>} : memref<128x128xf32, #tpu.memory_space<vmem>>, vector<16xf32>,
      tpu.vector_store %arg11[%swap3A_96, %swap3A_97], %broadcast_in_dim3A_95 {strides = array<i32>} : memref<128x128xf32, #tpu.memory_space<vmem>>, vector<16xf32>,
      %broadcast_in_dim3A_99 = arith.constant 0.000000e+00 : f32
      %broadcast_in_dim3A_100 = vector.broadcast %broadcast_in_dim3A_99 : f32 to vector<16xf32>
      %swap3A_101 = arith.index_cast %scan3A_89 : i32 to index
      %swap3A_102 = arith.constant 32 : index
      %swap3A_103 = tpu.vector_load %arg11[%swap3A_101, %swap3A_102] {strides = array<i32>} : memref<128x128xf32, #tpu.memory_space<vmem>>, vector<16xf32>,
      tpu.vector_store %arg11[%swap3A_101, %swap3A_102], %broadcast_in_dim3A_100 {strides = array<i32>} : memref<128x128xf32, #tpu.memory_space<vmem>>, vector<16xf32>,
      %broadcast_in_dim3A_104 = arith.constant 0.000000e+00 : f32
      %broadcast_in_dim3A_105 = vector.broadcast %broadcast_in_dim3A_104 : f32 to vector<16xf32>
      %swap3A_106 = arith.index_cast %scan3A_89 : i32 to index
      %swap3A_107 = arith.constant 48 : index
      %swap3A_108 = tpu.vector_load %arg11[%swap3A_106, %swap3A_107] {strides = array<i32>} : memref<128x128xf32, #tpu.memory_space<vmem>>, vector<16xf32>,
      tpu.vector_store %arg11[%swap3A_106, %swap3A_107], %broadcast_in_dim3A_105 {strides = array<i32>} : memref<128x128xf32, #tpu.memory_space<vmem>>, vector<16xf32>,
      %broadcast_in_dim3A_109 = arith.constant 0.000000e+00 : f32
      %broadcast_in_dim3A_110 = vector.broadcast %broadcast_in_dim3A_109 : f32 to vector<16xf32>
      %swap3A_111 = arith.index_cast %scan3A_89 : i32 to index
      %swap3A_112 = arith.constant 64 : index
      %swap3A_113 = tpu.vector_load %arg11[%swap3A_111, %swap3A_112] {strides = array<i32>} : memref<128x128xf32, #tpu.memory_space<vmem>>, vector<16xf32>,
      tpu.vector_store %arg11[%swap3A_111, %swap3A_112], %broadcast_in_dim3A_110 {strides = array<i32>} : memref<128x128xf32, #tpu.memory_space<vmem>>, vector<16xf32>,
      %broadcast_in_dim3A_114 = arith.constant 0.000000e+00 : f32
      %broadcast_in_dim3A_115 = vector.broadcast %broadcast_in_dim3A_114 : f32 to vector<16xf32>
      %swap3A_116 = arith.index_cast %scan3A_89 : i32 to index
      %swap3A_117 = arith.constant 80 : index
      %swap3A_118 = tpu.vector_load %arg11[%swap3A_116, %swap3A_117] {strides = array<i32>} : memref<128x128xf32, #tpu.memory_space<vmem>>, vector<16xf32>,
      tpu.vector_store %arg11[%swap3A_116, %swap3A_117], %broadcast_in_dim3A_115 {strides = array<i32>} : memref<128x128xf32, #tpu.memory_space<vmem>>, vector<16xf32>,
      %broadcast_in_dim3A_119 = arith.constant 0.000000e+00 : f32
      %broadcast_in_dim3A_120 = vector.broadcast %broadcast_in_dim3A_119 : f32 to vector<16xf32>
      %swap3A_121 = arith.index_cast %scan3A_89 : i32 to index
      %swap3A_122 = arith.constant 96 : index
      %swap3A_123 = tpu.vector_load %arg11[%swap3A_121, %swap3A_122] {strides = array<i32>} : memref<128x128xf32, #tpu.memory_space<vmem>>, vector<16xf32>,
      tpu.vector_store %arg11[%swap3A_121, %swap3A_122], %broadcast_in_dim3A_120 {strides = array<i32>} : memref<128x128xf32, #tpu.memory_space<vmem>>, vector<16xf32>,
      %broadcast_in_dim3A_124 = arith.constant 0.000000e+00 : f32
      %broadcast_in_dim3A_125 = vector.broadcast %broadcast_in_dim3A_124 : f32 to vector<16xf32>
      %swap3A_126 = arith.index_cast %scan3A_89 : i32 to index
      %swap3A_127 = arith.constant 112 : index
      %swap3A_128 = tpu.vector_load %arg11[%swap3A_126, %swap3A_127] {strides = array<i32>} : memref<128x128xf32, #tpu.memory_space<vmem>>, vector<16xf32>,
      tpu.vector_store %arg11[%swap3A_126, %swap3A_127], %broadcast_in_dim3A_125 {strides = array<i32>} : memref<128x128xf32, #tpu.memory_space<vmem>>, vector<16xf32>,
      %scan3A_129 = arith.constant 0 : i32
      scf.yield %scan3A_129 : i32
    }
    %scan3A_6 = arith.constant 128 : i32
    %scan3A_7 = arith.constant 0 : i32
    %scan3A_8 = arith.constant 0 : i32
    %scan3A_9 = arith.constant 40 : i32
    %scan3A_10 = arith.addi %scan3A_8, %scan3A_9 : i32
    %scan3A_11 = arith.constant 1 : i32
    %scan3A_12 = scf.for %scan3A_89 = %scan3A_8 to %scan3A_10 step %scan3A_11 iter_args(%scan3A_90 = %scan3A_7) -> (i32)  : i32 {
      %broadcast_in_dim3A = arith.constant 0.000000e+00 : f32
      %broadcast_in_dim3A_91 = vector.broadcast %broadcast_in_dim3A : f32 to vector<16xf32>
      %mul3A_92 = arith.constant 16 : i32
      %mul3A_93 = arith.muli %scan3A_89, %mul3A_92 : i32
      %swap3A = arith.index_cast %mul3A_93 : i32 to index
      %swap3A_94 = tpu.vector_load %arg15[%swap3A] {strides = array<i32>} : memref<640xf32, #tpu.memory_space<vmem>>, vector<16xf32>,
      tpu.vector_store %arg15[%swap3A], %broadcast_in_dim3A_91 {strides = array<i32>} : memref<640xf32, #tpu.memory_space<vmem>>, vector<16xf32>,
      %scan3A_95 = arith.constant 0 : i32
      scf.yield %scan3A_95 : i32
    }
    %scan3A_13 = arith.constant 40 : i32
    %mul3A_14 = arith.constant 4 : i32
    %mul3A_15 = arith.muli %mul3A_14, %arg1 : i32
    %min3A = arith.constant 14 : i32
    %min3A_16 = arith.minsi %arg1, %min3A : i32
    %add3A_17 = arith.addi %mul3A_15, %min3A_16 : i32
    %lt3A = arith.constant 14 : i32
    %lt3A_18 = arith.cmpi slt, %arg1, %lt3A : i32
    %jit3A = arith.constant 1 : i32
    %jit3A_19 = arith.constant 0 : i32
    %select_n3A = arith.select %lt3A_18, %jit3A, %jit3A_19 : i32
    %add3A_20 = arith.constant 4 : i32
    %add3A_21 = arith.addi %add3A_20, %select_n3A : i32
    %while3A = arith.constant 0 : i32
    %while3A_22 = arith.constant 0 : i32
    %while3A_23 = arith.subi %add3A_21, %while3A : i32
    %while3A_24 = arith.addi %while3A, %while3A_23 : i32
    %while3A_25 = arith.constant 1 : i32
    %while3A_26 = arith.divsi %while3A_23, %while3A_25 : i32
    %while3A_27 = arith.muli %while3A_26, %while3A_25 : i32
    %while3A_28 = arith.addi %while3A, %while3A_27 : i32
    %while3A_29 = arith.constant 1 : i32
    %while3A_30 = scf.for %while3A_89 = %while3A to %while3A_28 step %while3A_29 iter_args(%while3A_90 = %while3A_22) -> (i32)  : i32 {
      %add3A_91 = arith.addi %add3A_17, %while3A_89 : i32
      %mul3A_92 = arith.constant 128 : i32
      %mul3A_93 = arith.muli %add3A_91, %mul3A_92 : i32
      "tpu.region"() ({
        %run_scoped3A = tpu.sem_alloc : memref<!tpu.dma_semaphore, #tpu.memory_space<semaphore_mem>>
        %dma_start3A = arith.constant 0 : i32
        %dma_start3A_95 = tpu.memref_slice %arg16[%mul3A_93, %dma_start3A] : memref<10000x128xf32, #tpu.memory_space<vmem_shared>> -> memref<128x128xf32, #tpu.memory_space<vmem_shared>>
        %dma_start3A_96 = arith.constant 0 : i32
        %dma_start3A_97 = tpu.memref_slice %arg16[%mul3A_93, %dma_start3A_96] : memref<10000x128xf32, #tpu.memory_space<vmem_shared>> -> memref<128x128xf32, #tpu.memory_space<vmem_shared>>
        tpu.enqueue_dma source(%arg11 : memref<128x128xf32, #tpu.memory_space<vmem>>) target(%dma_start3A_97 : memref<128x128xf32, #tpu.memory_space<vmem_shared>>) target_semaphore(%run_scoped3A : memref<!tpu.dma_semaphore, #tpu.memory_space<semaphore_mem>>)
        %dma_wait3A = arith.constant 0 : i32
        %dma_wait3A_98 = tpu.memref_slice %arg16[%mul3A_93, %dma_wait3A] : memref<10000x128xf32, #tpu.memory_space<vmem_shared>> -> memref<128x128xf32, #tpu.memory_space<vmem_shared>>
        %dma_wait3A_99 = arith.constant 0 : i32
        %dma_wait3A_100 = tpu.memref_slice %arg16[%mul3A_93, %dma_wait3A_99] : memref<10000x128xf32, #tpu.memory_space<vmem_shared>> -> memref<128x128xf32, #tpu.memory_space<vmem_shared>>
        tpu.wait_dma2 semaphore(%run_scoped3A : memref<!tpu.dma_semaphore, #tpu.memory_space<semaphore_mem>>) src(%arg11 : memref<128x128xf32, #tpu.memory_space<vmem>>) dst(%dma_wait3A_100 : memref<128x128xf32, #tpu.memory_space<vmem_shared>>)
        tpu.yield
      }) : () -> ()
      %while3A_94 = arith.constant 0 : i32
      scf.yield %while3A_94 : i32
    }
    %while3A_31 = arith.constant 1 : i32
    %while3A_32 = scf.for %while3A_89 = %while3A_28 to %while3A_24 step %while3A_31 iter_args(%while3A_90 = %while3A_30) -> (i32)  : i32 {
      %add3A_91 = arith.addi %add3A_17, %while3A_89 : i32
      %mul3A_92 = arith.constant 128 : i32
      %mul3A_93 = arith.muli %add3A_91, %mul3A_92 : i32
      "tpu.region"() ({
        %run_scoped3A = tpu.sem_alloc : memref<!tpu.dma_semaphore, #tpu.memory_space<semaphore_mem>>
        %dma_start3A = arith.constant 0 : i32
        %dma_start3A_95 = tpu.memref_slice %arg16[%mul3A_93, %dma_start3A] : memref<10000x128xf32, #tpu.memory_space<vmem_shared>> -> memref<128x128xf32, #tpu.memory_space<vmem_shared>>
        %dma_start3A_96 = arith.constant 0 : i32
        %dma_start3A_97 = tpu.memref_slice %arg16[%mul3A_93, %dma_start3A_96] : memref<10000x128xf32, #tpu.memory_space<vmem_shared>> -> memref<128x128xf32, #tpu.memory_space<vmem_shared>>
        tpu.enqueue_dma source(%arg11 : memref<128x128xf32, #tpu.memory_space<vmem>>) target(%dma_start3A_97 : memref<128x128xf32, #tpu.memory_space<vmem_shared>>) target_semaphore(%run_scoped3A : memref<!tpu.dma_semaphore, #tpu.memory_space<semaphore_mem>>)
        %dma_wait3A = arith.constant 0 : i32
        %dma_wait3A_98 = tpu.memref_slice %arg16[%mul3A_93, %dma_wait3A] : memref<10000x128xf32, #tpu.memory_space<vmem_shared>> -> memref<128x128xf32, #tpu.memory_space<vmem_shared>>
        %dma_wait3A_99 = arith.constant 0 : i32
        %dma_wait3A_100 = tpu.memref_slice %arg16[%mul3A_93, %dma_wait3A_99] : memref<10000x128xf32, #tpu.memory_space<vmem_shared>> -> memref<128x128xf32, #tpu.memory_space<vmem_shared>>
        tpu.wait_dma2 semaphore(%run_scoped3A : memref<!tpu.dma_semaphore, #tpu.memory_space<semaphore_mem>>) src(%arg11 : memref<128x128xf32, #tpu.memory_space<vmem>>) dst(%dma_wait3A_100 : memref<128x128xf32, #tpu.memory_space<vmem_shared>>)
        tpu.yield
      }) : () -> ()
      %while3A_94 = arith.constant 0 : i32
      scf.yield %while3A_94 : i32
    }
    %eq3A = arith.constant 15 : i32
    %eq3A_33 = arith.cmpi eq, %arg1, %eq3A : i32
    %convert_element_type3A = arith.extui %eq3A_33 : i1 to i32
    %cond3A = arith.constant 0 : i32
    %cond3A_34 = arith.cmpi ne, %convert_element_type3A, %cond3A : i32
    scf.if %cond3A_34 {
      "tpu.region"() ({
        %run_scoped3A = tpu.sem_alloc : memref<!tpu.dma_semaphore, #tpu.memory_space<semaphore_mem>>
        %dma_start3A = arith.constant 0 : i32
        %dma_start3A_89 = arith.constant 0 : i32
        %dma_start3A_90 = tpu.memref_slice %arg11[%dma_start3A, %dma_start3A_89] : memref<128x128xf32, #tpu.memory_space<vmem>> -> memref<16x128xf32, #tpu.memory_space<vmem>>
        %dma_start3A_91 = arith.constant 9984 : i32
        %dma_start3A_92 = arith.constant 0 : i32
        %dma_start3A_93 = tpu.memref_slice %arg16[%dma_start3A_91, %dma_start3A_92] : memref<10000x128xf32, #tpu.memory_space<vmem_shared>> -> memref<16x128xf32, #tpu.memory_space<vmem_shared>>
        %dma_start3A_94 = arith.constant 9984 : i32
        %dma_start3A_95 = arith.constant 0 : i32
        %dma_start3A_96 = tpu.memref_slice %arg16[%dma_start3A_94, %dma_start3A_95] : memref<10000x128xf32, #tpu.memory_space<vmem_shared>> -> memref<16x128xf32, #tpu.memory_space<vmem_shared>>
        %dma_start3A_97 = arith.constant 0 : i32
        %dma_start3A_98 = arith.constant 0 : i32
        %dma_start3A_99 = tpu.memref_slice %arg11[%dma_start3A_97, %dma_start3A_98] : memref<128x128xf32, #tpu.memory_space<vmem>> -> memref<16x128xf32, #tpu.memory_space<vmem>>
        tpu.enqueue_dma source(%dma_start3A_99 : memref<16x128xf32, #tpu.memory_space<vmem>>) target(%dma_start3A_96 : memref<16x128xf32, #tpu.memory_space<vmem_shared>>) target_semaphore(%run_scoped3A : memref<!tpu.dma_semaphore, #tpu.memory_space<semaphore_mem>>)
        %dma_wait3A = arith.constant 0 : i32
        %dma_wait3A_100 = arith.constant 0 : i32
        %dma_wait3A_101 = tpu.memref_slice %arg11[%dma_wait3A, %dma_wait3A_100] : memref<128x128xf32, #tpu.memory_space<vmem>> -> memref<16x128xf32, #tpu.memory_space<vmem>>
        %dma_wait3A_102 = arith.constant 9984 : i32
        %dma_wait3A_103 = arith.constant 0 : i32
        %dma_wait3A_104 = tpu.memref_slice %arg16[%dma_wait3A_102, %dma_wait3A_103] : memref<10000x128xf32, #tpu.memory_space<vmem_shared>> -> memref<16x128xf32, #tpu.memory_space<vmem_shared>>
        %dma_wait3A_105 = arith.constant 9984 : i32
        %dma_wait3A_106 = arith.constant 0 : i32
        %dma_wait3A_107 = tpu.memref_slice %arg16[%dma_wait3A_105, %dma_wait3A_106] : memref<10000x128xf32, #tpu.memory_space<vmem_shared>> -> memref<16x128xf32, #tpu.memory_space<vmem_shared>>
        %dma_wait3A_108 = arith.constant 0 : i32
        %dma_wait3A_109 = arith.constant 0 : i32
        %dma_wait3A_110 = tpu.memref_slice %arg11[%dma_wait3A_108, %dma_wait3A_109] : memref<128x128xf32, #tpu.memory_space<vmem>> -> memref<16x128xf32, #tpu.memory_space<vmem>>
        tpu.wait_dma2 semaphore(%run_scoped3A : memref<!tpu.dma_semaphore, #tpu.memory_space<semaphore_mem>>) src(%dma_wait3A_110 : memref<16x128xf32, #tpu.memory_space<vmem>>) dst(%dma_wait3A_107 : memref<16x128xf32, #tpu.memory_space<vmem_shared>>)
        tpu.yield
      }) : () -> ()
    } else {
    }
    %mul3A_35 = arith.constant 640 : i32
    %mul3A_36 = arith.muli %arg1, %mul3A_35 : i32
    "tpu.region"() ({
      %run_scoped3A = tpu.sem_alloc : memref<!tpu.dma_semaphore, #tpu.memory_space<semaphore_mem>>
      %dma_start3A = tpu.memref_slice %arg17[%mul3A_36] : memref<10240xf32, #tpu.memory_space<vmem_shared>> -> memref<640xf32, #tpu.memory_space<vmem_shared>>
      %dma_start3A_89 = tpu.memref_slice %arg17[%mul3A_36] : memref<10240xf32, #tpu.memory_space<vmem_shared>> -> memref<640xf32, #tpu.memory_space<vmem_shared>>
      tpu.enqueue_dma source(%arg15 : memref<640xf32, #tpu.memory_space<vmem>>) target(%dma_start3A_89 : memref<640xf32, #tpu.memory_space<vmem_shared>>) target_semaphore(%run_scoped3A : memref<!tpu.dma_semaphore, #tpu.memory_space<semaphore_mem>>)
      %dma_wait3A = tpu.memref_slice %arg17[%mul3A_36] : memref<10240xf32, #tpu.memory_space<vmem_shared>> -> memref<640xf32, #tpu.memory_space<vmem_shared>>
      %dma_wait3A_90 = tpu.memref_slice %arg17[%mul3A_36] : memref<10240xf32, #tpu.memory_space<vmem_shared>> -> memref<640xf32, #tpu.memory_space<vmem_shared>>
      tpu.wait_dma2 semaphore(%run_scoped3A : memref<!tpu.dma_semaphore, #tpu.memory_space<semaphore_mem>>) src(%arg15 : memref<640xf32, #tpu.memory_space<vmem>>) dst(%dma_wait3A_90 : memref<640xf32, #tpu.memory_space<vmem_shared>>)
      tpu.yield
    }) : () -> ()
    "tpu.region"() ({
      %run_scoped3A = tpu.sem_alloc : memref<!tpu.dma_semaphore, #tpu.memory_space<semaphore_mem>>
      tpu.enqueue_dma source(%arg4 : memref<10000xf32, #tpu.memory_space<hbm>>) target(%arg9 : memref<10000xf32, #tpu.memory_space<vmem>>) target_semaphore(%run_scoped3A : memref<!tpu.dma_semaphore, #tpu.memory_space<semaphore_mem>>)
      tpu.wait_dma2 semaphore(%run_scoped3A : memref<!tpu.dma_semaphore, #tpu.memory_space<semaphore_mem>>) src(%arg4 : memref<10000xf32, #tpu.memory_space<hbm>>) dst(%arg9 : memref<10000xf32, #tpu.memory_space<vmem>>)
      tpu.yield
    }) : () -> ()
    "tpu.region"() ({
      %run_scoped3A = tpu.sem_alloc : memref<!tpu.dma_semaphore, #tpu.memory_space<semaphore_mem>>
      tpu.enqueue_dma source(%arg5 : memref<10000xf32, #tpu.memory_space<hbm>>) target(%arg10 : memref<10000xf32, #tpu.memory_space<vmem>>) target_semaphore(%run_scoped3A : memref<!tpu.dma_semaphore, #tpu.memory_space<semaphore_mem>>)
      tpu.wait_dma2 semaphore(%run_scoped3A : memref<!tpu.dma_semaphore, #tpu.memory_space<semaphore_mem>>) src(%arg5 : memref<10000xf32, #tpu.memory_space<hbm>>) dst(%arg10 : memref<10000xf32, #tpu.memory_space<vmem>>)
      tpu.yield
    }) : () -> ()
    %barrier3A = arith.constant 0 : index
    tpu.barrier barrier_id(%barrier3A)
    %mul3A_37 = arith.constant 78 : i32
    %mul3A_38 = arith.muli %mul3A_37, %add3A : i32
    %min3A_39 = arith.constant 4 : i32
    %min3A_40 = arith.minsi %add3A, %min3A_39 : i32
    %add3A_41 = arith.addi %mul3A_38, %min3A_40 : i32
    %lt3A_42 = arith.constant 4 : i32
    %lt3A_43 = arith.cmpi slt, %add3A, %lt3A_42 : i32
    %jit3A_44 = arith.constant 1 : i32
    %jit3A_45 = arith.constant 0 : i32
    %select_n3A_46 = arith.select %lt3A_43, %jit3A_44, %jit3A_45 : i32
    %add3A_47 = arith.constant 78 : i32
    %add3A_48 = arith.addi %add3A_47, %select_n3A_46 : i32
    %while3A_49 = arith.constant 0 : i32
    %while3A_50 = arith.constant 0 : i32
    %while3A_51 = arith.subi %add3A_48, %while3A_49 : i32
    %while3A_52 = arith.addi %while3A_49, %while3A_51 : i32
    %while3A_53 = arith.constant 1 : i32
    %while3A_54 = arith.divsi %while3A_51, %while3A_53 : i32
    %while3A_55 = arith.muli %while3A_54, %while3A_53 : i32
    %while3A_56 = arith.addi %while3A_49, %while3A_55 : i32
    %while3A_57 = arith.constant 1 : i32
    %while3A_58 = scf.for %while3A_89 = %while3A_49 to %while3A_56 step %while3A_57 iter_args(%while3A_90 = %while3A_50) -> (i32)  : i32 {
      %add3A_91 = arith.addi %add3A_41, %while3A_89 : i32
      "tpu.region"() ({
        %run_scoped3A = tpu.sem_alloc : memref<!tpu.dma_semaphore, #tpu.memory_space<semaphore_mem>>
        %dma_start3A_211 = arith.constant 0 : i32
        %dma_start3A_212 = tpu.memref_slice %arg2[%add3A_91, %dma_start3A_211] : memref<2500x128xi32, #tpu.memory_space<hbm>> -> memref<1x128xi32, #tpu.memory_space<hbm>>
        %dma_start3A_213 = tpu.memref_squeeze %dma_start3A_212 : memref<1x128xi32, #tpu.memory_space<hbm>> -> memref<128xi32, #tpu.memory_space<hbm>>
        %dma_start3A_214 = arith.constant 0 : i32
        %dma_start3A_215 = tpu.memref_slice %arg2[%add3A_91, %dma_start3A_214] : memref<2500x128xi32, #tpu.memory_space<hbm>> -> memref<1x128xi32, #tpu.memory_space<hbm>>
        %dma_start3A_216 = tpu.memref_squeeze %dma_start3A_215 : memref<1x128xi32, #tpu.memory_space<hbm>> -> memref<128xi32, #tpu.memory_space<hbm>>
        tpu.enqueue_dma source(%dma_start3A_216 : memref<128xi32, #tpu.memory_space<hbm>>) target(%arg12 : memref<128xi32, #tpu.memory_space<vmem>>) target_semaphore(%run_scoped3A : memref<!tpu.dma_semaphore, #tpu.memory_space<semaphore_mem>>)
        %dma_wait3A_217 = arith.constant 0 : i32
        %dma_wait3A_218 = tpu.memref_slice %arg2[%add3A_91, %dma_wait3A_217] : memref<2500x128xi32, #tpu.memory_space<hbm>> -> memref<1x128xi32, #tpu.memory_space<hbm>>
        %dma_wait3A_219 = tpu.memref_squeeze %dma_wait3A_218 : memref<1x128xi32, #tpu.memory_space<hbm>> -> memref<128xi32, #tpu.memory_space<hbm>>
        %dma_wait3A_220 = arith.constant 0 : i32
        %dma_wait3A_221 = tpu.memref_slice %arg2[%add3A_91, %dma_wait3A_220] : memref<2500x128xi32, #tpu.memory_space<hbm>> -> memref<1x128xi32, #tpu.memory_space<hbm>>
        %dma_wait3A_222 = tpu.memref_squeeze %dma_wait3A_221 : memref<1x128xi32, #tpu.memory_space<hbm>> -> memref<128xi32, #tpu.memory_space<hbm>>
        tpu.wait_dma2 semaphore(%run_scoped3A : memref<!tpu.dma_semaphore, #tpu.memory_space<semaphore_mem>>) src(%dma_wait3A_222 : memref<128xi32, #tpu.memory_space<hbm>>) dst(%arg12 : memref<128xi32, #tpu.memory_space<vmem>>)
        tpu.yield
      }) : () -> ()
      %dma_start3A = arith.constant 0 : i32
      %dma_start3A_92 = arith.constant 0 : i32
      %dma_start3A_93 = tpu.memref_slice %arg6[%dma_start3A, %dma_start3A_92] : memref<10000x128xf32, #tpu.memory_space<hbm>> -> memref<10000x128xf32, #tpu.memory_space<hbm>>
      tpu.enqueue_indirect_dma source(%dma_start3A_93 : memref<10000x128xf32, #tpu.memory_space<hbm>>) target(%arg11 : memref<128x128xf32, #tpu.memory_space<vmem>>) offsets(%arg12 : memref<128xi32, #tpu.memory_space<vmem>>) semaphore(%arg18 : memref<!tpu.dma_semaphore, #tpu.memory_space<semaphore_mem>>)
      "tpu.region"() ({
        %run_scoped3A = tpu.sem_alloc : memref<!tpu.dma_semaphore, #tpu.memory_space<semaphore_mem>>
        %dma_start3A_211 = arith.constant 0 : i32
        %dma_start3A_212 = tpu.memref_slice %arg3[%add3A_91, %dma_start3A_211] : memref<2500x128xi32, #tpu.memory_space<hbm>> -> memref<1x128xi32, #tpu.memory_space<hbm>>
        %dma_start3A_213 = tpu.memref_squeeze %dma_start3A_212 : memref<1x128xi32, #tpu.memory_space<hbm>> -> memref<128xi32, #tpu.memory_space<hbm>>
        %dma_start3A_214 = arith.constant 0 : i32
        %dma_start3A_215 = tpu.memref_slice %arg3[%add3A_91, %dma_start3A_214] : memref<2500x128xi32, #tpu.memory_space<hbm>> -> memref<1x128xi32, #tpu.memory_space<hbm>>
        %dma_start3A_216 = tpu.memref_squeeze %dma_start3A_215 : memref<1x128xi32, #tpu.memory_space<hbm>> -> memref<128xi32, #tpu.memory_space<hbm>>
        tpu.enqueue_dma source(%dma_start3A_216 : memref<128xi32, #tpu.memory_space<hbm>>) target(%arg13 : memref<128xi32, #tpu.memory_space<vmem>>) target_semaphore(%run_scoped3A : memref<!tpu.dma_semaphore, #tpu.memory_space<semaphore_mem>>)
        %dma_wait3A_217 = arith.constant 0 : i32
        %dma_wait3A_218 = tpu.memref_slice %arg3[%add3A_91, %dma_wait3A_217] : memref<2500x128xi32, #tpu.memory_space<hbm>> -> memref<1x128xi32, #tpu.memory_space<hbm>>
        %dma_wait3A_219 = tpu.memref_squeeze %dma_wait3A_218 : memref<1x128xi32, #tpu.memory_space<hbm>> -> memref<128xi32, #tpu.memory_space<hbm>>
        %dma_wait3A_220 = arith.constant 0 : i32
        %dma_wait3A_221 = tpu.memref_slice %arg3[%add3A_91, %dma_wait3A_220] : memref<2500x128xi32, #tpu.memory_space<hbm>> -> memref<1x128xi32, #tpu.memory_space<hbm>>
        %dma_wait3A_222 = tpu.memref_squeeze %dma_wait3A_221 : memref<1x128xi32, #tpu.memory_space<hbm>> -> memref<128xi32, #tpu.memory_space<hbm>>
        tpu.wait_dma2 semaphore(%run_scoped3A : memref<!tpu.dma_semaphore, #tpu.memory_space<semaphore_mem>>) src(%dma_wait3A_222 : memref<128xi32, #tpu.memory_space<hbm>>) dst(%arg13 : memref<128xi32, #tpu.memory_space<vmem>>)
        tpu.yield
      }) : () -> ()
      %get3A = arith.constant 0 : index
      %get3A_94 = tpu.vector_load %arg12[%get3A] {strides = array<i32>} : memref<128xi32, #tpu.memory_space<vmem>>, vector<16xi32>,
      %get3A_95 = arith.constant 0 : index
      %get3A_96 = tpu.vector_load %arg13[%get3A_95] {strides = array<i32>} : memref<128xi32, #tpu.memory_space<vmem>>, vector<16xi32>,
      %gather3A = tpu.vector_load_idx %arg9[%get3A_94] : memref<10000xf32, #tpu.memory_space<vmem>>[vector<16xi32>], vector<16xf32>,
      %gather3A_97 = tpu.vector_load_idx %arg10[%get3A_96] : memref<10000xf32, #tpu.memory_space<vmem>>[vector<16xi32>], vector<16xf32>,
      %add3A_98 = arith.addf %gather3A, %gather3A_97 : vector<16xf32>
      %mul3A_99 = arith.constant 2.000000e-01 : f32
      %mul3A_100 = vector.broadcast %mul3A_99 : f32 to vector<16xf32>
      %mul3A_101 = arith.mulf %mul3A_100, %add3A_98 : vector<16xf32>
      %max3A = arith.maximumf %add3A_98, %mul3A_101 : vector<16xf32>
      %exp3A = math.exp %max3A : vector<16xf32>
      %swap3A = arith.constant 0 : index
      %swap3A_102 = tpu.vector_load %arg14[%swap3A] {strides = array<i32>} : memref<128xf32, #tpu.memory_space<vmem>>, vector<16xf32>,
      tpu.vector_store %arg14[%swap3A], %exp3A {strides = array<i32>} : memref<128xf32, #tpu.memory_space<vmem>>, vector<16xf32>,
      %get3A_103 = arith.constant 16 : index
      %get3A_104 = tpu.vector_load %arg12[%get3A_103] {strides = array<i32>} : memref<128xi32, #tpu.memory_space<vmem>>, vector<16xi32>,
      %get3A_105 = arith.constant 16 : index
      %get3A_106 = tpu.vector_load %arg13[%get3A_105] {strides = array<i32>} : memref<128xi32, #tpu.memory_space<vmem>>, vector<16xi32>,
      %gather3A_107 = tpu.vector_load_idx %arg9[%get3A_104] : memref<10000xf32, #tpu.memory_space<vmem>>[vector<16xi32>], vector<16xf32>,
      %gather3A_108 = tpu.vector_load_idx %arg10[%get3A_106] : memref<10000xf32, #tpu.memory_space<vmem>>[vector<16xi32>], vector<16xf32>,
      %add3A_109 = arith.addf %gather3A_107, %gather3A_108 : vector<16xf32>
      %mul3A_110 = arith.constant 2.000000e-01 : f32
      %mul3A_111 = vector.broadcast %mul3A_110 : f32 to vector<16xf32>
      %mul3A_112 = arith.mulf %mul3A_111, %add3A_109 : vector<16xf32>
      %max3A_113 = arith.maximumf %add3A_109, %mul3A_112 : vector<16xf32>
      %exp3A_114 = math.exp %max3A_113 : vector<16xf32>
      %swap3A_115 = arith.constant 16 : index
      %swap3A_116 = tpu.vector_load %arg14[%swap3A_115] {strides = array<i32>} : memref<128xf32, #tpu.memory_space<vmem>>, vector<16xf32>,
      tpu.vector_store %arg14[%swap3A_115], %exp3A_114 {strides = array<i32>} : memref<128xf32, #tpu.memory_space<vmem>>, vector<16xf32>,
      %get3A_117 = arith.constant 32 : index
      %get3A_118 = tpu.vector_load %arg12[%get3A_117] {strides = array<i32>} : memref<128xi32, #tpu.memory_space<vmem>>, vector<16xi32>,
      %get3A_119 = arith.constant 32 : index
      %get3A_120 = tpu.vector_load %arg13[%get3A_119] {strides = array<i32>} : memref<128xi32, #tpu.memory_space<vmem>>, vector<16xi32>,
      %gather3A_121 = tpu.vector_load_idx %arg9[%get3A_118] : memref<10000xf32, #tpu.memory_space<vmem>>[vector<16xi32>], vector<16xf32>,
      %gather3A_122 = tpu.vector_load_idx %arg10[%get3A_120] : memref<10000xf32, #tpu.memory_space<vmem>>[vector<16xi32>], vector<16xf32>,
      %add3A_123 = arith.addf %gather3A_121, %gather3A_122 : vector<16xf32>
      %mul3A_124 = arith.constant 2.000000e-01 : f32
      %mul3A_125 = vector.broadcast %mul3A_124 : f32 to vector<16xf32>
      %mul3A_126 = arith.mulf %mul3A_125, %add3A_123 : vector<16xf32>
      %max3A_127 = arith.maximumf %add3A_123, %mul3A_126 : vector<16xf32>
      %exp3A_128 = math.exp %max3A_127 : vector<16xf32>
      %swap3A_129 = arith.constant 32 : index
      %swap3A_130 = tpu.vector_load %arg14[%swap3A_129] {strides = array<i32>} : memref<128xf32, #tpu.memory_space<vmem>>, vector<16xf32>,
      tpu.vector_store %arg14[%swap3A_129], %exp3A_128 {strides = array<i32>} : memref<128xf32, #tpu.memory_space<vmem>>, vector<16xf32>,
      %get3A_131 = arith.constant 48 : index
      %get3A_132 = tpu.vector_load %arg12[%get3A_131] {strides = array<i32>} : memref<128xi32, #tpu.memory_space<vmem>>, vector<16xi32>,
      %get3A_133 = arith.constant 48 : index
      %get3A_134 = tpu.vector_load %arg13[%get3A_133] {strides = array<i32>} : memref<128xi32, #tpu.memory_space<vmem>>, vector<16xi32>,
      %gather3A_135 = tpu.vector_load_idx %arg9[%get3A_132] : memref<10000xf32, #tpu.memory_space<vmem>>[vector<16xi32>], vector<16xf32>,
      %gather3A_136 = tpu.vector_load_idx %arg10[%get3A_134] : memref<10000xf32, #tpu.memory_space<vmem>>[vector<16xi32>], vector<16xf32>,
      %add3A_137 = arith.addf %gather3A_135, %gather3A_136 : vector<16xf32>
      %mul3A_138 = arith.constant 2.000000e-01 : f32
      %mul3A_139 = vector.broadcast %mul3A_138 : f32 to vector<16xf32>
      %mul3A_140 = arith.mulf %mul3A_139, %add3A_137 : vector<16xf32>
      %max3A_141 = arith.maximumf %add3A_137, %mul3A_140 : vector<16xf32>
      %exp3A_142 = math.exp %max3A_141 : vector<16xf32>
      %swap3A_143 = arith.constant 48 : index
      %swap3A_144 = tpu.vector_load %arg14[%swap3A_143] {strides = array<i32>} : memref<128xf32, #tpu.memory_space<vmem>>, vector<16xf32>,
      tpu.vector_store %arg14[%swap3A_143], %exp3A_142 {strides = array<i32>} : memref<128xf32, #tpu.memory_space<vmem>>, vector<16xf32>,
      %get3A_145 = arith.constant 64 : index
      %get3A_146 = tpu.vector_load %arg12[%get3A_145] {strides = array<i32>} : memref<128xi32, #tpu.memory_space<vmem>>, vector<16xi32>,
      %get3A_147 = arith.constant 64 : index
      %get3A_148 = tpu.vector_load %arg13[%get3A_147] {strides = array<i32>} : memref<128xi32, #tpu.memory_space<vmem>>, vector<16xi32>,
      %gather3A_149 = tpu.vector_load_idx %arg9[%get3A_146] : memref<10000xf32, #tpu.memory_space<vmem>>[vector<16xi32>], vector<16xf32>,
      %gather3A_150 = tpu.vector_load_idx %arg10[%get3A_148] : memref<10000xf32, #tpu.memory_space<vmem>>[vector<16xi32>], vector<16xf32>,
      %add3A_151 = arith.addf %gather3A_149, %gather3A_150 : vector<16xf32>
      %mul3A_152 = arith.constant 2.000000e-01 : f32
      %mul3A_153 = vector.broadcast %mul3A_152 : f32 to vector<16xf32>
      %mul3A_154 = arith.mulf %mul3A_153, %add3A_151 : vector<16xf32>
      %max3A_155 = arith.maximumf %add3A_151, %mul3A_154 : vector<16xf32>
      %exp3A_156 = math.exp %max3A_155 : vector<16xf32>
      %swap3A_157 = arith.constant 64 : index
      %swap3A_158 = tpu.vector_load %arg14[%swap3A_157] {strides = array<i32>} : memref<128xf32, #tpu.memory_space<vmem>>, vector<16xf32>,
      tpu.vector_store %arg14[%swap3A_157], %exp3A_156 {strides = array<i32>} : memref<128xf32, #tpu.memory_space<vmem>>, vector<16xf32>,
      %get3A_159 = arith.constant 80 : index
      %get3A_160 = tpu.vector_load %arg12[%get3A_159] {strides = array<i32>} : memref<128xi32, #tpu.memory_space<vmem>>, vector<16xi32>,
      %get3A_161 = arith.constant 80 : index
      %get3A_162 = tpu.vector_load %arg13[%get3A_161] {strides = array<i32>} : memref<128xi32, #tpu.memory_space<vmem>>, vector<16xi32>,
      %gather3A_163 = tpu.vector_load_idx %arg9[%get3A_160] : memref<10000xf32, #tpu.memory_space<vmem>>[vector<16xi32>], vector<16xf32>,
      %gather3A_164 = tpu.vector_load_idx %arg10[%get3A_162] : memref<10000xf32, #tpu.memory_space<vmem>>[vector<16xi32>], vector<16xf32>,
      %add3A_165 = arith.addf %gather3A_163, %gather3A_164 : vector<16xf32>
      %mul3A_166 = arith.constant 2.000000e-01 : f32
      %mul3A_167 = vector.broadcast %mul3A_166 : f32 to vector<16xf32>
      %mul3A_168 = arith.mulf %mul3A_167, %add3A_165 : vector<16xf32>
      %max3A_169 = arith.maximumf %add3A_165, %mul3A_168 : vector<16xf32>
      %exp3A_170 = math.exp %max3A_169 : vector<16xf32>
      %swap3A_171 = arith.constant 80 : index
      %swap3A_172 = tpu.vector_load %arg14[%swap3A_171] {strides = array<i32>} : memref<128xf32, #tpu.memory_space<vmem>>, vector<16xf32>,
      tpu.vector_store %arg14[%swap3A_171], %exp3A_170 {strides = array<i32>} : memref<128xf32, #tpu.memory_space<vmem>>, vector<16xf32>,
      %get3A_173 = arith.constant 96 : index
      %get3A_174 = tpu.vector_load %arg12[%get3A_173] {strides = array<i32>} : memref<128xi32, #tpu.memory_space<vmem>>, vector<16xi32>,
      %get3A_175 = arith.constant 96 : index
      %get3A_176 = tpu.vector_load %arg13[%get3A_175] {strides = array<i32>} : memref<128xi32, #tpu.memory_space<vmem>>, vector<16xi32>,
      %gather3A_177 = tpu.vector_load_idx %arg9[%get3A_174] : memref<10000xf32, #tpu.memory_space<vmem>>[vector<16xi32>], vector<16xf32>,
      %gather3A_178 = tpu.vector_load_idx %arg10[%get3A_176] : memref<10000xf32, #tpu.memory_space<vmem>>[vector<16xi32>], vector<16xf32>,
      %add3A_179 = arith.addf %gather3A_177, %gather3A_178 : vector<16xf32>
      %mul3A_180 = arith.constant 2.000000e-01 : f32
      %mul3A_181 = vector.broadcast %mul3A_180 : f32 to vector<16xf32>
      %mul3A_182 = arith.mulf %mul3A_181, %add3A_179 : vector<16xf32>
      %max3A_183 = arith.maximumf %add3A_179, %mul3A_182 : vector<16xf32>
      %exp3A_184 = math.exp %max3A_183 : vector<16xf32>
      %swap3A_185 = arith.constant 96 : index
      %swap3A_186 = tpu.vector_load %arg14[%swap3A_185] {strides = array<i32>} : memref<128xf32, #tpu.memory_space<vmem>>, vector<16xf32>,
      tpu.vector_store %arg14[%swap3A_185], %exp3A_184 {strides = array<i32>} : memref<128xf32, #tpu.memory_space<vmem>>, vector<16xf32>,
      %get3A_187 = arith.constant 112 : index
      %get3A_188 = tpu.vector_load %arg12[%get3A_187] {strides = array<i32>} : memref<128xi32, #tpu.memory_space<vmem>>, vector<16xi32>,
      %get3A_189 = arith.constant 112 : index
      %get3A_190 = tpu.vector_load %arg13[%get3A_189] {strides = array<i32>} : memref<128xi32, #tpu.memory_space<vmem>>, vector<16xi32>,
      %gather3A_191 = tpu.vector_load_idx %arg9[%get3A_188] : memref<10000xf32, #tpu.memory_space<vmem>>[vector<16xi32>], vector<16xf32>,
      %gather3A_192 = tpu.vector_load_idx %arg10[%get3A_190] : memref<10000xf32, #tpu.memory_space<vmem>>[vector<16xi32>], vector<16xf32>,
      %add3A_193 = arith.addf %gather3A_191, %gather3A_192 : vector<16xf32>
      %mul3A_194 = arith.constant 2.000000e-01 : f32
      %mul3A_195 = vector.broadcast %mul3A_194 : f32 to vector<16xf32>
      %mul3A_196 = arith.mulf %mul3A_195, %add3A_193 : vector<16xf32>
      %max3A_197 = arith.maximumf %add3A_193, %mul3A_196 : vector<16xf32>
      %exp3A_198 = math.exp %max3A_197 : vector<16xf32>
      %swap3A_199 = arith.constant 112 : index
      %swap3A_200 = tpu.vector_load %arg14[%swap3A_199] {strides = array<i32>} : memref<128xf32, #tpu.memory_space<vmem>>, vector<16xf32>,
      tpu.vector_store %arg14[%swap3A_199], %exp3A_198 {strides = array<i32>} : memref<128xf32, #tpu.memory_space<vmem>>, vector<16xf32>,
      "tpu.region"() ({
        %run_scoped3A = tpu.sem_alloc : memref<!tpu.dma_semaphore, #tpu.memory_space<semaphore_mem>>
        %dma_start3A_211 = arith.constant 0 : i32
        %dma_start3A_212 = tpu.memref_slice %arg17[%dma_start3A_211] : memref<10240xf32, #tpu.memory_space<vmem_shared>> -> memref<10240xf32, #tpu.memory_space<vmem_shared>>
        tpu.enqueue_indirect_dma source(%arg14 : memref<128xf32, #tpu.memory_space<vmem>>) target(%dma_start3A_212 : memref<10240xf32, #tpu.memory_space<vmem_shared>>) offsets(%arg13 : memref<128xi32, #tpu.memory_space<vmem>>) semaphore(%run_scoped3A : memref<!tpu.dma_semaphore, #tpu.memory_space<semaphore_mem>>) {add = true}
        %dma_wait3A_213 = arith.constant 0 : i32
        %dma_wait3A_214 = tpu.memref_slice %arg17[%dma_wait3A_213] : memref<10240xf32, #tpu.memory_space<vmem_shared>> -> memref<10240xf32, #tpu.memory_space<vmem_shared>>
        tpu.wait_indirect_dma semaphore(%run_scoped3A : memref<!tpu.dma_semaphore, #tpu.memory_space<semaphore_mem>>) src(%arg14 : memref<128xf32, #tpu.memory_space<vmem>>) dst(%dma_wait3A_214 : memref<10240xf32, #tpu.memory_space<vmem_shared>>)
        tpu.yield
      }) : () -> ()
      %dma_wait3A = arith.constant 0 : i32
      %dma_wait3A_201 = arith.constant 0 : i32
      %dma_wait3A_202 = tpu.memref_slice %arg6[%dma_wait3A, %dma_wait3A_201] : memref<10000x128xf32, #tpu.memory_space<hbm>> -> memref<10000x128xf32, #tpu.memory_space<hbm>>
      tpu.wait_indirect_dma semaphore(%arg18 : memref<!tpu.dma_semaphore, #tpu.memory_space<semaphore_mem>>) src(%dma_wait3A_202 : memref<10000x128xf32, #tpu.memory_space<hbm>>) dst(%arg11 : memref<128x128xf32, #tpu.memory_space<vmem>>)
      %scan3A_203 = arith.constant 0 : i32
      %scan3A_204 = arith.constant 0 : i32
      %scan3A_205 = arith.constant 64 : i32
      %scan3A_206 = arith.addi %scan3A_204, %scan3A_205 : i32
      %scan3A_207 = arith.constant 1 : i32
      %scan3A_208 = scf.for %scan3A_211 = %scan3A_204 to %scan3A_206 step %scan3A_207 iter_args(%scan3A_212 = %scan3A_203) -> (i32)  : i32 {
        %mul3A_213 = arith.constant 2 : i32
        %mul3A_214 = arith.muli %scan3A_211, %mul3A_213 : i32
        %broadcast_in_dim3A = arith.constant 0 : i32
        %broadcast_in_dim3A_215 = vector.broadcast %broadcast_in_dim3A : i32 to vector<16xi32>
        %add3A_216 = vector.broadcast %mul3A_214 : i32 to vector<16xi32>
        %add3A_217 = arith.addi %broadcast_in_dim3A_215, %add3A_216 : vector<16xi32>
        %gather3A_218 = tpu.vector_load_idx %arg14[%add3A_217] : memref<128xf32, #tpu.memory_space<vmem>>[vector<16xi32>], vector<16xf32>,
        %broadcast_in_dim3A_219 = arith.constant 0 : i32
        %broadcast_in_dim3A_220 = vector.broadcast %broadcast_in_dim3A_219 : i32 to vector<16xi32>
        %add3A_221 = arith.constant 1 : i32
        %add3A_222 = arith.addi %mul3A_214, %add3A_221 : i32
        %add3A_223 = vector.broadcast %add3A_222 : i32 to vector<16xi32>
        %add3A_224 = arith.addi %broadcast_in_dim3A_220, %add3A_223 : vector<16xi32>
        %gather3A_225 = tpu.vector_load_idx %arg14[%add3A_224] : memref<128xf32, #tpu.memory_space<vmem>>[vector<16xi32>], vector<16xf32>,
        %get3A_226 = arith.index_cast %mul3A_214 : i32 to index
        %get3A_227 = arith.constant 0 : index
        %get3A_228 = tpu.vector_load %arg11[%get3A_226, %get3A_227] {strides = array<i32>} : memref<128x128xf32, #tpu.memory_space<vmem>>, vector<16xf32>,
        %mul3A_229 = arith.mulf %get3A_228, %gather3A_218 : vector<16xf32>
        %swap3A_230 = arith.index_cast %mul3A_214 : i32 to index
        %swap3A_231 = arith.constant 0 : index
        %swap3A_232 = tpu.vector_load %arg11[%swap3A_230, %swap3A_231] {strides = array<i32>} : memref<128x128xf32, #tpu.memory_space<vmem>>, vector<16xf32>,
        tpu.vector_store %arg11[%swap3A_230, %swap3A_231], %mul3A_229 {strides = array<i32>} : memref<128x128xf32, #tpu.memory_space<vmem>>, vector<16xf32>,
        %add3A_233 = arith.constant 1 : i32
        %add3A_234 = arith.addi %mul3A_214, %add3A_233 : i32
        %get3A_235 = arith.index_cast %add3A_234 : i32 to index
        %get3A_236 = arith.constant 0 : index
        %get3A_237 = tpu.vector_load %arg11[%get3A_235, %get3A_236] {strides = array<i32>} : memref<128x128xf32, #tpu.memory_space<vmem>>, vector<16xf32>,
        %mul3A_238 = arith.mulf %get3A_237, %gather3A_225 : vector<16xf32>
        %add3A_239 = arith.constant 1 : i32
        %add3A_240 = arith.addi %mul3A_214, %add3A_239 : i32
        %swap3A_241 = arith.index_cast %add3A_240 : i32 to index
        %swap3A_242 = arith.constant 0 : index
        %swap3A_243 = tpu.vector_load %arg11[%swap3A_241, %swap3A_242] {strides = array<i32>} : memref<128x128xf32, #tpu.memory_space<vmem>>, vector<16xf32>,
        tpu.vector_store %arg11[%swap3A_241, %swap3A_242], %mul3A_238 {strides = array<i32>} : memref<128x128xf32, #tpu.memory_space<vmem>>, vector<16xf32>,
        %get3A_244 = arith.index_cast %mul3A_214 : i32 to index
        %get3A_245 = arith.constant 16 : index
        %get3A_246 = tpu.vector_load %arg11[%get3A_244, %get3A_245] {strides = array<i32>} : memref<128x128xf32, #tpu.memory_space<vmem>>, vector<16xf32>,
        %mul3A_247 = arith.mulf %get3A_246, %gather3A_218 : vector<16xf32>
        %swap3A_248 = arith.index_cast %mul3A_214 : i32 to index
        %swap3A_249 = arith.constant 16 : index
        %swap3A_250 = tpu.vector_load %arg11[%swap3A_248, %swap3A_249] {strides = array<i32>} : memref<128x128xf32, #tpu.memory_space<vmem>>, vector<16xf32>,
        tpu.vector_store %arg11[%swap3A_248, %swap3A_249], %mul3A_247 {strides = array<i32>} : memref<128x128xf32, #tpu.memory_space<vmem>>, vector<16xf32>,
        %add3A_251 = arith.constant 1 : i32
        %add3A_252 = arith.addi %mul3A_214, %add3A_251 : i32
        %get3A_253 = arith.index_cast %add3A_252 : i32 to index
        %get3A_254 = arith.constant 16 : index
        %get3A_255 = tpu.vector_load %arg11[%get3A_253, %get3A_254] {strides = array<i32>} : memref<128x128xf32, #tpu.memory_space<vmem>>, vector<16xf32>,
        %mul3A_256 = arith.mulf %get3A_255, %gather3A_225 : vector<16xf32>
        %add3A_257 = arith.constant 1 : i32
        %add3A_258 = arith.addi %mul3A_214, %add3A_257 : i32
        %swap3A_259 = arith.index_cast %add3A_258 : i32 to index
        %swap3A_260 = arith.constant 16 : index
        %swap3A_261 = tpu.vector_load %arg11[%swap3A_259, %swap3A_260] {strides = array<i32>} : memref<128x128xf32, #tpu.memory_space<vmem>>, vector<16xf32>,
        tpu.vector_store %arg11[%swap3A_259, %swap3A_260], %mul3A_256 {strides = array<i32>} : memref<128x128xf32, #tpu.memory_space<vmem>>, vector<16xf32>,
        %get3A_262 = arith.index_cast %mul3A_214 : i32 to index
        %get3A_263 = arith.constant 32 : index
        %get3A_264 = tpu.vector_load %arg11[%get3A_262, %get3A_263] {strides = array<i32>} : memref<128x128xf32, #tpu.memory_space<vmem>>, vector<16xf32>,
        %mul3A_265 = arith.mulf %get3A_264, %gather3A_218 : vector<16xf32>
        %swap3A_266 = arith.index_cast %mul3A_214 : i32 to index
        %swap3A_267 = arith.constant 32 : index
        %swap3A_268 = tpu.vector_load %arg11[%swap3A_266, %swap3A_267] {strides = array<i32>} : memref<128x128xf32, #tpu.memory_space<vmem>>, vector<16xf32>,
        tpu.vector_store %arg11[%swap3A_266, %swap3A_267], %mul3A_265 {strides = array<i32>} : memref<128x128xf32, #tpu.memory_space<vmem>>, vector<16xf32>,
        %add3A_269 = arith.constant 1 : i32
        %add3A_270 = arith.addi %mul3A_214, %add3A_269 : i32
        %get3A_271 = arith.index_cast %add3A_270 : i32 to index
        %get3A_272 = arith.constant 32 : index
        %get3A_273 = tpu.vector_load %arg11[%get3A_271, %get3A_272] {strides = array<i32>} : memref<128x128xf32, #tpu.memory_space<vmem>>, vector<16xf32>,
        %mul3A_274 = arith.mulf %get3A_273, %gather3A_225 : vector<16xf32>
        %add3A_275 = arith.constant 1 : i32
        %add3A_276 = arith.addi %mul3A_214, %add3A_275 : i32
        %swap3A_277 = arith.index_cast %add3A_276 : i32 to index
        %swap3A_278 = arith.constant 32 : index
        %swap3A_279 = tpu.vector_load %arg11[%swap3A_277, %swap3A_278] {strides = array<i32>} : memref<128x128xf32, #tpu.memory_space<vmem>>, vector<16xf32>,
        tpu.vector_store %arg11[%swap3A_277, %swap3A_278], %mul3A_274 {strides = array<i32>} : memref<128x128xf32, #tpu.memory_space<vmem>>, vector<16xf32>,
        %get3A_280 = arith.index_cast %mul3A_214 : i32 to index
        %get3A_281 = arith.constant 48 : index
        %get3A_282 = tpu.vector_load %arg11[%get3A_280, %get3A_281] {strides = array<i32>} : memref<128x128xf32, #tpu.memory_space<vmem>>, vector<16xf32>,
        %mul3A_283 = arith.mulf %get3A_282, %gather3A_218 : vector<16xf32>
        %swap3A_284 = arith.index_cast %mul3A_214 : i32 to index
        %swap3A_285 = arith.constant 48 : index
        %swap3A_286 = tpu.vector_load %arg11[%swap3A_284, %swap3A_285] {strides = array<i32>} : memref<128x128xf32, #tpu.memory_space<vmem>>, vector<16xf32>,
        tpu.vector_store %arg11[%swap3A_284, %swap3A_285], %mul3A_283 {strides = array<i32>} : memref<128x128xf32, #tpu.memory_space<vmem>>, vector<16xf32>,
        %add3A_287 = arith.constant 1 : i32
        %add3A_288 = arith.addi %mul3A_214, %add3A_287 : i32
        %get3A_289 = arith.index_cast %add3A_288 : i32 to index
        %get3A_290 = arith.constant 48 : index
        %get3A_291 = tpu.vector_load %arg11[%get3A_289, %get3A_290] {strides = array<i32>} : memref<128x128xf32, #tpu.memory_space<vmem>>, vector<16xf32>,
        %mul3A_292 = arith.mulf %get3A_291, %gather3A_225 : vector<16xf32>
        %add3A_293 = arith.constant 1 : i32
        %add3A_294 = arith.addi %mul3A_214, %add3A_293 : i32
        %swap3A_295 = arith.index_cast %add3A_294 : i32 to index
        %swap3A_296 = arith.constant 48 : index
        %swap3A_297 = tpu.vector_load %arg11[%swap3A_295, %swap3A_296] {strides = array<i32>} : memref<128x128xf32, #tpu.memory_space<vmem>>, vector<16xf32>,
        tpu.vector_store %arg11[%swap3A_295, %swap3A_296], %mul3A_292 {strides = array<i32>} : memref<128x128xf32, #tpu.memory_space<vmem>>, vector<16xf32>,
        %get3A_298 = arith.index_cast %mul3A_214 : i32 to index
        %get3A_299 = arith.constant 64 : index
        %get3A_300 = tpu.vector_load %arg11[%get3A_298, %get3A_299] {strides = array<i32>} : memref<128x128xf32, #tpu.memory_space<vmem>>, vector<16xf32>,
        %mul3A_301 = arith.mulf %get3A_300, %gather3A_218 : vector<16xf32>
        %swap3A_302 = arith.index_cast %mul3A_214 : i32 to index
        %swap3A_303 = arith.constant 64 : index
        %swap3A_304 = tpu.vector_load %arg11[%swap3A_302, %swap3A_303] {strides = array<i32>} : memref<128x128xf32, #tpu.memory_space<vmem>>, vector<16xf32>,
        tpu.vector_store %arg11[%swap3A_302, %swap3A_303], %mul3A_301 {strides = array<i32>} : memref<128x128xf32, #tpu.memory_space<vmem>>, vector<16xf32>,
        %add3A_305 = arith.constant 1 : i32
        %add3A_306 = arith.addi %mul3A_214, %add3A_305 : i32
        %get3A_307 = arith.index_cast %add3A_306 : i32 to index
        %get3A_308 = arith.constant 64 : index
        %get3A_309 = tpu.vector_load %arg11[%get3A_307, %get3A_308] {strides = array<i32>} : memref<128x128xf32, #tpu.memory_space<vmem>>, vector<16xf32>,
        %mul3A_310 = arith.mulf %get3A_309, %gather3A_225 : vector<16xf32>
        %add3A_311 = arith.constant 1 : i32
        %add3A_312 = arith.addi %mul3A_214, %add3A_311 : i32
        %swap3A_313 = arith.index_cast %add3A_312 : i32 to index
        %swap3A_314 = arith.constant 64 : index
        %swap3A_315 = tpu.vector_load %arg11[%swap3A_313, %swap3A_314] {strides = array<i32>} : memref<128x128xf32, #tpu.memory_space<vmem>>, vector<16xf32>,
        tpu.vector_store %arg11[%swap3A_313, %swap3A_314], %mul3A_310 {strides = array<i32>} : memref<128x128xf32, #tpu.memory_space<vmem>>, vector<16xf32>,
        %get3A_316 = arith.index_cast %mul3A_214 : i32 to index
        %get3A_317 = arith.constant 80 : index
        %get3A_318 = tpu.vector_load %arg11[%get3A_316, %get3A_317] {strides = array<i32>} : memref<128x128xf32, #tpu.memory_space<vmem>>, vector<16xf32>,
        %mul3A_319 = arith.mulf %get3A_318, %gather3A_218 : vector<16xf32>
        %swap3A_320 = arith.index_cast %mul3A_214 : i32 to index
        %swap3A_321 = arith.constant 80 : index
        %swap3A_322 = tpu.vector_load %arg11[%swap3A_320, %swap3A_321] {strides = array<i32>} : memref<128x128xf32, #tpu.memory_space<vmem>>, vector<16xf32>,
        tpu.vector_store %arg11[%swap3A_320, %swap3A_321], %mul3A_319 {strides = array<i32>} : memref<128x128xf32, #tpu.memory_space<vmem>>, vector<16xf32>,
        %add3A_323 = arith.constant 1 : i32
        %add3A_324 = arith.addi %mul3A_214, %add3A_323 : i32
        %get3A_325 = arith.index_cast %add3A_324 : i32 to index
        %get3A_326 = arith.constant 80 : index
        %get3A_327 = tpu.vector_load %arg11[%get3A_325, %get3A_326] {strides = array<i32>} : memref<128x128xf32, #tpu.memory_space<vmem>>, vector<16xf32>,
        %mul3A_328 = arith.mulf %get3A_327, %gather3A_225 : vector<16xf32>
        %add3A_329 = arith.constant 1 : i32
        %add3A_330 = arith.addi %mul3A_214, %add3A_329 : i32
        %swap3A_331 = arith.index_cast %add3A_330 : i32 to index
        %swap3A_332 = arith.constant 80 : index
        %swap3A_333 = tpu.vector_load %arg11[%swap3A_331, %swap3A_332] {strides = array<i32>} : memref<128x128xf32, #tpu.memory_space<vmem>>, vector<16xf32>,
        tpu.vector_store %arg11[%swap3A_331, %swap3A_332], %mul3A_328 {strides = array<i32>} : memref<128x128xf32, #tpu.memory_space<vmem>>, vector<16xf32>,
        %get3A_334 = arith.index_cast %mul3A_214 : i32 to index
        %get3A_335 = arith.constant 96 : index
        %get3A_336 = tpu.vector_load %arg11[%get3A_334, %get3A_335] {strides = array<i32>} : memref<128x128xf32, #tpu.memory_space<vmem>>, vector<16xf32>,
        %mul3A_337 = arith.mulf %get3A_336, %gather3A_218 : vector<16xf32>
        %swap3A_338 = arith.index_cast %mul3A_214 : i32 to index
        %swap3A_339 = arith.constant 96 : index
        %swap3A_340 = tpu.vector_load %arg11[%swap3A_338, %swap3A_339] {strides = array<i32>} : memref<128x128xf32, #tpu.memory_space<vmem>>, vector<16xf32>,
        tpu.vector_store %arg11[%swap3A_338, %swap3A_339], %mul3A_337 {strides = array<i32>} : memref<128x128xf32, #tpu.memory_space<vmem>>, vector<16xf32>,
        %add3A_341 = arith.constant 1 : i32
        %add3A_342 = arith.addi %mul3A_214, %add3A_341 : i32
        %get3A_343 = arith.index_cast %add3A_342 : i32 to index
        %get3A_344 = arith.constant 96 : index
        %get3A_345 = tpu.vector_load %arg11[%get3A_343, %get3A_344] {strides = array<i32>} : memref<128x128xf32, #tpu.memory_space<vmem>>, vector<16xf32>,
        %mul3A_346 = arith.mulf %get3A_345, %gather3A_225 : vector<16xf32>
        %add3A_347 = arith.constant 1 : i32
        %add3A_348 = arith.addi %mul3A_214, %add3A_347 : i32
        %swap3A_349 = arith.index_cast %add3A_348 : i32 to index
        %swap3A_350 = arith.constant 96 : index
        %swap3A_351 = tpu.vector_load %arg11[%swap3A_349, %swap3A_350] {strides = array<i32>} : memref<128x128xf32, #tpu.memory_space<vmem>>, vector<16xf32>,
        tpu.vector_store %arg11[%swap3A_349, %swap3A_350], %mul3A_346 {strides = array<i32>} : memref<128x128xf32, #tpu.memory_space<vmem>>, vector<16xf32>,
        %get3A_352 = arith.index_cast %mul3A_214 : i32 to index
        %get3A_353 = arith.constant 112 : index
        %get3A_354 = tpu.vector_load %arg11[%get3A_352, %get3A_353] {strides = array<i32>} : memref<128x128xf32, #tpu.memory_space<vmem>>, vector<16xf32>,
        %mul3A_355 = arith.mulf %get3A_354, %gather3A_218 : vector<16xf32>
        %swap3A_356 = arith.index_cast %mul3A_214 : i32 to index
        %swap3A_357 = arith.constant 112 : index
        %swap3A_358 = tpu.vector_load %arg11[%swap3A_356, %swap3A_357] {strides = array<i32>} : memref<128x128xf32, #tpu.memory_space<vmem>>, vector<16xf32>,
        tpu.vector_store %arg11[%swap3A_356, %swap3A_357], %mul3A_355 {strides = array<i32>} : memref<128x128xf32, #tpu.memory_space<vmem>>, vector<16xf32>,
        %add3A_359 = arith.constant 1 : i32
        %add3A_360 = arith.addi %mul3A_214, %add3A_359 : i32
        %get3A_361 = arith.index_cast %add3A_360 : i32 to index
        %get3A_362 = arith.constant 112 : index
        %get3A_363 = tpu.vector_load %arg11[%get3A_361, %get3A_362] {strides = array<i32>} : memref<128x128xf32, #tpu.memory_space<vmem>>, vector<16xf32>,
        %mul3A_364 = arith.mulf %get3A_363, %gather3A_225 : vector<16xf32>
        %add3A_365 = arith.constant 1 : i32
        %add3A_366 = arith.addi %mul3A_214, %add3A_365 : i32
        %swap3A_367 = arith.index_cast %add3A_366 : i32 to index
        %swap3A_368 = arith.constant 112 : index
        %swap3A_369 = tpu.vector_load %arg11[%swap3A_367, %swap3A_368] {strides = array<i32>} : memref<128x128xf32, #tpu.memory_space<vmem>>, vector<16xf32>,
        tpu.vector_store %arg11[%swap3A_367, %swap3A_368], %mul3A_364 {strides = array<i32>} : memref<128x128xf32, #tpu.memory_space<vmem>>, vector<16xf32>,
        %scan3A_370 = arith.constant 0 : i32
        scf.yield %scan3A_370 : i32
      }
      %scan3A_209 = arith.constant 64 : i32
      "tpu.region"() ({
        %run_scoped3A = tpu.sem_alloc : memref<!tpu.dma_semaphore, #tpu.memory_space<semaphore_mem>>
        %dma_start3A_211 = arith.constant 0 : i32
        %dma_start3A_212 = arith.constant 0 : i32
        %dma_start3A_213 = tpu.memref_slice %arg16[%dma_start3A_211, %dma_start3A_212] : memref<10000x128xf32, #tpu.memory_space<vmem_shared>> -> memref<10000x128xf32, #tpu.memory_space<vmem_shared>>
        tpu.enqueue_indirect_dma source(%arg11 : memref<128x128xf32, #tpu.memory_space<vmem>>) target(%dma_start3A_213 : memref<10000x128xf32, #tpu.memory_space<vmem_shared>>) offsets(%arg13 : memref<128xi32, #tpu.memory_space<vmem>>) semaphore(%run_scoped3A : memref<!tpu.dma_semaphore, #tpu.memory_space<semaphore_mem>>) {add = true}
        %dma_wait3A_214 = arith.constant 0 : i32
        %dma_wait3A_215 = arith.constant 0 : i32
        %dma_wait3A_216 = tpu.memref_slice %arg16[%dma_wait3A_214, %dma_wait3A_215] : memref<10000x128xf32, #tpu.memory_space<vmem_shared>> -> memref<10000x128xf32, #tpu.memory_space<vmem_shared>>
        tpu.wait_indirect_dma semaphore(%run_scoped3A : memref<!tpu.dma_semaphore, #tpu.memory_space<semaphore_mem>>) src(%arg11 : memref<128x128xf32, #tpu.memory_space<vmem>>) dst(%dma_wait3A_216 : memref<10000x128xf32, #tpu.memory_space<vmem_shared>>)
        tpu.yield
      }) : () -> ()
      %while3A_210 = arith.constant 0 : i32
      scf.yield %while3A_210 : i32
    }
    %while3A_59 = arith.constant 1 : i32
    %while3A_60 = scf.for %while3A_89 = %while3A_56 to %while3A_52 step %while3A_59 iter_args(%while3A_90 = %while3A_58) -> (i32)  : i32 {
      %add3A_91 = arith.addi %add3A_41, %while3A_89 : i32
      "tpu.region"() ({
        %run_scoped3A = tpu.sem_alloc : memref<!tpu.dma_semaphore, #tpu.memory_space<semaphore_mem>>
        %dma_start3A_211 = arith.constant 0 : i32
        %dma_start3A_212 = tpu.memref_slice %arg2[%add3A_91, %dma_start3A_211] : memref<2500x128xi32, #tpu.memory_space<hbm>> -> memref<1x128xi32, #tpu.memory_space<hbm>>
        %dma_start3A_213 = tpu.memref_squeeze %dma_start3A_212 : memref<1x128xi32, #tpu.memory_space<hbm>> -> memref<128xi32, #tpu.memory_space<hbm>>
        %dma_start3A_214 = arith.constant 0 : i32
        %dma_start3A_215 = tpu.memref_slice %arg2[%add3A_91, %dma_start3A_214] : memref<2500x128xi32, #tpu.memory_space<hbm>> -> memref<1x128xi32, #tpu.memory_space<hbm>>
        %dma_start3A_216 = tpu.memref_squeeze %dma_start3A_215 : memref<1x128xi32, #tpu.memory_space<hbm>> -> memref<128xi32, #tpu.memory_space<hbm>>
        tpu.enqueue_dma source(%dma_start3A_216 : memref<128xi32, #tpu.memory_space<hbm>>) target(%arg12 : memref<128xi32, #tpu.memory_space<vmem>>) target_semaphore(%run_scoped3A : memref<!tpu.dma_semaphore, #tpu.memory_space<semaphore_mem>>)
        %dma_wait3A_217 = arith.constant 0 : i32
        %dma_wait3A_218 = tpu.memref_slice %arg2[%add3A_91, %dma_wait3A_217] : memref<2500x128xi32, #tpu.memory_space<hbm>> -> memref<1x128xi32, #tpu.memory_space<hbm>>
        %dma_wait3A_219 = tpu.memref_squeeze %dma_wait3A_218 : memref<1x128xi32, #tpu.memory_space<hbm>> -> memref<128xi32, #tpu.memory_space<hbm>>
        %dma_wait3A_220 = arith.constant 0 : i32
        %dma_wait3A_221 = tpu.memref_slice %arg2[%add3A_91, %dma_wait3A_220] : memref<2500x128xi32, #tpu.memory_space<hbm>> -> memref<1x128xi32, #tpu.memory_space<hbm>>
        %dma_wait3A_222 = tpu.memref_squeeze %dma_wait3A_221 : memref<1x128xi32, #tpu.memory_space<hbm>> -> memref<128xi32, #tpu.memory_space<hbm>>
        tpu.wait_dma2 semaphore(%run_scoped3A : memref<!tpu.dma_semaphore, #tpu.memory_space<semaphore_mem>>) src(%dma_wait3A_222 : memref<128xi32, #tpu.memory_space<hbm>>) dst(%arg12 : memref<128xi32, #tpu.memory_space<vmem>>)
        tpu.yield
      }) : () -> ()
      %dma_start3A = arith.constant 0 : i32
      %dma_start3A_92 = arith.constant 0 : i32
      %dma_start3A_93 = tpu.memref_slice %arg6[%dma_start3A, %dma_start3A_92] : memref<10000x128xf32, #tpu.memory_space<hbm>> -> memref<10000x128xf32, #tpu.memory_space<hbm>>
      tpu.enqueue_indirect_dma source(%dma_start3A_93 : memref<10000x128xf32, #tpu.memory_space<hbm>>) target(%arg11 : memref<128x128xf32, #tpu.memory_space<vmem>>) offsets(%arg12 : memref<128xi32, #tpu.memory_space<vmem>>) semaphore(%arg18 : memref<!tpu.dma_semaphore, #tpu.memory_space<semaphore_mem>>)
      "tpu.region"() ({
        %run_scoped3A = tpu.sem_alloc : memref<!tpu.dma_semaphore, #tpu.memory_space<semaphore_mem>>
        %dma_start3A_211 = arith.constant 0 : i32
        %dma_start3A_212 = tpu.memref_slice %arg3[%add3A_91, %dma_start3A_211] : memref<2500x128xi32, #tpu.memory_space<hbm>> -> memref<1x128xi32, #tpu.memory_space<hbm>>
        %dma_start3A_213 = tpu.memref_squeeze %dma_start3A_212 : memref<1x128xi32, #tpu.memory_space<hbm>> -> memref<128xi32, #tpu.memory_space<hbm>>
        %dma_start3A_214 = arith.constant 0 : i32
        %dma_start3A_215 = tpu.memref_slice %arg3[%add3A_91, %dma_start3A_214] : memref<2500x128xi32, #tpu.memory_space<hbm>> -> memref<1x128xi32, #tpu.memory_space<hbm>>
        %dma_start3A_216 = tpu.memref_squeeze %dma_start3A_215 : memref<1x128xi32, #tpu.memory_space<hbm>> -> memref<128xi32, #tpu.memory_space<hbm>>
        tpu.enqueue_dma source(%dma_start3A_216 : memref<128xi32, #tpu.memory_space<hbm>>) target(%arg13 : memref<128xi32, #tpu.memory_space<vmem>>) target_semaphore(%run_scoped3A : memref<!tpu.dma_semaphore, #tpu.memory_space<semaphore_mem>>)
        %dma_wait3A_217 = arith.constant 0 : i32
        %dma_wait3A_218 = tpu.memref_slice %arg3[%add3A_91, %dma_wait3A_217] : memref<2500x128xi32, #tpu.memory_space<hbm>> -> memref<1x128xi32, #tpu.memory_space<hbm>>
        %dma_wait3A_219 = tpu.memref_squeeze %dma_wait3A_218 : memref<1x128xi32, #tpu.memory_space<hbm>> -> memref<128xi32, #tpu.memory_space<hbm>>
        %dma_wait3A_220 = arith.constant 0 : i32
        %dma_wait3A_221 = tpu.memref_slice %arg3[%add3A_91, %dma_wait3A_220] : memref<2500x128xi32, #tpu.memory_space<hbm>> -> memref<1x128xi32, #tpu.memory_space<hbm>>
        %dma_wait3A_222 = tpu.memref_squeeze %dma_wait3A_221 : memref<1x128xi32, #tpu.memory_space<hbm>> -> memref<128xi32, #tpu.memory_space<hbm>>
        tpu.wait_dma2 semaphore(%run_scoped3A : memref<!tpu.dma_semaphore, #tpu.memory_space<semaphore_mem>>) src(%dma_wait3A_222 : memref<128xi32, #tpu.memory_space<hbm>>) dst(%arg13 : memref<128xi32, #tpu.memory_space<vmem>>)
        tpu.yield
      }) : () -> ()
      %get3A = arith.constant 0 : index
      %get3A_94 = tpu.vector_load %arg12[%get3A] {strides = array<i32>} : memref<128xi32, #tpu.memory_space<vmem>>, vector<16xi32>,
      %get3A_95 = arith.constant 0 : index
      %get3A_96 = tpu.vector_load %arg13[%get3A_95] {strides = array<i32>} : memref<128xi32, #tpu.memory_space<vmem>>, vector<16xi32>,
      %gather3A = tpu.vector_load_idx %arg9[%get3A_94] : memref<10000xf32, #tpu.memory_space<vmem>>[vector<16xi32>], vector<16xf32>,
      %gather3A_97 = tpu.vector_load_idx %arg10[%get3A_96] : memref<10000xf32, #tpu.memory_space<vmem>>[vector<16xi32>], vector<16xf32>,
      %add3A_98 = arith.addf %gather3A, %gather3A_97 : vector<16xf32>
      %mul3A_99 = arith.constant 2.000000e-01 : f32
      %mul3A_100 = vector.broadcast %mul3A_99 : f32 to vector<16xf32>
      %mul3A_101 = arith.mulf %mul3A_100, %add3A_98 : vector<16xf32>
      %max3A = arith.maximumf %add3A_98, %mul3A_101 : vector<16xf32>
      %exp3A = math.exp %max3A : vector<16xf32>
      %swap3A = arith.constant 0 : index
      %swap3A_102 = tpu.vector_load %arg14[%swap3A] {strides = array<i32>} : memref<128xf32, #tpu.memory_space<vmem>>, vector<16xf32>,
      tpu.vector_store %arg14[%swap3A], %exp3A {strides = array<i32>} : memref<128xf32, #tpu.memory_space<vmem>>, vector<16xf32>,
      %get3A_103 = arith.constant 16 : index
      %get3A_104 = tpu.vector_load %arg12[%get3A_103] {strides = array<i32>} : memref<128xi32, #tpu.memory_space<vmem>>, vector<16xi32>,
      %get3A_105 = arith.constant 16 : index
      %get3A_106 = tpu.vector_load %arg13[%get3A_105] {strides = array<i32>} : memref<128xi32, #tpu.memory_space<vmem>>, vector<16xi32>,
      %gather3A_107 = tpu.vector_load_idx %arg9[%get3A_104] : memref<10000xf32, #tpu.memory_space<vmem>>[vector<16xi32>], vector<16xf32>,
      %gather3A_108 = tpu.vector_load_idx %arg10[%get3A_106] : memref<10000xf32, #tpu.memory_space<vmem>>[vector<16xi32>], vector<16xf32>,
      %add3A_109 = arith.addf %gather3A_107, %gather3A_108 : vector<16xf32>
      %mul3A_110 = arith.constant 2.000000e-01 : f32
      %mul3A_111 = vector.broadcast %mul3A_110 : f32 to vector<16xf32>
      %mul3A_112 = arith.mulf %mul3A_111, %add3A_109 : vector<16xf32>
      %max3A_113 = arith.maximumf %add3A_109, %mul3A_112 : vector<16xf32>
      %exp3A_114 = math.exp %max3A_113 : vector<16xf32>
      %swap3A_115 = arith.constant 16 : index
      %swap3A_116 = tpu.vector_load %arg14[%swap3A_115] {strides = array<i32>} : memref<128xf32, #tpu.memory_space<vmem>>, vector<16xf32>,
      tpu.vector_store %arg14[%swap3A_115], %exp3A_114 {strides = array<i32>} : memref<128xf32, #tpu.memory_space<vmem>>, vector<16xf32>,
      %get3A_117 = arith.constant 32 : index
      %get3A_118 = tpu.vector_load %arg12[%get3A_117] {strides = array<i32>} : memref<128xi32, #tpu.memory_space<vmem>>, vector<16xi32>,
      %get3A_119 = arith.constant 32 : index
      %get3A_120 = tpu.vector_load %arg13[%get3A_119] {strides = array<i32>} : memref<128xi32, #tpu.memory_space<vmem>>, vector<16xi32>,
      %gather3A_121 = tpu.vector_load_idx %arg9[%get3A_118] : memref<10000xf32, #tpu.memory_space<vmem>>[vector<16xi32>], vector<16xf32>,
      %gather3A_122 = tpu.vector_load_idx %arg10[%get3A_120] : memref<10000xf32, #tpu.memory_space<vmem>>[vector<16xi32>], vector<16xf32>,
      %add3A_123 = arith.addf %gather3A_121, %gather3A_122 : vector<16xf32>
      %mul3A_124 = arith.constant 2.000000e-01 : f32
      %mul3A_125 = vector.broadcast %mul3A_124 : f32 to vector<16xf32>
      %mul3A_126 = arith.mulf %mul3A_125, %add3A_123 : vector<16xf32>
      %max3A_127 = arith.maximumf %add3A_123, %mul3A_126 : vector<16xf32>
      %exp3A_128 = math.exp %max3A_127 : vector<16xf32>
      %swap3A_129 = arith.constant 32 : index
      %swap3A_130 = tpu.vector_load %arg14[%swap3A_129] {strides = array<i32>} : memref<128xf32, #tpu.memory_space<vmem>>, vector<16xf32>,
      tpu.vector_store %arg14[%swap3A_129], %exp3A_128 {strides = array<i32>} : memref<128xf32, #tpu.memory_space<vmem>>, vector<16xf32>,
      %get3A_131 = arith.constant 48 : index
      %get3A_132 = tpu.vector_load %arg12[%get3A_131] {strides = array<i32>} : memref<128xi32, #tpu.memory_space<vmem>>, vector<16xi32>,
      %get3A_133 = arith.constant 48 : index
      %get3A_134 = tpu.vector_load %arg13[%get3A_133] {strides = array<i32>} : memref<128xi32, #tpu.memory_space<vmem>>, vector<16xi32>,
      %gather3A_135 = tpu.vector_load_idx %arg9[%get3A_132] : memref<10000xf32, #tpu.memory_space<vmem>>[vector<16xi32>], vector<16xf32>,
      %gather3A_136 = tpu.vector_load_idx %arg10[%get3A_134] : memref<10000xf32, #tpu.memory_space<vmem>>[vector<16xi32>], vector<16xf32>,
      %add3A_137 = arith.addf %gather3A_135, %gather3A_136 : vector<16xf32>
      %mul3A_138 = arith.constant 2.000000e-01 : f32
      %mul3A_139 = vector.broadcast %mul3A_138 : f32 to vector<16xf32>
      %mul3A_140 = arith.mulf %mul3A_139, %add3A_137 : vector<16xf32>
      %max3A_141 = arith.maximumf %add3A_137, %mul3A_140 : vector<16xf32>
      %exp3A_142 = math.exp %max3A_141 : vector<16xf32>
      %swap3A_143 = arith.constant 48 : index
      %swap3A_144 = tpu.vector_load %arg14[%swap3A_143] {strides = array<i32>} : memref<128xf32, #tpu.memory_space<vmem>>, vector<16xf32>,
      tpu.vector_store %arg14[%swap3A_143], %exp3A_142 {strides = array<i32>} : memref<128xf32, #tpu.memory_space<vmem>>, vector<16xf32>,
      %get3A_145 = arith.constant 64 : index
      %get3A_146 = tpu.vector_load %arg12[%get3A_145] {strides = array<i32>} : memref<128xi32, #tpu.memory_space<vmem>>, vector<16xi32>,
      %get3A_147 = arith.constant 64 : index
      %get3A_148 = tpu.vector_load %arg13[%get3A_147] {strides = array<i32>} : memref<128xi32, #tpu.memory_space<vmem>>, vector<16xi32>,
      %gather3A_149 = tpu.vector_load_idx %arg9[%get3A_146] : memref<10000xf32, #tpu.memory_space<vmem>>[vector<16xi32>], vector<16xf32>,
      %gather3A_150 = tpu.vector_load_idx %arg10[%get3A_148] : memref<10000xf32, #tpu.memory_space<vmem>>[vector<16xi32>], vector<16xf32>,
      %add3A_151 = arith.addf %gather3A_149, %gather3A_150 : vector<16xf32>
      %mul3A_152 = arith.constant 2.000000e-01 : f32
      %mul3A_153 = vector.broadcast %mul3A_152 : f32 to vector<16xf32>
      %mul3A_154 = arith.mulf %mul3A_153, %add3A_151 : vector<16xf32>
      %max3A_155 = arith.maximumf %add3A_151, %mul3A_154 : vector<16xf32>
      %exp3A_156 = math.exp %max3A_155 : vector<16xf32>
      %swap3A_157 = arith.constant 64 : index
      %swap3A_158 = tpu.vector_load %arg14[%swap3A_157] {strides = array<i32>} : memref<128xf32, #tpu.memory_space<vmem>>, vector<16xf32>,
      tpu.vector_store %arg14[%swap3A_157], %exp3A_156 {strides = array<i32>} : memref<128xf32, #tpu.memory_space<vmem>>, vector<16xf32>,
      %get3A_159 = arith.constant 80 : index
      %get3A_160 = tpu.vector_load %arg12[%get3A_159] {strides = array<i32>} : memref<128xi32, #tpu.memory_space<vmem>>, vector<16xi32>,
      %get3A_161 = arith.constant 80 : index
      %get3A_162 = tpu.vector_load %arg13[%get3A_161] {strides = array<i32>} : memref<128xi32, #tpu.memory_space<vmem>>, vector<16xi32>,
      %gather3A_163 = tpu.vector_load_idx %arg9[%get3A_160] : memref<10000xf32, #tpu.memory_space<vmem>>[vector<16xi32>], vector<16xf32>,
      %gather3A_164 = tpu.vector_load_idx %arg10[%get3A_162] : memref<10000xf32, #tpu.memory_space<vmem>>[vector<16xi32>], vector<16xf32>,
      %add3A_165 = arith.addf %gather3A_163, %gather3A_164 : vector<16xf32>
      %mul3A_166 = arith.constant 2.000000e-01 : f32
      %mul3A_167 = vector.broadcast %mul3A_166 : f32 to vector<16xf32>
      %mul3A_168 = arith.mulf %mul3A_167, %add3A_165 : vector<16xf32>
      %max3A_169 = arith.maximumf %add3A_165, %mul3A_168 : vector<16xf32>
      %exp3A_170 = math.exp %max3A_169 : vector<16xf32>
      %swap3A_171 = arith.constant 80 : index
      %swap3A_172 = tpu.vector_load %arg14[%swap3A_171] {strides = array<i32>} : memref<128xf32, #tpu.memory_space<vmem>>, vector<16xf32>,
      tpu.vector_store %arg14[%swap3A_171], %exp3A_170 {strides = array<i32>} : memref<128xf32, #tpu.memory_space<vmem>>, vector<16xf32>,
      %get3A_173 = arith.constant 96 : index
      %get3A_174 = tpu.vector_load %arg12[%get3A_173] {strides = array<i32>} : memref<128xi32, #tpu.memory_space<vmem>>, vector<16xi32>,
      %get3A_175 = arith.constant 96 : index
      %get3A_176 = tpu.vector_load %arg13[%get3A_175] {strides = array<i32>} : memref<128xi32, #tpu.memory_space<vmem>>, vector<16xi32>,
      %gather3A_177 = tpu.vector_load_idx %arg9[%get3A_174] : memref<10000xf32, #tpu.memory_space<vmem>>[vector<16xi32>], vector<16xf32>,
      %gather3A_178 = tpu.vector_load_idx %arg10[%get3A_176] : memref<10000xf32, #tpu.memory_space<vmem>>[vector<16xi32>], vector<16xf32>,
      %add3A_179 = arith.addf %gather3A_177, %gather3A_178 : vector<16xf32>
      %mul3A_180 = arith.constant 2.000000e-01 : f32
      %mul3A_181 = vector.broadcast %mul3A_180 : f32 to vector<16xf32>
      %mul3A_182 = arith.mulf %mul3A_181, %add3A_179 : vector<16xf32>
      %max3A_183 = arith.maximumf %add3A_179, %mul3A_182 : vector<16xf32>
      %exp3A_184 = math.exp %max3A_183 : vector<16xf32>
      %swap3A_185 = arith.constant 96 : index
      %swap3A_186 = tpu.vector_load %arg14[%swap3A_185] {strides = array<i32>} : memref<128xf32, #tpu.memory_space<vmem>>, vector<16xf32>,
      tpu.vector_store %arg14[%swap3A_185], %exp3A_184 {strides = array<i32>} : memref<128xf32, #tpu.memory_space<vmem>>, vector<16xf32>,
      %get3A_187 = arith.constant 112 : index
      %get3A_188 = tpu.vector_load %arg12[%get3A_187] {strides = array<i32>} : memref<128xi32, #tpu.memory_space<vmem>>, vector<16xi32>,
      %get3A_189 = arith.constant 112 : index
      %get3A_190 = tpu.vector_load %arg13[%get3A_189] {strides = array<i32>} : memref<128xi32, #tpu.memory_space<vmem>>, vector<16xi32>,
      %gather3A_191 = tpu.vector_load_idx %arg9[%get3A_188] : memref<10000xf32, #tpu.memory_space<vmem>>[vector<16xi32>], vector<16xf32>,
      %gather3A_192 = tpu.vector_load_idx %arg10[%get3A_190] : memref<10000xf32, #tpu.memory_space<vmem>>[vector<16xi32>], vector<16xf32>,
      %add3A_193 = arith.addf %gather3A_191, %gather3A_192 : vector<16xf32>
      %mul3A_194 = arith.constant 2.000000e-01 : f32
      %mul3A_195 = vector.broadcast %mul3A_194 : f32 to vector<16xf32>
      %mul3A_196 = arith.mulf %mul3A_195, %add3A_193 : vector<16xf32>
      %max3A_197 = arith.maximumf %add3A_193, %mul3A_196 : vector<16xf32>
      %exp3A_198 = math.exp %max3A_197 : vector<16xf32>
      %swap3A_199 = arith.constant 112 : index
      %swap3A_200 = tpu.vector_load %arg14[%swap3A_199] {strides = array<i32>} : memref<128xf32, #tpu.memory_space<vmem>>, vector<16xf32>,
      tpu.vector_store %arg14[%swap3A_199], %exp3A_198 {strides = array<i32>} : memref<128xf32, #tpu.memory_space<vmem>>, vector<16xf32>,
      "tpu.region"() ({
        %run_scoped3A = tpu.sem_alloc : memref<!tpu.dma_semaphore, #tpu.memory_space<semaphore_mem>>
        %dma_start3A_211 = arith.constant 0 : i32
        %dma_start3A_212 = tpu.memref_slice %arg17[%dma_start3A_211] : memref<10240xf32, #tpu.memory_space<vmem_shared>> -> memref<10240xf32, #tpu.memory_space<vmem_shared>>
        tpu.enqueue_indirect_dma source(%arg14 : memref<128xf32, #tpu.memory_space<vmem>>) target(%dma_start3A_212 : memref<10240xf32, #tpu.memory_space<vmem_shared>>) offsets(%arg13 : memref<128xi32, #tpu.memory_space<vmem>>) semaphore(%run_scoped3A : memref<!tpu.dma_semaphore, #tpu.memory_space<semaphore_mem>>) {add = true}
        %dma_wait3A_213 = arith.constant 0 : i32
        %dma_wait3A_214 = tpu.memref_slice %arg17[%dma_wait3A_213] : memref<10240xf32, #tpu.memory_space<vmem_shared>> -> memref<10240xf32, #tpu.memory_space<vmem_shared>>
        tpu.wait_indirect_dma semaphore(%run_scoped3A : memref<!tpu.dma_semaphore, #tpu.memory_space<semaphore_mem>>) src(%arg14 : memref<128xf32, #tpu.memory_space<vmem>>) dst(%dma_wait3A_214 : memref<10240xf32, #tpu.memory_space<vmem_shared>>)
        tpu.yield
      }) : () -> ()
      %dma_wait3A = arith.constant 0 : i32
      %dma_wait3A_201 = arith.constant 0 : i32
      %dma_wait3A_202 = tpu.memref_slice %arg6[%dma_wait3A, %dma_wait3A_201] : memref<10000x128xf32, #tpu.memory_space<hbm>> -> memref<10000x128xf32, #tpu.memory_space<hbm>>
      tpu.wait_indirect_dma semaphore(%arg18 : memref<!tpu.dma_semaphore, #tpu.memory_space<semaphore_mem>>) src(%dma_wait3A_202 : memref<10000x128xf32, #tpu.memory_space<hbm>>) dst(%arg11 : memref<128x128xf32, #tpu.memory_space<vmem>>)
      %scan3A_203 = arith.constant 0 : i32
      %scan3A_204 = arith.constant 0 : i32
      %scan3A_205 = arith.constant 64 : i32
      %scan3A_206 = arith.addi %scan3A_204, %scan3A_205 : i32
      %scan3A_207 = arith.constant 1 : i32
      %scan3A_208 = scf.for %scan3A_211 = %scan3A_204 to %scan3A_206 step %scan3A_207 iter_args(%scan3A_212 = %scan3A_203) -> (i32)  : i32 {
        %mul3A_213 = arith.constant 2 : i32
        %mul3A_214 = arith.muli %scan3A_211, %mul3A_213 : i32
        %broadcast_in_dim3A = arith.constant 0 : i32
        %broadcast_in_dim3A_215 = vector.broadcast %broadcast_in_dim3A : i32 to vector<16xi32>
        %add3A_216 = vector.broadcast %mul3A_214 : i32 to vector<16xi32>
        %add3A_217 = arith.addi %broadcast_in_dim3A_215, %add3A_216 : vector<16xi32>
        %gather3A_218 = tpu.vector_load_idx %arg14[%add3A_217] : memref<128xf32, #tpu.memory_space<vmem>>[vector<16xi32>], vector<16xf32>,
        %broadcast_in_dim3A_219 = arith.constant 0 : i32
        %broadcast_in_dim3A_220 = vector.broadcast %broadcast_in_dim3A_219 : i32 to vector<16xi32>
        %add3A_221 = arith.constant 1 : i32
        %add3A_222 = arith.addi %mul3A_214, %add3A_221 : i32
        %add3A_223 = vector.broadcast %add3A_222 : i32 to vector<16xi32>
        %add3A_224 = arith.addi %broadcast_in_dim3A_220, %add3A_223 : vector<16xi32>
        %gather3A_225 = tpu.vector_load_idx %arg14[%add3A_224] : memref<128xf32, #tpu.memory_space<vmem>>[vector<16xi32>], vector<16xf32>,
        %get3A_226 = arith.index_cast %mul3A_214 : i32 to index
        %get3A_227 = arith.constant 0 : index
        %get3A_228 = tpu.vector_load %arg11[%get3A_226, %get3A_227] {strides = array<i32>} : memref<128x128xf32, #tpu.memory_space<vmem>>, vector<16xf32>,
        %mul3A_229 = arith.mulf %get3A_228, %gather3A_218 : vector<16xf32>
        %swap3A_230 = arith.index_cast %mul3A_214 : i32 to index
        %swap3A_231 = arith.constant 0 : index
        %swap3A_232 = tpu.vector_load %arg11[%swap3A_230, %swap3A_231] {strides = array<i32>} : memref<128x128xf32, #tpu.memory_space<vmem>>, vector<16xf32>,
        tpu.vector_store %arg11[%swap3A_230, %swap3A_231], %mul3A_229 {strides = array<i32>} : memref<128x128xf32, #tpu.memory_space<vmem>>, vector<16xf32>,
        %add3A_233 = arith.constant 1 : i32
        %add3A_234 = arith.addi %mul3A_214, %add3A_233 : i32
        %get3A_235 = arith.index_cast %add3A_234 : i32 to index
        %get3A_236 = arith.constant 0 : index
        %get3A_237 = tpu.vector_load %arg11[%get3A_235, %get3A_236] {strides = array<i32>} : memref<128x128xf32, #tpu.memory_space<vmem>>, vector<16xf32>,
        %mul3A_238 = arith.mulf %get3A_237, %gather3A_225 : vector<16xf32>
        %add3A_239 = arith.constant 1 : i32
        %add3A_240 = arith.addi %mul3A_214, %add3A_239 : i32
        %swap3A_241 = arith.index_cast %add3A_240 : i32 to index
        %swap3A_242 = arith.constant 0 : index
        %swap3A_243 = tpu.vector_load %arg11[%swap3A_241, %swap3A_242] {strides = array<i32>} : memref<128x128xf32, #tpu.memory_space<vmem>>, vector<16xf32>,
        tpu.vector_store %arg11[%swap3A_241, %swap3A_242], %mul3A_238 {strides = array<i32>} : memref<128x128xf32, #tpu.memory_space<vmem>>, vector<16xf32>,
        %get3A_244 = arith.index_cast %mul3A_214 : i32 to index
        %get3A_245 = arith.constant 16 : index
        %get3A_246 = tpu.vector_load %arg11[%get3A_244, %get3A_245] {strides = array<i32>} : memref<128x128xf32, #tpu.memory_space<vmem>>, vector<16xf32>,
        %mul3A_247 = arith.mulf %get3A_246, %gather3A_218 : vector<16xf32>
        %swap3A_248 = arith.index_cast %mul3A_214 : i32 to index
        %swap3A_249 = arith.constant 16 : index
        %swap3A_250 = tpu.vector_load %arg11[%swap3A_248, %swap3A_249] {strides = array<i32>} : memref<128x128xf32, #tpu.memory_space<vmem>>, vector<16xf32>,
        tpu.vector_store %arg11[%swap3A_248, %swap3A_249], %mul3A_247 {strides = array<i32>} : memref<128x128xf32, #tpu.memory_space<vmem>>, vector<16xf32>,
        %add3A_251 = arith.constant 1 : i32
        %add3A_252 = arith.addi %mul3A_214, %add3A_251 : i32
        %get3A_253 = arith.index_cast %add3A_252 : i32 to index
        %get3A_254 = arith.constant 16 : index
        %get3A_255 = tpu.vector_load %arg11[%get3A_253, %get3A_254] {strides = array<i32>} : memref<128x128xf32, #tpu.memory_space<vmem>>, vector<16xf32>,
        %mul3A_256 = arith.mulf %get3A_255, %gather3A_225 : vector<16xf32>
        %add3A_257 = arith.constant 1 : i32
        %add3A_258 = arith.addi %mul3A_214, %add3A_257 : i32
        %swap3A_259 = arith.index_cast %add3A_258 : i32 to index
        %swap3A_260 = arith.constant 16 : index
        %swap3A_261 = tpu.vector_load %arg11[%swap3A_259, %swap3A_260] {strides = array<i32>} : memref<128x128xf32, #tpu.memory_space<vmem>>, vector<16xf32>,
        tpu.vector_store %arg11[%swap3A_259, %swap3A_260], %mul3A_256 {strides = array<i32>} : memref<128x128xf32, #tpu.memory_space<vmem>>, vector<16xf32>,
        %get3A_262 = arith.index_cast %mul3A_214 : i32 to index
        %get3A_263 = arith.constant 32 : index
        %get3A_264 = tpu.vector_load %arg11[%get3A_262, %get3A_263] {strides = array<i32>} : memref<128x128xf32, #tpu.memory_space<vmem>>, vector<16xf32>,
        %mul3A_265 = arith.mulf %get3A_264, %gather3A_218 : vector<16xf32>
        %swap3A_266 = arith.index_cast %mul3A_214 : i32 to index
        %swap3A_267 = arith.constant 32 : index
        %swap3A_268 = tpu.vector_load %arg11[%swap3A_266, %swap3A_267] {strides = array<i32>} : memref<128x128xf32, #tpu.memory_space<vmem>>, vector<16xf32>,
        tpu.vector_store %arg11[%swap3A_266, %swap3A_267], %mul3A_265 {strides = array<i32>} : memref<128x128xf32, #tpu.memory_space<vmem>>, vector<16xf32>,
        %add3A_269 = arith.constant 1 : i32
        %add3A_270 = arith.addi %mul3A_214, %add3A_269 : i32
        %get3A_271 = arith.index_cast %add3A_270 : i32 to index
        %get3A_272 = arith.constant 32 : index
        %get3A_273 = tpu.vector_load %arg11[%get3A_271, %get3A_272] {strides = array<i32>} : memref<128x128xf32, #tpu.memory_space<vmem>>, vector<16xf32>,
        %mul3A_274 = arith.mulf %get3A_273, %gather3A_225 : vector<16xf32>
        %add3A_275 = arith.constant 1 : i32
        %add3A_276 = arith.addi %mul3A_214, %add3A_275 : i32
        %swap3A_277 = arith.index_cast %add3A_276 : i32 to index
        %swap3A_278 = arith.constant 32 : index
        %swap3A_279 = tpu.vector_load %arg11[%swap3A_277, %swap3A_278] {strides = array<i32>} : memref<128x128xf32, #tpu.memory_space<vmem>>, vector<16xf32>,
        tpu.vector_store %arg11[%swap3A_277, %swap3A_278], %mul3A_274 {strides = array<i32>} : memref<128x128xf32, #tpu.memory_space<vmem>>, vector<16xf32>,
        %get3A_280 = arith.index_cast %mul3A_214 : i32 to index
        %get3A_281 = arith.constant 48 : index
        %get3A_282 = tpu.vector_load %arg11[%get3A_280, %get3A_281] {strides = array<i32>} : memref<128x128xf32, #tpu.memory_space<vmem>>, vector<16xf32>,
        %mul3A_283 = arith.mulf %get3A_282, %gather3A_218 : vector<16xf32>
        %swap3A_284 = arith.index_cast %mul3A_214 : i32 to index
        %swap3A_285 = arith.constant 48 : index
        %swap3A_286 = tpu.vector_load %arg11[%swap3A_284, %swap3A_285] {strides = array<i32>} : memref<128x128xf32, #tpu.memory_space<vmem>>, vector<16xf32>,
        tpu.vector_store %arg11[%swap3A_284, %swap3A_285], %mul3A_283 {strides = array<i32>} : memref<128x128xf32, #tpu.memory_space<vmem>>, vector<16xf32>,
        %add3A_287 = arith.constant 1 : i32
        %add3A_288 = arith.addi %mul3A_214, %add3A_287 : i32
        %get3A_289 = arith.index_cast %add3A_288 : i32 to index
        %get3A_290 = arith.constant 48 : index
        %get3A_291 = tpu.vector_load %arg11[%get3A_289, %get3A_290] {strides = array<i32>} : memref<128x128xf32, #tpu.memory_space<vmem>>, vector<16xf32>,
        %mul3A_292 = arith.mulf %get3A_291, %gather3A_225 : vector<16xf32>
        %add3A_293 = arith.constant 1 : i32
        %add3A_294 = arith.addi %mul3A_214, %add3A_293 : i32
        %swap3A_295 = arith.index_cast %add3A_294 : i32 to index
        %swap3A_296 = arith.constant 48 : index
        %swap3A_297 = tpu.vector_load %arg11[%swap3A_295, %swap3A_296] {strides = array<i32>} : memref<128x128xf32, #tpu.memory_space<vmem>>, vector<16xf32>,
        tpu.vector_store %arg11[%swap3A_295, %swap3A_296], %mul3A_292 {strides = array<i32>} : memref<128x128xf32, #tpu.memory_space<vmem>>, vector<16xf32>,
        %get3A_298 = arith.index_cast %mul3A_214 : i32 to index
        %get3A_299 = arith.constant 64 : index
        %get3A_300 = tpu.vector_load %arg11[%get3A_298, %get3A_299] {strides = array<i32>} : memref<128x128xf32, #tpu.memory_space<vmem>>, vector<16xf32>,
        %mul3A_301 = arith.mulf %get3A_300, %gather3A_218 : vector<16xf32>
        %swap3A_302 = arith.index_cast %mul3A_214 : i32 to index
        %swap3A_303 = arith.constant 64 : index
        %swap3A_304 = tpu.vector_load %arg11[%swap3A_302, %swap3A_303] {strides = array<i32>} : memref<128x128xf32, #tpu.memory_space<vmem>>, vector<16xf32>,
        tpu.vector_store %arg11[%swap3A_302, %swap3A_303], %mul3A_301 {strides = array<i32>} : memref<128x128xf32, #tpu.memory_space<vmem>>, vector<16xf32>,
        %add3A_305 = arith.constant 1 : i32
        %add3A_306 = arith.addi %mul3A_214, %add3A_305 : i32
        %get3A_307 = arith.index_cast %add3A_306 : i32 to index
        %get3A_308 = arith.constant 64 : index
        %get3A_309 = tpu.vector_load %arg11[%get3A_307, %get3A_308] {strides = array<i32>} : memref<128x128xf32, #tpu.memory_space<vmem>>, vector<16xf32>,
        %mul3A_310 = arith.mulf %get3A_309, %gather3A_225 : vector<16xf32>
        %add3A_311 = arith.constant 1 : i32
        %add3A_312 = arith.addi %mul3A_214, %add3A_311 : i32
        %swap3A_313 = arith.index_cast %add3A_312 : i32 to index
        %swap3A_314 = arith.constant 64 : index
        %swap3A_315 = tpu.vector_load %arg11[%swap3A_313, %swap3A_314] {strides = array<i32>} : memref<128x128xf32, #tpu.memory_space<vmem>>, vector<16xf32>,
        tpu.vector_store %arg11[%swap3A_313, %swap3A_314], %mul3A_310 {strides = array<i32>} : memref<128x128xf32, #tpu.memory_space<vmem>>, vector<16xf32>,
        %get3A_316 = arith.index_cast %mul3A_214 : i32 to index
        %get3A_317 = arith.constant 80 : index
        %get3A_318 = tpu.vector_load %arg11[%get3A_316, %get3A_317] {strides = array<i32>} : memref<128x128xf32, #tpu.memory_space<vmem>>, vector<16xf32>,
        %mul3A_319 = arith.mulf %get3A_318, %gather3A_218 : vector<16xf32>
        %swap3A_320 = arith.index_cast %mul3A_214 : i32 to index
        %swap3A_321 = arith.constant 80 : index
        %swap3A_322 = tpu.vector_load %arg11[%swap3A_320, %swap3A_321] {strides = array<i32>} : memref<128x128xf32, #tpu.memory_space<vmem>>, vector<16xf32>,
        tpu.vector_store %arg11[%swap3A_320, %swap3A_321], %mul3A_319 {strides = array<i32>} : memref<128x128xf32, #tpu.memory_space<vmem>>, vector<16xf32>,
        %add3A_323 = arith.constant 1 : i32
        %add3A_324 = arith.addi %mul3A_214, %add3A_323 : i32
        %get3A_325 = arith.index_cast %add3A_324 : i32 to index
        %get3A_326 = arith.constant 80 : index
        %get3A_327 = tpu.vector_load %arg11[%get3A_325, %get3A_326] {strides = array<i32>} : memref<128x128xf32, #tpu.memory_space<vmem>>, vector<16xf32>,
        %mul3A_328 = arith.mulf %get3A_327, %gather3A_225 : vector<16xf32>
        %add3A_329 = arith.constant 1 : i32
        %add3A_330 = arith.addi %mul3A_214, %add3A_329 : i32
        %swap3A_331 = arith.index_cast %add3A_330 : i32 to index
        %swap3A_332 = arith.constant 80 : index
        %swap3A_333 = tpu.vector_load %arg11[%swap3A_331, %swap3A_332] {strides = array<i32>} : memref<128x128xf32, #tpu.memory_space<vmem>>, vector<16xf32>,
        tpu.vector_store %arg11[%swap3A_331, %swap3A_332], %mul3A_328 {strides = array<i32>} : memref<128x128xf32, #tpu.memory_space<vmem>>, vector<16xf32>,
        %get3A_334 = arith.index_cast %mul3A_214 : i32 to index
        %get3A_335 = arith.constant 96 : index
        %get3A_336 = tpu.vector_load %arg11[%get3A_334, %get3A_335] {strides = array<i32>} : memref<128x128xf32, #tpu.memory_space<vmem>>, vector<16xf32>,
        %mul3A_337 = arith.mulf %get3A_336, %gather3A_218 : vector<16xf32>
        %swap3A_338 = arith.index_cast %mul3A_214 : i32 to index
        %swap3A_339 = arith.constant 96 : index
        %swap3A_340 = tpu.vector_load %arg11[%swap3A_338, %swap3A_339] {strides = array<i32>} : memref<128x128xf32, #tpu.memory_space<vmem>>, vector<16xf32>,
        tpu.vector_store %arg11[%swap3A_338, %swap3A_339], %mul3A_337 {strides = array<i32>} : memref<128x128xf32, #tpu.memory_space<vmem>>, vector<16xf32>,
        %add3A_341 = arith.constant 1 : i32
        %add3A_342 = arith.addi %mul3A_214, %add3A_341 : i32
        %get3A_343 = arith.index_cast %add3A_342 : i32 to index
        %get3A_344 = arith.constant 96 : index
        %get3A_345 = tpu.vector_load %arg11[%get3A_343, %get3A_344] {strides = array<i32>} : memref<128x128xf32, #tpu.memory_space<vmem>>, vector<16xf32>,
        %mul3A_346 = arith.mulf %get3A_345, %gather3A_225 : vector<16xf32>
        %add3A_347 = arith.constant 1 : i32
        %add3A_348 = arith.addi %mul3A_214, %add3A_347 : i32
        %swap3A_349 = arith.index_cast %add3A_348 : i32 to index
        %swap3A_350 = arith.constant 96 : index
        %swap3A_351 = tpu.vector_load %arg11[%swap3A_349, %swap3A_350] {strides = array<i32>} : memref<128x128xf32, #tpu.memory_space<vmem>>, vector<16xf32>,
        tpu.vector_store %arg11[%swap3A_349, %swap3A_350], %mul3A_346 {strides = array<i32>} : memref<128x128xf32, #tpu.memory_space<vmem>>, vector<16xf32>,
        %get3A_352 = arith.index_cast %mul3A_214 : i32 to index
        %get3A_353 = arith.constant 112 : index
        %get3A_354 = tpu.vector_load %arg11[%get3A_352, %get3A_353] {strides = array<i32>} : memref<128x128xf32, #tpu.memory_space<vmem>>, vector<16xf32>,
        %mul3A_355 = arith.mulf %get3A_354, %gather3A_218 : vector<16xf32>
        %swap3A_356 = arith.index_cast %mul3A_214 : i32 to index
        %swap3A_357 = arith.constant 112 : index
        %swap3A_358 = tpu.vector_load %arg11[%swap3A_356, %swap3A_357] {strides = array<i32>} : memref<128x128xf32, #tpu.memory_space<vmem>>, vector<16xf32>,
        tpu.vector_store %arg11[%swap3A_356, %swap3A_357], %mul3A_355 {strides = array<i32>} : memref<128x128xf32, #tpu.memory_space<vmem>>, vector<16xf32>,
        %add3A_359 = arith.constant 1 : i32
        %add3A_360 = arith.addi %mul3A_214, %add3A_359 : i32
        %get3A_361 = arith.index_cast %add3A_360 : i32 to index
        %get3A_362 = arith.constant 112 : index
        %get3A_363 = tpu.vector_load %arg11[%get3A_361, %get3A_362] {strides = array<i32>} : memref<128x128xf32, #tpu.memory_space<vmem>>, vector<16xf32>,
        %mul3A_364 = arith.mulf %get3A_363, %gather3A_225 : vector<16xf32>
        %add3A_365 = arith.constant 1 : i32
        %add3A_366 = arith.addi %mul3A_214, %add3A_365 : i32
        %swap3A_367 = arith.index_cast %add3A_366 : i32 to index
        %swap3A_368 = arith.constant 112 : index
        %swap3A_369 = tpu.vector_load %arg11[%swap3A_367, %swap3A_368] {strides = array<i32>} : memref<128x128xf32, #tpu.memory_space<vmem>>, vector<16xf32>,
        tpu.vector_store %arg11[%swap3A_367, %swap3A_368], %mul3A_364 {strides = array<i32>} : memref<128x128xf32, #tpu.memory_space<vmem>>, vector<16xf32>,
        %scan3A_370 = arith.constant 0 : i32
        scf.yield %scan3A_370 : i32
      }
      %scan3A_209 = arith.constant 64 : i32
      "tpu.region"() ({
        %run_scoped3A = tpu.sem_alloc : memref<!tpu.dma_semaphore, #tpu.memory_space<semaphore_mem>>
        %dma_start3A_211 = arith.constant 0 : i32
        %dma_start3A_212 = arith.constant 0 : i32
        %dma_start3A_213 = tpu.memref_slice %arg16[%dma_start3A_211, %dma_start3A_212] : memref<10000x128xf32, #tpu.memory_space<vmem_shared>> -> memref<10000x128xf32, #tpu.memory_space<vmem_shared>>
        tpu.enqueue_indirect_dma source(%arg11 : memref<128x128xf32, #tpu.memory_space<vmem>>) target(%dma_start3A_213 : memref<10000x128xf32, #tpu.memory_space<vmem_shared>>) offsets(%arg13 : memref<128xi32, #tpu.memory_space<vmem>>) semaphore(%run_scoped3A : memref<!tpu.dma_semaphore, #tpu.memory_space<semaphore_mem>>) {add = true}
        %dma_wait3A_214 = arith.constant 0 : i32
        %dma_wait3A_215 = arith.constant 0 : i32
        %dma_wait3A_216 = tpu.memref_slice %arg16[%dma_wait3A_214, %dma_wait3A_215] : memref<10000x128xf32, #tpu.memory_space<vmem_shared>> -> memref<10000x128xf32, #tpu.memory_space<vmem_shared>>
        tpu.wait_indirect_dma semaphore(%run_scoped3A : memref<!tpu.dma_semaphore, #tpu.memory_space<semaphore_mem>>) src(%arg11 : memref<128x128xf32, #tpu.memory_space<vmem>>) dst(%dma_wait3A_216 : memref<10000x128xf32, #tpu.memory_space<vmem_shared>>)
        tpu.yield
      }) : () -> ()
      %while3A_210 = arith.constant 0 : i32
      scf.yield %while3A_210 : i32
    }
    %barrier3A_61 = arith.constant 0 : index
    tpu.barrier barrier_id(%barrier3A_61)
    %while3A_62 = arith.constant 0 : i32
    %while3A_63 = arith.constant 0 : i32
    %while3A_64 = arith.subi %add3A_21, %while3A_62 : i32
    %while3A_65 = arith.addi %while3A_62, %while3A_64 : i32
    %while3A_66 = arith.constant 1 : i32
    %while3A_67 = arith.divsi %while3A_64, %while3A_66 : i32
    %while3A_68 = arith.muli %while3A_67, %while3A_66 : i32
    %while3A_69 = arith.addi %while3A_62, %while3A_68 : i32
    %while3A_70 = arith.constant 1 : i32
    %while3A_71 = scf.for %while3A_89 = %while3A_62 to %while3A_69 step %while3A_70 iter_args(%while3A_90 = %while3A_63) -> (i32)  : i32 {
      %add3A_91 = arith.addi %add3A_17, %while3A_89 : i32
      %mul3A_92 = arith.constant 128 : i32
      %mul3A_93 = arith.muli %add3A_91, %mul3A_92 : i32
      "tpu.region"() ({
        %run_scoped3A = tpu.sem_alloc : memref<!tpu.dma_semaphore, #tpu.memory_space<semaphore_mem>>
        %dma_start3A = arith.constant 0 : i32
        %dma_start3A_98 = tpu.memref_slice %arg16[%mul3A_93, %dma_start3A] : memref<10000x128xf32, #tpu.memory_space<vmem_shared>> -> memref<128x128xf32, #tpu.memory_space<vmem_shared>>
        %dma_start3A_99 = arith.constant 0 : i32
        %dma_start3A_100 = tpu.memref_slice %arg16[%mul3A_93, %dma_start3A_99] : memref<10000x128xf32, #tpu.memory_space<vmem_shared>> -> memref<128x128xf32, #tpu.memory_space<vmem_shared>>
        tpu.enqueue_dma source(%dma_start3A_100 : memref<128x128xf32, #tpu.memory_space<vmem_shared>>) target(%arg11 : memref<128x128xf32, #tpu.memory_space<vmem>>) target_semaphore(%run_scoped3A : memref<!tpu.dma_semaphore, #tpu.memory_space<semaphore_mem>>)
        %dma_wait3A = arith.constant 0 : i32
        %dma_wait3A_101 = tpu.memref_slice %arg16[%mul3A_93, %dma_wait3A] : memref<10000x128xf32, #tpu.memory_space<vmem_shared>> -> memref<128x128xf32, #tpu.memory_space<vmem_shared>>
        %dma_wait3A_102 = arith.constant 0 : i32
        %dma_wait3A_103 = tpu.memref_slice %arg16[%mul3A_93, %dma_wait3A_102] : memref<10000x128xf32, #tpu.memory_space<vmem_shared>> -> memref<128x128xf32, #tpu.memory_space<vmem_shared>>
        tpu.wait_dma2 semaphore(%run_scoped3A : memref<!tpu.dma_semaphore, #tpu.memory_space<semaphore_mem>>) src(%dma_wait3A_103 : memref<128x128xf32, #tpu.memory_space<vmem_shared>>) dst(%arg11 : memref<128x128xf32, #tpu.memory_space<vmem>>)
        tpu.yield
      }) : () -> ()
      %mul3A_94 = arith.constant 10000 : i32
      %mul3A_95 = arith.muli %arg0, %mul3A_94 : i32
      %add3A_96 = arith.addi %mul3A_95, %mul3A_93 : i32
      "tpu.region"() ({
        %run_scoped3A = tpu.sem_alloc : memref<!tpu.dma_semaphore, #tpu.memory_space<semaphore_mem>>
        %dma_start3A = arith.constant 0 : i32
        %dma_start3A_98 = tpu.memref_slice %arg7[%add3A_96, %dma_start3A] : memref<20000x128xf32, #tpu.memory_space<hbm>> -> memref<128x128xf32, #tpu.memory_space<hbm>>
        %dma_start3A_99 = arith.constant 0 : i32
        %dma_start3A_100 = tpu.memref_slice %arg7[%add3A_96, %dma_start3A_99] : memref<20000x128xf32, #tpu.memory_space<hbm>> -> memref<128x128xf32, #tpu.memory_space<hbm>>
        tpu.enqueue_dma source(%arg11 : memref<128x128xf32, #tpu.memory_space<vmem>>) target(%dma_start3A_100 : memref<128x128xf32, #tpu.memory_space<hbm>>) target_semaphore(%run_scoped3A : memref<!tpu.dma_semaphore, #tpu.memory_space<semaphore_mem>>)
        %dma_wait3A = arith.constant 0 : i32
        %dma_wait3A_101 = tpu.memref_slice %arg7[%add3A_96, %dma_wait3A] : memref<20000x128xf32, #tpu.memory_space<hbm>> -> memref<128x128xf32, #tpu.memory_space<hbm>>
        %dma_wait3A_102 = arith.constant 0 : i32
        %dma_wait3A_103 = tpu.memref_slice %arg7[%add3A_96, %dma_wait3A_102] : memref<20000x128xf32, #tpu.memory_space<hbm>> -> memref<128x128xf32, #tpu.memory_space<hbm>>
        tpu.wait_dma2 semaphore(%run_scoped3A : memref<!tpu.dma_semaphore, #tpu.memory_space<semaphore_mem>>) src(%arg11 : memref<128x128xf32, #tpu.memory_space<vmem>>) dst(%dma_wait3A_103 : memref<128x128xf32, #tpu.memory_space<hbm>>)
        tpu.yield
      }) : () -> ()
      %while3A_97 = arith.constant 0 : i32
      scf.yield %while3A_97 : i32
    }
    %while3A_72 = arith.constant 1 : i32
    %while3A_73 = scf.for %while3A_89 = %while3A_69 to %while3A_65 step %while3A_72 iter_args(%while3A_90 = %while3A_71) -> (i32)  : i32 {
      %add3A_91 = arith.addi %add3A_17, %while3A_89 : i32
      %mul3A_92 = arith.constant 128 : i32
      %mul3A_93 = arith.muli %add3A_91, %mul3A_92 : i32
      "tpu.region"() ({
        %run_scoped3A = tpu.sem_alloc : memref<!tpu.dma_semaphore, #tpu.memory_space<semaphore_mem>>
        %dma_start3A = arith.constant 0 : i32
        %dma_start3A_98 = tpu.memref_slice %arg16[%mul3A_93, %dma_start3A] : memref<10000x128xf32, #tpu.memory_space<vmem_shared>> -> memref<128x128xf32, #tpu.memory_space<vmem_shared>>
        %dma_start3A_99 = arith.constant 0 : i32
        %dma_start3A_100 = tpu.memref_slice %arg16[%mul3A_93, %dma_start3A_99] : memref<10000x128xf32, #tpu.memory_space<vmem_shared>> -> memref<128x128xf32, #tpu.memory_space<vmem_shared>>
        tpu.enqueue_dma source(%dma_start3A_100 : memref<128x128xf32, #tpu.memory_space<vmem_shared>>) target(%arg11 : memref<128x128xf32, #tpu.memory_space<vmem>>) target_semaphore(%run_scoped3A : memref<!tpu.dma_semaphore, #tpu.memory_space<semaphore_mem>>)
        %dma_wait3A = arith.constant 0 : i32
        %dma_wait3A_101 = tpu.memref_slice %arg16[%mul3A_93, %dma_wait3A] : memref<10000x128xf32, #tpu.memory_space<vmem_shared>> -> memref<128x128xf32, #tpu.memory_space<vmem_shared>>
        %dma_wait3A_102 = arith.constant 0 : i32
        %dma_wait3A_103 = tpu.memref_slice %arg16[%mul3A_93, %dma_wait3A_102] : memref<10000x128xf32, #tpu.memory_space<vmem_shared>> -> memref<128x128xf32, #tpu.memory_space<vmem_shared>>
        tpu.wait_dma2 semaphore(%run_scoped3A : memref<!tpu.dma_semaphore, #tpu.memory_space<semaphore_mem>>) src(%dma_wait3A_103 : memref<128x128xf32, #tpu.memory_space<vmem_shared>>) dst(%arg11 : memref<128x128xf32, #tpu.memory_space<vmem>>)
        tpu.yield
      }) : () -> ()
      %mul3A_94 = arith.constant 10000 : i32
      %mul3A_95 = arith.muli %arg0, %mul3A_94 : i32
      %add3A_96 = arith.addi %mul3A_95, %mul3A_93 : i32
      "tpu.region"() ({
        %run_scoped3A = tpu.sem_alloc : memref<!tpu.dma_semaphore, #tpu.memory_space<semaphore_mem>>
        %dma_start3A = arith.constant 0 : i32
        %dma_start3A_98 = tpu.memref_slice %arg7[%add3A_96, %dma_start3A] : memref<20000x128xf32, #tpu.memory_space<hbm>> -> memref<128x128xf32, #tpu.memory_space<hbm>>
        %dma_start3A_99 = arith.constant 0 : i32
        %dma_start3A_100 = tpu.memref_slice %arg7[%add3A_96, %dma_start3A_99] : memref<20000x128xf32, #tpu.memory_space<hbm>> -> memref<128x128xf32, #tpu.memory_space<hbm>>
        tpu.enqueue_dma source(%arg11 : memref<128x128xf32, #tpu.memory_space<vmem>>) target(%dma_start3A_100 : memref<128x128xf32, #tpu.memory_space<hbm>>) target_semaphore(%run_scoped3A : memref<!tpu.dma_semaphore, #tpu.memory_space<semaphore_mem>>)
        %dma_wait3A = arith.constant 0 : i32
        %dma_wait3A_101 = tpu.memref_slice %arg7[%add3A_96, %dma_wait3A] : memref<20000x128xf32, #tpu.memory_space<hbm>> -> memref<128x128xf32, #tpu.memory_space<hbm>>
        %dma_wait3A_102 = arith.constant 0 : i32
        %dma_wait3A_103 = tpu.memref_slice %arg7[%add3A_96, %dma_wait3A_102] : memref<20000x128xf32, #tpu.memory_space<hbm>> -> memref<128x128xf32, #tpu.memory_space<hbm>>
        tpu.wait_dma2 semaphore(%run_scoped3A : memref<!tpu.dma_semaphore, #tpu.memory_space<semaphore_mem>>) src(%arg11 : memref<128x128xf32, #tpu.memory_space<vmem>>) dst(%dma_wait3A_103 : memref<128x128xf32, #tpu.memory_space<hbm>>)
        tpu.yield
      }) : () -> ()
      %while3A_97 = arith.constant 0 : i32
      scf.yield %while3A_97 : i32
    }
    %eq3A_74 = arith.constant 15 : i32
    %eq3A_75 = arith.cmpi eq, %arg1, %eq3A_74 : i32
    %convert_element_type3A_76 = arith.extui %eq3A_75 : i1 to i32
    %cond3A_77 = arith.constant 0 : i32
    %cond3A_78 = arith.cmpi ne, %convert_element_type3A_76, %cond3A_77 : i32
    scf.if %cond3A_78 {
      "tpu.region"() ({
        %run_scoped3A = tpu.sem_alloc : memref<!tpu.dma_semaphore, #tpu.memory_space<semaphore_mem>>
        %dma_start3A = arith.constant 0 : i32
        %dma_start3A_94 = arith.constant 0 : i32
        %dma_start3A_95 = tpu.memref_slice %arg11[%dma_start3A, %dma_start3A_94] : memref<128x128xf32, #tpu.memory_space<vmem>> -> memref<16x128xf32, #tpu.memory_space<vmem>>
        %dma_start3A_96 = arith.constant 9984 : i32
        %dma_start3A_97 = arith.constant 0 : i32
        %dma_start3A_98 = tpu.memref_slice %arg16[%dma_start3A_96, %dma_start3A_97] : memref<10000x128xf32, #tpu.memory_space<vmem_shared>> -> memref<16x128xf32, #tpu.memory_space<vmem_shared>>
        %dma_start3A_99 = arith.constant 0 : i32
        %dma_start3A_100 = arith.constant 0 : i32
        %dma_start3A_101 = tpu.memref_slice %arg11[%dma_start3A_99, %dma_start3A_100] : memref<128x128xf32, #tpu.memory_space<vmem>> -> memref<16x128xf32, #tpu.memory_space<vmem>>
        %dma_start3A_102 = arith.constant 9984 : i32
        %dma_start3A_103 = arith.constant 0 : i32
        %dma_start3A_104 = tpu.memref_slice %arg16[%dma_start3A_102, %dma_start3A_103] : memref<10000x128xf32, #tpu.memory_space<vmem_shared>> -> memref<16x128xf32, #tpu.memory_space<vmem_shared>>
        tpu.enqueue_dma source(%dma_start3A_104 : memref<16x128xf32, #tpu.memory_space<vmem_shared>>) target(%dma_start3A_101 : memref<16x128xf32, #tpu.memory_space<vmem>>) target_semaphore(%run_scoped3A : memref<!tpu.dma_semaphore, #tpu.memory_space<semaphore_mem>>)
        %dma_wait3A = arith.constant 0 : i32
        %dma_wait3A_105 = arith.constant 0 : i32
        %dma_wait3A_106 = tpu.memref_slice %arg11[%dma_wait3A, %dma_wait3A_105] : memref<128x128xf32, #tpu.memory_space<vmem>> -> memref<16x128xf32, #tpu.memory_space<vmem>>
        %dma_wait3A_107 = arith.constant 9984 : i32
        %dma_wait3A_108 = arith.constant 0 : i32
        %dma_wait3A_109 = tpu.memref_slice %arg16[%dma_wait3A_107, %dma_wait3A_108] : memref<10000x128xf32, #tpu.memory_space<vmem_shared>> -> memref<16x128xf32, #tpu.memory_space<vmem_shared>>
        %dma_wait3A_110 = arith.constant 0 : i32
        %dma_wait3A_111 = arith.constant 0 : i32
        %dma_wait3A_112 = tpu.memref_slice %arg11[%dma_wait3A_110, %dma_wait3A_111] : memref<128x128xf32, #tpu.memory_space<vmem>> -> memref<16x128xf32, #tpu.memory_space<vmem>>
        %dma_wait3A_113 = arith.constant 9984 : i32
        %dma_wait3A_114 = arith.constant 0 : i32
        %dma_wait3A_115 = tpu.memref_slice %arg16[%dma_wait3A_113, %dma_wait3A_114] : memref<10000x128xf32, #tpu.memory_space<vmem_shared>> -> memref<16x128xf32, #tpu.memory_space<vmem_shared>>
        tpu.wait_dma2 semaphore(%run_scoped3A : memref<!tpu.dma_semaphore, #tpu.memory_space<semaphore_mem>>) src(%dma_wait3A_115 : memref<16x128xf32, #tpu.memory_space<vmem_shared>>) dst(%dma_wait3A_112 : memref<16x128xf32, #tpu.memory_space<vmem>>)
        tpu.yield
      }) : () -> ()
      %mul3A_89 = arith.constant 10000 : i32
      %mul3A_90 = arith.muli %arg0, %mul3A_89 : i32
      %add3A_91 = arith.constant 10000 : i32
      %add3A_92 = arith.addi %mul3A_90, %add3A_91 : i32
      %sub3A = arith.constant 16 : i32
      %sub3A_93 = arith.subi %add3A_92, %sub3A : i32
      "tpu.region"() ({
        %run_scoped3A = tpu.sem_alloc : memref<!tpu.dma_semaphore, #tpu.memory_space<semaphore_mem>>
        %dma_start3A = arith.constant 0 : i32
        %dma_start3A_94 = arith.constant 0 : i32
        %dma_start3A_95 = tpu.memref_slice %arg11[%dma_start3A, %dma_start3A_94] : memref<128x128xf32, #tpu.memory_space<vmem>> -> memref<16x128xf32, #tpu.memory_space<vmem>>
        %dma_start3A_96 = arith.constant 0 : i32
        %dma_start3A_97 = tpu.memref_slice %arg7[%sub3A_93, %dma_start3A_96] : memref<20000x128xf32, #tpu.memory_space<hbm>> -> memref<16x128xf32, #tpu.memory_space<hbm>>
        %dma_start3A_98 = arith.constant 0 : i32
        %dma_start3A_99 = tpu.memref_slice %arg7[%sub3A_93, %dma_start3A_98] : memref<20000x128xf32, #tpu.memory_space<hbm>> -> memref<16x128xf32, #tpu.memory_space<hbm>>
        %dma_start3A_100 = arith.constant 0 : i32
        %dma_start3A_101 = arith.constant 0 : i32
        %dma_start3A_102 = tpu.memref_slice %arg11[%dma_start3A_100, %dma_start3A_101] : memref<128x128xf32, #tpu.memory_space<vmem>> -> memref<16x128xf32, #tpu.memory_space<vmem>>
        tpu.enqueue_dma source(%dma_start3A_102 : memref<16x128xf32, #tpu.memory_space<vmem>>) target(%dma_start3A_99 : memref<16x128xf32, #tpu.memory_space<hbm>>) target_semaphore(%run_scoped3A : memref<!tpu.dma_semaphore, #tpu.memory_space<semaphore_mem>>)
        %dma_wait3A = arith.constant 0 : i32
        %dma_wait3A_103 = arith.constant 0 : i32
        %dma_wait3A_104 = tpu.memref_slice %arg11[%dma_wait3A, %dma_wait3A_103] : memref<128x128xf32, #tpu.memory_space<vmem>> -> memref<16x128xf32, #tpu.memory_space<vmem>>
        %dma_wait3A_105 = arith.constant 0 : i32
        %dma_wait3A_106 = tpu.memref_slice %arg7[%sub3A_93, %dma_wait3A_105] : memref<20000x128xf32, #tpu.memory_space<hbm>> -> memref<16x128xf32, #tpu.memory_space<hbm>>
        %dma_wait3A_107 = arith.constant 0 : i32
        %dma_wait3A_108 = tpu.memref_slice %arg7[%sub3A_93, %dma_wait3A_107] : memref<20000x128xf32, #tpu.memory_space<hbm>> -> memref<16x128xf32, #tpu.memory_space<hbm>>
        %dma_wait3A_109 = arith.constant 0 : i32
        %dma_wait3A_110 = arith.constant 0 : i32
        %dma_wait3A_111 = tpu.memref_slice %arg11[%dma_wait3A_109, %dma_wait3A_110] : memref<128x128xf32, #tpu.memory_space<vmem>> -> memref<16x128xf32, #tpu.memory_space<vmem>>
        tpu.wait_dma2 semaphore(%run_scoped3A : memref<!tpu.dma_semaphore, #tpu.memory_space<semaphore_mem>>) src(%dma_wait3A_111 : memref<16x128xf32, #tpu.memory_space<vmem>>) dst(%dma_wait3A_108 : memref<16x128xf32, #tpu.memory_space<hbm>>)
        tpu.yield
      }) : () -> ()
    } else {
    }
    %lt3A_79 = arith.constant 15 : i32
    %lt3A_80 = arith.cmpi slt, %arg1, %lt3A_79 : i32
    %convert_element_type3A_81 = arith.extui %lt3A_80 : i1 to i32
    %cond3A_82 = arith.constant 0 : i32
    %cond3A_83 = arith.cmpi ne, %convert_element_type3A_81, %cond3A_82 : i32
    scf.if %cond3A_83 {
      %mul3A_89 = arith.constant 640 : i32
      %mul3A_90 = arith.muli %arg1, %mul3A_89 : i32
      "tpu.region"() ({
        %run_scoped3A = tpu.sem_alloc : memref<!tpu.dma_semaphore, #tpu.memory_space<semaphore_mem>>
        %dma_start3A = tpu.memref_slice %arg17[%mul3A_90] : memref<10240xf32, #tpu.memory_space<vmem_shared>> -> memref<640xf32, #tpu.memory_space<vmem_shared>>
        %dma_start3A_96 = tpu.memref_slice %arg17[%mul3A_90] : memref<10240xf32, #tpu.memory_space<vmem_shared>> -> memref<640xf32, #tpu.memory_space<vmem_shared>>
        tpu.enqueue_dma source(%dma_start3A_96 : memref<640xf32, #tpu.memory_space<vmem_shared>>) target(%arg15 : memref<640xf32, #tpu.memory_space<vmem>>) target_semaphore(%run_scoped3A : memref<!tpu.dma_semaphore, #tpu.memory_space<semaphore_mem>>)
        %dma_wait3A = tpu.memref_slice %arg17[%mul3A_90] : memref<10240xf32, #tpu.memory_space<vmem_shared>> -> memref<640xf32, #tpu.memory_space<vmem_shared>>
        %dma_wait3A_97 = tpu.memref_slice %arg17[%mul3A_90] : memref<10240xf32, #tpu.memory_space<vmem_shared>> -> memref<640xf32, #tpu.memory_space<vmem_shared>>
        tpu.wait_dma2 semaphore(%run_scoped3A : memref<!tpu.dma_semaphore, #tpu.memory_space<semaphore_mem>>) src(%dma_wait3A_97 : memref<640xf32, #tpu.memory_space<vmem_shared>>) dst(%arg15 : memref<640xf32, #tpu.memory_space<vmem>>)
        tpu.yield
      }) : () -> ()
      %mul3A_91 = arith.constant 10000 : i32
      %mul3A_92 = arith.muli %arg0, %mul3A_91 : i32
      %mul3A_93 = arith.constant 640 : i32
      %mul3A_94 = arith.muli %arg1, %mul3A_93 : i32
      %add3A_95 = arith.addi %mul3A_92, %mul3A_94 : i32
      "tpu.region"() ({
        %run_scoped3A = tpu.sem_alloc : memref<!tpu.dma_semaphore, #tpu.memory_space<semaphore_mem>>
        %dma_start3A = tpu.memref_slice %arg8[%add3A_95] : memref<20000xf32, #tpu.memory_space<hbm>> -> memref<640xf32, #tpu.memory_space<hbm>>
        %dma_start3A_96 = tpu.memref_slice %arg8[%add3A_95] : memref<20000xf32, #tpu.memory_space<hbm>> -> memref<640xf32, #tpu.memory_space<hbm>>
        tpu.enqueue_dma source(%arg15 : memref<640xf32, #tpu.memory_space<vmem>>) target(%dma_start3A_96 : memref<640xf32, #tpu.memory_space<hbm>>) target_semaphore(%run_scoped3A : memref<!tpu.dma_semaphore, #tpu.memory_space<semaphore_mem>>)
        %dma_wait3A = tpu.memref_slice %arg8[%add3A_95] : memref<20000xf32, #tpu.memory_space<hbm>> -> memref<640xf32, #tpu.memory_space<hbm>>
        %dma_wait3A_97 = tpu.memref_slice %arg8[%add3A_95] : memref<20000xf32, #tpu.memory_space<hbm>> -> memref<640xf32, #tpu.memory_space<hbm>>
        tpu.wait_dma2 semaphore(%run_scoped3A : memref<!tpu.dma_semaphore, #tpu.memory_space<semaphore_mem>>) src(%arg15 : memref<640xf32, #tpu.memory_space<vmem>>) dst(%dma_wait3A_97 : memref<640xf32, #tpu.memory_space<hbm>>)
        tpu.yield
      }) : () -> ()
    } else {
    }
    %eq3A_84 = arith.constant 15 : i32
    %eq3A_85 = arith.cmpi eq, %arg1, %eq3A_84 : i32
    %convert_element_type3A_86 = arith.extui %eq3A_85 : i1 to i32
    %cond3A_87 = arith.constant 0 : i32
    %cond3A_88 = arith.cmpi ne, %convert_element_type3A_86, %cond3A_87 : i32
    scf.if %cond3A_88 {
      "tpu.region"() ({
        %run_scoped3A = tpu.sem_alloc : memref<!tpu.dma_semaphore, #tpu.memory_space<semaphore_mem>>
        %dma_start3A = arith.constant 0 : i32
        %dma_start3A_93 = tpu.memref_slice %arg15[%dma_start3A] : memref<640xf32, #tpu.memory_space<vmem>> -> memref<400xf32, #tpu.memory_space<vmem>>
        %dma_start3A_94 = arith.constant 9600 : i32
        %dma_start3A_95 = tpu.memref_slice %arg17[%dma_start3A_94] : memref<10240xf32, #tpu.memory_space<vmem_shared>> -> memref<400xf32, #tpu.memory_space<vmem_shared>>
        %dma_start3A_96 = arith.constant 0 : i32
        %dma_start3A_97 = tpu.memref_slice %arg15[%dma_start3A_96] : memref<640xf32, #tpu.memory_space<vmem>> -> memref<400xf32, #tpu.memory_space<vmem>>
        %dma_start3A_98 = arith.constant 9600 : i32
        %dma_start3A_99 = tpu.memref_slice %arg17[%dma_start3A_98] : memref<10240xf32, #tpu.memory_space<vmem_shared>> -> memref<400xf32, #tpu.memory_space<vmem_shared>>
        tpu.enqueue_dma source(%dma_start3A_99 : memref<400xf32, #tpu.memory_space<vmem_shared>>) target(%dma_start3A_97 : memref<400xf32, #tpu.memory_space<vmem>>) target_semaphore(%run_scoped3A : memref<!tpu.dma_semaphore, #tpu.memory_space<semaphore_mem>>)
        %dma_wait3A = arith.constant 0 : i32
        %dma_wait3A_100 = tpu.memref_slice %arg15[%dma_wait3A] : memref<640xf32, #tpu.memory_space<vmem>> -> memref<400xf32, #tpu.memory_space<vmem>>
        %dma_wait3A_101 = arith.constant 9600 : i32
        %dma_wait3A_102 = tpu.memref_slice %arg17[%dma_wait3A_101] : memref<10240xf32, #tpu.memory_space<vmem_shared>> -> memref<400xf32, #tpu.memory_space<vmem_shared>>
        %dma_wait3A_103 = arith.constant 0 : i32
        %dma_wait3A_104 = tpu.memref_slice %arg15[%dma_wait3A_103] : memref<640xf32, #tpu.memory_space<vmem>> -> memref<400xf32, #tpu.memory_space<vmem>>
        %dma_wait3A_105 = arith.constant 9600 : i32
        %dma_wait3A_106 = tpu.memref_slice %arg17[%dma_wait3A_105] : memref<10240xf32, #tpu.memory_space<vmem_shared>> -> memref<400xf32, #tpu.memory_space<vmem_shared>>
        tpu.wait_dma2 semaphore(%run_scoped3A : memref<!tpu.dma_semaphore, #tpu.memory_space<semaphore_mem>>) src(%dma_wait3A_106 : memref<400xf32, #tpu.memory_space<vmem_shared>>) dst(%dma_wait3A_104 : memref<400xf32, #tpu.memory_space<vmem>>)
        tpu.yield
      }) : () -> ()
      %mul3A_89 = arith.constant 10000 : i32
      %mul3A_90 = arith.muli %arg0, %mul3A_89 : i32
      %add3A_91 = arith.constant 9600 : i32
      %add3A_92 = arith.addi %mul3A_90, %add3A_91 : i32
      "tpu.region"() ({
        %run_scoped3A = tpu.sem_alloc : memref<!tpu.dma_semaphore, #tpu.memory_space<semaphore_mem>>
        %dma_start3A = arith.constant 0 : i32
        %dma_start3A_93 = tpu.memref_slice %arg15[%dma_start3A] : memref<640xf32, #tpu.memory_space<vmem>> -> memref<400xf32, #tpu.memory_space<vmem>>
        %dma_start3A_94 = tpu.memref_slice %arg8[%add3A_92] : memref<20000xf32, #tpu.memory_space<hbm>> -> memref<400xf32, #tpu.memory_space<hbm>>
        %dma_start3A_95 = tpu.memref_slice %arg8[%add3A_92] : memref<20000xf32, #tpu.memory_space<hbm>> -> memref<400xf32, #tpu.memory_space<hbm>>
        %dma_start3A_96 = arith.constant 0 : i32
        %dma_start3A_97 = tpu.memref_slice %arg15[%dma_start3A_96] : memref<640xf32, #tpu.memory_space<vmem>> -> memref<400xf32, #tpu.memory_space<vmem>>
        tpu.enqueue_dma source(%dma_start3A_97 : memref<400xf32, #tpu.memory_space<vmem>>) target(%dma_start3A_95 : memref<400xf32, #tpu.memory_space<hbm>>) target_semaphore(%run_scoped3A : memref<!tpu.dma_semaphore, #tpu.memory_space<semaphore_mem>>)
        %dma_wait3A = arith.constant 0 : i32
        %dma_wait3A_98 = tpu.memref_slice %arg15[%dma_wait3A] : memref<640xf32, #tpu.memory_space<vmem>> -> memref<400xf32, #tpu.memory_space<vmem>>
        %dma_wait3A_99 = tpu.memref_slice %arg8[%add3A_92] : memref<20000xf32, #tpu.memory_space<hbm>> -> memref<400xf32, #tpu.memory_space<hbm>>
        %dma_wait3A_100 = tpu.memref_slice %arg8[%add3A_92] : memref<20000xf32, #tpu.memory_space<hbm>> -> memref<400xf32, #tpu.memory_space<hbm>>
        %dma_wait3A_101 = arith.constant 0 : i32
        %dma_wait3A_102 = tpu.memref_slice %arg15[%dma_wait3A_101] : memref<640xf32, #tpu.memory_space<vmem>> -> memref<400xf32, #tpu.memory_space<vmem>>
        tpu.wait_dma2 semaphore(%run_scoped3A : memref<!tpu.dma_semaphore, #tpu.memory_space<semaphore_mem>>) src(%dma_wait3A_102 : memref<400xf32, #tpu.memory_space<vmem>>) dst(%dma_wait3A_100 : memref<400xf32, #tpu.memory_space<hbm>>)
        tpu.yield
      }) : () -> ()
    } else {
    }
    return
  }
}

#map = affine_map<(d0, d1) -> (0, 0)>
#map1 = affine_map<(d0, d1) -> (0)>
module attributes {stable_mosaic.version = 14 : i64} {
  func.func @k(%arg0: i32, %arg1: i32, %arg2: memref<10000x128xf32, #tpu.memory_space<hbm>>, %arg3: memref<1024xi32, #tpu.memory_space<hbm>>, %arg4: memref<1024x128xf32, #tpu.memory_space<hbm>>, %arg5: memref<32xi32, #tpu.memory_space<vmem>>, %arg6: memref<32x128xf32, #tpu.memory_space<vmem>>, %arg7: memref<!tpu.dma_semaphore, #tpu.memory_space<semaphore_mem>>) attributes {dimension_semantics = [#tpu.dimension_semantics<core_parallel>, #tpu.dimension_semantics<subcore_parallel>], iteration_bounds = array<i64: 2, 16>, scalar_prefetch = 0 : i64, scratch_operands = 3 : i64, tpu.core_type = #tpu.core_type<sc_vector_subcore>, window_params = [{transform_indices = #map}, {transform_indices = #map1}, {transform_indices = #map}]} {
    %mul3A = arith.constant 2 : i32
    %mul3A_0 = arith.muli %arg1, %mul3A : i32
    %add3A = arith.addi %mul3A_0, %arg0 : i32
    %mul3A_1 = arith.constant 32 : i32
    %mul3A_2 = arith.muli %add3A, %mul3A_1 : i32
    "tpu.region"() ({
      %run_scoped3A = tpu.sem_alloc : memref<!tpu.dma_semaphore, #tpu.memory_space<semaphore_mem>>
      %dma_start3A_7 = tpu.memref_slice %arg3[%mul3A_2] : memref<1024xi32, #tpu.memory_space<hbm>> -> memref<32xi32, #tpu.memory_space<hbm>>
      %dma_start3A_8 = tpu.memref_slice %arg3[%mul3A_2] : memref<1024xi32, #tpu.memory_space<hbm>> -> memref<32xi32, #tpu.memory_space<hbm>>
      tpu.enqueue_dma source(%dma_start3A_8 : memref<32xi32, #tpu.memory_space<hbm>>) target(%arg5 : memref<32xi32, #tpu.memory_space<vmem>>) target_semaphore(%run_scoped3A : memref<!tpu.dma_semaphore, #tpu.memory_space<semaphore_mem>>)
      %dma_wait3A_9 = tpu.memref_slice %arg3[%mul3A_2] : memref<1024xi32, #tpu.memory_space<hbm>> -> memref<32xi32, #tpu.memory_space<hbm>>
      %dma_wait3A_10 = tpu.memref_slice %arg3[%mul3A_2] : memref<1024xi32, #tpu.memory_space<hbm>> -> memref<32xi32, #tpu.memory_space<hbm>>
      tpu.wait_dma2 semaphore(%run_scoped3A : memref<!tpu.dma_semaphore, #tpu.memory_space<semaphore_mem>>) src(%dma_wait3A_10 : memref<32xi32, #tpu.memory_space<hbm>>) dst(%arg5 : memref<32xi32, #tpu.memory_space<vmem>>)
      tpu.yield
    }) : () -> ()
    %dma_start3A = arith.constant 0 : i32
    %dma_start3A_3 = arith.constant 0 : i32
    %dma_start3A_4 = tpu.memref_slice %arg2[%dma_start3A, %dma_start3A_3] : memref<10000x128xf32, #tpu.memory_space<hbm>> -> memref<10000x128xf32, #tpu.memory_space<hbm>>
    tpu.enqueue_indirect_dma source(%dma_start3A_4 : memref<10000x128xf32, #tpu.memory_space<hbm>>) target(%arg6 : memref<32x128xf32, #tpu.memory_space<vmem>>) offsets(%arg5 : memref<32xi32, #tpu.memory_space<vmem>>) semaphore(%arg7 : memref<!tpu.dma_semaphore, #tpu.memory_space<semaphore_mem>>)
    %dma_wait3A = arith.constant 0 : i32
    %dma_wait3A_5 = arith.constant 0 : i32
    %dma_wait3A_6 = tpu.memref_slice %arg2[%dma_wait3A, %dma_wait3A_5] : memref<10000x128xf32, #tpu.memory_space<hbm>> -> memref<10000x128xf32, #tpu.memory_space<hbm>>
    tpu.wait_indirect_dma semaphore(%arg7 : memref<!tpu.dma_semaphore, #tpu.memory_space<semaphore_mem>>) src(%dma_wait3A_6 : memref<10000x128xf32, #tpu.memory_space<hbm>>) dst(%arg6 : memref<32x128xf32, #tpu.memory_space<vmem>>)
    "tpu.region"() ({
      %run_scoped3A = tpu.sem_alloc : memref<!tpu.dma_semaphore, #tpu.memory_space<semaphore_mem>>
      %dma_start3A_7 = arith.constant 0 : i32
      %dma_start3A_8 = tpu.memref_slice %arg4[%mul3A_2, %dma_start3A_7] : memref<1024x128xf32, #tpu.memory_space<hbm>> -> memref<32x128xf32, #tpu.memory_space<hbm>>
      %dma_start3A_9 = arith.constant 0 : i32
      %dma_start3A_10 = tpu.memref_slice %arg4[%mul3A_2, %dma_start3A_9] : memref<1024x128xf32, #tpu.memory_space<hbm>> -> memref<32x128xf32, #tpu.memory_space<hbm>>
      tpu.enqueue_dma source(%arg6 : memref<32x128xf32, #tpu.memory_space<vmem>>) target(%dma_start3A_10 : memref<32x128xf32, #tpu.memory_space<hbm>>) target_semaphore(%run_scoped3A : memref<!tpu.dma_semaphore, #tpu.memory_space<semaphore_mem>>)
      %dma_wait3A_11 = arith.constant 0 : i32
      %dma_wait3A_12 = tpu.memref_slice %arg4[%mul3A_2, %dma_wait3A_11] : memref<1024x128xf32, #tpu.memory_space<hbm>> -> memref<32x128xf32, #tpu.memory_space<hbm>>
      %dma_wait3A_13 = arith.constant 0 : i32
      %dma_wait3A_14 = tpu.memref_slice %arg4[%mul3A_2, %dma_wait3A_13] : memref<1024x128xf32, #tpu.memory_space<hbm>> -> memref<32x128xf32, #tpu.memory_space<hbm>>
      tpu.wait_dma2 semaphore(%run_scoped3A : memref<!tpu.dma_semaphore, #tpu.memory_space<semaphore_mem>>) src(%arg6 : memref<32x128xf32, #tpu.memory_space<vmem>>) dst(%dma_wait3A_14 : memref<32x128xf32, #tpu.memory_space<hbm>>)
      tpu.yield
    }) : () -> ()
    return
  }
}

#map = affine_map<(d0, d1) -> (0, 0)>
#map1 = affine_map<(d0, d1) -> (0)>
module attributes {stable_mosaic.version = 14 : i64} {
  func.func @k(%arg0: i32, %arg1: i32, %arg2: memref<2500x128xi32, #tpu.memory_space<hbm>>, %arg3: memref<2500x128xi32, #tpu.memory_space<hbm>>, %arg4: memref<10000xf32, #tpu.memory_space<hbm>>, %arg5: memref<10000xf32, #tpu.memory_space<hbm>>, %arg6: memref<10000x128xf32, #tpu.memory_space<hbm>>, %arg7: memref<20000x128xf32, #tpu.memory_space<hbm>>, %arg8: memref<20000xf32, #tpu.memory_space<hbm>>, %arg9: memref<10000xf32, #tpu.memory_space<vmem>>, %arg10: memref<10000xf32, #tpu.memory_space<vmem>>, %arg11: memref<128x128xf32, #tpu.memory_space<vmem>>, %arg12: memref<128xi32, #tpu.memory_space<vmem>>, %arg13: memref<128xi32, #tpu.memory_space<vmem>>, %arg14: memref<128xf32, #tpu.memory_space<vmem>>, %arg15: memref<640xf32, #tpu.memory_space<vmem>>, %arg16: memref<10000x128xf32, #tpu.memory_space<vmem_shared>>, %arg17: memref<10240xf32, #tpu.memory_space<vmem_shared>>, %arg18: memref<!tpu.dma_semaphore, #tpu.memory_space<semaphore_mem>>) attributes {dimension_semantics = [#tpu.dimension_semantics<core_parallel>, #tpu.dimension_semantics<subcore_parallel>], iteration_bounds = array<i64: 2, 16>, scalar_prefetch = 0 : i64, scratch_operands = 10 : i64, tpu.core_type = #tpu.core_type<sc_vector_subcore>, window_params = [{transform_indices = #map}, {transform_indices = #map}, {transform_indices = #map1}, {transform_indices = #map1}, {transform_indices = #map}, {transform_indices = #map}, {transform_indices = #map1}]} {
    %mul3A = arith.constant 2 : i32
    %mul3A_0 = arith.muli %arg1, %mul3A : i32
    %add3A = arith.addi %mul3A_0, %arg0 : i32
    %scan3A = arith.constant 0 : i32
    %scan3A_1 = arith.constant 0 : i32
    %scan3A_2 = arith.constant 128 : i32
    %scan3A_3 = arith.addi %scan3A_1, %scan3A_2 : i32
    %scan3A_4 = arith.constant 1 : i32
    %scan3A_5 = scf.for %scan3A_89 = %scan3A_1 to %scan3A_3 step %scan3A_4 iter_args(%scan3A_90 = %scan3A) -> (i32)  : i32 {
      %broadcast_in_dim3A = arith.constant 0.000000e+00 : f32
      %broadcast_in_dim3A_91 = vector.broadcast %broadcast_in_dim3A : f32 to vector<16xf32>
      %swap3A = arith.index_cast %scan3A_89 : i32 to index
      %swap3A_92 = arith.constant 0 : index
      %swap3A_93 = tpu.vector_load %arg11[%swap3A, %swap3A_92] {strides = array<i32>} : memref<128x128xf32, #tpu.memory_space<vmem>>, vector<16xf32>,
      tpu.vector_store %arg11[%swap3A, %swap3A_92], %broadcast_in_dim3A_91 {strides = array<i32>} : memref<128x128xf32, #tpu.memory_space<vmem>>, vector<16xf32>,
      %broadcast_in_dim3A_94 = arith.constant 0.000000e+00 : f32
      %broadcast_in_dim3A_95 = vector.broadcast %broadcast_in_dim3A_94 : f32 to vector<16xf32>
      %swap3A_96 = arith.index_cast %scan3A_89 : i32 to index
      %swap3A_97 = arith.constant 16 : index
      %swap3A_98 = tpu.vector_load %arg11[%swap3A_96, %swap3A_97] {strides = array<i32>} : memref<128x128xf32, #tpu.memory_space<vmem>>, vector<16xf32>,
      tpu.vector_store %arg11[%swap3A_96, %swap3A_97], %broadcast_in_dim3A_95 {strides = array<i32>} : memref<128x128xf32, #tpu.memory_space<vmem>>, vector<16xf32>,
      %broadcast_in_dim3A_99 = arith.constant 0.000000e+00 : f32
      %broadcast_in_dim3A_100 = vector.broadcast %broadcast_in_dim3A_99 : f32 to vector<16xf32>
      %swap3A_101 = arith.index_cast %scan3A_89 : i32 to index
      %swap3A_102 = arith.constant 32 : index
      %swap3A_103 = tpu.vector_load %arg11[%swap3A_101, %swap3A_102] {strides = array<i32>} : memref<128x128xf32, #tpu.memory_space<vmem>>, vector<16xf32>,
      tpu.vector_store %arg11[%swap3A_101, %swap3A_102], %broadcast_in_dim3A_100 {strides = array<i32>} : memref<128x128xf32, #tpu.memory_space<vmem>>, vector<16xf32>,
      %broadcast_in_dim3A_104 = arith.constant 0.000000e+00 : f32
      %broadcast_in_dim3A_105 = vector.broadcast %broadcast_in_dim3A_104 : f32 to vector<16xf32>
      %swap3A_106 = arith.index_cast %scan3A_89 : i32 to index
      %swap3A_107 = arith.constant 48 : index
      %swap3A_108 = tpu.vector_load %arg11[%swap3A_106, %swap3A_107] {strides = array<i32>} : memref<128x128xf32, #tpu.memory_space<vmem>>, vector<16xf32>,
      tpu.vector_store %arg11[%swap3A_106, %swap3A_107], %broadcast_in_dim3A_105 {strides = array<i32>} : memref<128x128xf32, #tpu.memory_space<vmem>>, vector<16xf32>,
      %broadcast_in_dim3A_109 = arith.constant 0.000000e+00 : f32
      %broadcast_in_dim3A_110 = vector.broadcast %broadcast_in_dim3A_109 : f32 to vector<16xf32>
      %swap3A_111 = arith.index_cast %scan3A_89 : i32 to index
      %swap3A_112 = arith.constant 64 : index
      %swap3A_113 = tpu.vector_load %arg11[%swap3A_111, %swap3A_112] {strides = array<i32>} : memref<128x128xf32, #tpu.memory_space<vmem>>, vector<16xf32>,
      tpu.vector_store %arg11[%swap3A_111, %swap3A_112], %broadcast_in_dim3A_110 {strides = array<i32>} : memref<128x128xf32, #tpu.memory_space<vmem>>, vector<16xf32>,
      %broadcast_in_dim3A_114 = arith.constant 0.000000e+00 : f32
      %broadcast_in_dim3A_115 = vector.broadcast %broadcast_in_dim3A_114 : f32 to vector<16xf32>
      %swap3A_116 = arith.index_cast %scan3A_89 : i32 to index
      %swap3A_117 = arith.constant 80 : index
      %swap3A_118 = tpu.vector_load %arg11[%swap3A_116, %swap3A_117] {strides = array<i32>} : memref<128x128xf32, #tpu.memory_space<vmem>>, vector<16xf32>,
      tpu.vector_store %arg11[%swap3A_116, %swap3A_117], %broadcast_in_dim3A_115 {strides = array<i32>} : memref<128x128xf32, #tpu.memory_space<vmem>>, vector<16xf32>,
      %broadcast_in_dim3A_119 = arith.constant 0.000000e+00 : f32
      %broadcast_in_dim3A_120 = vector.broadcast %broadcast_in_dim3A_119 : f32 to vector<16xf32>
      %swap3A_121 = arith.index_cast %scan3A_89 : i32 to index
      %swap3A_122 = arith.constant 96 : index
      %swap3A_123 = tpu.vector_load %arg11[%swap3A_121, %swap3A_122] {strides = array<i32>} : memref<128x128xf32, #tpu.memory_space<vmem>>, vector<16xf32>,
      tpu.vector_store %arg11[%swap3A_121, %swap3A_122], %broadcast_in_dim3A_120 {strides = array<i32>} : memref<128x128xf32, #tpu.memory_space<vmem>>, vector<16xf32>,
      %broadcast_in_dim3A_124 = arith.constant 0.000000e+00 : f32
      %broadcast_in_dim3A_125 = vector.broadcast %broadcast_in_dim3A_124 : f32 to vector<16xf32>
      %swap3A_126 = arith.index_cast %scan3A_89 : i32 to index
      %swap3A_127 = arith.constant 112 : index
      %swap3A_128 = tpu.vector_load %arg11[%swap3A_126, %swap3A_127] {strides = array<i32>} : memref<128x128xf32, #tpu.memory_space<vmem>>, vector<16xf32>,
      tpu.vector_store %arg11[%swap3A_126, %swap3A_127], %broadcast_in_dim3A_125 {strides = array<i32>} : memref<128x128xf32, #tpu.memory_space<vmem>>, vector<16xf32>,
      %scan3A_129 = arith.constant 0 : i32
      scf.yield %scan3A_129 : i32
    }
    %scan3A_6 = arith.constant 128 : i32
    %scan3A_7 = arith.constant 0 : i32
    %scan3A_8 = arith.constant 0 : i32
    %scan3A_9 = arith.constant 40 : i32
    %scan3A_10 = arith.addi %scan3A_8, %scan3A_9 : i32
    %scan3A_11 = arith.constant 1 : i32
    %scan3A_12 = scf.for %scan3A_89 = %scan3A_8 to %scan3A_10 step %scan3A_11 iter_args(%scan3A_90 = %scan3A_7) -> (i32)  : i32 {
      %broadcast_in_dim3A = arith.constant 0.000000e+00 : f32
      %broadcast_in_dim3A_91 = vector.broadcast %broadcast_in_dim3A : f32 to vector<16xf32>
      %mul3A_92 = arith.constant 16 : i32
      %mul3A_93 = arith.muli %scan3A_89, %mul3A_92 : i32
      %swap3A = arith.index_cast %mul3A_93 : i32 to index
      %swap3A_94 = tpu.vector_load %arg15[%swap3A] {strides = array<i32>} : memref<640xf32, #tpu.memory_space<vmem>>, vector<16xf32>,
      tpu.vector_store %arg15[%swap3A], %broadcast_in_dim3A_91 {strides = array<i32>} : memref<640xf32, #tpu.memory_space<vmem>>, vector<16xf32>,
      %scan3A_95 = arith.constant 0 : i32
      scf.yield %scan3A_95 : i32
    }
    %scan3A_13 = arith.constant 40 : i32
    %mul3A_14 = arith.constant 4 : i32
    %mul3A_15 = arith.muli %mul3A_14, %arg1 : i32
    %min3A = arith.constant 14 : i32
    %min3A_16 = arith.minsi %arg1, %min3A : i32
    %add3A_17 = arith.addi %mul3A_15, %min3A_16 : i32
    %lt3A = arith.constant 14 : i32
    %lt3A_18 = arith.cmpi slt, %arg1, %lt3A : i32
    %jit3A = arith.constant 1 : i32
    %jit3A_19 = arith.constant 0 : i32
    %select_n3A = arith.select %lt3A_18, %jit3A, %jit3A_19 : i32
    %add3A_20 = arith.constant 4 : i32
    %add3A_21 = arith.addi %add3A_20, %select_n3A : i32
    %while3A = arith.constant 0 : i32
    %while3A_22 = arith.constant 0 : i32
    %while3A_23 = arith.subi %add3A_21, %while3A : i32
    %while3A_24 = arith.addi %while3A, %while3A_23 : i32
    %while3A_25 = arith.constant 1 : i32
    %while3A_26 = arith.divsi %while3A_23, %while3A_25 : i32
    %while3A_27 = arith.muli %while3A_26, %while3A_25 : i32
    %while3A_28 = arith.addi %while3A, %while3A_27 : i32
    %while3A_29 = arith.constant 1 : i32
    %while3A_30 = scf.for %while3A_89 = %while3A to %while3A_28 step %while3A_29 iter_args(%while3A_90 = %while3A_22) -> (i32)  : i32 {
      %add3A_91 = arith.addi %add3A_17, %while3A_89 : i32
      %mul3A_92 = arith.constant 128 : i32
      %mul3A_93 = arith.muli %add3A_91, %mul3A_92 : i32
      "tpu.region"() ({
        %run_scoped3A = tpu.sem_alloc : memref<!tpu.dma_semaphore, #tpu.memory_space<semaphore_mem>>
        %dma_start3A = arith.constant 0 : i32
        %dma_start3A_95 = tpu.memref_slice %arg16[%mul3A_93, %dma_start3A] : memref<10000x128xf32, #tpu.memory_space<vmem_shared>> -> memref<128x128xf32, #tpu.memory_space<vmem_shared>>
        %dma_start3A_96 = arith.constant 0 : i32
        %dma_start3A_97 = tpu.memref_slice %arg16[%mul3A_93, %dma_start3A_96] : memref<10000x128xf32, #tpu.memory_space<vmem_shared>> -> memref<128x128xf32, #tpu.memory_space<vmem_shared>>
        tpu.enqueue_dma source(%arg11 : memref<128x128xf32, #tpu.memory_space<vmem>>) target(%dma_start3A_97 : memref<128x128xf32, #tpu.memory_space<vmem_shared>>) target_semaphore(%run_scoped3A : memref<!tpu.dma_semaphore, #tpu.memory_space<semaphore_mem>>)
        %dma_wait3A = arith.constant 0 : i32
        %dma_wait3A_98 = tpu.memref_slice %arg16[%mul3A_93, %dma_wait3A] : memref<10000x128xf32, #tpu.memory_space<vmem_shared>> -> memref<128x128xf32, #tpu.memory_space<vmem_shared>>
        %dma_wait3A_99 = arith.constant 0 : i32
        %dma_wait3A_100 = tpu.memref_slice %arg16[%mul3A_93, %dma_wait3A_99] : memref<10000x128xf32, #tpu.memory_space<vmem_shared>> -> memref<128x128xf32, #tpu.memory_space<vmem_shared>>
        tpu.wait_dma2 semaphore(%run_scoped3A : memref<!tpu.dma_semaphore, #tpu.memory_space<semaphore_mem>>) src(%arg11 : memref<128x128xf32, #tpu.memory_space<vmem>>) dst(%dma_wait3A_100 : memref<128x128xf32, #tpu.memory_space<vmem_shared>>)
        tpu.yield
      }) : () -> ()
      %while3A_94 = arith.constant 0 : i32
      scf.yield %while3A_94 : i32
    }
    %while3A_31 = arith.constant 1 : i32
    %while3A_32 = scf.for %while3A_89 = %while3A_28 to %while3A_24 step %while3A_31 iter_args(%while3A_90 = %while3A_30) -> (i32)  : i32 {
      %add3A_91 = arith.addi %add3A_17, %while3A_89 : i32
      %mul3A_92 = arith.constant 128 : i32
      %mul3A_93 = arith.muli %add3A_91, %mul3A_92 : i32
      "tpu.region"() ({
        %run_scoped3A = tpu.sem_alloc : memref<!tpu.dma_semaphore, #tpu.memory_space<semaphore_mem>>
        %dma_start3A = arith.constant 0 : i32
        %dma_start3A_95 = tpu.memref_slice %arg16[%mul3A_93, %dma_start3A] : memref<10000x128xf32, #tpu.memory_space<vmem_shared>> -> memref<128x128xf32, #tpu.memory_space<vmem_shared>>
        %dma_start3A_96 = arith.constant 0 : i32
        %dma_start3A_97 = tpu.memref_slice %arg16[%mul3A_93, %dma_start3A_96] : memref<10000x128xf32, #tpu.memory_space<vmem_shared>> -> memref<128x128xf32, #tpu.memory_space<vmem_shared>>
        tpu.enqueue_dma source(%arg11 : memref<128x128xf32, #tpu.memory_space<vmem>>) target(%dma_start3A_97 : memref<128x128xf32, #tpu.memory_space<vmem_shared>>) target_semaphore(%run_scoped3A : memref<!tpu.dma_semaphore, #tpu.memory_space<semaphore_mem>>)
        %dma_wait3A = arith.constant 0 : i32
        %dma_wait3A_98 = tpu.memref_slice %arg16[%mul3A_93, %dma_wait3A] : memref<10000x128xf32, #tpu.memory_space<vmem_shared>> -> memref<128x128xf32, #tpu.memory_space<vmem_shared>>
        %dma_wait3A_99 = arith.constant 0 : i32
        %dma_wait3A_100 = tpu.memref_slice %arg16[%mul3A_93, %dma_wait3A_99] : memref<10000x128xf32, #tpu.memory_space<vmem_shared>> -> memref<128x128xf32, #tpu.memory_space<vmem_shared>>
        tpu.wait_dma2 semaphore(%run_scoped3A : memref<!tpu.dma_semaphore, #tpu.memory_space<semaphore_mem>>) src(%arg11 : memref<128x128xf32, #tpu.memory_space<vmem>>) dst(%dma_wait3A_100 : memref<128x128xf32, #tpu.memory_space<vmem_shared>>)
        tpu.yield
      }) : () -> ()
      %while3A_94 = arith.constant 0 : i32
      scf.yield %while3A_94 : i32
    }
    %eq3A = arith.constant 15 : i32
    %eq3A_33 = arith.cmpi eq, %arg1, %eq3A : i32
    %convert_element_type3A = arith.extui %eq3A_33 : i1 to i32
    %cond3A = arith.constant 0 : i32
    %cond3A_34 = arith.cmpi ne, %convert_element_type3A, %cond3A : i32
    scf.if %cond3A_34 {
      "tpu.region"() ({
        %run_scoped3A = tpu.sem_alloc : memref<!tpu.dma_semaphore, #tpu.memory_space<semaphore_mem>>
        %dma_start3A = arith.constant 0 : i32
        %dma_start3A_89 = arith.constant 0 : i32
        %dma_start3A_90 = tpu.memref_slice %arg11[%dma_start3A, %dma_start3A_89] : memref<128x128xf32, #tpu.memory_space<vmem>> -> memref<16x128xf32, #tpu.memory_space<vmem>>
        %dma_start3A_91 = arith.constant 9984 : i32
        %dma_start3A_92 = arith.constant 0 : i32
        %dma_start3A_93 = tpu.memref_slice %arg16[%dma_start3A_91, %dma_start3A_92] : memref<10000x128xf32, #tpu.memory_space<vmem_shared>> -> memref<16x128xf32, #tpu.memory_space<vmem_shared>>
        %dma_start3A_94 = arith.constant 9984 : i32
        %dma_start3A_95 = arith.constant 0 : i32
        %dma_start3A_96 = tpu.memref_slice %arg16[%dma_start3A_94, %dma_start3A_95] : memref<10000x128xf32, #tpu.memory_space<vmem_shared>> -> memref<16x128xf32, #tpu.memory_space<vmem_shared>>
        %dma_start3A_97 = arith.constant 0 : i32
        %dma_start3A_98 = arith.constant 0 : i32
        %dma_start3A_99 = tpu.memref_slice %arg11[%dma_start3A_97, %dma_start3A_98] : memref<128x128xf32, #tpu.memory_space<vmem>> -> memref<16x128xf32, #tpu.memory_space<vmem>>
        tpu.enqueue_dma source(%dma_start3A_99 : memref<16x128xf32, #tpu.memory_space<vmem>>) target(%dma_start3A_96 : memref<16x128xf32, #tpu.memory_space<vmem_shared>>) target_semaphore(%run_scoped3A : memref<!tpu.dma_semaphore, #tpu.memory_space<semaphore_mem>>)
        %dma_wait3A = arith.constant 0 : i32
        %dma_wait3A_100 = arith.constant 0 : i32
        %dma_wait3A_101 = tpu.memref_slice %arg11[%dma_wait3A, %dma_wait3A_100] : memref<128x128xf32, #tpu.memory_space<vmem>> -> memref<16x128xf32, #tpu.memory_space<vmem>>
        %dma_wait3A_102 = arith.constant 9984 : i32
        %dma_wait3A_103 = arith.constant 0 : i32
        %dma_wait3A_104 = tpu.memref_slice %arg16[%dma_wait3A_102, %dma_wait3A_103] : memref<10000x128xf32, #tpu.memory_space<vmem_shared>> -> memref<16x128xf32, #tpu.memory_space<vmem_shared>>
        %dma_wait3A_105 = arith.constant 9984 : i32
        %dma_wait3A_106 = arith.constant 0 : i32
        %dma_wait3A_107 = tpu.memref_slice %arg16[%dma_wait3A_105, %dma_wait3A_106] : memref<10000x128xf32, #tpu.memory_space<vmem_shared>> -> memref<16x128xf32, #tpu.memory_space<vmem_shared>>
        %dma_wait3A_108 = arith.constant 0 : i32
        %dma_wait3A_109 = arith.constant 0 : i32
        %dma_wait3A_110 = tpu.memref_slice %arg11[%dma_wait3A_108, %dma_wait3A_109] : memref<128x128xf32, #tpu.memory_space<vmem>> -> memref<16x128xf32, #tpu.memory_space<vmem>>
        tpu.wait_dma2 semaphore(%run_scoped3A : memref<!tpu.dma_semaphore, #tpu.memory_space<semaphore_mem>>) src(%dma_wait3A_110 : memref<16x128xf32, #tpu.memory_space<vmem>>) dst(%dma_wait3A_107 : memref<16x128xf32, #tpu.memory_space<vmem_shared>>)
        tpu.yield
      }) : () -> ()
    } else {
    }
    %mul3A_35 = arith.constant 640 : i32
    %mul3A_36 = arith.muli %arg1, %mul3A_35 : i32
    "tpu.region"() ({
      %run_scoped3A = tpu.sem_alloc : memref<!tpu.dma_semaphore, #tpu.memory_space<semaphore_mem>>
      %dma_start3A = tpu.memref_slice %arg17[%mul3A_36] : memref<10240xf32, #tpu.memory_space<vmem_shared>> -> memref<640xf32, #tpu.memory_space<vmem_shared>>
      %dma_start3A_89 = tpu.memref_slice %arg17[%mul3A_36] : memref<10240xf32, #tpu.memory_space<vmem_shared>> -> memref<640xf32, #tpu.memory_space<vmem_shared>>
      tpu.enqueue_dma source(%arg15 : memref<640xf32, #tpu.memory_space<vmem>>) target(%dma_start3A_89 : memref<640xf32, #tpu.memory_space<vmem_shared>>) target_semaphore(%run_scoped3A : memref<!tpu.dma_semaphore, #tpu.memory_space<semaphore_mem>>)
      %dma_wait3A = tpu.memref_slice %arg17[%mul3A_36] : memref<10240xf32, #tpu.memory_space<vmem_shared>> -> memref<640xf32, #tpu.memory_space<vmem_shared>>
      %dma_wait3A_90 = tpu.memref_slice %arg17[%mul3A_36] : memref<10240xf32, #tpu.memory_space<vmem_shared>> -> memref<640xf32, #tpu.memory_space<vmem_shared>>
      tpu.wait_dma2 semaphore(%run_scoped3A : memref<!tpu.dma_semaphore, #tpu.memory_space<semaphore_mem>>) src(%arg15 : memref<640xf32, #tpu.memory_space<vmem>>) dst(%dma_wait3A_90 : memref<640xf32, #tpu.memory_space<vmem_shared>>)
      tpu.yield
    }) : () -> ()
    "tpu.region"() ({
      %run_scoped3A = tpu.sem_alloc : memref<!tpu.dma_semaphore, #tpu.memory_space<semaphore_mem>>
      tpu.enqueue_dma source(%arg4 : memref<10000xf32, #tpu.memory_space<hbm>>) target(%arg9 : memref<10000xf32, #tpu.memory_space<vmem>>) target_semaphore(%run_scoped3A : memref<!tpu.dma_semaphore, #tpu.memory_space<semaphore_mem>>)
      tpu.wait_dma2 semaphore(%run_scoped3A : memref<!tpu.dma_semaphore, #tpu.memory_space<semaphore_mem>>) src(%arg4 : memref<10000xf32, #tpu.memory_space<hbm>>) dst(%arg9 : memref<10000xf32, #tpu.memory_space<vmem>>)
      tpu.yield
    }) : () -> ()
    "tpu.region"() ({
      %run_scoped3A = tpu.sem_alloc : memref<!tpu.dma_semaphore, #tpu.memory_space<semaphore_mem>>
      tpu.enqueue_dma source(%arg5 : memref<10000xf32, #tpu.memory_space<hbm>>) target(%arg10 : memref<10000xf32, #tpu.memory_space<vmem>>) target_semaphore(%run_scoped3A : memref<!tpu.dma_semaphore, #tpu.memory_space<semaphore_mem>>)
      tpu.wait_dma2 semaphore(%run_scoped3A : memref<!tpu.dma_semaphore, #tpu.memory_space<semaphore_mem>>) src(%arg5 : memref<10000xf32, #tpu.memory_space<hbm>>) dst(%arg10 : memref<10000xf32, #tpu.memory_space<vmem>>)
      tpu.yield
    }) : () -> ()
    %barrier3A = arith.constant 0 : index
    tpu.barrier barrier_id(%barrier3A)
    %mul3A_37 = arith.constant 78 : i32
    %mul3A_38 = arith.muli %mul3A_37, %add3A : i32
    %min3A_39 = arith.constant 4 : i32
    %min3A_40 = arith.minsi %add3A, %min3A_39 : i32
    %add3A_41 = arith.addi %mul3A_38, %min3A_40 : i32
    %lt3A_42 = arith.constant 4 : i32
    %lt3A_43 = arith.cmpi slt, %add3A, %lt3A_42 : i32
    %jit3A_44 = arith.constant 1 : i32
    %jit3A_45 = arith.constant 0 : i32
    %select_n3A_46 = arith.select %lt3A_43, %jit3A_44, %jit3A_45 : i32
    %add3A_47 = arith.constant 78 : i32
    %add3A_48 = arith.addi %add3A_47, %select_n3A_46 : i32
    %while3A_49 = arith.constant 0 : i32
    %while3A_50 = arith.constant 0 : i32
    %while3A_51 = arith.subi %add3A_48, %while3A_49 : i32
    %while3A_52 = arith.addi %while3A_49, %while3A_51 : i32
    %while3A_53 = arith.constant 1 : i32
    %while3A_54 = arith.divsi %while3A_51, %while3A_53 : i32
    %while3A_55 = arith.muli %while3A_54, %while3A_53 : i32
    %while3A_56 = arith.addi %while3A_49, %while3A_55 : i32
    %while3A_57 = arith.constant 1 : i32
    %while3A_58 = scf.for %while3A_89 = %while3A_49 to %while3A_56 step %while3A_57 iter_args(%while3A_90 = %while3A_50) -> (i32)  : i32 {
      %add3A_91 = arith.addi %add3A_41, %while3A_89 : i32
      "tpu.region"() ({
        %run_scoped3A = tpu.sem_alloc : memref<!tpu.dma_semaphore, #tpu.memory_space<semaphore_mem>>
        %dma_start3A_211 = arith.constant 0 : i32
        %dma_start3A_212 = tpu.memref_slice %arg2[%add3A_91, %dma_start3A_211] : memref<2500x128xi32, #tpu.memory_space<hbm>> -> memref<1x128xi32, #tpu.memory_space<hbm>>
        %dma_start3A_213 = tpu.memref_squeeze %dma_start3A_212 : memref<1x128xi32, #tpu.memory_space<hbm>> -> memref<128xi32, #tpu.memory_space<hbm>>
        %dma_start3A_214 = arith.constant 0 : i32
        %dma_start3A_215 = tpu.memref_slice %arg2[%add3A_91, %dma_start3A_214] : memref<2500x128xi32, #tpu.memory_space<hbm>> -> memref<1x128xi32, #tpu.memory_space<hbm>>
        %dma_start3A_216 = tpu.memref_squeeze %dma_start3A_215 : memref<1x128xi32, #tpu.memory_space<hbm>> -> memref<128xi32, #tpu.memory_space<hbm>>
        tpu.enqueue_dma source(%dma_start3A_216 : memref<128xi32, #tpu.memory_space<hbm>>) target(%arg12 : memref<128xi32, #tpu.memory_space<vmem>>) target_semaphore(%run_scoped3A : memref<!tpu.dma_semaphore, #tpu.memory_space<semaphore_mem>>)
        %dma_wait3A_217 = arith.constant 0 : i32
        %dma_wait3A_218 = tpu.memref_slice %arg2[%add3A_91, %dma_wait3A_217] : memref<2500x128xi32, #tpu.memory_space<hbm>> -> memref<1x128xi32, #tpu.memory_space<hbm>>
        %dma_wait3A_219 = tpu.memref_squeeze %dma_wait3A_218 : memref<1x128xi32, #tpu.memory_space<hbm>> -> memref<128xi32, #tpu.memory_space<hbm>>
        %dma_wait3A_220 = arith.constant 0 : i32
        %dma_wait3A_221 = tpu.memref_slice %arg2[%add3A_91, %dma_wait3A_220] : memref<2500x128xi32, #tpu.memory_space<hbm>> -> memref<1x128xi32, #tpu.memory_space<hbm>>
        %dma_wait3A_222 = tpu.memref_squeeze %dma_wait3A_221 : memref<1x128xi32, #tpu.memory_space<hbm>> -> memref<128xi32, #tpu.memory_space<hbm>>
        tpu.wait_dma2 semaphore(%run_scoped3A : memref<!tpu.dma_semaphore, #tpu.memory_space<semaphore_mem>>) src(%dma_wait3A_222 : memref<128xi32, #tpu.memory_space<hbm>>) dst(%arg12 : memref<128xi32, #tpu.memory_space<vmem>>)
        tpu.yield
      }) : () -> ()
      %dma_start3A = arith.constant 0 : i32
      %dma_start3A_92 = arith.constant 0 : i32
      %dma_start3A_93 = tpu.memref_slice %arg6[%dma_start3A, %dma_start3A_92] : memref<10000x128xf32, #tpu.memory_space<hbm>> -> memref<10000x128xf32, #tpu.memory_space<hbm>>
      tpu.enqueue_indirect_dma source(%dma_start3A_93 : memref<10000x128xf32, #tpu.memory_space<hbm>>) target(%arg11 : memref<128x128xf32, #tpu.memory_space<vmem>>) offsets(%arg12 : memref<128xi32, #tpu.memory_space<vmem>>) semaphore(%arg18 : memref<!tpu.dma_semaphore, #tpu.memory_space<semaphore_mem>>)
      "tpu.region"() ({
        %run_scoped3A = tpu.sem_alloc : memref<!tpu.dma_semaphore, #tpu.memory_space<semaphore_mem>>
        %dma_start3A_211 = arith.constant 0 : i32
        %dma_start3A_212 = tpu.memref_slice %arg3[%add3A_91, %dma_start3A_211] : memref<2500x128xi32, #tpu.memory_space<hbm>> -> memref<1x128xi32, #tpu.memory_space<hbm>>
        %dma_start3A_213 = tpu.memref_squeeze %dma_start3A_212 : memref<1x128xi32, #tpu.memory_space<hbm>> -> memref<128xi32, #tpu.memory_space<hbm>>
        %dma_start3A_214 = arith.constant 0 : i32
        %dma_start3A_215 = tpu.memref_slice %arg3[%add3A_91, %dma_start3A_214] : memref<2500x128xi32, #tpu.memory_space<hbm>> -> memref<1x128xi32, #tpu.memory_space<hbm>>
        %dma_start3A_216 = tpu.memref_squeeze %dma_start3A_215 : memref<1x128xi32, #tpu.memory_space<hbm>> -> memref<128xi32, #tpu.memory_space<hbm>>
        tpu.enqueue_dma source(%dma_start3A_216 : memref<128xi32, #tpu.memory_space<hbm>>) target(%arg13 : memref<128xi32, #tpu.memory_space<vmem>>) target_semaphore(%run_scoped3A : memref<!tpu.dma_semaphore, #tpu.memory_space<semaphore_mem>>)
        %dma_wait3A_217 = arith.constant 0 : i32
        %dma_wait3A_218 = tpu.memref_slice %arg3[%add3A_91, %dma_wait3A_217] : memref<2500x128xi32, #tpu.memory_space<hbm>> -> memref<1x128xi32, #tpu.memory_space<hbm>>
        %dma_wait3A_219 = tpu.memref_squeeze %dma_wait3A_218 : memref<1x128xi32, #tpu.memory_space<hbm>> -> memref<128xi32, #tpu.memory_space<hbm>>
        %dma_wait3A_220 = arith.constant 0 : i32
        %dma_wait3A_221 = tpu.memref_slice %arg3[%add3A_91, %dma_wait3A_220] : memref<2500x128xi32, #tpu.memory_space<hbm>> -> memref<1x128xi32, #tpu.memory_space<hbm>>
        %dma_wait3A_222 = tpu.memref_squeeze %dma_wait3A_221 : memref<1x128xi32, #tpu.memory_space<hbm>> -> memref<128xi32, #tpu.memory_space<hbm>>
        tpu.wait_dma2 semaphore(%run_scoped3A : memref<!tpu.dma_semaphore, #tpu.memory_space<semaphore_mem>>) src(%dma_wait3A_222 : memref<128xi32, #tpu.memory_space<hbm>>) dst(%arg13 : memref<128xi32, #tpu.memory_space<vmem>>)
        tpu.yield
      }) : () -> ()
      %get3A = arith.constant 0 : index
      %get3A_94 = tpu.vector_load %arg12[%get3A] {strides = array<i32>} : memref<128xi32, #tpu.memory_space<vmem>>, vector<16xi32>,
      %get3A_95 = arith.constant 0 : index
      %get3A_96 = tpu.vector_load %arg13[%get3A_95] {strides = array<i32>} : memref<128xi32, #tpu.memory_space<vmem>>, vector<16xi32>,
      %gather3A = tpu.vector_load_idx %arg9[%get3A_94] : memref<10000xf32, #tpu.memory_space<vmem>>[vector<16xi32>], vector<16xf32>,
      %gather3A_97 = tpu.vector_load_idx %arg10[%get3A_96] : memref<10000xf32, #tpu.memory_space<vmem>>[vector<16xi32>], vector<16xf32>,
      %add3A_98 = arith.addf %gather3A, %gather3A_97 : vector<16xf32>
      %mul3A_99 = arith.constant 2.000000e-01 : f32
      %mul3A_100 = vector.broadcast %mul3A_99 : f32 to vector<16xf32>
      %mul3A_101 = arith.mulf %mul3A_100, %add3A_98 : vector<16xf32>
      %max3A = arith.maximumf %add3A_98, %mul3A_101 : vector<16xf32>
      %exp3A = math.exp %max3A : vector<16xf32>
      %swap3A = arith.constant 0 : index
      %swap3A_102 = tpu.vector_load %arg14[%swap3A] {strides = array<i32>} : memref<128xf32, #tpu.memory_space<vmem>>, vector<16xf32>,
      tpu.vector_store %arg14[%swap3A], %exp3A {strides = array<i32>} : memref<128xf32, #tpu.memory_space<vmem>>, vector<16xf32>,
      %get3A_103 = arith.constant 16 : index
      %get3A_104 = tpu.vector_load %arg12[%get3A_103] {strides = array<i32>} : memref<128xi32, #tpu.memory_space<vmem>>, vector<16xi32>,
      %get3A_105 = arith.constant 16 : index
      %get3A_106 = tpu.vector_load %arg13[%get3A_105] {strides = array<i32>} : memref<128xi32, #tpu.memory_space<vmem>>, vector<16xi32>,
      %gather3A_107 = tpu.vector_load_idx %arg9[%get3A_104] : memref<10000xf32, #tpu.memory_space<vmem>>[vector<16xi32>], vector<16xf32>,
      %gather3A_108 = tpu.vector_load_idx %arg10[%get3A_106] : memref<10000xf32, #tpu.memory_space<vmem>>[vector<16xi32>], vector<16xf32>,
      %add3A_109 = arith.addf %gather3A_107, %gather3A_108 : vector<16xf32>
      %mul3A_110 = arith.constant 2.000000e-01 : f32
      %mul3A_111 = vector.broadcast %mul3A_110 : f32 to vector<16xf32>
      %mul3A_112 = arith.mulf %mul3A_111, %add3A_109 : vector<16xf32>
      %max3A_113 = arith.maximumf %add3A_109, %mul3A_112 : vector<16xf32>
      %exp3A_114 = math.exp %max3A_113 : vector<16xf32>
      %swap3A_115 = arith.constant 16 : index
      %swap3A_116 = tpu.vector_load %arg14[%swap3A_115] {strides = array<i32>} : memref<128xf32, #tpu.memory_space<vmem>>, vector<16xf32>,
      tpu.vector_store %arg14[%swap3A_115], %exp3A_114 {strides = array<i32>} : memref<128xf32, #tpu.memory_space<vmem>>, vector<16xf32>,
      %get3A_117 = arith.constant 32 : index
      %get3A_118 = tpu.vector_load %arg12[%get3A_117] {strides = array<i32>} : memref<128xi32, #tpu.memory_space<vmem>>, vector<16xi32>,
      %get3A_119 = arith.constant 32 : index
      %get3A_120 = tpu.vector_load %arg13[%get3A_119] {strides = array<i32>} : memref<128xi32, #tpu.memory_space<vmem>>, vector<16xi32>,
      %gather3A_121 = tpu.vector_load_idx %arg9[%get3A_118] : memref<10000xf32, #tpu.memory_space<vmem>>[vector<16xi32>], vector<16xf32>,
      %gather3A_122 = tpu.vector_load_idx %arg10[%get3A_120] : memref<10000xf32, #tpu.memory_space<vmem>>[vector<16xi32>], vector<16xf32>,
      %add3A_123 = arith.addf %gather3A_121, %gather3A_122 : vector<16xf32>
      %mul3A_124 = arith.constant 2.000000e-01 : f32
      %mul3A_125 = vector.broadcast %mul3A_124 : f32 to vector<16xf32>
      %mul3A_126 = arith.mulf %mul3A_125, %add3A_123 : vector<16xf32>
      %max3A_127 = arith.maximumf %add3A_123, %mul3A_126 : vector<16xf32>
      %exp3A_128 = math.exp %max3A_127 : vector<16xf32>
      %swap3A_129 = arith.constant 32 : index
      %swap3A_130 = tpu.vector_load %arg14[%swap3A_129] {strides = array<i32>} : memref<128xf32, #tpu.memory_space<vmem>>, vector<16xf32>,
      tpu.vector_store %arg14[%swap3A_129], %exp3A_128 {strides = array<i32>} : memref<128xf32, #tpu.memory_space<vmem>>, vector<16xf32>,
      %get3A_131 = arith.constant 48 : index
      %get3A_132 = tpu.vector_load %arg12[%get3A_131] {strides = array<i32>} : memref<128xi32, #tpu.memory_space<vmem>>, vector<16xi32>,
      %get3A_133 = arith.constant 48 : index
      %get3A_134 = tpu.vector_load %arg13[%get3A_133] {strides = array<i32>} : memref<128xi32, #tpu.memory_space<vmem>>, vector<16xi32>,
      %gather3A_135 = tpu.vector_load_idx %arg9[%get3A_132] : memref<10000xf32, #tpu.memory_space<vmem>>[vector<16xi32>], vector<16xf32>,
      %gather3A_136 = tpu.vector_load_idx %arg10[%get3A_134] : memref<10000xf32, #tpu.memory_space<vmem>>[vector<16xi32>], vector<16xf32>,
      %add3A_137 = arith.addf %gather3A_135, %gather3A_136 : vector<16xf32>
      %mul3A_138 = arith.constant 2.000000e-01 : f32
      %mul3A_139 = vector.broadcast %mul3A_138 : f32 to vector<16xf32>
      %mul3A_140 = arith.mulf %mul3A_139, %add3A_137 : vector<16xf32>
      %max3A_141 = arith.maximumf %add3A_137, %mul3A_140 : vector<16xf32>
      %exp3A_142 = math.exp %max3A_141 : vector<16xf32>
      %swap3A_143 = arith.constant 48 : index
      %swap3A_144 = tpu.vector_load %arg14[%swap3A_143] {strides = array<i32>} : memref<128xf32, #tpu.memory_space<vmem>>, vector<16xf32>,
      tpu.vector_store %arg14[%swap3A_143], %exp3A_142 {strides = array<i32>} : memref<128xf32, #tpu.memory_space<vmem>>, vector<16xf32>,
      %get3A_145 = arith.constant 64 : index
      %get3A_146 = tpu.vector_load %arg12[%get3A_145] {strides = array<i32>} : memref<128xi32, #tpu.memory_space<vmem>>, vector<16xi32>,
      %get3A_147 = arith.constant 64 : index
      %get3A_148 = tpu.vector_load %arg13[%get3A_147] {strides = array<i32>} : memref<128xi32, #tpu.memory_space<vmem>>, vector<16xi32>,
      %gather3A_149 = tpu.vector_load_idx %arg9[%get3A_146] : memref<10000xf32, #tpu.memory_space<vmem>>[vector<16xi32>], vector<16xf32>,
      %gather3A_150 = tpu.vector_load_idx %arg10[%get3A_148] : memref<10000xf32, #tpu.memory_space<vmem>>[vector<16xi32>], vector<16xf32>,
      %add3A_151 = arith.addf %gather3A_149, %gather3A_150 : vector<16xf32>
      %mul3A_152 = arith.constant 2.000000e-01 : f32
      %mul3A_153 = vector.broadcast %mul3A_152 : f32 to vector<16xf32>
      %mul3A_154 = arith.mulf %mul3A_153, %add3A_151 : vector<16xf32>
      %max3A_155 = arith.maximumf %add3A_151, %mul3A_154 : vector<16xf32>
      %exp3A_156 = math.exp %max3A_155 : vector<16xf32>
      %swap3A_157 = arith.constant 64 : index
      %swap3A_158 = tpu.vector_load %arg14[%swap3A_157] {strides = array<i32>} : memref<128xf32, #tpu.memory_space<vmem>>, vector<16xf32>,
      tpu.vector_store %arg14[%swap3A_157], %exp3A_156 {strides = array<i32>} : memref<128xf32, #tpu.memory_space<vmem>>, vector<16xf32>,
      %get3A_159 = arith.constant 80 : index
      %get3A_160 = tpu.vector_load %arg12[%get3A_159] {strides = array<i32>} : memref<128xi32, #tpu.memory_space<vmem>>, vector<16xi32>,
      %get3A_161 = arith.constant 80 : index
      %get3A_162 = tpu.vector_load %arg13[%get3A_161] {strides = array<i32>} : memref<128xi32, #tpu.memory_space<vmem>>, vector<16xi32>,
      %gather3A_163 = tpu.vector_load_idx %arg9[%get3A_160] : memref<10000xf32, #tpu.memory_space<vmem>>[vector<16xi32>], vector<16xf32>,
      %gather3A_164 = tpu.vector_load_idx %arg10[%get3A_162] : memref<10000xf32, #tpu.memory_space<vmem>>[vector<16xi32>], vector<16xf32>,
      %add3A_165 = arith.addf %gather3A_163, %gather3A_164 : vector<16xf32>
      %mul3A_166 = arith.constant 2.000000e-01 : f32
      %mul3A_167 = vector.broadcast %mul3A_166 : f32 to vector<16xf32>
      %mul3A_168 = arith.mulf %mul3A_167, %add3A_165 : vector<16xf32>
      %max3A_169 = arith.maximumf %add3A_165, %mul3A_168 : vector<16xf32>
      %exp3A_170 = math.exp %max3A_169 : vector<16xf32>
      %swap3A_171 = arith.constant 80 : index
      %swap3A_172 = tpu.vector_load %arg14[%swap3A_171] {strides = array<i32>} : memref<128xf32, #tpu.memory_space<vmem>>, vector<16xf32>,
      tpu.vector_store %arg14[%swap3A_171], %exp3A_170 {strides = array<i32>} : memref<128xf32, #tpu.memory_space<vmem>>, vector<16xf32>,
      %get3A_173 = arith.constant 96 : index
      %get3A_174 = tpu.vector_load %arg12[%get3A_173] {strides = array<i32>} : memref<128xi32, #tpu.memory_space<vmem>>, vector<16xi32>,
      %get3A_175 = arith.constant 96 : index
      %get3A_176 = tpu.vector_load %arg13[%get3A_175] {strides = array<i32>} : memref<128xi32, #tpu.memory_space<vmem>>, vector<16xi32>,
      %gather3A_177 = tpu.vector_load_idx %arg9[%get3A_174] : memref<10000xf32, #tpu.memory_space<vmem>>[vector<16xi32>], vector<16xf32>,
      %gather3A_178 = tpu.vector_load_idx %arg10[%get3A_176] : memref<10000xf32, #tpu.memory_space<vmem>>[vector<16xi32>], vector<16xf32>,
      %add3A_179 = arith.addf %gather3A_177, %gather3A_178 : vector<16xf32>
      %mul3A_180 = arith.constant 2.000000e-01 : f32
      %mul3A_181 = vector.broadcast %mul3A_180 : f32 to vector<16xf32>
      %mul3A_182 = arith.mulf %mul3A_181, %add3A_179 : vector<16xf32>
      %max3A_183 = arith.maximumf %add3A_179, %mul3A_182 : vector<16xf32>
      %exp3A_184 = math.exp %max3A_183 : vector<16xf32>
      %swap3A_185 = arith.constant 96 : index
      %swap3A_186 = tpu.vector_load %arg14[%swap3A_185] {strides = array<i32>} : memref<128xf32, #tpu.memory_space<vmem>>, vector<16xf32>,
      tpu.vector_store %arg14[%swap3A_185], %exp3A_184 {strides = array<i32>} : memref<128xf32, #tpu.memory_space<vmem>>, vector<16xf32>,
      %get3A_187 = arith.constant 112 : index
      %get3A_188 = tpu.vector_load %arg12[%get3A_187] {strides = array<i32>} : memref<128xi32, #tpu.memory_space<vmem>>, vector<16xi32>,
      %get3A_189 = arith.constant 112 : index
      %get3A_190 = tpu.vector_load %arg13[%get3A_189] {strides = array<i32>} : memref<128xi32, #tpu.memory_space<vmem>>, vector<16xi32>,
      %gather3A_191 = tpu.vector_load_idx %arg9[%get3A_188] : memref<10000xf32, #tpu.memory_space<vmem>>[vector<16xi32>], vector<16xf32>,
      %gather3A_192 = tpu.vector_load_idx %arg10[%get3A_190] : memref<10000xf32, #tpu.memory_space<vmem>>[vector<16xi32>], vector<16xf32>,
      %add3A_193 = arith.addf %gather3A_191, %gather3A_192 : vector<16xf32>
      %mul3A_194 = arith.constant 2.000000e-01 : f32
      %mul3A_195 = vector.broadcast %mul3A_194 : f32 to vector<16xf32>
      %mul3A_196 = arith.mulf %mul3A_195, %add3A_193 : vector<16xf32>
      %max3A_197 = arith.maximumf %add3A_193, %mul3A_196 : vector<16xf32>
      %exp3A_198 = math.exp %max3A_197 : vector<16xf32>
      %swap3A_199 = arith.constant 112 : index
      %swap3A_200 = tpu.vector_load %arg14[%swap3A_199] {strides = array<i32>} : memref<128xf32, #tpu.memory_space<vmem>>, vector<16xf32>,
      tpu.vector_store %arg14[%swap3A_199], %exp3A_198 {strides = array<i32>} : memref<128xf32, #tpu.memory_space<vmem>>, vector<16xf32>,
      "tpu.region"() ({
        %run_scoped3A = tpu.sem_alloc : memref<!tpu.dma_semaphore, #tpu.memory_space<semaphore_mem>>
        %dma_start3A_211 = arith.constant 0 : i32
        %dma_start3A_212 = tpu.memref_slice %arg17[%dma_start3A_211] : memref<10240xf32, #tpu.memory_space<vmem_shared>> -> memref<10240xf32, #tpu.memory_space<vmem_shared>>
        tpu.enqueue_indirect_dma source(%arg14 : memref<128xf32, #tpu.memory_space<vmem>>) target(%dma_start3A_212 : memref<10240xf32, #tpu.memory_space<vmem_shared>>) offsets(%arg13 : memref<128xi32, #tpu.memory_space<vmem>>) semaphore(%run_scoped3A : memref<!tpu.dma_semaphore, #tpu.memory_space<semaphore_mem>>) {add = true}
        %dma_wait3A_213 = arith.constant 0 : i32
        %dma_wait3A_214 = tpu.memref_slice %arg17[%dma_wait3A_213] : memref<10240xf32, #tpu.memory_space<vmem_shared>> -> memref<10240xf32, #tpu.memory_space<vmem_shared>>
        tpu.wait_indirect_dma semaphore(%run_scoped3A : memref<!tpu.dma_semaphore, #tpu.memory_space<semaphore_mem>>) src(%arg14 : memref<128xf32, #tpu.memory_space<vmem>>) dst(%dma_wait3A_214 : memref<10240xf32, #tpu.memory_space<vmem_shared>>)
        tpu.yield
      }) : () -> ()
      %dma_wait3A = arith.constant 0 : i32
      %dma_wait3A_201 = arith.constant 0 : i32
      %dma_wait3A_202 = tpu.memref_slice %arg6[%dma_wait3A, %dma_wait3A_201] : memref<10000x128xf32, #tpu.memory_space<hbm>> -> memref<10000x128xf32, #tpu.memory_space<hbm>>
      tpu.wait_indirect_dma semaphore(%arg18 : memref<!tpu.dma_semaphore, #tpu.memory_space<semaphore_mem>>) src(%dma_wait3A_202 : memref<10000x128xf32, #tpu.memory_space<hbm>>) dst(%arg11 : memref<128x128xf32, #tpu.memory_space<vmem>>)
      %scan3A_203 = arith.constant 0 : i32
      %scan3A_204 = arith.constant 0 : i32
      %scan3A_205 = arith.constant 64 : i32
      %scan3A_206 = arith.addi %scan3A_204, %scan3A_205 : i32
      %scan3A_207 = arith.constant 1 : i32
      %scan3A_208 = scf.for %scan3A_211 = %scan3A_204 to %scan3A_206 step %scan3A_207 iter_args(%scan3A_212 = %scan3A_203) -> (i32)  : i32 {
        %mul3A_213 = arith.constant 2 : i32
        %mul3A_214 = arith.muli %scan3A_211, %mul3A_213 : i32
        %broadcast_in_dim3A = arith.constant 0 : i32
        %broadcast_in_dim3A_215 = vector.broadcast %broadcast_in_dim3A : i32 to vector<16xi32>
        %add3A_216 = vector.broadcast %mul3A_214 : i32 to vector<16xi32>
        %add3A_217 = arith.addi %broadcast_in_dim3A_215, %add3A_216 : vector<16xi32>
        %gather3A_218 = tpu.vector_load_idx %arg14[%add3A_217] : memref<128xf32, #tpu.memory_space<vmem>>[vector<16xi32>], vector<16xf32>,
        %broadcast_in_dim3A_219 = arith.constant 0 : i32
        %broadcast_in_dim3A_220 = vector.broadcast %broadcast_in_dim3A_219 : i32 to vector<16xi32>
        %add3A_221 = arith.constant 1 : i32
        %add3A_222 = arith.addi %mul3A_214, %add3A_221 : i32
        %add3A_223 = vector.broadcast %add3A_222 : i32 to vector<16xi32>
        %add3A_224 = arith.addi %broadcast_in_dim3A_220, %add3A_223 : vector<16xi32>
        %gather3A_225 = tpu.vector_load_idx %arg14[%add3A_224] : memref<128xf32, #tpu.memory_space<vmem>>[vector<16xi32>], vector<16xf32>,
        %get3A_226 = arith.index_cast %mul3A_214 : i32 to index
        %get3A_227 = arith.constant 0 : index
        %get3A_228 = tpu.vector_load %arg11[%get3A_226, %get3A_227] {strides = array<i32>} : memref<128x128xf32, #tpu.memory_space<vmem>>, vector<16xf32>,
        %mul3A_229 = arith.mulf %get3A_228, %gather3A_218 : vector<16xf32>
        %swap3A_230 = arith.index_cast %mul3A_214 : i32 to index
        %swap3A_231 = arith.constant 0 : index
        %swap3A_232 = tpu.vector_load %arg11[%swap3A_230, %swap3A_231] {strides = array<i32>} : memref<128x128xf32, #tpu.memory_space<vmem>>, vector<16xf32>,
        tpu.vector_store %arg11[%swap3A_230, %swap3A_231], %mul3A_229 {strides = array<i32>} : memref<128x128xf32, #tpu.memory_space<vmem>>, vector<16xf32>,
        %add3A_233 = arith.constant 1 : i32
        %add3A_234 = arith.addi %mul3A_214, %add3A_233 : i32
        %get3A_235 = arith.index_cast %add3A_234 : i32 to index
        %get3A_236 = arith.constant 0 : index
        %get3A_237 = tpu.vector_load %arg11[%get3A_235, %get3A_236] {strides = array<i32>} : memref<128x128xf32, #tpu.memory_space<vmem>>, vector<16xf32>,
        %mul3A_238 = arith.mulf %get3A_237, %gather3A_225 : vector<16xf32>
        %add3A_239 = arith.constant 1 : i32
        %add3A_240 = arith.addi %mul3A_214, %add3A_239 : i32
        %swap3A_241 = arith.index_cast %add3A_240 : i32 to index
        %swap3A_242 = arith.constant 0 : index
        %swap3A_243 = tpu.vector_load %arg11[%swap3A_241, %swap3A_242] {strides = array<i32>} : memref<128x128xf32, #tpu.memory_space<vmem>>, vector<16xf32>,
        tpu.vector_store %arg11[%swap3A_241, %swap3A_242], %mul3A_238 {strides = array<i32>} : memref<128x128xf32, #tpu.memory_space<vmem>>, vector<16xf32>,
        %get3A_244 = arith.index_cast %mul3A_214 : i32 to index
        %get3A_245 = arith.constant 16 : index
        %get3A_246 = tpu.vector_load %arg11[%get3A_244, %get3A_245] {strides = array<i32>} : memref<128x128xf32, #tpu.memory_space<vmem>>, vector<16xf32>,
        %mul3A_247 = arith.mulf %get3A_246, %gather3A_218 : vector<16xf32>
        %swap3A_248 = arith.index_cast %mul3A_214 : i32 to index
        %swap3A_249 = arith.constant 16 : index
        %swap3A_250 = tpu.vector_load %arg11[%swap3A_248, %swap3A_249] {strides = array<i32>} : memref<128x128xf32, #tpu.memory_space<vmem>>, vector<16xf32>,
        tpu.vector_store %arg11[%swap3A_248, %swap3A_249], %mul3A_247 {strides = array<i32>} : memref<128x128xf32, #tpu.memory_space<vmem>>, vector<16xf32>,
        %add3A_251 = arith.constant 1 : i32
        %add3A_252 = arith.addi %mul3A_214, %add3A_251 : i32
        %get3A_253 = arith.index_cast %add3A_252 : i32 to index
        %get3A_254 = arith.constant 16 : index
        %get3A_255 = tpu.vector_load %arg11[%get3A_253, %get3A_254] {strides = array<i32>} : memref<128x128xf32, #tpu.memory_space<vmem>>, vector<16xf32>,
        %mul3A_256 = arith.mulf %get3A_255, %gather3A_225 : vector<16xf32>
        %add3A_257 = arith.constant 1 : i32
        %add3A_258 = arith.addi %mul3A_214, %add3A_257 : i32
        %swap3A_259 = arith.index_cast %add3A_258 : i32 to index
        %swap3A_260 = arith.constant 16 : index
        %swap3A_261 = tpu.vector_load %arg11[%swap3A_259, %swap3A_260] {strides = array<i32>} : memref<128x128xf32, #tpu.memory_space<vmem>>, vector<16xf32>,
        tpu.vector_store %arg11[%swap3A_259, %swap3A_260], %mul3A_256 {strides = array<i32>} : memref<128x128xf32, #tpu.memory_space<vmem>>, vector<16xf32>,
        %get3A_262 = arith.index_cast %mul3A_214 : i32 to index
        %get3A_263 = arith.constant 32 : index
        %get3A_264 = tpu.vector_load %arg11[%get3A_262, %get3A_263] {strides = array<i32>} : memref<128x128xf32, #tpu.memory_space<vmem>>, vector<16xf32>,
        %mul3A_265 = arith.mulf %get3A_264, %gather3A_218 : vector<16xf32>
        %swap3A_266 = arith.index_cast %mul3A_214 : i32 to index
        %swap3A_267 = arith.constant 32 : index
        %swap3A_268 = tpu.vector_load %arg11[%swap3A_266, %swap3A_267] {strides = array<i32>} : memref<128x128xf32, #tpu.memory_space<vmem>>, vector<16xf32>,
        tpu.vector_store %arg11[%swap3A_266, %swap3A_267], %mul3A_265 {strides = array<i32>} : memref<128x128xf32, #tpu.memory_space<vmem>>, vector<16xf32>,
        %add3A_269 = arith.constant 1 : i32
        %add3A_270 = arith.addi %mul3A_214, %add3A_269 : i32
        %get3A_271 = arith.index_cast %add3A_270 : i32 to index
        %get3A_272 = arith.constant 32 : index
        %get3A_273 = tpu.vector_load %arg11[%get3A_271, %get3A_272] {strides = array<i32>} : memref<128x128xf32, #tpu.memory_space<vmem>>, vector<16xf32>,
        %mul3A_274 = arith.mulf %get3A_273, %gather3A_225 : vector<16xf32>
        %add3A_275 = arith.constant 1 : i32
        %add3A_276 = arith.addi %mul3A_214, %add3A_275 : i32
        %swap3A_277 = arith.index_cast %add3A_276 : i32 to index
        %swap3A_278 = arith.constant 32 : index
        %swap3A_279 = tpu.vector_load %arg11[%swap3A_277, %swap3A_278] {strides = array<i32>} : memref<128x128xf32, #tpu.memory_space<vmem>>, vector<16xf32>,
        tpu.vector_store %arg11[%swap3A_277, %swap3A_278], %mul3A_274 {strides = array<i32>} : memref<128x128xf32, #tpu.memory_space<vmem>>, vector<16xf32>,
        %get3A_280 = arith.index_cast %mul3A_214 : i32 to index
        %get3A_281 = arith.constant 48 : index
        %get3A_282 = tpu.vector_load %arg11[%get3A_280, %get3A_281] {strides = array<i32>} : memref<128x128xf32, #tpu.memory_space<vmem>>, vector<16xf32>,
        %mul3A_283 = arith.mulf %get3A_282, %gather3A_218 : vector<16xf32>
        %swap3A_284 = arith.index_cast %mul3A_214 : i32 to index
        %swap3A_285 = arith.constant 48 : index
        %swap3A_286 = tpu.vector_load %arg11[%swap3A_284, %swap3A_285] {strides = array<i32>} : memref<128x128xf32, #tpu.memory_space<vmem>>, vector<16xf32>,
        tpu.vector_store %arg11[%swap3A_284, %swap3A_285], %mul3A_283 {strides = array<i32>} : memref<128x128xf32, #tpu.memory_space<vmem>>, vector<16xf32>,
        %add3A_287 = arith.constant 1 : i32
        %add3A_288 = arith.addi %mul3A_214, %add3A_287 : i32
        %get3A_289 = arith.index_cast %add3A_288 : i32 to index
        %get3A_290 = arith.constant 48 : index
        %get3A_291 = tpu.vector_load %arg11[%get3A_289, %get3A_290] {strides = array<i32>} : memref<128x128xf32, #tpu.memory_space<vmem>>, vector<16xf32>,
        %mul3A_292 = arith.mulf %get3A_291, %gather3A_225 : vector<16xf32>
        %add3A_293 = arith.constant 1 : i32
        %add3A_294 = arith.addi %mul3A_214, %add3A_293 : i32
        %swap3A_295 = arith.index_cast %add3A_294 : i32 to index
        %swap3A_296 = arith.constant 48 : index
        %swap3A_297 = tpu.vector_load %arg11[%swap3A_295, %swap3A_296] {strides = array<i32>} : memref<128x128xf32, #tpu.memory_space<vmem>>, vector<16xf32>,
        tpu.vector_store %arg11[%swap3A_295, %swap3A_296], %mul3A_292 {strides = array<i32>} : memref<128x128xf32, #tpu.memory_space<vmem>>, vector<16xf32>,
        %get3A_298 = arith.index_cast %mul3A_214 : i32 to index
        %get3A_299 = arith.constant 64 : index
        %get3A_300 = tpu.vector_load %arg11[%get3A_298, %get3A_299] {strides = array<i32>} : memref<128x128xf32, #tpu.memory_space<vmem>>, vector<16xf32>,
        %mul3A_301 = arith.mulf %get3A_300, %gather3A_218 : vector<16xf32>
        %swap3A_302 = arith.index_cast %mul3A_214 : i32 to index
        %swap3A_303 = arith.constant 64 : index
        %swap3A_304 = tpu.vector_load %arg11[%swap3A_302, %swap3A_303] {strides = array<i32>} : memref<128x128xf32, #tpu.memory_space<vmem>>, vector<16xf32>,
        tpu.vector_store %arg11[%swap3A_302, %swap3A_303], %mul3A_301 {strides = array<i32>} : memref<128x128xf32, #tpu.memory_space<vmem>>, vector<16xf32>,
        %add3A_305 = arith.constant 1 : i32
        %add3A_306 = arith.addi %mul3A_214, %add3A_305 : i32
        %get3A_307 = arith.index_cast %add3A_306 : i32 to index
        %get3A_308 = arith.constant 64 : index
        %get3A_309 = tpu.vector_load %arg11[%get3A_307, %get3A_308] {strides = array<i32>} : memref<128x128xf32, #tpu.memory_space<vmem>>, vector<16xf32>,
        %mul3A_310 = arith.mulf %get3A_309, %gather3A_225 : vector<16xf32>
        %add3A_311 = arith.constant 1 : i32
        %add3A_312 = arith.addi %mul3A_214, %add3A_311 : i32
        %swap3A_313 = arith.index_cast %add3A_312 : i32 to index
        %swap3A_314 = arith.constant 64 : index
        %swap3A_315 = tpu.vector_load %arg11[%swap3A_313, %swap3A_314] {strides = array<i32>} : memref<128x128xf32, #tpu.memory_space<vmem>>, vector<16xf32>,
        tpu.vector_store %arg11[%swap3A_313, %swap3A_314], %mul3A_310 {strides = array<i32>} : memref<128x128xf32, #tpu.memory_space<vmem>>, vector<16xf32>,
        %get3A_316 = arith.index_cast %mul3A_214 : i32 to index
        %get3A_317 = arith.constant 80 : index
        %get3A_318 = tpu.vector_load %arg11[%get3A_316, %get3A_317] {strides = array<i32>} : memref<128x128xf32, #tpu.memory_space<vmem>>, vector<16xf32>,
        %mul3A_319 = arith.mulf %get3A_318, %gather3A_218 : vector<16xf32>
        %swap3A_320 = arith.index_cast %mul3A_214 : i32 to index
        %swap3A_321 = arith.constant 80 : index
        %swap3A_322 = tpu.vector_load %arg11[%swap3A_320, %swap3A_321] {strides = array<i32>} : memref<128x128xf32, #tpu.memory_space<vmem>>, vector<16xf32>,
        tpu.vector_store %arg11[%swap3A_320, %swap3A_321], %mul3A_319 {strides = array<i32>} : memref<128x128xf32, #tpu.memory_space<vmem>>, vector<16xf32>,
        %add3A_323 = arith.constant 1 : i32
        %add3A_324 = arith.addi %mul3A_214, %add3A_323 : i32
        %get3A_325 = arith.index_cast %add3A_324 : i32 to index
        %get3A_326 = arith.constant 80 : index
        %get3A_327 = tpu.vector_load %arg11[%get3A_325, %get3A_326] {strides = array<i32>} : memref<128x128xf32, #tpu.memory_space<vmem>>, vector<16xf32>,
        %mul3A_328 = arith.mulf %get3A_327, %gather3A_225 : vector<16xf32>
        %add3A_329 = arith.constant 1 : i32
        %add3A_330 = arith.addi %mul3A_214, %add3A_329 : i32
        %swap3A_331 = arith.index_cast %add3A_330 : i32 to index
        %swap3A_332 = arith.constant 80 : index
        %swap3A_333 = tpu.vector_load %arg11[%swap3A_331, %swap3A_332] {strides = array<i32>} : memref<128x128xf32, #tpu.memory_space<vmem>>, vector<16xf32>,
        tpu.vector_store %arg11[%swap3A_331, %swap3A_332], %mul3A_328 {strides = array<i32>} : memref<128x128xf32, #tpu.memory_space<vmem>>, vector<16xf32>,
        %get3A_334 = arith.index_cast %mul3A_214 : i32 to index
        %get3A_335 = arith.constant 96 : index
        %get3A_336 = tpu.vector_load %arg11[%get3A_334, %get3A_335] {strides = array<i32>} : memref<128x128xf32, #tpu.memory_space<vmem>>, vector<16xf32>,
        %mul3A_337 = arith.mulf %get3A_336, %gather3A_218 : vector<16xf32>
        %swap3A_338 = arith.index_cast %mul3A_214 : i32 to index
        %swap3A_339 = arith.constant 96 : index
        %swap3A_340 = tpu.vector_load %arg11[%swap3A_338, %swap3A_339] {strides = array<i32>} : memref<128x128xf32, #tpu.memory_space<vmem>>, vector<16xf32>,
        tpu.vector_store %arg11[%swap3A_338, %swap3A_339], %mul3A_337 {strides = array<i32>} : memref<128x128xf32, #tpu.memory_space<vmem>>, vector<16xf32>,
        %add3A_341 = arith.constant 1 : i32
        %add3A_342 = arith.addi %mul3A_214, %add3A_341 : i32
        %get3A_343 = arith.index_cast %add3A_342 : i32 to index
        %get3A_344 = arith.constant 96 : index
        %get3A_345 = tpu.vector_load %arg11[%get3A_343, %get3A_344] {strides = array<i32>} : memref<128x128xf32, #tpu.memory_space<vmem>>, vector<16xf32>,
        %mul3A_346 = arith.mulf %get3A_345, %gather3A_225 : vector<16xf32>
        %add3A_347 = arith.constant 1 : i32
        %add3A_348 = arith.addi %mul3A_214, %add3A_347 : i32
        %swap3A_349 = arith.index_cast %add3A_348 : i32 to index
        %swap3A_350 = arith.constant 96 : index
        %swap3A_351 = tpu.vector_load %arg11[%swap3A_349, %swap3A_350] {strides = array<i32>} : memref<128x128xf32, #tpu.memory_space<vmem>>, vector<16xf32>,
        tpu.vector_store %arg11[%swap3A_349, %swap3A_350], %mul3A_346 {strides = array<i32>} : memref<128x128xf32, #tpu.memory_space<vmem>>, vector<16xf32>,
        %get3A_352 = arith.index_cast %mul3A_214 : i32 to index
        %get3A_353 = arith.constant 112 : index
        %get3A_354 = tpu.vector_load %arg11[%get3A_352, %get3A_353] {strides = array<i32>} : memref<128x128xf32, #tpu.memory_space<vmem>>, vector<16xf32>,
        %mul3A_355 = arith.mulf %get3A_354, %gather3A_218 : vector<16xf32>
        %swap3A_356 = arith.index_cast %mul3A_214 : i32 to index
        %swap3A_357 = arith.constant 112 : index
        %swap3A_358 = tpu.vector_load %arg11[%swap3A_356, %swap3A_357] {strides = array<i32>} : memref<128x128xf32, #tpu.memory_space<vmem>>, vector<16xf32>,
        tpu.vector_store %arg11[%swap3A_356, %swap3A_357], %mul3A_355 {strides = array<i32>} : memref<128x128xf32, #tpu.memory_space<vmem>>, vector<16xf32>,
        %add3A_359 = arith.constant 1 : i32
        %add3A_360 = arith.addi %mul3A_214, %add3A_359 : i32
        %get3A_361 = arith.index_cast %add3A_360 : i32 to index
        %get3A_362 = arith.constant 112 : index
        %get3A_363 = tpu.vector_load %arg11[%get3A_361, %get3A_362] {strides = array<i32>} : memref<128x128xf32, #tpu.memory_space<vmem>>, vector<16xf32>,
        %mul3A_364 = arith.mulf %get3A_363, %gather3A_225 : vector<16xf32>
        %add3A_365 = arith.constant 1 : i32
        %add3A_366 = arith.addi %mul3A_214, %add3A_365 : i32
        %swap3A_367 = arith.index_cast %add3A_366 : i32 to index
        %swap3A_368 = arith.constant 112 : index
        %swap3A_369 = tpu.vector_load %arg11[%swap3A_367, %swap3A_368] {strides = array<i32>} : memref<128x128xf32, #tpu.memory_space<vmem>>, vector<16xf32>,
        tpu.vector_store %arg11[%swap3A_367, %swap3A_368], %mul3A_364 {strides = array<i32>} : memref<128x128xf32, #tpu.memory_space<vmem>>, vector<16xf32>,
        %scan3A_370 = arith.constant 0 : i32
        scf.yield %scan3A_370 : i32
      }
      %scan3A_209 = arith.constant 64 : i32
      "tpu.region"() ({
        %run_scoped3A = tpu.sem_alloc : memref<!tpu.dma_semaphore, #tpu.memory_space<semaphore_mem>>
        %dma_start3A_211 = arith.constant 0 : i32
        %dma_start3A_212 = arith.constant 0 : i32
        %dma_start3A_213 = tpu.memref_slice %arg16[%dma_start3A_211, %dma_start3A_212] : memref<10000x128xf32, #tpu.memory_space<vmem_shared>> -> memref<10000x128xf32, #tpu.memory_space<vmem_shared>>
        tpu.enqueue_indirect_dma source(%arg11 : memref<128x128xf32, #tpu.memory_space<vmem>>) target(%dma_start3A_213 : memref<10000x128xf32, #tpu.memory_space<vmem_shared>>) offsets(%arg13 : memref<128xi32, #tpu.memory_space<vmem>>) semaphore(%run_scoped3A : memref<!tpu.dma_semaphore, #tpu.memory_space<semaphore_mem>>) {add = true}
        %dma_wait3A_214 = arith.constant 0 : i32
        %dma_wait3A_215 = arith.constant 0 : i32
        %dma_wait3A_216 = tpu.memref_slice %arg16[%dma_wait3A_214, %dma_wait3A_215] : memref<10000x128xf32, #tpu.memory_space<vmem_shared>> -> memref<10000x128xf32, #tpu.memory_space<vmem_shared>>
        tpu.wait_indirect_dma semaphore(%run_scoped3A : memref<!tpu.dma_semaphore, #tpu.memory_space<semaphore_mem>>) src(%arg11 : memref<128x128xf32, #tpu.memory_space<vmem>>) dst(%dma_wait3A_216 : memref<10000x128xf32, #tpu.memory_space<vmem_shared>>)
        tpu.yield
      }) : () -> ()
      %while3A_210 = arith.constant 0 : i32
      scf.yield %while3A_210 : i32
    }
    %while3A_59 = arith.constant 1 : i32
    %while3A_60 = scf.for %while3A_89 = %while3A_56 to %while3A_52 step %while3A_59 iter_args(%while3A_90 = %while3A_58) -> (i32)  : i32 {
      %add3A_91 = arith.addi %add3A_41, %while3A_89 : i32
      "tpu.region"() ({
        %run_scoped3A = tpu.sem_alloc : memref<!tpu.dma_semaphore, #tpu.memory_space<semaphore_mem>>
        %dma_start3A_211 = arith.constant 0 : i32
        %dma_start3A_212 = tpu.memref_slice %arg2[%add3A_91, %dma_start3A_211] : memref<2500x128xi32, #tpu.memory_space<hbm>> -> memref<1x128xi32, #tpu.memory_space<hbm>>
        %dma_start3A_213 = tpu.memref_squeeze %dma_start3A_212 : memref<1x128xi32, #tpu.memory_space<hbm>> -> memref<128xi32, #tpu.memory_space<hbm>>
        %dma_start3A_214 = arith.constant 0 : i32
        %dma_start3A_215 = tpu.memref_slice %arg2[%add3A_91, %dma_start3A_214] : memref<2500x128xi32, #tpu.memory_space<hbm>> -> memref<1x128xi32, #tpu.memory_space<hbm>>
        %dma_start3A_216 = tpu.memref_squeeze %dma_start3A_215 : memref<1x128xi32, #tpu.memory_space<hbm>> -> memref<128xi32, #tpu.memory_space<hbm>>
        tpu.enqueue_dma source(%dma_start3A_216 : memref<128xi32, #tpu.memory_space<hbm>>) target(%arg12 : memref<128xi32, #tpu.memory_space<vmem>>) target_semaphore(%run_scoped3A : memref<!tpu.dma_semaphore, #tpu.memory_space<semaphore_mem>>)
        %dma_wait3A_217 = arith.constant 0 : i32
        %dma_wait3A_218 = tpu.memref_slice %arg2[%add3A_91, %dma_wait3A_217] : memref<2500x128xi32, #tpu.memory_space<hbm>> -> memref<1x128xi32, #tpu.memory_space<hbm>>
        %dma_wait3A_219 = tpu.memref_squeeze %dma_wait3A_218 : memref<1x128xi32, #tpu.memory_space<hbm>> -> memref<128xi32, #tpu.memory_space<hbm>>
        %dma_wait3A_220 = arith.constant 0 : i32
        %dma_wait3A_221 = tpu.memref_slice %arg2[%add3A_91, %dma_wait3A_220] : memref<2500x128xi32, #tpu.memory_space<hbm>> -> memref<1x128xi32, #tpu.memory_space<hbm>>
        %dma_wait3A_222 = tpu.memref_squeeze %dma_wait3A_221 : memref<1x128xi32, #tpu.memory_space<hbm>> -> memref<128xi32, #tpu.memory_space<hbm>>
        tpu.wait_dma2 semaphore(%run_scoped3A : memref<!tpu.dma_semaphore, #tpu.memory_space<semaphore_mem>>) src(%dma_wait3A_222 : memref<128xi32, #tpu.memory_space<hbm>>) dst(%arg12 : memref<128xi32, #tpu.memory_space<vmem>>)
        tpu.yield
      }) : () -> ()
      %dma_start3A = arith.constant 0 : i32
      %dma_start3A_92 = arith.constant 0 : i32
      %dma_start3A_93 = tpu.memref_slice %arg6[%dma_start3A, %dma_start3A_92] : memref<10000x128xf32, #tpu.memory_space<hbm>> -> memref<10000x128xf32, #tpu.memory_space<hbm>>
      tpu.enqueue_indirect_dma source(%dma_start3A_93 : memref<10000x128xf32, #tpu.memory_space<hbm>>) target(%arg11 : memref<128x128xf32, #tpu.memory_space<vmem>>) offsets(%arg12 : memref<128xi32, #tpu.memory_space<vmem>>) semaphore(%arg18 : memref<!tpu.dma_semaphore, #tpu.memory_space<semaphore_mem>>)
      "tpu.region"() ({
        %run_scoped3A = tpu.sem_alloc : memref<!tpu.dma_semaphore, #tpu.memory_space<semaphore_mem>>
        %dma_start3A_211 = arith.constant 0 : i32
        %dma_start3A_212 = tpu.memref_slice %arg3[%add3A_91, %dma_start3A_211] : memref<2500x128xi32, #tpu.memory_space<hbm>> -> memref<1x128xi32, #tpu.memory_space<hbm>>
        %dma_start3A_213 = tpu.memref_squeeze %dma_start3A_212 : memref<1x128xi32, #tpu.memory_space<hbm>> -> memref<128xi32, #tpu.memory_space<hbm>>
        %dma_start3A_214 = arith.constant 0 : i32
        %dma_start3A_215 = tpu.memref_slice %arg3[%add3A_91, %dma_start3A_214] : memref<2500x128xi32, #tpu.memory_space<hbm>> -> memref<1x128xi32, #tpu.memory_space<hbm>>
        %dma_start3A_216 = tpu.memref_squeeze %dma_start3A_215 : memref<1x128xi32, #tpu.memory_space<hbm>> -> memref<128xi32, #tpu.memory_space<hbm>>
        tpu.enqueue_dma source(%dma_start3A_216 : memref<128xi32, #tpu.memory_space<hbm>>) target(%arg13 : memref<128xi32, #tpu.memory_space<vmem>>) target_semaphore(%run_scoped3A : memref<!tpu.dma_semaphore, #tpu.memory_space<semaphore_mem>>)
        %dma_wait3A_217 = arith.constant 0 : i32
        %dma_wait3A_218 = tpu.memref_slice %arg3[%add3A_91, %dma_wait3A_217] : memref<2500x128xi32, #tpu.memory_space<hbm>> -> memref<1x128xi32, #tpu.memory_space<hbm>>
        %dma_wait3A_219 = tpu.memref_squeeze %dma_wait3A_218 : memref<1x128xi32, #tpu.memory_space<hbm>> -> memref<128xi32, #tpu.memory_space<hbm>>
        %dma_wait3A_220 = arith.constant 0 : i32
        %dma_wait3A_221 = tpu.memref_slice %arg3[%add3A_91, %dma_wait3A_220] : memref<2500x128xi32, #tpu.memory_space<hbm>> -> memref<1x128xi32, #tpu.memory_space<hbm>>
        %dma_wait3A_222 = tpu.memref_squeeze %dma_wait3A_221 : memref<1x128xi32, #tpu.memory_space<hbm>> -> memref<128xi32, #tpu.memory_space<hbm>>
        tpu.wait_dma2 semaphore(%run_scoped3A : memref<!tpu.dma_semaphore, #tpu.memory_space<semaphore_mem>>) src(%dma_wait3A_222 : memref<128xi32, #tpu.memory_space<hbm>>) dst(%arg13 : memref<128xi32, #tpu.memory_space<vmem>>)
        tpu.yield
      }) : () -> ()
      %get3A = arith.constant 0 : index
      %get3A_94 = tpu.vector_load %arg12[%get3A] {strides = array<i32>} : memref<128xi32, #tpu.memory_space<vmem>>, vector<16xi32>,
      %get3A_95 = arith.constant 0 : index
      %get3A_96 = tpu.vector_load %arg13[%get3A_95] {strides = array<i32>} : memref<128xi32, #tpu.memory_space<vmem>>, vector<16xi32>,
      %gather3A = tpu.vector_load_idx %arg9[%get3A_94] : memref<10000xf32, #tpu.memory_space<vmem>>[vector<16xi32>], vector<16xf32>,
      %gather3A_97 = tpu.vector_load_idx %arg10[%get3A_96] : memref<10000xf32, #tpu.memory_space<vmem>>[vector<16xi32>], vector<16xf32>,
      %add3A_98 = arith.addf %gather3A, %gather3A_97 : vector<16xf32>
      %mul3A_99 = arith.constant 2.000000e-01 : f32
      %mul3A_100 = vector.broadcast %mul3A_99 : f32 to vector<16xf32>
      %mul3A_101 = arith.mulf %mul3A_100, %add3A_98 : vector<16xf32>
      %max3A = arith.maximumf %add3A_98, %mul3A_101 : vector<16xf32>
      %exp3A = math.exp %max3A : vector<16xf32>
      %swap3A = arith.constant 0 : index
      %swap3A_102 = tpu.vector_load %arg14[%swap3A] {strides = array<i32>} : memref<128xf32, #tpu.memory_space<vmem>>, vector<16xf32>,
      tpu.vector_store %arg14[%swap3A], %exp3A {strides = array<i32>} : memref<128xf32, #tpu.memory_space<vmem>>, vector<16xf32>,
      %get3A_103 = arith.constant 16 : index
      %get3A_104 = tpu.vector_load %arg12[%get3A_103] {strides = array<i32>} : memref<128xi32, #tpu.memory_space<vmem>>, vector<16xi32>,
      %get3A_105 = arith.constant 16 : index
      %get3A_106 = tpu.vector_load %arg13[%get3A_105] {strides = array<i32>} : memref<128xi32, #tpu.memory_space<vmem>>, vector<16xi32>,
      %gather3A_107 = tpu.vector_load_idx %arg9[%get3A_104] : memref<10000xf32, #tpu.memory_space<vmem>>[vector<16xi32>], vector<16xf32>,
      %gather3A_108 = tpu.vector_load_idx %arg10[%get3A_106] : memref<10000xf32, #tpu.memory_space<vmem>>[vector<16xi32>], vector<16xf32>,
      %add3A_109 = arith.addf %gather3A_107, %gather3A_108 : vector<16xf32>
      %mul3A_110 = arith.constant 2.000000e-01 : f32
      %mul3A_111 = vector.broadcast %mul3A_110 : f32 to vector<16xf32>
      %mul3A_112 = arith.mulf %mul3A_111, %add3A_109 : vector<16xf32>
      %max3A_113 = arith.maximumf %add3A_109, %mul3A_112 : vector<16xf32>
      %exp3A_114 = math.exp %max3A_113 : vector<16xf32>
      %swap3A_115 = arith.constant 16 : index
      %swap3A_116 = tpu.vector_load %arg14[%swap3A_115] {strides = array<i32>} : memref<128xf32, #tpu.memory_space<vmem>>, vector<16xf32>,
      tpu.vector_store %arg14[%swap3A_115], %exp3A_114 {strides = array<i32>} : memref<128xf32, #tpu.memory_space<vmem>>, vector<16xf32>,
      %get3A_117 = arith.constant 32 : index
      %get3A_118 = tpu.vector_load %arg12[%get3A_117] {strides = array<i32>} : memref<128xi32, #tpu.memory_space<vmem>>, vector<16xi32>,
      %get3A_119 = arith.constant 32 : index
      %get3A_120 = tpu.vector_load %arg13[%get3A_119] {strides = array<i32>} : memref<128xi32, #tpu.memory_space<vmem>>, vector<16xi32>,
      %gather3A_121 = tpu.vector_load_idx %arg9[%get3A_118] : memref<10000xf32, #tpu.memory_space<vmem>>[vector<16xi32>], vector<16xf32>,
      %gather3A_122 = tpu.vector_load_idx %arg10[%get3A_120] : memref<10000xf32, #tpu.memory_space<vmem>>[vector<16xi32>], vector<16xf32>,
      %add3A_123 = arith.addf %gather3A_121, %gather3A_122 : vector<16xf32>
      %mul3A_124 = arith.constant 2.000000e-01 : f32
      %mul3A_125 = vector.broadcast %mul3A_124 : f32 to vector<16xf32>
      %mul3A_126 = arith.mulf %mul3A_125, %add3A_123 : vector<16xf32>
      %max3A_127 = arith.maximumf %add3A_123, %mul3A_126 : vector<16xf32>
      %exp3A_128 = math.exp %max3A_127 : vector<16xf32>
      %swap3A_129 = arith.constant 32 : index
      %swap3A_130 = tpu.vector_load %arg14[%swap3A_129] {strides = array<i32>} : memref<128xf32, #tpu.memory_space<vmem>>, vector<16xf32>,
      tpu.vector_store %arg14[%swap3A_129], %exp3A_128 {strides = array<i32>} : memref<128xf32, #tpu.memory_space<vmem>>, vector<16xf32>,
      %get3A_131 = arith.constant 48 : index
      %get3A_132 = tpu.vector_load %arg12[%get3A_131] {strides = array<i32>} : memref<128xi32, #tpu.memory_space<vmem>>, vector<16xi32>,
      %get3A_133 = arith.constant 48 : index
      %get3A_134 = tpu.vector_load %arg13[%get3A_133] {strides = array<i32>} : memref<128xi32, #tpu.memory_space<vmem>>, vector<16xi32>,
      %gather3A_135 = tpu.vector_load_idx %arg9[%get3A_132] : memref<10000xf32, #tpu.memory_space<vmem>>[vector<16xi32>], vector<16xf32>,
      %gather3A_136 = tpu.vector_load_idx %arg10[%get3A_134] : memref<10000xf32, #tpu.memory_space<vmem>>[vector<16xi32>], vector<16xf32>,
      %add3A_137 = arith.addf %gather3A_135, %gather3A_136 : vector<16xf32>
      %mul3A_138 = arith.constant 2.000000e-01 : f32
      %mul3A_139 = vector.broadcast %mul3A_138 : f32 to vector<16xf32>
      %mul3A_140 = arith.mulf %mul3A_139, %add3A_137 : vector<16xf32>
      %max3A_141 = arith.maximumf %add3A_137, %mul3A_140 : vector<16xf32>
      %exp3A_142 = math.exp %max3A_141 : vector<16xf32>
      %swap3A_143 = arith.constant 48 : index
      %swap3A_144 = tpu.vector_load %arg14[%swap3A_143] {strides = array<i32>} : memref<128xf32, #tpu.memory_space<vmem>>, vector<16xf32>,
      tpu.vector_store %arg14[%swap3A_143], %exp3A_142 {strides = array<i32>} : memref<128xf32, #tpu.memory_space<vmem>>, vector<16xf32>,
      %get3A_145 = arith.constant 64 : index
      %get3A_146 = tpu.vector_load %arg12[%get3A_145] {strides = array<i32>} : memref<128xi32, #tpu.memory_space<vmem>>, vector<16xi32>,
      %get3A_147 = arith.constant 64 : index
      %get3A_148 = tpu.vector_load %arg13[%get3A_147] {strides = array<i32>} : memref<128xi32, #tpu.memory_space<vmem>>, vector<16xi32>,
      %gather3A_149 = tpu.vector_load_idx %arg9[%get3A_146] : memref<10000xf32, #tpu.memory_space<vmem>>[vector<16xi32>], vector<16xf32>,
      %gather3A_150 = tpu.vector_load_idx %arg10[%get3A_148] : memref<10000xf32, #tpu.memory_space<vmem>>[vector<16xi32>], vector<16xf32>,
      %add3A_151 = arith.addf %gather3A_149, %gather3A_150 : vector<16xf32>
      %mul3A_152 = arith.constant 2.000000e-01 : f32
      %mul3A_153 = vector.broadcast %mul3A_152 : f32 to vector<16xf32>
      %mul3A_154 = arith.mulf %mul3A_153, %add3A_151 : vector<16xf32>
      %max3A_155 = arith.maximumf %add3A_151, %mul3A_154 : vector<16xf32>
      %exp3A_156 = math.exp %max3A_155 : vector<16xf32>
      %swap3A_157 = arith.constant 64 : index
      %swap3A_158 = tpu.vector_load %arg14[%swap3A_157] {strides = array<i32>} : memref<128xf32, #tpu.memory_space<vmem>>, vector<16xf32>,
      tpu.vector_store %arg14[%swap3A_157], %exp3A_156 {strides = array<i32>} : memref<128xf32, #tpu.memory_space<vmem>>, vector<16xf32>,
      %get3A_159 = arith.constant 80 : index
      %get3A_160 = tpu.vector_load %arg12[%get3A_159] {strides = array<i32>} : memref<128xi32, #tpu.memory_space<vmem>>, vector<16xi32>,
      %get3A_161 = arith.constant 80 : index
      %get3A_162 = tpu.vector_load %arg13[%get3A_161] {strides = array<i32>} : memref<128xi32, #tpu.memory_space<vmem>>, vector<16xi32>,
      %gather3A_163 = tpu.vector_load_idx %arg9[%get3A_160] : memref<10000xf32, #tpu.memory_space<vmem>>[vector<16xi32>], vector<16xf32>,
      %gather3A_164 = tpu.vector_load_idx %arg10[%get3A_162] : memref<10000xf32, #tpu.memory_space<vmem>>[vector<16xi32>], vector<16xf32>,
      %add3A_165 = arith.addf %gather3A_163, %gather3A_164 : vector<16xf32>
      %mul3A_166 = arith.constant 2.000000e-01 : f32
      %mul3A_167 = vector.broadcast %mul3A_166 : f32 to vector<16xf32>
      %mul3A_168 = arith.mulf %mul3A_167, %add3A_165 : vector<16xf32>
      %max3A_169 = arith.maximumf %add3A_165, %mul3A_168 : vector<16xf32>
      %exp3A_170 = math.exp %max3A_169 : vector<16xf32>
      %swap3A_171 = arith.constant 80 : index
      %swap3A_172 = tpu.vector_load %arg14[%swap3A_171] {strides = array<i32>} : memref<128xf32, #tpu.memory_space<vmem>>, vector<16xf32>,
      tpu.vector_store %arg14[%swap3A_171], %exp3A_170 {strides = array<i32>} : memref<128xf32, #tpu.memory_space<vmem>>, vector<16xf32>,
      %get3A_173 = arith.constant 96 : index
      %get3A_174 = tpu.vector_load %arg12[%get3A_173] {strides = array<i32>} : memref<128xi32, #tpu.memory_space<vmem>>, vector<16xi32>,
      %get3A_175 = arith.constant 96 : index
      %get3A_176 = tpu.vector_load %arg13[%get3A_175] {strides = array<i32>} : memref<128xi32, #tpu.memory_space<vmem>>, vector<16xi32>,
      %gather3A_177 = tpu.vector_load_idx %arg9[%get3A_174] : memref<10000xf32, #tpu.memory_space<vmem>>[vector<16xi32>], vector<16xf32>,
      %gather3A_178 = tpu.vector_load_idx %arg10[%get3A_176] : memref<10000xf32, #tpu.memory_space<vmem>>[vector<16xi32>], vector<16xf32>,
      %add3A_179 = arith.addf %gather3A_177, %gather3A_178 : vector<16xf32>
      %mul3A_180 = arith.constant 2.000000e-01 : f32
      %mul3A_181 = vector.broadcast %mul3A_180 : f32 to vector<16xf32>
      %mul3A_182 = arith.mulf %mul3A_181, %add3A_179 : vector<16xf32>
      %max3A_183 = arith.maximumf %add3A_179, %mul3A_182 : vector<16xf32>
      %exp3A_184 = math.exp %max3A_183 : vector<16xf32>
      %swap3A_185 = arith.constant 96 : index
      %swap3A_186 = tpu.vector_load %arg14[%swap3A_185] {strides = array<i32>} : memref<128xf32, #tpu.memory_space<vmem>>, vector<16xf32>,
      tpu.vector_store %arg14[%swap3A_185], %exp3A_184 {strides = array<i32>} : memref<128xf32, #tpu.memory_space<vmem>>, vector<16xf32>,
      %get3A_187 = arith.constant 112 : index
      %get3A_188 = tpu.vector_load %arg12[%get3A_187] {strides = array<i32>} : memref<128xi32, #tpu.memory_space<vmem>>, vector<16xi32>,
      %get3A_189 = arith.constant 112 : index
      %get3A_190 = tpu.vector_load %arg13[%get3A_189] {strides = array<i32>} : memref<128xi32, #tpu.memory_space<vmem>>, vector<16xi32>,
      %gather3A_191 = tpu.vector_load_idx %arg9[%get3A_188] : memref<10000xf32, #tpu.memory_space<vmem>>[vector<16xi32>], vector<16xf32>,
      %gather3A_192 = tpu.vector_load_idx %arg10[%get3A_190] : memref<10000xf32, #tpu.memory_space<vmem>>[vector<16xi32>], vector<16xf32>,
      %add3A_193 = arith.addf %gather3A_191, %gather3A_192 : vector<16xf32>
      %mul3A_194 = arith.constant 2.000000e-01 : f32
      %mul3A_195 = vector.broadcast %mul3A_194 : f32 to vector<16xf32>
      %mul3A_196 = arith.mulf %mul3A_195, %add3A_193 : vector<16xf32>
      %max3A_197 = arith.maximumf %add3A_193, %mul3A_196 : vector<16xf32>
      %exp3A_198 = math.exp %max3A_197 : vector<16xf32>
      %swap3A_199 = arith.constant 112 : index
      %swap3A_200 = tpu.vector_load %arg14[%swap3A_199] {strides = array<i32>} : memref<128xf32, #tpu.memory_space<vmem>>, vector<16xf32>,
      tpu.vector_store %arg14[%swap3A_199], %exp3A_198 {strides = array<i32>} : memref<128xf32, #tpu.memory_space<vmem>>, vector<16xf32>,
      "tpu.region"() ({
        %run_scoped3A = tpu.sem_alloc : memref<!tpu.dma_semaphore, #tpu.memory_space<semaphore_mem>>
        %dma_start3A_211 = arith.constant 0 : i32
        %dma_start3A_212 = tpu.memref_slice %arg17[%dma_start3A_211] : memref<10240xf32, #tpu.memory_space<vmem_shared>> -> memref<10240xf32, #tpu.memory_space<vmem_shared>>
        tpu.enqueue_indirect_dma source(%arg14 : memref<128xf32, #tpu.memory_space<vmem>>) target(%dma_start3A_212 : memref<10240xf32, #tpu.memory_space<vmem_shared>>) offsets(%arg13 : memref<128xi32, #tpu.memory_space<vmem>>) semaphore(%run_scoped3A : memref<!tpu.dma_semaphore, #tpu.memory_space<semaphore_mem>>) {add = true}
        %dma_wait3A_213 = arith.constant 0 : i32
        %dma_wait3A_214 = tpu.memref_slice %arg17[%dma_wait3A_213] : memref<10240xf32, #tpu.memory_space<vmem_shared>> -> memref<10240xf32, #tpu.memory_space<vmem_shared>>
        tpu.wait_indirect_dma semaphore(%run_scoped3A : memref<!tpu.dma_semaphore, #tpu.memory_space<semaphore_mem>>) src(%arg14 : memref<128xf32, #tpu.memory_space<vmem>>) dst(%dma_wait3A_214 : memref<10240xf32, #tpu.memory_space<vmem_shared>>)
        tpu.yield
      }) : () -> ()
      %dma_wait3A = arith.constant 0 : i32
      %dma_wait3A_201 = arith.constant 0 : i32
      %dma_wait3A_202 = tpu.memref_slice %arg6[%dma_wait3A, %dma_wait3A_201] : memref<10000x128xf32, #tpu.memory_space<hbm>> -> memref<10000x128xf32, #tpu.memory_space<hbm>>
      tpu.wait_indirect_dma semaphore(%arg18 : memref<!tpu.dma_semaphore, #tpu.memory_space<semaphore_mem>>) src(%dma_wait3A_202 : memref<10000x128xf32, #tpu.memory_space<hbm>>) dst(%arg11 : memref<128x128xf32, #tpu.memory_space<vmem>>)
      %scan3A_203 = arith.constant 0 : i32
      %scan3A_204 = arith.constant 0 : i32
      %scan3A_205 = arith.constant 64 : i32
      %scan3A_206 = arith.addi %scan3A_204, %scan3A_205 : i32
      %scan3A_207 = arith.constant 1 : i32
      %scan3A_208 = scf.for %scan3A_211 = %scan3A_204 to %scan3A_206 step %scan3A_207 iter_args(%scan3A_212 = %scan3A_203) -> (i32)  : i32 {
        %mul3A_213 = arith.constant 2 : i32
        %mul3A_214 = arith.muli %scan3A_211, %mul3A_213 : i32
        %broadcast_in_dim3A = arith.constant 0 : i32
        %broadcast_in_dim3A_215 = vector.broadcast %broadcast_in_dim3A : i32 to vector<16xi32>
        %add3A_216 = vector.broadcast %mul3A_214 : i32 to vector<16xi32>
        %add3A_217 = arith.addi %broadcast_in_dim3A_215, %add3A_216 : vector<16xi32>
        %gather3A_218 = tpu.vector_load_idx %arg14[%add3A_217] : memref<128xf32, #tpu.memory_space<vmem>>[vector<16xi32>], vector<16xf32>,
        %broadcast_in_dim3A_219 = arith.constant 0 : i32
        %broadcast_in_dim3A_220 = vector.broadcast %broadcast_in_dim3A_219 : i32 to vector<16xi32>
        %add3A_221 = arith.constant 1 : i32
        %add3A_222 = arith.addi %mul3A_214, %add3A_221 : i32
        %add3A_223 = vector.broadcast %add3A_222 : i32 to vector<16xi32>
        %add3A_224 = arith.addi %broadcast_in_dim3A_220, %add3A_223 : vector<16xi32>
        %gather3A_225 = tpu.vector_load_idx %arg14[%add3A_224] : memref<128xf32, #tpu.memory_space<vmem>>[vector<16xi32>], vector<16xf32>,
        %get3A_226 = arith.index_cast %mul3A_214 : i32 to index
        %get3A_227 = arith.constant 0 : index
        %get3A_228 = tpu.vector_load %arg11[%get3A_226, %get3A_227] {strides = array<i32>} : memref<128x128xf32, #tpu.memory_space<vmem>>, vector<16xf32>,
        %mul3A_229 = arith.mulf %get3A_228, %gather3A_218 : vector<16xf32>
        %swap3A_230 = arith.index_cast %mul3A_214 : i32 to index
        %swap3A_231 = arith.constant 0 : index
        %swap3A_232 = tpu.vector_load %arg11[%swap3A_230, %swap3A_231] {strides = array<i32>} : memref<128x128xf32, #tpu.memory_space<vmem>>, vector<16xf32>,
        tpu.vector_store %arg11[%swap3A_230, %swap3A_231], %mul3A_229 {strides = array<i32>} : memref<128x128xf32, #tpu.memory_space<vmem>>, vector<16xf32>,
        %add3A_233 = arith.constant 1 : i32
        %add3A_234 = arith.addi %mul3A_214, %add3A_233 : i32
        %get3A_235 = arith.index_cast %add3A_234 : i32 to index
        %get3A_236 = arith.constant 0 : index
        %get3A_237 = tpu.vector_load %arg11[%get3A_235, %get3A_236] {strides = array<i32>} : memref<128x128xf32, #tpu.memory_space<vmem>>, vector<16xf32>,
        %mul3A_238 = arith.mulf %get3A_237, %gather3A_225 : vector<16xf32>
        %add3A_239 = arith.constant 1 : i32
        %add3A_240 = arith.addi %mul3A_214, %add3A_239 : i32
        %swap3A_241 = arith.index_cast %add3A_240 : i32 to index
        %swap3A_242 = arith.constant 0 : index
        %swap3A_243 = tpu.vector_load %arg11[%swap3A_241, %swap3A_242] {strides = array<i32>} : memref<128x128xf32, #tpu.memory_space<vmem>>, vector<16xf32>,
        tpu.vector_store %arg11[%swap3A_241, %swap3A_242], %mul3A_238 {strides = array<i32>} : memref<128x128xf32, #tpu.memory_space<vmem>>, vector<16xf32>,
        %get3A_244 = arith.index_cast %mul3A_214 : i32 to index
        %get3A_245 = arith.constant 16 : index
        %get3A_246 = tpu.vector_load %arg11[%get3A_244, %get3A_245] {strides = array<i32>} : memref<128x128xf32, #tpu.memory_space<vmem>>, vector<16xf32>,
        %mul3A_247 = arith.mulf %get3A_246, %gather3A_218 : vector<16xf32>
        %swap3A_248 = arith.index_cast %mul3A_214 : i32 to index
        %swap3A_249 = arith.constant 16 : index
        %swap3A_250 = tpu.vector_load %arg11[%swap3A_248, %swap3A_249] {strides = array<i32>} : memref<128x128xf32, #tpu.memory_space<vmem>>, vector<16xf32>,
        tpu.vector_store %arg11[%swap3A_248, %swap3A_249], %mul3A_247 {strides = array<i32>} : memref<128x128xf32, #tpu.memory_space<vmem>>, vector<16xf32>,
        %add3A_251 = arith.constant 1 : i32
        %add3A_252 = arith.addi %mul3A_214, %add3A_251 : i32
        %get3A_253 = arith.index_cast %add3A_252 : i32 to index
        %get3A_254 = arith.constant 16 : index
        %get3A_255 = tpu.vector_load %arg11[%get3A_253, %get3A_254] {strides = array<i32>} : memref<128x128xf32, #tpu.memory_space<vmem>>, vector<16xf32>,
        %mul3A_256 = arith.mulf %get3A_255, %gather3A_225 : vector<16xf32>
        %add3A_257 = arith.constant 1 : i32
        %add3A_258 = arith.addi %mul3A_214, %add3A_257 : i32
        %swap3A_259 = arith.index_cast %add3A_258 : i32 to index
        %swap3A_260 = arith.constant 16 : index
        %swap3A_261 = tpu.vector_load %arg11[%swap3A_259, %swap3A_260] {strides = array<i32>} : memref<128x128xf32, #tpu.memory_space<vmem>>, vector<16xf32>,
        tpu.vector_store %arg11[%swap3A_259, %swap3A_260], %mul3A_256 {strides = array<i32>} : memref<128x128xf32, #tpu.memory_space<vmem>>, vector<16xf32>,
        %get3A_262 = arith.index_cast %mul3A_214 : i32 to index
        %get3A_263 = arith.constant 32 : index
        %get3A_264 = tpu.vector_load %arg11[%get3A_262, %get3A_263] {strides = array<i32>} : memref<128x128xf32, #tpu.memory_space<vmem>>, vector<16xf32>,
        %mul3A_265 = arith.mulf %get3A_264, %gather3A_218 : vector<16xf32>
        %swap3A_266 = arith.index_cast %mul3A_214 : i32 to index
        %swap3A_267 = arith.constant 32 : index
        %swap3A_268 = tpu.vector_load %arg11[%swap3A_266, %swap3A_267] {strides = array<i32>} : memref<128x128xf32, #tpu.memory_space<vmem>>, vector<16xf32>,
        tpu.vector_store %arg11[%swap3A_266, %swap3A_267], %mul3A_265 {strides = array<i32>} : memref<128x128xf32, #tpu.memory_space<vmem>>, vector<16xf32>,
        %add3A_269 = arith.constant 1 : i32
        %add3A_270 = arith.addi %mul3A_214, %add3A_269 : i32
        %get3A_271 = arith.index_cast %add3A_270 : i32 to index
        %get3A_272 = arith.constant 32 : index
        %get3A_273 = tpu.vector_load %arg11[%get3A_271, %get3A_272] {strides = array<i32>} : memref<128x128xf32, #tpu.memory_space<vmem>>, vector<16xf32>,
        %mul3A_274 = arith.mulf %get3A_273, %gather3A_225 : vector<16xf32>
        %add3A_275 = arith.constant 1 : i32
        %add3A_276 = arith.addi %mul3A_214, %add3A_275 : i32
        %swap3A_277 = arith.index_cast %add3A_276 : i32 to index
        %swap3A_278 = arith.constant 32 : index
        %swap3A_279 = tpu.vector_load %arg11[%swap3A_277, %swap3A_278] {strides = array<i32>} : memref<128x128xf32, #tpu.memory_space<vmem>>, vector<16xf32>,
        tpu.vector_store %arg11[%swap3A_277, %swap3A_278], %mul3A_274 {strides = array<i32>} : memref<128x128xf32, #tpu.memory_space<vmem>>, vector<16xf32>,
        %get3A_280 = arith.index_cast %mul3A_214 : i32 to index
        %get3A_281 = arith.constant 48 : index
        %get3A_282 = tpu.vector_load %arg11[%get3A_280, %get3A_281] {strides = array<i32>} : memref<128x128xf32, #tpu.memory_space<vmem>>, vector<16xf32>,
        %mul3A_283 = arith.mulf %get3A_282, %gather3A_218 : vector<16xf32>
        %swap3A_284 = arith.index_cast %mul3A_214 : i32 to index
        %swap3A_285 = arith.constant 48 : index
        %swap3A_286 = tpu.vector_load %arg11[%swap3A_284, %swap3A_285] {strides = array<i32>} : memref<128x128xf32, #tpu.memory_space<vmem>>, vector<16xf32>,
        tpu.vector_store %arg11[%swap3A_284, %swap3A_285], %mul3A_283 {strides = array<i32>} : memref<128x128xf32, #tpu.memory_space<vmem>>, vector<16xf32>,
        %add3A_287 = arith.constant 1 : i32
        %add3A_288 = arith.addi %mul3A_214, %add3A_287 : i32
        %get3A_289 = arith.index_cast %add3A_288 : i32 to index
        %get3A_290 = arith.constant 48 : index
        %get3A_291 = tpu.vector_load %arg11[%get3A_289, %get3A_290] {strides = array<i32>} : memref<128x128xf32, #tpu.memory_space<vmem>>, vector<16xf32>,
        %mul3A_292 = arith.mulf %get3A_291, %gather3A_225 : vector<16xf32>
        %add3A_293 = arith.constant 1 : i32
        %add3A_294 = arith.addi %mul3A_214, %add3A_293 : i32
        %swap3A_295 = arith.index_cast %add3A_294 : i32 to index
        %swap3A_296 = arith.constant 48 : index
        %swap3A_297 = tpu.vector_load %arg11[%swap3A_295, %swap3A_296] {strides = array<i32>} : memref<128x128xf32, #tpu.memory_space<vmem>>, vector<16xf32>,
        tpu.vector_store %arg11[%swap3A_295, %swap3A_296], %mul3A_292 {strides = array<i32>} : memref<128x128xf32, #tpu.memory_space<vmem>>, vector<16xf32>,
        %get3A_298 = arith.index_cast %mul3A_214 : i32 to index
        %get3A_299 = arith.constant 64 : index
        %get3A_300 = tpu.vector_load %arg11[%get3A_298, %get3A_299] {strides = array<i32>} : memref<128x128xf32, #tpu.memory_space<vmem>>, vector<16xf32>,
        %mul3A_301 = arith.mulf %get3A_300, %gather3A_218 : vector<16xf32>
        %swap3A_302 = arith.index_cast %mul3A_214 : i32 to index
        %swap3A_303 = arith.constant 64 : index
        %swap3A_304 = tpu.vector_load %arg11[%swap3A_302, %swap3A_303] {strides = array<i32>} : memref<128x128xf32, #tpu.memory_space<vmem>>, vector<16xf32>,
        tpu.vector_store %arg11[%swap3A_302, %swap3A_303], %mul3A_301 {strides = array<i32>} : memref<128x128xf32, #tpu.memory_space<vmem>>, vector<16xf32>,
        %add3A_305 = arith.constant 1 : i32
        %add3A_306 = arith.addi %mul3A_214, %add3A_305 : i32
        %get3A_307 = arith.index_cast %add3A_306 : i32 to index
        %get3A_308 = arith.constant 64 : index
        %get3A_309 = tpu.vector_load %arg11[%get3A_307, %get3A_308] {strides = array<i32>} : memref<128x128xf32, #tpu.memory_space<vmem>>, vector<16xf32>,
        %mul3A_310 = arith.mulf %get3A_309, %gather3A_225 : vector<16xf32>
        %add3A_311 = arith.constant 1 : i32
        %add3A_312 = arith.addi %mul3A_214, %add3A_311 : i32
        %swap3A_313 = arith.index_cast %add3A_312 : i32 to index
        %swap3A_314 = arith.constant 64 : index
        %swap3A_315 = tpu.vector_load %arg11[%swap3A_313, %swap3A_314] {strides = array<i32>} : memref<128x128xf32, #tpu.memory_space<vmem>>, vector<16xf32>,
        tpu.vector_store %arg11[%swap3A_313, %swap3A_314], %mul3A_310 {strides = array<i32>} : memref<128x128xf32, #tpu.memory_space<vmem>>, vector<16xf32>,
        %get3A_316 = arith.index_cast %mul3A_214 : i32 to index
        %get3A_317 = arith.constant 80 : index
        %get3A_318 = tpu.vector_load %arg11[%get3A_316, %get3A_317] {strides = array<i32>} : memref<128x128xf32, #tpu.memory_space<vmem>>, vector<16xf32>,
        %mul3A_319 = arith.mulf %get3A_318, %gather3A_218 : vector<16xf32>
        %swap3A_320 = arith.index_cast %mul3A_214 : i32 to index
        %swap3A_321 = arith.constant 80 : index
        %swap3A_322 = tpu.vector_load %arg11[%swap3A_320, %swap3A_321] {strides = array<i32>} : memref<128x128xf32, #tpu.memory_space<vmem>>, vector<16xf32>,
        tpu.vector_store %arg11[%swap3A_320, %swap3A_321], %mul3A_319 {strides = array<i32>} : memref<128x128xf32, #tpu.memory_space<vmem>>, vector<16xf32>,
        %add3A_323 = arith.constant 1 : i32
        %add3A_324 = arith.addi %mul3A_214, %add3A_323 : i32
        %get3A_325 = arith.index_cast %add3A_324 : i32 to index
        %get3A_326 = arith.constant 80 : index
        %get3A_327 = tpu.vector_load %arg11[%get3A_325, %get3A_326] {strides = array<i32>} : memref<128x128xf32, #tpu.memory_space<vmem>>, vector<16xf32>,
        %mul3A_328 = arith.mulf %get3A_327, %gather3A_225 : vector<16xf32>
        %add3A_329 = arith.constant 1 : i32
        %add3A_330 = arith.addi %mul3A_214, %add3A_329 : i32
        %swap3A_331 = arith.index_cast %add3A_330 : i32 to index
        %swap3A_332 = arith.constant 80 : index
        %swap3A_333 = tpu.vector_load %arg11[%swap3A_331, %swap3A_332] {strides = array<i32>} : memref<128x128xf32, #tpu.memory_space<vmem>>, vector<16xf32>,
        tpu.vector_store %arg11[%swap3A_331, %swap3A_332], %mul3A_328 {strides = array<i32>} : memref<128x128xf32, #tpu.memory_space<vmem>>, vector<16xf32>,
        %get3A_334 = arith.index_cast %mul3A_214 : i32 to index
        %get3A_335 = arith.constant 96 : index
        %get3A_336 = tpu.vector_load %arg11[%get3A_334, %get3A_335] {strides = array<i32>} : memref<128x128xf32, #tpu.memory_space<vmem>>, vector<16xf32>,
        %mul3A_337 = arith.mulf %get3A_336, %gather3A_218 : vector<16xf32>
        %swap3A_338 = arith.index_cast %mul3A_214 : i32 to index
        %swap3A_339 = arith.constant 96 : index
        %swap3A_340 = tpu.vector_load %arg11[%swap3A_338, %swap3A_339] {strides = array<i32>} : memref<128x128xf32, #tpu.memory_space<vmem>>, vector<16xf32>,
        tpu.vector_store %arg11[%swap3A_338, %swap3A_339], %mul3A_337 {strides = array<i32>} : memref<128x128xf32, #tpu.memory_space<vmem>>, vector<16xf32>,
        %add3A_341 = arith.constant 1 : i32
        %add3A_342 = arith.addi %mul3A_214, %add3A_341 : i32
        %get3A_343 = arith.index_cast %add3A_342 : i32 to index
        %get3A_344 = arith.constant 96 : index
        %get3A_345 = tpu.vector_load %arg11[%get3A_343, %get3A_344] {strides = array<i32>} : memref<128x128xf32, #tpu.memory_space<vmem>>, vector<16xf32>,
        %mul3A_346 = arith.mulf %get3A_345, %gather3A_225 : vector<16xf32>
        %add3A_347 = arith.constant 1 : i32
        %add3A_348 = arith.addi %mul3A_214, %add3A_347 : i32
        %swap3A_349 = arith.index_cast %add3A_348 : i32 to index
        %swap3A_350 = arith.constant 96 : index
        %swap3A_351 = tpu.vector_load %arg11[%swap3A_349, %swap3A_350] {strides = array<i32>} : memref<128x128xf32, #tpu.memory_space<vmem>>, vector<16xf32>,
        tpu.vector_store %arg11[%swap3A_349, %swap3A_350], %mul3A_346 {strides = array<i32>} : memref<128x128xf32, #tpu.memory_space<vmem>>, vector<16xf32>,
        %get3A_352 = arith.index_cast %mul3A_214 : i32 to index
        %get3A_353 = arith.constant 112 : index
        %get3A_354 = tpu.vector_load %arg11[%get3A_352, %get3A_353] {strides = array<i32>} : memref<128x128xf32, #tpu.memory_space<vmem>>, vector<16xf32>,
        %mul3A_355 = arith.mulf %get3A_354, %gather3A_218 : vector<16xf32>
        %swap3A_356 = arith.index_cast %mul3A_214 : i32 to index
        %swap3A_357 = arith.constant 112 : index
        %swap3A_358 = tpu.vector_load %arg11[%swap3A_356, %swap3A_357] {strides = array<i32>} : memref<128x128xf32, #tpu.memory_space<vmem>>, vector<16xf32>,
        tpu.vector_store %arg11[%swap3A_356, %swap3A_357], %mul3A_355 {strides = array<i32>} : memref<128x128xf32, #tpu.memory_space<vmem>>, vector<16xf32>,
        %add3A_359 = arith.constant 1 : i32
        %add3A_360 = arith.addi %mul3A_214, %add3A_359 : i32
        %get3A_361 = arith.index_cast %add3A_360 : i32 to index
        %get3A_362 = arith.constant 112 : index
        %get3A_363 = tpu.vector_load %arg11[%get3A_361, %get3A_362] {strides = array<i32>} : memref<128x128xf32, #tpu.memory_space<vmem>>, vector<16xf32>,
        %mul3A_364 = arith.mulf %get3A_363, %gather3A_225 : vector<16xf32>
        %add3A_365 = arith.constant 1 : i32
        %add3A_366 = arith.addi %mul3A_214, %add3A_365 : i32
        %swap3A_367 = arith.index_cast %add3A_366 : i32 to index
        %swap3A_368 = arith.constant 112 : index
        %swap3A_369 = tpu.vector_load %arg11[%swap3A_367, %swap3A_368] {strides = array<i32>} : memref<128x128xf32, #tpu.memory_space<vmem>>, vector<16xf32>,
        tpu.vector_store %arg11[%swap3A_367, %swap3A_368], %mul3A_364 {strides = array<i32>} : memref<128x128xf32, #tpu.memory_space<vmem>>, vector<16xf32>,
        %scan3A_370 = arith.constant 0 : i32
        scf.yield %scan3A_370 : i32
      }
      %scan3A_209 = arith.constant 64 : i32
      "tpu.region"() ({
        %run_scoped3A = tpu.sem_alloc : memref<!tpu.dma_semaphore, #tpu.memory_space<semaphore_mem>>
        %dma_start3A_211 = arith.constant 0 : i32
        %dma_start3A_212 = arith.constant 0 : i32
        %dma_start3A_213 = tpu.memref_slice %arg16[%dma_start3A_211, %dma_start3A_212] : memref<10000x128xf32, #tpu.memory_space<vmem_shared>> -> memref<10000x128xf32, #tpu.memory_space<vmem_shared>>
        tpu.enqueue_indirect_dma source(%arg11 : memref<128x128xf32, #tpu.memory_space<vmem>>) target(%dma_start3A_213 : memref<10000x128xf32, #tpu.memory_space<vmem_shared>>) offsets(%arg13 : memref<128xi32, #tpu.memory_space<vmem>>) semaphore(%run_scoped3A : memref<!tpu.dma_semaphore, #tpu.memory_space<semaphore_mem>>) {add = true}
        %dma_wait3A_214 = arith.constant 0 : i32
        %dma_wait3A_215 = arith.constant 0 : i32
        %dma_wait3A_216 = tpu.memref_slice %arg16[%dma_wait3A_214, %dma_wait3A_215] : memref<10000x128xf32, #tpu.memory_space<vmem_shared>> -> memref<10000x128xf32, #tpu.memory_space<vmem_shared>>
        tpu.wait_indirect_dma semaphore(%run_scoped3A : memref<!tpu.dma_semaphore, #tpu.memory_space<semaphore_mem>>) src(%arg11 : memref<128x128xf32, #tpu.memory_space<vmem>>) dst(%dma_wait3A_216 : memref<10000x128xf32, #tpu.memory_space<vmem_shared>>)
        tpu.yield
      }) : () -> ()
      %while3A_210 = arith.constant 0 : i32
      scf.yield %while3A_210 : i32
    }
    %barrier3A_61 = arith.constant 0 : index
    tpu.barrier barrier_id(%barrier3A_61)
    %while3A_62 = arith.constant 0 : i32
    %while3A_63 = arith.constant 0 : i32
    %while3A_64 = arith.subi %add3A_21, %while3A_62 : i32
    %while3A_65 = arith.addi %while3A_62, %while3A_64 : i32
    %while3A_66 = arith.constant 1 : i32
    %while3A_67 = arith.divsi %while3A_64, %while3A_66 : i32
    %while3A_68 = arith.muli %while3A_67, %while3A_66 : i32
    %while3A_69 = arith.addi %while3A_62, %while3A_68 : i32
    %while3A_70 = arith.constant 1 : i32
    %while3A_71 = scf.for %while3A_89 = %while3A_62 to %while3A_69 step %while3A_70 iter_args(%while3A_90 = %while3A_63) -> (i32)  : i32 {
      %add3A_91 = arith.addi %add3A_17, %while3A_89 : i32
      %mul3A_92 = arith.constant 128 : i32
      %mul3A_93 = arith.muli %add3A_91, %mul3A_92 : i32
      "tpu.region"() ({
        %run_scoped3A = tpu.sem_alloc : memref<!tpu.dma_semaphore, #tpu.memory_space<semaphore_mem>>
        %dma_start3A = arith.constant 0 : i32
        %dma_start3A_98 = tpu.memref_slice %arg16[%mul3A_93, %dma_start3A] : memref<10000x128xf32, #tpu.memory_space<vmem_shared>> -> memref<128x128xf32, #tpu.memory_space<vmem_shared>>
        %dma_start3A_99 = arith.constant 0 : i32
        %dma_start3A_100 = tpu.memref_slice %arg16[%mul3A_93, %dma_start3A_99] : memref<10000x128xf32, #tpu.memory_space<vmem_shared>> -> memref<128x128xf32, #tpu.memory_space<vmem_shared>>
        tpu.enqueue_dma source(%dma_start3A_100 : memref<128x128xf32, #tpu.memory_space<vmem_shared>>) target(%arg11 : memref<128x128xf32, #tpu.memory_space<vmem>>) target_semaphore(%run_scoped3A : memref<!tpu.dma_semaphore, #tpu.memory_space<semaphore_mem>>)
        %dma_wait3A = arith.constant 0 : i32
        %dma_wait3A_101 = tpu.memref_slice %arg16[%mul3A_93, %dma_wait3A] : memref<10000x128xf32, #tpu.memory_space<vmem_shared>> -> memref<128x128xf32, #tpu.memory_space<vmem_shared>>
        %dma_wait3A_102 = arith.constant 0 : i32
        %dma_wait3A_103 = tpu.memref_slice %arg16[%mul3A_93, %dma_wait3A_102] : memref<10000x128xf32, #tpu.memory_space<vmem_shared>> -> memref<128x128xf32, #tpu.memory_space<vmem_shared>>
        tpu.wait_dma2 semaphore(%run_scoped3A : memref<!tpu.dma_semaphore, #tpu.memory_space<semaphore_mem>>) src(%dma_wait3A_103 : memref<128x128xf32, #tpu.memory_space<vmem_shared>>) dst(%arg11 : memref<128x128xf32, #tpu.memory_space<vmem>>)
        tpu.yield
      }) : () -> ()
      %mul3A_94 = arith.constant 10000 : i32
      %mul3A_95 = arith.muli %arg0, %mul3A_94 : i32
      %add3A_96 = arith.addi %mul3A_95, %mul3A_93 : i32
      "tpu.region"() ({
        %run_scoped3A = tpu.sem_alloc : memref<!tpu.dma_semaphore, #tpu.memory_space<semaphore_mem>>
        %dma_start3A = arith.constant 0 : i32
        %dma_start3A_98 = tpu.memref_slice %arg7[%add3A_96, %dma_start3A] : memref<20000x128xf32, #tpu.memory_space<hbm>> -> memref<128x128xf32, #tpu.memory_space<hbm>>
        %dma_start3A_99 = arith.constant 0 : i32
        %dma_start3A_100 = tpu.memref_slice %arg7[%add3A_96, %dma_start3A_99] : memref<20000x128xf32, #tpu.memory_space<hbm>> -> memref<128x128xf32, #tpu.memory_space<hbm>>
        tpu.enqueue_dma source(%arg11 : memref<128x128xf32, #tpu.memory_space<vmem>>) target(%dma_start3A_100 : memref<128x128xf32, #tpu.memory_space<hbm>>) target_semaphore(%run_scoped3A : memref<!tpu.dma_semaphore, #tpu.memory_space<semaphore_mem>>)
        %dma_wait3A = arith.constant 0 : i32
        %dma_wait3A_101 = tpu.memref_slice %arg7[%add3A_96, %dma_wait3A] : memref<20000x128xf32, #tpu.memory_space<hbm>> -> memref<128x128xf32, #tpu.memory_space<hbm>>
        %dma_wait3A_102 = arith.constant 0 : i32
        %dma_wait3A_103 = tpu.memref_slice %arg7[%add3A_96, %dma_wait3A_102] : memref<20000x128xf32, #tpu.memory_space<hbm>> -> memref<128x128xf32, #tpu.memory_space<hbm>>
        tpu.wait_dma2 semaphore(%run_scoped3A : memref<!tpu.dma_semaphore, #tpu.memory_space<semaphore_mem>>) src(%arg11 : memref<128x128xf32, #tpu.memory_space<vmem>>) dst(%dma_wait3A_103 : memref<128x128xf32, #tpu.memory_space<hbm>>)
        tpu.yield
      }) : () -> ()
      %while3A_97 = arith.constant 0 : i32
      scf.yield %while3A_97 : i32
    }
    %while3A_72 = arith.constant 1 : i32
    %while3A_73 = scf.for %while3A_89 = %while3A_69 to %while3A_65 step %while3A_72 iter_args(%while3A_90 = %while3A_71) -> (i32)  : i32 {
      %add3A_91 = arith.addi %add3A_17, %while3A_89 : i32
      %mul3A_92 = arith.constant 128 : i32
      %mul3A_93 = arith.muli %add3A_91, %mul3A_92 : i32
      "tpu.region"() ({
        %run_scoped3A = tpu.sem_alloc : memref<!tpu.dma_semaphore, #tpu.memory_space<semaphore_mem>>
        %dma_start3A = arith.constant 0 : i32
        %dma_start3A_98 = tpu.memref_slice %arg16[%mul3A_93, %dma_start3A] : memref<10000x128xf32, #tpu.memory_space<vmem_shared>> -> memref<128x128xf32, #tpu.memory_space<vmem_shared>>
        %dma_start3A_99 = arith.constant 0 : i32
        %dma_start3A_100 = tpu.memref_slice %arg16[%mul3A_93, %dma_start3A_99] : memref<10000x128xf32, #tpu.memory_space<vmem_shared>> -> memref<128x128xf32, #tpu.memory_space<vmem_shared>>
        tpu.enqueue_dma source(%dma_start3A_100 : memref<128x128xf32, #tpu.memory_space<vmem_shared>>) target(%arg11 : memref<128x128xf32, #tpu.memory_space<vmem>>) target_semaphore(%run_scoped3A : memref<!tpu.dma_semaphore, #tpu.memory_space<semaphore_mem>>)
        %dma_wait3A = arith.constant 0 : i32
        %dma_wait3A_101 = tpu.memref_slice %arg16[%mul3A_93, %dma_wait3A] : memref<10000x128xf32, #tpu.memory_space<vmem_shared>> -> memref<128x128xf32, #tpu.memory_space<vmem_shared>>
        %dma_wait3A_102 = arith.constant 0 : i32
        %dma_wait3A_103 = tpu.memref_slice %arg16[%mul3A_93, %dma_wait3A_102] : memref<10000x128xf32, #tpu.memory_space<vmem_shared>> -> memref<128x128xf32, #tpu.memory_space<vmem_shared>>
        tpu.wait_dma2 semaphore(%run_scoped3A : memref<!tpu.dma_semaphore, #tpu.memory_space<semaphore_mem>>) src(%dma_wait3A_103 : memref<128x128xf32, #tpu.memory_space<vmem_shared>>) dst(%arg11 : memref<128x128xf32, #tpu.memory_space<vmem>>)
        tpu.yield
      }) : () -> ()
      %mul3A_94 = arith.constant 10000 : i32
      %mul3A_95 = arith.muli %arg0, %mul3A_94 : i32
      %add3A_96 = arith.addi %mul3A_95, %mul3A_93 : i32
      "tpu.region"() ({
        %run_scoped3A = tpu.sem_alloc : memref<!tpu.dma_semaphore, #tpu.memory_space<semaphore_mem>>
        %dma_start3A = arith.constant 0 : i32
        %dma_start3A_98 = tpu.memref_slice %arg7[%add3A_96, %dma_start3A] : memref<20000x128xf32, #tpu.memory_space<hbm>> -> memref<128x128xf32, #tpu.memory_space<hbm>>
        %dma_start3A_99 = arith.constant 0 : i32
        %dma_start3A_100 = tpu.memref_slice %arg7[%add3A_96, %dma_start3A_99] : memref<20000x128xf32, #tpu.memory_space<hbm>> -> memref<128x128xf32, #tpu.memory_space<hbm>>
        tpu.enqueue_dma source(%arg11 : memref<128x128xf32, #tpu.memory_space<vmem>>) target(%dma_start3A_100 : memref<128x128xf32, #tpu.memory_space<hbm>>) target_semaphore(%run_scoped3A : memref<!tpu.dma_semaphore, #tpu.memory_space<semaphore_mem>>)
        %dma_wait3A = arith.constant 0 : i32
        %dma_wait3A_101 = tpu.memref_slice %arg7[%add3A_96, %dma_wait3A] : memref<20000x128xf32, #tpu.memory_space<hbm>> -> memref<128x128xf32, #tpu.memory_space<hbm>>
        %dma_wait3A_102 = arith.constant 0 : i32
        %dma_wait3A_103 = tpu.memref_slice %arg7[%add3A_96, %dma_wait3A_102] : memref<20000x128xf32, #tpu.memory_space<hbm>> -> memref<128x128xf32, #tpu.memory_space<hbm>>
        tpu.wait_dma2 semaphore(%run_scoped3A : memref<!tpu.dma_semaphore, #tpu.memory_space<semaphore_mem>>) src(%arg11 : memref<128x128xf32, #tpu.memory_space<vmem>>) dst(%dma_wait3A_103 : memref<128x128xf32, #tpu.memory_space<hbm>>)
        tpu.yield
      }) : () -> ()
      %while3A_97 = arith.constant 0 : i32
      scf.yield %while3A_97 : i32
    }
    %eq3A_74 = arith.constant 15 : i32
    %eq3A_75 = arith.cmpi eq, %arg1, %eq3A_74 : i32
    %convert_element_type3A_76 = arith.extui %eq3A_75 : i1 to i32
    %cond3A_77 = arith.constant 0 : i32
    %cond3A_78 = arith.cmpi ne, %convert_element_type3A_76, %cond3A_77 : i32
    scf.if %cond3A_78 {
      "tpu.region"() ({
        %run_scoped3A = tpu.sem_alloc : memref<!tpu.dma_semaphore, #tpu.memory_space<semaphore_mem>>
        %dma_start3A = arith.constant 0 : i32
        %dma_start3A_94 = arith.constant 0 : i32
        %dma_start3A_95 = tpu.memref_slice %arg11[%dma_start3A, %dma_start3A_94] : memref<128x128xf32, #tpu.memory_space<vmem>> -> memref<16x128xf32, #tpu.memory_space<vmem>>
        %dma_start3A_96 = arith.constant 9984 : i32
        %dma_start3A_97 = arith.constant 0 : i32
        %dma_start3A_98 = tpu.memref_slice %arg16[%dma_start3A_96, %dma_start3A_97] : memref<10000x128xf32, #tpu.memory_space<vmem_shared>> -> memref<16x128xf32, #tpu.memory_space<vmem_shared>>
        %dma_start3A_99 = arith.constant 0 : i32
        %dma_start3A_100 = arith.constant 0 : i32
        %dma_start3A_101 = tpu.memref_slice %arg11[%dma_start3A_99, %dma_start3A_100] : memref<128x128xf32, #tpu.memory_space<vmem>> -> memref<16x128xf32, #tpu.memory_space<vmem>>
        %dma_start3A_102 = arith.constant 9984 : i32
        %dma_start3A_103 = arith.constant 0 : i32
        %dma_start3A_104 = tpu.memref_slice %arg16[%dma_start3A_102, %dma_start3A_103] : memref<10000x128xf32, #tpu.memory_space<vmem_shared>> -> memref<16x128xf32, #tpu.memory_space<vmem_shared>>
        tpu.enqueue_dma source(%dma_start3A_104 : memref<16x128xf32, #tpu.memory_space<vmem_shared>>) target(%dma_start3A_101 : memref<16x128xf32, #tpu.memory_space<vmem>>) target_semaphore(%run_scoped3A : memref<!tpu.dma_semaphore, #tpu.memory_space<semaphore_mem>>)
        %dma_wait3A = arith.constant 0 : i32
        %dma_wait3A_105 = arith.constant 0 : i32
        %dma_wait3A_106 = tpu.memref_slice %arg11[%dma_wait3A, %dma_wait3A_105] : memref<128x128xf32, #tpu.memory_space<vmem>> -> memref<16x128xf32, #tpu.memory_space<vmem>>
        %dma_wait3A_107 = arith.constant 9984 : i32
        %dma_wait3A_108 = arith.constant 0 : i32
        %dma_wait3A_109 = tpu.memref_slice %arg16[%dma_wait3A_107, %dma_wait3A_108] : memref<10000x128xf32, #tpu.memory_space<vmem_shared>> -> memref<16x128xf32, #tpu.memory_space<vmem_shared>>
        %dma_wait3A_110 = arith.constant 0 : i32
        %dma_wait3A_111 = arith.constant 0 : i32
        %dma_wait3A_112 = tpu.memref_slice %arg11[%dma_wait3A_110, %dma_wait3A_111] : memref<128x128xf32, #tpu.memory_space<vmem>> -> memref<16x128xf32, #tpu.memory_space<vmem>>
        %dma_wait3A_113 = arith.constant 9984 : i32
        %dma_wait3A_114 = arith.constant 0 : i32
        %dma_wait3A_115 = tpu.memref_slice %arg16[%dma_wait3A_113, %dma_wait3A_114] : memref<10000x128xf32, #tpu.memory_space<vmem_shared>> -> memref<16x128xf32, #tpu.memory_space<vmem_shared>>
        tpu.wait_dma2 semaphore(%run_scoped3A : memref<!tpu.dma_semaphore, #tpu.memory_space<semaphore_mem>>) src(%dma_wait3A_115 : memref<16x128xf32, #tpu.memory_space<vmem_shared>>) dst(%dma_wait3A_112 : memref<16x128xf32, #tpu.memory_space<vmem>>)
        tpu.yield
      }) : () -> ()
      %mul3A_89 = arith.constant 10000 : i32
      %mul3A_90 = arith.muli %arg0, %mul3A_89 : i32
      %add3A_91 = arith.constant 10000 : i32
      %add3A_92 = arith.addi %mul3A_90, %add3A_91 : i32
      %sub3A = arith.constant 16 : i32
      %sub3A_93 = arith.subi %add3A_92, %sub3A : i32
      "tpu.region"() ({
        %run_scoped3A = tpu.sem_alloc : memref<!tpu.dma_semaphore, #tpu.memory_space<semaphore_mem>>
        %dma_start3A = arith.constant 0 : i32
        %dma_start3A_94 = arith.constant 0 : i32
        %dma_start3A_95 = tpu.memref_slice %arg11[%dma_start3A, %dma_start3A_94] : memref<128x128xf32, #tpu.memory_space<vmem>> -> memref<16x128xf32, #tpu.memory_space<vmem>>
        %dma_start3A_96 = arith.constant 0 : i32
        %dma_start3A_97 = tpu.memref_slice %arg7[%sub3A_93, %dma_start3A_96] : memref<20000x128xf32, #tpu.memory_space<hbm>> -> memref<16x128xf32, #tpu.memory_space<hbm>>
        %dma_start3A_98 = arith.constant 0 : i32
        %dma_start3A_99 = tpu.memref_slice %arg7[%sub3A_93, %dma_start3A_98] : memref<20000x128xf32, #tpu.memory_space<hbm>> -> memref<16x128xf32, #tpu.memory_space<hbm>>
        %dma_start3A_100 = arith.constant 0 : i32
        %dma_start3A_101 = arith.constant 0 : i32
        %dma_start3A_102 = tpu.memref_slice %arg11[%dma_start3A_100, %dma_start3A_101] : memref<128x128xf32, #tpu.memory_space<vmem>> -> memref<16x128xf32, #tpu.memory_space<vmem>>
        tpu.enqueue_dma source(%dma_start3A_102 : memref<16x128xf32, #tpu.memory_space<vmem>>) target(%dma_start3A_99 : memref<16x128xf32, #tpu.memory_space<hbm>>) target_semaphore(%run_scoped3A : memref<!tpu.dma_semaphore, #tpu.memory_space<semaphore_mem>>)
        %dma_wait3A = arith.constant 0 : i32
        %dma_wait3A_103 = arith.constant 0 : i32
        %dma_wait3A_104 = tpu.memref_slice %arg11[%dma_wait3A, %dma_wait3A_103] : memref<128x128xf32, #tpu.memory_space<vmem>> -> memref<16x128xf32, #tpu.memory_space<vmem>>
        %dma_wait3A_105 = arith.constant 0 : i32
        %dma_wait3A_106 = tpu.memref_slice %arg7[%sub3A_93, %dma_wait3A_105] : memref<20000x128xf32, #tpu.memory_space<hbm>> -> memref<16x128xf32, #tpu.memory_space<hbm>>
        %dma_wait3A_107 = arith.constant 0 : i32
        %dma_wait3A_108 = tpu.memref_slice %arg7[%sub3A_93, %dma_wait3A_107] : memref<20000x128xf32, #tpu.memory_space<hbm>> -> memref<16x128xf32, #tpu.memory_space<hbm>>
        %dma_wait3A_109 = arith.constant 0 : i32
        %dma_wait3A_110 = arith.constant 0 : i32
        %dma_wait3A_111 = tpu.memref_slice %arg11[%dma_wait3A_109, %dma_wait3A_110] : memref<128x128xf32, #tpu.memory_space<vmem>> -> memref<16x128xf32, #tpu.memory_space<vmem>>
        tpu.wait_dma2 semaphore(%run_scoped3A : memref<!tpu.dma_semaphore, #tpu.memory_space<semaphore_mem>>) src(%dma_wait3A_111 : memref<16x128xf32, #tpu.memory_space<vmem>>) dst(%dma_wait3A_108 : memref<16x128xf32, #tpu.memory_space<hbm>>)
        tpu.yield
      }) : () -> ()
    } else {
    }
    %lt3A_79 = arith.constant 15 : i32
    %lt3A_80 = arith.cmpi slt, %arg1, %lt3A_79 : i32
    %convert_element_type3A_81 = arith.extui %lt3A_80 : i1 to i32
    %cond3A_82 = arith.constant 0 : i32
    %cond3A_83 = arith.cmpi ne, %convert_element_type3A_81, %cond3A_82 : i32
    scf.if %cond3A_83 {
      %mul3A_89 = arith.constant 640 : i32
      %mul3A_90 = arith.muli %arg1, %mul3A_89 : i32
      "tpu.region"() ({
        %run_scoped3A = tpu.sem_alloc : memref<!tpu.dma_semaphore, #tpu.memory_space<semaphore_mem>>
        %dma_start3A = tpu.memref_slice %arg17[%mul3A_90] : memref<10240xf32, #tpu.memory_space<vmem_shared>> -> memref<640xf32, #tpu.memory_space<vmem_shared>>
        %dma_start3A_96 = tpu.memref_slice %arg17[%mul3A_90] : memref<10240xf32, #tpu.memory_space<vmem_shared>> -> memref<640xf32, #tpu.memory_space<vmem_shared>>
        tpu.enqueue_dma source(%dma_start3A_96 : memref<640xf32, #tpu.memory_space<vmem_shared>>) target(%arg15 : memref<640xf32, #tpu.memory_space<vmem>>) target_semaphore(%run_scoped3A : memref<!tpu.dma_semaphore, #tpu.memory_space<semaphore_mem>>)
        %dma_wait3A = tpu.memref_slice %arg17[%mul3A_90] : memref<10240xf32, #tpu.memory_space<vmem_shared>> -> memref<640xf32, #tpu.memory_space<vmem_shared>>
        %dma_wait3A_97 = tpu.memref_slice %arg17[%mul3A_90] : memref<10240xf32, #tpu.memory_space<vmem_shared>> -> memref<640xf32, #tpu.memory_space<vmem_shared>>
        tpu.wait_dma2 semaphore(%run_scoped3A : memref<!tpu.dma_semaphore, #tpu.memory_space<semaphore_mem>>) src(%dma_wait3A_97 : memref<640xf32, #tpu.memory_space<vmem_shared>>) dst(%arg15 : memref<640xf32, #tpu.memory_space<vmem>>)
        tpu.yield
      }) : () -> ()
      %mul3A_91 = arith.constant 10000 : i32
      %mul3A_92 = arith.muli %arg0, %mul3A_91 : i32
      %mul3A_93 = arith.constant 640 : i32
      %mul3A_94 = arith.muli %arg1, %mul3A_93 : i32
      %add3A_95 = arith.addi %mul3A_92, %mul3A_94 : i32
      "tpu.region"() ({
        %run_scoped3A = tpu.sem_alloc : memref<!tpu.dma_semaphore, #tpu.memory_space<semaphore_mem>>
        %dma_start3A = tpu.memref_slice %arg8[%add3A_95] : memref<20000xf32, #tpu.memory_space<hbm>> -> memref<640xf32, #tpu.memory_space<hbm>>
        %dma_start3A_96 = tpu.memref_slice %arg8[%add3A_95] : memref<20000xf32, #tpu.memory_space<hbm>> -> memref<640xf32, #tpu.memory_space<hbm>>
        tpu.enqueue_dma source(%arg15 : memref<640xf32, #tpu.memory_space<vmem>>) target(%dma_start3A_96 : memref<640xf32, #tpu.memory_space<hbm>>) target_semaphore(%run_scoped3A : memref<!tpu.dma_semaphore, #tpu.memory_space<semaphore_mem>>)
        %dma_wait3A = tpu.memref_slice %arg8[%add3A_95] : memref<20000xf32, #tpu.memory_space<hbm>> -> memref<640xf32, #tpu.memory_space<hbm>>
        %dma_wait3A_97 = tpu.memref_slice %arg8[%add3A_95] : memref<20000xf32, #tpu.memory_space<hbm>> -> memref<640xf32, #tpu.memory_space<hbm>>
        tpu.wait_dma2 semaphore(%run_scoped3A : memref<!tpu.dma_semaphore, #tpu.memory_space<semaphore_mem>>) src(%arg15 : memref<640xf32, #tpu.memory_space<vmem>>) dst(%dma_wait3A_97 : memref<640xf32, #tpu.memory_space<hbm>>)
        tpu.yield
      }) : () -> ()
    } else {
    }
    %eq3A_84 = arith.constant 15 : i32
    %eq3A_85 = arith.cmpi eq, %arg1, %eq3A_84 : i32
    %convert_element_type3A_86 = arith.extui %eq3A_85 : i1 to i32
    %cond3A_87 = arith.constant 0 : i32
    %cond3A_88 = arith.cmpi ne, %convert_element_type3A_86, %cond3A_87 : i32
    scf.if %cond3A_88 {
      "tpu.region"() ({
        %run_scoped3A = tpu.sem_alloc : memref<!tpu.dma_semaphore, #tpu.memory_space<semaphore_mem>>
        %dma_start3A = arith.constant 0 : i32
        %dma_start3A_93 = tpu.memref_slice %arg15[%dma_start3A] : memref<640xf32, #tpu.memory_space<vmem>> -> memref<400xf32, #tpu.memory_space<vmem>>
        %dma_start3A_94 = arith.constant 9600 : i32
        %dma_start3A_95 = tpu.memref_slice %arg17[%dma_start3A_94] : memref<10240xf32, #tpu.memory_space<vmem_shared>> -> memref<400xf32, #tpu.memory_space<vmem_shared>>
        %dma_start3A_96 = arith.constant 0 : i32
        %dma_start3A_97 = tpu.memref_slice %arg15[%dma_start3A_96] : memref<640xf32, #tpu.memory_space<vmem>> -> memref<400xf32, #tpu.memory_space<vmem>>
        %dma_start3A_98 = arith.constant 9600 : i32
        %dma_start3A_99 = tpu.memref_slice %arg17[%dma_start3A_98] : memref<10240xf32, #tpu.memory_space<vmem_shared>> -> memref<400xf32, #tpu.memory_space<vmem_shared>>
        tpu.enqueue_dma source(%dma_start3A_99 : memref<400xf32, #tpu.memory_space<vmem_shared>>) target(%dma_start3A_97 : memref<400xf32, #tpu.memory_space<vmem>>) target_semaphore(%run_scoped3A : memref<!tpu.dma_semaphore, #tpu.memory_space<semaphore_mem>>)
        %dma_wait3A = arith.constant 0 : i32
        %dma_wait3A_100 = tpu.memref_slice %arg15[%dma_wait3A] : memref<640xf32, #tpu.memory_space<vmem>> -> memref<400xf32, #tpu.memory_space<vmem>>
        %dma_wait3A_101 = arith.constant 9600 : i32
        %dma_wait3A_102 = tpu.memref_slice %arg17[%dma_wait3A_101] : memref<10240xf32, #tpu.memory_space<vmem_shared>> -> memref<400xf32, #tpu.memory_space<vmem_shared>>
        %dma_wait3A_103 = arith.constant 0 : i32
        %dma_wait3A_104 = tpu.memref_slice %arg15[%dma_wait3A_103] : memref<640xf32, #tpu.memory_space<vmem>> -> memref<400xf32, #tpu.memory_space<vmem>>
        %dma_wait3A_105 = arith.constant 9600 : i32
        %dma_wait3A_106 = tpu.memref_slice %arg17[%dma_wait3A_105] : memref<10240xf32, #tpu.memory_space<vmem_shared>> -> memref<400xf32, #tpu.memory_space<vmem_shared>>
        tpu.wait_dma2 semaphore(%run_scoped3A : memref<!tpu.dma_semaphore, #tpu.memory_space<semaphore_mem>>) src(%dma_wait3A_106 : memref<400xf32, #tpu.memory_space<vmem_shared>>) dst(%dma_wait3A_104 : memref<400xf32, #tpu.memory_space<vmem>>)
        tpu.yield
      }) : () -> ()
      %mul3A_89 = arith.constant 10000 : i32
      %mul3A_90 = arith.muli %arg0, %mul3A_89 : i32
      %add3A_91 = arith.constant 9600 : i32
      %add3A_92 = arith.addi %mul3A_90, %add3A_91 : i32
      "tpu.region"() ({
        %run_scoped3A = tpu.sem_alloc : memref<!tpu.dma_semaphore, #tpu.memory_space<semaphore_mem>>
        %dma_start3A = arith.constant 0 : i32
        %dma_start3A_93 = tpu.memref_slice %arg15[%dma_start3A] : memref<640xf32, #tpu.memory_space<vmem>> -> memref<400xf32, #tpu.memory_space<vmem>>
        %dma_start3A_94 = tpu.memref_slice %arg8[%add3A_92] : memref<20000xf32, #tpu.memory_space<hbm>> -> memref<400xf32, #tpu.memory_space<hbm>>
        %dma_start3A_95 = tpu.memref_slice %arg8[%add3A_92] : memref<20000xf32, #tpu.memory_space<hbm>> -> memref<400xf32, #tpu.memory_space<hbm>>
        %dma_start3A_96 = arith.constant 0 : i32
        %dma_start3A_97 = tpu.memref_slice %arg15[%dma_start3A_96] : memref<640xf32, #tpu.memory_space<vmem>> -> memref<400xf32, #tpu.memory_space<vmem>>
        tpu.enqueue_dma source(%dma_start3A_97 : memref<400xf32, #tpu.memory_space<vmem>>) target(%dma_start3A_95 : memref<400xf32, #tpu.memory_space<hbm>>) target_semaphore(%run_scoped3A : memref<!tpu.dma_semaphore, #tpu.memory_space<semaphore_mem>>)
        %dma_wait3A = arith.constant 0 : i32
        %dma_wait3A_98 = tpu.memref_slice %arg15[%dma_wait3A] : memref<640xf32, #tpu.memory_space<vmem>> -> memref<400xf32, #tpu.memory_space<vmem>>
        %dma_wait3A_99 = tpu.memref_slice %arg8[%add3A_92] : memref<20000xf32, #tpu.memory_space<hbm>> -> memref<400xf32, #tpu.memory_space<hbm>>
        %dma_wait3A_100 = tpu.memref_slice %arg8[%add3A_92] : memref<20000xf32, #tpu.memory_space<hbm>> -> memref<400xf32, #tpu.memory_space<hbm>>
        %dma_wait3A_101 = arith.constant 0 : i32
        %dma_wait3A_102 = tpu.memref_slice %arg15[%dma_wait3A_101] : memref<640xf32, #tpu.memory_space<vmem>> -> memref<400xf32, #tpu.memory_space<vmem>>
        tpu.wait_dma2 semaphore(%run_scoped3A : memref<!tpu.dma_semaphore, #tpu.memory_space<semaphore_mem>>) src(%dma_wait3A_102 : memref<400xf32, #tpu.memory_space<vmem>>) dst(%dma_wait3A_100 : memref<400xf32, #tpu.memory_space<hbm>>)
        tpu.yield
      }) : () -> ()
    } else {
    }
    return
  }
}

module attributes {stable_mosaic.version = 14 : i64} {
  func.func @_mm_score_body(%arg0: i32, %arg1: memref<1000x128xf32, #tpu.memory_space<vmem>>, %arg2: memref<128x128xf32, #tpu.memory_space<vmem>>, %arg3: memref<1x128xf32, #tpu.memory_space<vmem>>, %arg4: memref<1x128xf32, #tpu.memory_space<vmem>>, %arg5: memref<1000x128xf32, #tpu.memory_space<vmem>>, %arg6: memref<1000x1xf32, #tpu.memory_space<vmem>>, %arg7: memref<1000x1xf32, #tpu.memory_space<vmem>>) attributes {dimension_semantics = [#tpu.dimension_semantics<arbitrary>], iteration_bounds = array<i64: 10>, scalar_prefetch = 0 : i64, scratch_operands = 0 : i64, tpu.core_type = #tpu.core_type<tc>, window_params = [{transform_indices = @transform_0, window_bounds = array<i64: 1000, 128>}, {pipeline_mode = #tpu.pipeline_mode<synchronous>, transform_indices = @transform_1, window_bounds = array<i64: 128, 128>}, {pipeline_mode = #tpu.pipeline_mode<synchronous>, transform_indices = @transform_2, window_bounds = array<i64: 1, 128>}, {pipeline_mode = #tpu.pipeline_mode<synchronous>, transform_indices = @transform_3, window_bounds = array<i64: 1, 128>}, {transform_indices = @transform_4, window_bounds = array<i64: 1000, 128>}, {transform_indices = @transform_5, window_bounds = array<i64: 1000, 1>}, {transform_indices = @transform_6, window_bounds = array<i64: 1000, 1>}]} {
    %get3A = arith.constant 0 : index
    %get3A_0 = arith.constant 0 : index
    %get3A_1 = vector.load %arg1[%get3A, %get3A_0] : memref<1000x128xf32, #tpu.memory_space<vmem>>, vector<1000x128xf32>
    %get3A_2 = arith.constant 0 : index
    %get3A_3 = arith.constant 0 : index
    %get3A_4 = vector.load %arg2[%get3A_2, %get3A_3] : memref<128x128xf32, #tpu.memory_space<vmem>>, vector<128x128xf32>
    %dot_general3A = arith.constant dense<0.000000e+00> : vector<1000x128xf32>
    %dot_general3A_5 = tpu.matmul %get3A_1, %get3A_4, %dot_general3A {dimension_numbers = #tpu.dot_dimension_numbers<[1], [0], [0], [1], [0, 0, 1, 1], [], []>, transpose_lhs_hint = false} : vector<1000x128xf32>, vector<128x128xf32>, vector<1000x128xf32> -> vector<1000x128xf32>
    %swap3A = arith.constant 0 : index
    %swap3A_6 = arith.constant 0 : index
    %swap3A_7 = vector.load %arg5[%swap3A, %swap3A_6] : memref<1000x128xf32, #tpu.memory_space<vmem>>, vector<1000x128xf32>
    tpu.vector_store %arg5[%swap3A, %swap3A_6], %dot_general3A_5 {strides = array<i32>} : memref<1000x128xf32, #tpu.memory_space<vmem>>, vector<1000x128xf32>,
    %get3A_8 = arith.constant 0 : index
    %get3A_9 = arith.constant 0 : index
    %get3A_10 = vector.load %arg3[%get3A_8, %get3A_9] : memref<1x128xf32, #tpu.memory_space<vmem>>, vector<1x128xf32>
    %mul3A = vector.broadcast %get3A_10 : vector<1x128xf32> to vector<1000x128xf32>
    %mul3A_11 = arith.mulf %dot_general3A_5, %mul3A : vector<1000x128xf32>
    %reduce_sum3A = arith.constant dense<0.000000e+00> : vector<1000xf32>
    %reduce_sum3A_12 = vector.multi_reduction <add>, %mul3A_11, %reduce_sum3A [1] : vector<1000x128xf32> to vector<1000xf32>
    %broadcast_in_dim3A = vector.shape_cast %reduce_sum3A_12 : vector<1000xf32> to vector<1000x1xf32>
    %swap3A_13 = arith.constant 0 : index
    %swap3A_14 = arith.constant 0 : index
    %swap3A_15 = vector.load %arg6[%swap3A_13, %swap3A_14] : memref<1000x1xf32, #tpu.memory_space<vmem>>, vector<1000x1xf32>
    tpu.vector_store %arg6[%swap3A_13, %swap3A_14], %broadcast_in_dim3A {strides = array<i32>} : memref<1000x1xf32, #tpu.memory_space<vmem>>, vector<1000x1xf32>,
    %get3A_16 = arith.constant 0 : index
    %get3A_17 = arith.constant 0 : index
    %get3A_18 = vector.load %arg4[%get3A_16, %get3A_17] : memref<1x128xf32, #tpu.memory_space<vmem>>, vector<1x128xf32>
    %mul3A_19 = vector.broadcast %get3A_18 : vector<1x128xf32> to vector<1000x128xf32>
    %mul3A_20 = arith.mulf %dot_general3A_5, %mul3A_19 : vector<1000x128xf32>
    %reduce_sum3A_21 = arith.constant dense<0.000000e+00> : vector<1000xf32>
    %reduce_sum3A_22 = vector.multi_reduction <add>, %mul3A_20, %reduce_sum3A_21 [1] : vector<1000x128xf32> to vector<1000xf32>
    %broadcast_in_dim3A_23 = vector.shape_cast %reduce_sum3A_22 : vector<1000xf32> to vector<1000x1xf32>
    %swap3A_24 = arith.constant 0 : index
    %swap3A_25 = arith.constant 0 : index
    %swap3A_26 = vector.load %arg7[%swap3A_24, %swap3A_25] : memref<1000x1xf32, #tpu.memory_space<vmem>>, vector<1000x1xf32>
    tpu.vector_store %arg7[%swap3A_24, %swap3A_25], %broadcast_in_dim3A_23 {strides = array<i32>} : memref<1000x1xf32, #tpu.memory_space<vmem>>, vector<1000x1xf32>,
    return
  }
  func.func @transform_0(%arg0: i32) -> (i32, i32) {
    %c0_i32 = arith.constant 0 : i32
    %c0_i32_0 = arith.constant 0 : i32
    return %arg0, %c0_i32 : i32, i32
  }
  func.func @transform_1(%arg0: i32) -> (i32, i32) {
    %c0_i32 = arith.constant 0 : i32
    %c0_i32_0 = arith.constant 0 : i32
    %c0_i32_1 = arith.constant 0 : i32
    return %c0_i32, %c0_i32_0 : i32, i32
  }
  func.func @transform_2(%arg0: i32) -> (i32, i32) {
    %c0_i32 = arith.constant 0 : i32
    %c0_i32_0 = arith.constant 0 : i32
    %c0_i32_1 = arith.constant 0 : i32
    return %c0_i32, %c0_i32_0 : i32, i32
  }
  func.func @transform_3(%arg0: i32) -> (i32, i32) {
    %c0_i32 = arith.constant 0 : i32
    %c0_i32_0 = arith.constant 0 : i32
    %c0_i32_1 = arith.constant 0 : i32
    return %c0_i32, %c0_i32_0 : i32, i32
  }
  func.func @transform_4(%arg0: i32) -> (i32, i32) {
    %c0_i32 = arith.constant 0 : i32
    %c0_i32_0 = arith.constant 0 : i32
    return %arg0, %c0_i32 : i32, i32
  }
  func.func @transform_5(%arg0: i32) -> (i32, i32) {
    %c0_i32 = arith.constant 0 : i32
    %c0_i32_0 = arith.constant 0 : i32
    return %arg0, %c0_i32 : i32, i32
  }
  func.func @transform_6(%arg0: i32) -> (i32, i32) {
    %c0_i32 = arith.constant 0 : i32
    %c0_i32_0 = arith.constant 0 : i32
    return %arg0, %c0_i32 : i32, i32
  }
}

module attributes {stable_mosaic.version = 14 : i64} {
  func.func @_agg_body(%arg0: i32, %arg1: memref<2x1000x128xf32, #tpu.memory_space<vmem>>, %arg2: memref<1000x1xf32, #tpu.memory_space<vmem>>, %arg3: memref<1000x1xf32, #tpu.memory_space<vmem>>, %arg4: memref<1000x128xf32, #tpu.memory_space<vmem>>, %arg5: memref<8x128xf32, #tpu.memory_space<vmem>>) attributes {dimension_semantics = [#tpu.dimension_semantics<arbitrary>], iteration_bounds = array<i64: 10>, scalar_prefetch = 0 : i64, scratch_operands = 0 : i64, tpu.core_type = #tpu.core_type<tc>, window_params = [{transform_indices = @transform_0, window_bounds = array<i64: 2, 1000, 128>}, {transform_indices = @transform_1, window_bounds = array<i64: 1000, 1>}, {transform_indices = @transform_2, window_bounds = array<i64: 1000, 1>}, {transform_indices = @transform_3, window_bounds = array<i64: 1000, 128>}, {pipeline_mode = #tpu.pipeline_mode<synchronous>, transform_indices = @transform_4, window_bounds = array<i64: 8, 128>}]} {
    %get3A = arith.constant 0 : index
    %get3A_0 = arith.constant 0 : index
    %get3A_1 = arith.constant 0 : index
    %get3A_2 = vector.load %arg1[%get3A, %get3A_0, %get3A_1] : memref<2x1000x128xf32, #tpu.memory_space<vmem>>, vector<1x1000x128xf32>
    %get3A_3 = vector.shape_cast %get3A_2 : vector<1x1000x128xf32> to vector<1000x128xf32>
    %get3A_4 = arith.constant 1 : index
    %get3A_5 = arith.constant 0 : index
    %get3A_6 = arith.constant 0 : index
    %get3A_7 = vector.load %arg1[%get3A_4, %get3A_5, %get3A_6] : memref<2x1000x128xf32, #tpu.memory_space<vmem>>, vector<1x1000x128xf32>
    %get3A_8 = vector.shape_cast %get3A_7 : vector<1x1000x128xf32> to vector<1000x128xf32>
    %add3A = arith.addf %get3A_3, %get3A_8 : vector<1000x128xf32>
    %get3A_9 = arith.constant 0 : index
    %get3A_10 = arith.constant 0 : index
    %get3A_11 = vector.load %arg2[%get3A_9, %get3A_10] : memref<1000x1xf32, #tpu.memory_space<vmem>>, vector<1000x1xf32>
    %get3A_12 = arith.constant 0 : index
    %get3A_13 = arith.constant 0 : index
    %get3A_14 = vector.load %arg3[%get3A_12, %get3A_13] : memref<1000x1xf32, #tpu.memory_space<vmem>>, vector<1000x1xf32>
    %add3A_15 = arith.addf %get3A_11, %get3A_14 : vector<1000x1xf32>
    %add3A_16 = arith.constant 9.99999971E-10 : f32
    %add3A_17 = vector.broadcast %add3A_16 : f32 to vector<1000x1xf32>
    %add3A_18 = arith.addf %add3A_15, %add3A_17 : vector<1000x1xf32>
    %div3A = vector.broadcast %add3A_18 : vector<1000x1xf32> to vector<1000x128xf32>
    %div3A_19 = arith.divf %add3A, %div3A : vector<1000x128xf32>
    %swap3A = arith.constant 0 : index
    %swap3A_20 = arith.constant 0 : index
    %swap3A_21 = vector.load %arg4[%swap3A, %swap3A_20] : memref<1000x128xf32, #tpu.memory_space<vmem>>, vector<1000x128xf32>
    tpu.vector_store %arg4[%swap3A, %swap3A_20], %div3A_19 {strides = array<i32>} : memref<1000x128xf32, #tpu.memory_space<vmem>>, vector<1000x128xf32>,
    %eq3A = arith.constant 0 : i32
    %eq3A_22 = arith.cmpi eq, %arg0, %eq3A : i32
    %convert_element_type3A = arith.extui %eq3A_22 : i1 to i32
    %cond3A = arith.constant 0 : i32
    %cond3A_23 = arith.cmpi ne, %convert_element_type3A, %cond3A : i32
    scf.if %cond3A_23 {
      %broadcast_in_dim3A_42 = arith.constant 0.000000e+00 : f32
      %broadcast_in_dim3A_43 = vector.broadcast %broadcast_in_dim3A_42 : f32 to vector<8x128xf32>
      %swap3A_44 = arith.constant 0 : index
      %swap3A_45 = arith.constant 0 : index
      %swap3A_46 = vector.load %arg5[%swap3A_44, %swap3A_45] : memref<8x128xf32, #tpu.memory_space<vmem>>, vector<8x128xf32>
      tpu.vector_store %arg5[%swap3A_44, %swap3A_45], %broadcast_in_dim3A_43 {strides = array<i32>} : memref<8x128xf32, #tpu.memory_space<vmem>>, vector<8x128xf32>,
    } else {
    }
    %get3A_24 = arith.constant 0 : index
    %get3A_25 = arith.constant 0 : index
    %get3A_26 = vector.load %arg5[%get3A_24, %get3A_25] : memref<8x128xf32, #tpu.memory_space<vmem>>, vector<1x128xf32>
    %reduce_sum3A = arith.constant dense<0.000000e+00> : vector<128xf32>
    %reduce_sum3A_27 = vector.multi_reduction <add>, %div3A_19, %reduce_sum3A [0] : vector<1000x128xf32> to vector<128xf32>
    %broadcast_in_dim3A = vector.shape_cast %reduce_sum3A_27 : vector<128xf32> to vector<1x128xf32>
    %add3A_28 = arith.addf %get3A_26, %broadcast_in_dim3A : vector<1x128xf32>
    %swap3A_29 = arith.constant 0 : index
    %swap3A_30 = arith.constant 0 : index
    %swap3A_31 = vector.load %arg5[%swap3A_29, %swap3A_30] : memref<8x128xf32, #tpu.memory_space<vmem>>, vector<1x128xf32>
    tpu.vector_store %arg5[%swap3A_29, %swap3A_30], %add3A_28 {strides = array<i32>} : memref<8x128xf32, #tpu.memory_space<vmem>>, vector<1x128xf32>,
    %get3A_32 = arith.constant 1 : index
    %get3A_33 = arith.constant 0 : index
    %get3A_34 = vector.load %arg5[%get3A_32, %get3A_33] : memref<8x128xf32, #tpu.memory_space<vmem>>, vector<1x128xf32>
    %mul3A = arith.mulf %div3A_19, %div3A_19 : vector<1000x128xf32>
    %reduce_sum3A_35 = arith.constant dense<0.000000e+00> : vector<128xf32>
    %reduce_sum3A_36 = vector.multi_reduction <add>, %mul3A, %reduce_sum3A_35 [0] : vector<1000x128xf32> to vector<128xf32>
    %broadcast_in_dim3A_37 = vector.shape_cast %reduce_sum3A_36 : vector<128xf32> to vector<1x128xf32>
    %add3A_38 = arith.addf %get3A_34, %broadcast_in_dim3A_37 : vector<1x128xf32>
    %swap3A_39 = arith.constant 1 : index
    %swap3A_40 = arith.constant 0 : index
    %swap3A_41 = vector.load %arg5[%swap3A_39, %swap3A_40] : memref<8x128xf32, #tpu.memory_space<vmem>>, vector<1x128xf32>
    tpu.vector_store %arg5[%swap3A_39, %swap3A_40], %add3A_38 {strides = array<i32>} : memref<8x128xf32, #tpu.memory_space<vmem>>, vector<1x128xf32>,
    return
  }
  func.func @transform_0(%arg0: i32) -> (i32, i32, i32) {
    %c0_i32 = arith.constant 0 : i32
    %c0_i32_0 = arith.constant 0 : i32
    %c0_i32_1 = arith.constant 0 : i32
    return %c0_i32, %arg0, %c0_i32_0 : i32, i32, i32
  }
  func.func @transform_1(%arg0: i32) -> (i32, i32) {
    %c0_i32 = arith.constant 0 : i32
    %c0_i32_0 = arith.constant 0 : i32
    return %arg0, %c0_i32 : i32, i32
  }
  func.func @transform_2(%arg0: i32) -> (i32, i32) {
    %add3A = arith.constant 10 : i32
    %add3A_0 = arith.addi %add3A, %arg0 : i32
    %c0_i32 = arith.constant 0 : i32
    %c0_i32_1 = arith.constant 0 : i32
    return %add3A_0, %c0_i32 : i32, i32
  }
  func.func @transform_3(%arg0: i32) -> (i32, i32) {
    %c0_i32 = arith.constant 0 : i32
    %c0_i32_0 = arith.constant 0 : i32
    return %arg0, %c0_i32 : i32, i32
  }
  func.func @transform_4(%arg0: i32) -> (i32, i32) {
    %c0_i32 = arith.constant 0 : i32
    %c0_i32_0 = arith.constant 0 : i32
    %c0_i32_1 = arith.constant 0 : i32
    return %c0_i32, %c0_i32_0 : i32, i32
  }
}

module attributes {stable_mosaic.version = 14 : i64} {
  func.func @_bn_mm_score_body(%arg0: i32, %arg1: memref<1000x128xf32, #tpu.memory_space<vmem>>, %arg2: memref<8x128xf32, #tpu.memory_space<vmem>>, %arg3: memref<1x128xf32, #tpu.memory_space<vmem>>, %arg4: memref<1x128xf32, #tpu.memory_space<vmem>>, %arg5: memref<128x128xf32, #tpu.memory_space<vmem>>, %arg6: memref<1x128xf32, #tpu.memory_space<vmem>>, %arg7: memref<1x128xf32, #tpu.memory_space<vmem>>, %arg8: memref<1000x128xf32, #tpu.memory_space<vmem>>, %arg9: memref<1000x1xf32, #tpu.memory_space<vmem>>, %arg10: memref<1000x1xf32, #tpu.memory_space<vmem>>) attributes {dimension_semantics = [#tpu.dimension_semantics<arbitrary>], iteration_bounds = array<i64: 10>, scalar_prefetch = 0 : i64, scratch_operands = 0 : i64, tpu.core_type = #tpu.core_type<tc>, window_params = [{transform_indices = @transform_0, window_bounds = array<i64: 1000, 128>}, {pipeline_mode = #tpu.pipeline_mode<synchronous>, transform_indices = @transform_1, window_bounds = array<i64: 8, 128>}, {pipeline_mode = #tpu.pipeline_mode<synchronous>, transform_indices = @transform_2, window_bounds = array<i64: 1, 128>}, {pipeline_mode = #tpu.pipeline_mode<synchronous>, transform_indices = @transform_3, window_bounds = array<i64: 1, 128>}, {pipeline_mode = #tpu.pipeline_mode<synchronous>, transform_indices = @transform_4, window_bounds = array<i64: 128, 128>}, {pipeline_mode = #tpu.pipeline_mode<synchronous>, transform_indices = @transform_5, window_bounds = array<i64: 1, 128>}, {pipeline_mode = #tpu.pipeline_mode<synchronous>, transform_indices = @transform_6, window_bounds = array<i64: 1, 128>}, {transform_indices = @transform_7, window_bounds = array<i64: 1000, 128>}, {transform_indices = @transform_8, window_bounds = array<i64: 1000, 1>}, {transform_indices = @transform_9, window_bounds = array<i64: 1000, 1>}]} {
    %get3A = arith.constant 0 : index
    %get3A_0 = arith.constant 0 : index
    %get3A_1 = vector.load %arg2[%get3A, %get3A_0] : memref<8x128xf32, #tpu.memory_space<vmem>>, vector<1x128xf32>
    %div3A = arith.constant 1.000000e+04 : f32
    %div3A_2 = vector.broadcast %div3A : f32 to vector<1x128xf32>
    %div3A_3 = arith.divf %get3A_1, %div3A_2 : vector<1x128xf32>
    %get3A_4 = arith.constant 1 : index
    %get3A_5 = arith.constant 0 : index
    %get3A_6 = vector.load %arg2[%get3A_4, %get3A_5] : memref<8x128xf32, #tpu.memory_space<vmem>>, vector<1x128xf32>
    %div3A_7 = arith.constant 1.000000e+04 : f32
    %div3A_8 = vector.broadcast %div3A_7 : f32 to vector<1x128xf32>
    %div3A_9 = arith.divf %get3A_6, %div3A_8 : vector<1x128xf32>
    %mul3A = arith.mulf %div3A_3, %div3A_3 : vector<1x128xf32>
    %sub3A = arith.subf %div3A_9, %mul3A : vector<1x128xf32>
    %get3A_10 = arith.constant 0 : index
    %get3A_11 = arith.constant 0 : index
    %get3A_12 = vector.load %arg3[%get3A_10, %get3A_11] : memref<1x128xf32, #tpu.memory_space<vmem>>, vector<1x128xf32>
    %get3A_13 = arith.constant 0 : index
    %get3A_14 = arith.constant 0 : index
    %get3A_15 = vector.load %arg1[%get3A_13, %get3A_14] : memref<1000x128xf32, #tpu.memory_space<vmem>>, vector<1000x128xf32>
    %sub3A_16 = vector.broadcast %div3A_3 : vector<1x128xf32> to vector<1000x128xf32>
    %sub3A_17 = arith.subf %get3A_15, %sub3A_16 : vector<1000x128xf32>
    %mul3A_18 = vector.broadcast %get3A_12 : vector<1x128xf32> to vector<1000x128xf32>
    %mul3A_19 = arith.mulf %mul3A_18, %sub3A_17 : vector<1000x128xf32>
    %add3A = arith.constant 9.99999974E-6 : f32
    %add3A_20 = vector.broadcast %add3A : f32 to vector<1x128xf32>
    %add3A_21 = arith.addf %sub3A, %add3A_20 : vector<1x128xf32>
    %rsqrt3A = math.rsqrt %add3A_21 : vector<1x128xf32>
    %mul3A_22 = vector.broadcast %rsqrt3A : vector<1x128xf32> to vector<1000x128xf32>
    %mul3A_23 = arith.mulf %mul3A_19, %mul3A_22 : vector<1000x128xf32>
    %get3A_24 = arith.constant 0 : index
    %get3A_25 = arith.constant 0 : index
    %get3A_26 = vector.load %arg4[%get3A_24, %get3A_25] : memref<1x128xf32, #tpu.memory_space<vmem>>, vector<1x128xf32>
    %add3A_27 = vector.broadcast %get3A_26 : vector<1x128xf32> to vector<1000x128xf32>
    %add3A_28 = arith.addf %mul3A_23, %add3A_27 : vector<1000x128xf32>
    %max3A = arith.constant 0.000000e+00 : f32
    %max3A_29 = vector.broadcast %max3A : f32 to vector<1000x128xf32>
    %max3A_30 = arith.maximumf %add3A_28, %max3A_29 : vector<1000x128xf32>
    %get3A_31 = arith.constant 0 : index
    %get3A_32 = arith.constant 0 : index
    %get3A_33 = vector.load %arg5[%get3A_31, %get3A_32] : memref<128x128xf32, #tpu.memory_space<vmem>>, vector<128x128xf32>
    %dot_general3A = arith.constant dense<0.000000e+00> : vector<1000x128xf32>
    %dot_general3A_34 = tpu.matmul %max3A_30, %get3A_33, %dot_general3A {dimension_numbers = #tpu.dot_dimension_numbers<[1], [0], [0], [1], [0, 0, 1, 1], [], []>, transpose_lhs_hint = false} : vector<1000x128xf32>, vector<128x128xf32>, vector<1000x128xf32> -> vector<1000x128xf32>
    %swap3A = arith.constant 0 : index
    %swap3A_35 = arith.constant 0 : index
    %swap3A_36 = vector.load %arg8[%swap3A, %swap3A_35] : memref<1000x128xf32, #tpu.memory_space<vmem>>, vector<1000x128xf32>
    tpu.vector_store %arg8[%swap3A, %swap3A_35], %dot_general3A_34 {strides = array<i32>} : memref<1000x128xf32, #tpu.memory_space<vmem>>, vector<1000x128xf32>,
    %get3A_37 = arith.constant 0 : index
    %get3A_38 = arith.constant 0 : index
    %get3A_39 = vector.load %arg6[%get3A_37, %get3A_38] : memref<1x128xf32, #tpu.memory_space<vmem>>, vector<1x128xf32>
    %mul3A_40 = vector.broadcast %get3A_39 : vector<1x128xf32> to vector<1000x128xf32>
    %mul3A_41 = arith.mulf %dot_general3A_34, %mul3A_40 : vector<1000x128xf32>
    %reduce_sum3A = arith.constant dense<0.000000e+00> : vector<1000xf32>
    %reduce_sum3A_42 = vector.multi_reduction <add>, %mul3A_41, %reduce_sum3A [1] : vector<1000x128xf32> to vector<1000xf32>
    %broadcast_in_dim3A = vector.shape_cast %reduce_sum3A_42 : vector<1000xf32> to vector<1000x1xf32>
    %swap3A_43 = arith.constant 0 : index
    %swap3A_44 = arith.constant 0 : index
    %swap3A_45 = vector.load %arg9[%swap3A_43, %swap3A_44] : memref<1000x1xf32, #tpu.memory_space<vmem>>, vector<1000x1xf32>
    tpu.vector_store %arg9[%swap3A_43, %swap3A_44], %broadcast_in_dim3A {strides = array<i32>} : memref<1000x1xf32, #tpu.memory_space<vmem>>, vector<1000x1xf32>,
    %get3A_46 = arith.constant 0 : index
    %get3A_47 = arith.constant 0 : index
    %get3A_48 = vector.load %arg7[%get3A_46, %get3A_47] : memref<1x128xf32, #tpu.memory_space<vmem>>, vector<1x128xf32>
    %mul3A_49 = vector.broadcast %get3A_48 : vector<1x128xf32> to vector<1000x128xf32>
    %mul3A_50 = arith.mulf %dot_general3A_34, %mul3A_49 : vector<1000x128xf32>
    %reduce_sum3A_51 = arith.constant dense<0.000000e+00> : vector<1000xf32>
    %reduce_sum3A_52 = vector.multi_reduction <add>, %mul3A_50, %reduce_sum3A_51 [1] : vector<1000x128xf32> to vector<1000xf32>
    %broadcast_in_dim3A_53 = vector.shape_cast %reduce_sum3A_52 : vector<1000xf32> to vector<1000x1xf32>
    %swap3A_54 = arith.constant 0 : index
    %swap3A_55 = arith.constant 0 : index
    %swap3A_56 = vector.load %arg10[%swap3A_54, %swap3A_55] : memref<1000x1xf32, #tpu.memory_space<vmem>>, vector<1000x1xf32>
    tpu.vector_store %arg10[%swap3A_54, %swap3A_55], %broadcast_in_dim3A_53 {strides = array<i32>} : memref<1000x1xf32, #tpu.memory_space<vmem>>, vector<1000x1xf32>,
    return
  }
  func.func @transform_0(%arg0: i32) -> (i32, i32) {
    %c0_i32 = arith.constant 0 : i32
    %c0_i32_0 = arith.constant 0 : i32
    return %arg0, %c0_i32 : i32, i32
  }
  func.func @transform_1(%arg0: i32) -> (i32, i32) {
    %c0_i32 = arith.constant 0 : i32
    %c0_i32_0 = arith.constant 0 : i32
    %c0_i32_1 = arith.constant 0 : i32
    return %c0_i32, %c0_i32_0 : i32, i32
  }
  func.func @transform_2(%arg0: i32) -> (i32, i32) {
    %c0_i32 = arith.constant 0 : i32
    %c0_i32_0 = arith.constant 0 : i32
    %c0_i32_1 = arith.constant 0 : i32
    return %c0_i32, %c0_i32_0 : i32, i32
  }
  func.func @transform_3(%arg0: i32) -> (i32, i32) {
    %c0_i32 = arith.constant 0 : i32
    %c0_i32_0 = arith.constant 0 : i32
    %c0_i32_1 = arith.constant 0 : i32
    return %c0_i32, %c0_i32_0 : i32, i32
  }
  func.func @transform_4(%arg0: i32) -> (i32, i32) {
    %c0_i32 = arith.constant 0 : i32
    %c0_i32_0 = arith.constant 0 : i32
    %c0_i32_1 = arith.constant 0 : i32
    return %c0_i32, %c0_i32_0 : i32, i32
  }
  func.func @transform_5(%arg0: i32) -> (i32, i32) {
    %c0_i32 = arith.constant 0 : i32
    %c0_i32_0 = arith.constant 0 : i32
    %c0_i32_1 = arith.constant 0 : i32
    return %c0_i32, %c0_i32_0 : i32, i32
  }
  func.func @transform_6(%arg0: i32) -> (i32, i32) {
    %c0_i32 = arith.constant 0 : i32
    %c0_i32_0 = arith.constant 0 : i32
    %c0_i32_1 = arith.constant 0 : i32
    return %c0_i32, %c0_i32_0 : i32, i32
  }
  func.func @transform_7(%arg0: i32) -> (i32, i32) {
    %c0_i32 = arith.constant 0 : i32
    %c0_i32_0 = arith.constant 0 : i32
    return %arg0, %c0_i32 : i32, i32
  }
  func.func @transform_8(%arg0: i32) -> (i32, i32) {
    %c0_i32 = arith.constant 0 : i32
    %c0_i32_0 = arith.constant 0 : i32
    return %arg0, %c0_i32 : i32, i32
  }
  func.func @transform_9(%arg0: i32) -> (i32, i32) {
    %c0_i32 = arith.constant 0 : i32
    %c0_i32_0 = arith.constant 0 : i32
    return %arg0, %c0_i32 : i32, i32
  }
}

module attributes {stable_mosaic.version = 14 : i64} {
  func.func @_bn_dense_body(%arg0: i32, %arg1: memref<1024x128xf32, #tpu.memory_space<vmem>>, %arg2: memref<8x128xf32, #tpu.memory_space<vmem>>, %arg3: memref<1x128xf32, #tpu.memory_space<vmem>>, %arg4: memref<1x128xf32, #tpu.memory_space<vmem>>, %arg5: memref<128x16xf32, #tpu.memory_space<vmem>>, %arg6: memref<1x16xf32, #tpu.memory_space<vmem>>, %arg7: memref<1024x16xf32, #tpu.memory_space<vmem>>) attributes {dimension_semantics = [#tpu.dimension_semantics<arbitrary>], iteration_bounds = array<i64: 1>, scalar_prefetch = 0 : i64, scratch_operands = 0 : i64, tpu.core_type = #tpu.core_type<tc>, window_params = [{transform_indices = @transform_0, window_bounds = array<i64: 1024, 128>}, {pipeline_mode = #tpu.pipeline_mode<synchronous>, transform_indices = @transform_1, window_bounds = array<i64: 8, 128>}, {pipeline_mode = #tpu.pipeline_mode<synchronous>, transform_indices = @transform_2, window_bounds = array<i64: 1, 128>}, {pipeline_mode = #tpu.pipeline_mode<synchronous>, transform_indices = @transform_3, window_bounds = array<i64: 1, 128>}, {pipeline_mode = #tpu.pipeline_mode<synchronous>, transform_indices = @transform_4, window_bounds = array<i64: 128, 16>}, {pipeline_mode = #tpu.pipeline_mode<synchronous>, transform_indices = @transform_5, window_bounds = array<i64: 1, 16>}, {transform_indices = @transform_6, window_bounds = array<i64: 1024, 16>}]} {
    %get3A = arith.constant 0 : index
    %get3A_0 = arith.constant 0 : index
    %get3A_1 = vector.load %arg2[%get3A, %get3A_0] : memref<8x128xf32, #tpu.memory_space<vmem>>, vector<1x128xf32>
    %div3A = arith.constant 1.000000e+04 : f32
    %div3A_2 = vector.broadcast %div3A : f32 to vector<1x128xf32>
    %div3A_3 = arith.divf %get3A_1, %div3A_2 : vector<1x128xf32>
    %get3A_4 = arith.constant 1 : index
    %get3A_5 = arith.constant 0 : index
    %get3A_6 = vector.load %arg2[%get3A_4, %get3A_5] : memref<8x128xf32, #tpu.memory_space<vmem>>, vector<1x128xf32>
    %div3A_7 = arith.constant 1.000000e+04 : f32
    %div3A_8 = vector.broadcast %div3A_7 : f32 to vector<1x128xf32>
    %div3A_9 = arith.divf %get3A_6, %div3A_8 : vector<1x128xf32>
    %mul3A = arith.mulf %div3A_3, %div3A_3 : vector<1x128xf32>
    %sub3A = arith.subf %div3A_9, %mul3A : vector<1x128xf32>
    %get3A_10 = arith.constant 0 : index
    %get3A_11 = arith.constant 0 : index
    %get3A_12 = vector.load %arg3[%get3A_10, %get3A_11] : memref<1x128xf32, #tpu.memory_space<vmem>>, vector<1x128xf32>
    %get3A_13 = arith.constant 0 : index
    %get3A_14 = arith.constant 0 : index
    %get3A_15 = vector.load %arg1[%get3A_13, %get3A_14] : memref<1024x128xf32, #tpu.memory_space<vmem>>, vector<1024x128xf32>
    %sub3A_16 = vector.broadcast %div3A_3 : vector<1x128xf32> to vector<1024x128xf32>
    %sub3A_17 = arith.subf %get3A_15, %sub3A_16 : vector<1024x128xf32>
    %mul3A_18 = vector.broadcast %get3A_12 : vector<1x128xf32> to vector<1024x128xf32>
    %mul3A_19 = arith.mulf %mul3A_18, %sub3A_17 : vector<1024x128xf32>
    %add3A = arith.constant 9.99999974E-6 : f32
    %add3A_20 = vector.broadcast %add3A : f32 to vector<1x128xf32>
    %add3A_21 = arith.addf %sub3A, %add3A_20 : vector<1x128xf32>
    %rsqrt3A = math.rsqrt %add3A_21 : vector<1x128xf32>
    %mul3A_22 = vector.broadcast %rsqrt3A : vector<1x128xf32> to vector<1024x128xf32>
    %mul3A_23 = arith.mulf %mul3A_19, %mul3A_22 : vector<1024x128xf32>
    %get3A_24 = arith.constant 0 : index
    %get3A_25 = arith.constant 0 : index
    %get3A_26 = vector.load %arg4[%get3A_24, %get3A_25] : memref<1x128xf32, #tpu.memory_space<vmem>>, vector<1x128xf32>
    %add3A_27 = vector.broadcast %get3A_26 : vector<1x128xf32> to vector<1024x128xf32>
    %add3A_28 = arith.addf %mul3A_23, %add3A_27 : vector<1024x128xf32>
    %max3A = arith.constant 0.000000e+00 : f32
    %max3A_29 = vector.broadcast %max3A : f32 to vector<1024x128xf32>
    %max3A_30 = arith.maximumf %add3A_28, %max3A_29 : vector<1024x128xf32>
    %get3A_31 = arith.constant 0 : index
    %get3A_32 = arith.constant 0 : index
    %get3A_33 = vector.load %arg5[%get3A_31, %get3A_32] : memref<128x16xf32, #tpu.memory_space<vmem>>, vector<128x16xf32>
    %dot_general3A = arith.constant dense<0.000000e+00> : vector<1024x16xf32>
    %dot_general3A_34 = tpu.matmul %max3A_30, %get3A_33, %dot_general3A {dimension_numbers = #tpu.dot_dimension_numbers<[1], [0], [0], [1], [0, 0, 1, 1], [], []>, transpose_lhs_hint = false} : vector<1024x128xf32>, vector<128x16xf32>, vector<1024x16xf32> -> vector<1024x16xf32>
    %get3A_35 = arith.constant 0 : index
    %get3A_36 = arith.constant 0 : index
    %get3A_37 = vector.load %arg6[%get3A_35, %get3A_36] : memref<1x16xf32, #tpu.memory_space<vmem>>, vector<1x16xf32>
    %add3A_38 = vector.broadcast %get3A_37 : vector<1x16xf32> to vector<1024x16xf32>
    %add3A_39 = arith.addf %dot_general3A_34, %add3A_38 : vector<1024x16xf32>
    %swap3A = arith.constant 0 : index
    %swap3A_40 = arith.constant 0 : index
    %swap3A_41 = vector.load %arg7[%swap3A, %swap3A_40] : memref<1024x16xf32, #tpu.memory_space<vmem>>, vector<1024x16xf32>
    tpu.vector_store %arg7[%swap3A, %swap3A_40], %add3A_39 {strides = array<i32>} : memref<1024x16xf32, #tpu.memory_space<vmem>>, vector<1024x16xf32>,
    return
  }
  func.func @transform_0(%arg0: i32) -> (i32, i32) {
    %c0_i32 = arith.constant 0 : i32
    %c0_i32_0 = arith.constant 0 : i32
    return %arg0, %c0_i32 : i32, i32
  }
  func.func @transform_1(%arg0: i32) -> (i32, i32) {
    %c0_i32 = arith.constant 0 : i32
    %c0_i32_0 = arith.constant 0 : i32
    %c0_i32_1 = arith.constant 0 : i32
    return %c0_i32, %c0_i32_0 : i32, i32
  }
  func.func @transform_2(%arg0: i32) -> (i32, i32) {
    %c0_i32 = arith.constant 0 : i32
    %c0_i32_0 = arith.constant 0 : i32
    %c0_i32_1 = arith.constant 0 : i32
    return %c0_i32, %c0_i32_0 : i32, i32
  }
  func.func @transform_3(%arg0: i32) -> (i32, i32) {
    %c0_i32 = arith.constant 0 : i32
    %c0_i32_0 = arith.constant 0 : i32
    %c0_i32_1 = arith.constant 0 : i32
    return %c0_i32, %c0_i32_0 : i32, i32
  }
  func.func @transform_4(%arg0: i32) -> (i32, i32) {
    %c0_i32 = arith.constant 0 : i32
    %c0_i32_0 = arith.constant 0 : i32
    %c0_i32_1 = arith.constant 0 : i32
    return %c0_i32, %c0_i32_0 : i32, i32
  }
  func.func @transform_5(%arg0: i32) -> (i32, i32) {
    %c0_i32 = arith.constant 0 : i32
    %c0_i32_0 = arith.constant 0 : i32
    %c0_i32_1 = arith.constant 0 : i32
    return %c0_i32, %c0_i32_0 : i32, i32
  }
  func.func @transform_6(%arg0: i32) -> (i32, i32) {
    %c0_i32 = arith.constant 0 : i32
    %c0_i32_0 = arith.constant 0 : i32
    return %arg0, %c0_i32 : i32, i32
  }
}

</mosaic_0001>

<sc_bundles>
// kernel: kernel.10.cloned.1.call-start
scs
__scs_entry_jumppad:
0x0: {  	(pc) =	sbr.rel $0x88, $3  }
0x1: {  	(tag) =	ssettag $0x0;
	lr =	simm.s32 $0x1  }
0x2: {  	[smem:$0x3F92] =	sst lr;
	_ =	strace $0xD0000000  }
0x3: {  	_ = 	snop  }
0x4: {  	_ = 	snop  }
0x5: {  	_ = 	snop  }
0x6: {  	_ = 	snop  }
0x7: {  	_ = 	snop  }
__scs_overlays_trampoline_lowered:
0x8: {  	[smem:$0x3FA1] =	sst s0  }
0x9: {  	[smem:$0x3FA2] =	sst s1  }
0xa: {  	[smem:$0x3FA3] =	sst s2  }
0xb: {  	[smem:$0x3FA4] =	sst s3  }
0xc: {  	[smem:$0x3FA5] =	sst s4  }
0xd: {  	[smem:$0x3FA6] =	sst s5  }
0xe: {  	[smem:$0x3FA7] =	sst s6  }
0xf: {  	[smem:$0x3FA8] =	sst s7  }
0x10: {  	[smem:$0x3FA9] =	sst s8  }
0x11: {  	[smem:$0x3FAA] =	sst s9;
	s0 =	simm.s32 @!p0 $0x0  }
0x12: {  	s1 =	sld [smem:$0x3F90];
	s0 =	simm.s32 @p0 $0x1  }
0x13: {  	[smem:$0x3FAB] =	sst s0;
	s0 =	simm.s32 @!p1 $0x0  }
0x14: {  	s2 =	sld [smem:$0x3F8F];
	s0 =	simm.s32 @p1 $0x1  }
0x15: {  	[smem:$0x3FAC] =	sst s0;
	s0 =	simm.s32 @!p2 $0x0  }
0x16: {  	s3 =	sld [smem:$0x3FDB];
	s0 =	simm.s32 @p2 $0x1  }
0x17: {  	s4 =	simm.s32 $0x1BF5;
	[smem:$0x3FAE] =	sst s0  }
0x18: {  	s0 =	sld [smem:$0x3F91];
	_ =	swait.ge [sflag:s4], $0x0  }
0x19: {  	s7 =	sld [smem:$0x3F92]  }
0x1a: {  	s8 =	sadd.s32 $0xFFFFE003, lr  }
0x1b: {  	s9 =	sadd.s32 $0xFFFFFEF7, lr;
	s5 =	simm.s32 $0xFFFFFFFF;
	p2 =	slt.u32 s8, $0xFFFFF086  }
0x1c: {  	p1 =	slt.u32 s9, $0xF7A;
	s5 =	simm.s32 @!p2 $0x0  }
0x1d: {  	s5 =	simm.s32 @p1 $0x1;
	p0 =	seq.s32 s7, s2  }
0x1e: {  	s7 =	smul.u32 @!p0 $0xF7A, s2;
	p2 =	seq.s32 @!p0 s5, $0x0  }
0x1f: {  	s9 =	smul.u32 $0xF7A, s1;
	s8 =	simm.s32 @!p0 $0x1BF5;
	p2 =	por !p2, p0  }
0x20: {  	[sflag:s8] =	ssyncset.s32 @!p0 $0xFFFFF086;
	s6 =	sadd.s32 @!p0 s3, s7;
	s7 =	simm.s32 @!p0 $0x108  }
0x21: {  	s3 =	sadd.s32 s3, s9;
	s6 =	sadd.s32 @!p0 $0x88, s6;
	s7 =	simm.s32 @p2 $0x1082  }
0x22: {  	[simem:s7], [sflag:s8] =	dma.local @!p0 [hbm:s6], $0xF7A  }
0x23: {  	s9 =	sor.u32 $0xD0000000, s2;
	s6 =	simm.s32 $0x108;
	_ =	swait.ge @!p0 [sflag:s8], $0x0  }
0x24: {  	s3 =	sadd.s32 $0x88, s3;
	s6 =	simm.s32 @!p1 $0x1082;
	[sflag:s4] =	ssyncset.s32 $0xFFFFF086  }
0x25: {  	[simem:s6], [sflag:s4] =	dma.local [hbm:s3], $0xF7A  }
0x26: {  	[smem:$0x3F92] =	sst s1;
	(tag) =	ssettag s2;
	_ =	strace s9  }
0x27: {  	s1 =	sld [smem:$0x3FA2]  }
0x28: {  	s2 =	sld [smem:$0x3FA3]  }
0x29: {  	s4 =	sld [smem:$0x3FA5]  }
0x2a: {  	p0 =	seq.s32 s5, $0x0;
	s5 =	sld [smem:$0x3FA6]  }
0x2b: {  	s6 =	sld [smem:$0x3FA7]  }
0x2c: {  	s7 =	sld [smem:$0x3FA8]  }
0x2d: {  	s3 =	simm.s32 $0x108;
	s8 =	sld [smem:$0x3FA9]  }
0x2e: {  	s3 =	simm.s32 @!p0 $0x1082;
	s9 =	sld [smem:$0x3FAA]  }
0x2f: {  	lr =	sadd.s32 s0, s3;
	s0 =	sld [smem:$0x3FA1]  }
0x30: {  	s3 =	sld [smem:$0x3FA4]  }
0x31: {  	[smem:$0x3FAD] =	sst s10  }
0x32: {  	s10 =	sld [smem:$0x3FAB];
	_ =	sdelay $0x3  }
0x33: {  	p0 =	seq.s32 s10, $0x1;
	s10 =	sld [smem:$0x3FAD];
	_ =	sdelay $0x3  }
0x34: {  	[smem:$0x3FAD] =	sst s10  }
0x35: {  	s10 =	sld [smem:$0x3FAC];
	_ =	sdelay $0x3  }
0x36: {  	p1 =	seq.s32 s10, $0x1;
	s10 =	sld [smem:$0x3FAD];
	_ =	sdelay $0x3  }
0x37: {  	[smem:$0x3FAD] =	sst s10  }
0x38: {  	s10 =	sld [smem:$0x3FAE]  }
0x39: {  	_ = 	snop;
	(pc) =	sbr.ind lr, $3  }
0x3a: {  	_ = 	snop  }
0x3b: {  	_ = 	snop  }
0x3c: {  	p2 =	seq.s32 s10, $0x1;
	s10 =	sld [smem:$0x3FAD]  }
0x3d: {  	_ =	shalt  }
0x3e: {  	_ =	shalt  }
0x3f: {  	_ =	shalt  }
0x40: {  	_ =	shalt  }
0x41: {  	_ =	shalt  }
0x42: {  	_ =	shalt  }
0x43: {  	_ =	shalt  }
0x44: {  	_ =	shalt  }
0x45: {  	_ =	shalt  }
0x46: {  	_ =	shalt  }
0x47: {  	_ =	shalt  }
0x48: {  	_ =	shalt  }
0x49: {  	_ =	shalt  }
0x4a: {  	_ =	shalt  }
0x4b: {  	_ =	shalt  }
0x4c: {  	_ =	shalt  }
0x4d: {  	_ =	shalt  }
0x4e: {  	_ =	shalt  }
0x4f: {  	_ =	shalt  }
0x50: {  	_ =	shalt  }
0x51: {  	_ =	shalt  }
0x52: {  	_ =	shalt  }
0x53: {  	_ =	shalt  }
0x54: {  	_ =	shalt  }
0x55: {  	_ =	shalt  }
0x56: {  	_ =	shalt  }
0x57: {  	_ =	shalt  }
0x58: {  	_ =	shalt  }
0x59: {  	_ =	shalt  }
0x5a: {  	_ =	shalt  }
0x5b: {  	_ =	shalt  }
0x5c: {  	_ =	shalt  }
0x5d: {  	_ =	shalt  }
0x5e: {  	_ =	shalt  }
0x5f: {  	_ =	shalt  }
0x60: {  	_ =	shalt  }
0x61: {  	_ =	shalt  }
0x62: {  	_ =	shalt  }
0x63: {  	_ =	shalt  }
0x64: {  	_ =	shalt  }
0x65: {  	_ =	shalt  }
0x66: {  	_ =	shalt  }
0x67: {  	_ =	shalt  }
0x68: {  	_ =	shalt  }
0x69: {  	_ =	shalt  }
0x6a: {  	_ =	shalt  }
0x6b: {  	_ =	shalt  }
0x6c: {  	_ =	shalt  }
0x6d: {  	_ =	shalt  }
0x6e: {  	_ =	shalt  }
0x6f: {  	_ =	shalt  }
0x70: {  	_ =	shalt  }
0x71: {  	_ =	shalt  }
0x72: {  	_ =	shalt  }
0x73: {  	_ =	shalt  }
0x74: {  	_ =	shalt  }
0x75: {  	_ =	shalt  }
0x76: {  	_ =	shalt  }
0x77: {  	_ =	shalt  }
0x78: {  	_ =	shalt  }
0x79: {  	_ =	shalt  }
0x7a: {  	_ =	shalt  }
0x7b: {  	_ =	shalt  }
0x7c: {  	_ =	shalt  }
0x7d: {  	_ =	shalt  }
0x7e: {  	_ =	shalt  }
0x7f: {  	_ =	shalt  }
0x80: {  	_ =	shalt  }
0x81: {  	_ =	shalt  }
0x82: {  	_ =	shalt  }
0x83: {  	_ =	shalt  }
0x84: {  	_ =	shalt  }
0x85: {  	_ =	shalt  }
0x86: {  	_ =	shalt  }
0x87: {  	_ =	shalt  }
.Lfunc_end0:
.L_simem_size_0:
called_computation_lowered:
.L_overlay_start_0:
0x88: {  	s2 =	sld [smem:$0x3FD9]  }
0x89: {  	s3 =	sld [smem:$0x3FFE];
	_ =	sdelay $0x1  }
0x8a: {  	s1 =	srdreg.scid  }
0x8b: {  	s0 =	sand.u32 $0x1, s1  }
0x8c: {  	s17 =	sshll.u32 s0, $0xA;
	s2 =	sadd.s32 s3, s2  }
0x8d: {  	s2 =	sadd.s32 s2, s17  }
0x8e: {  	[smem:$0x3FB9] =	sst s2  }
0x8f: {  	_ = 	snop  }
0x90: {  	s2 =	sld [smem:$0x3FD0];
	(tm) =	ssettm $0x1  }
0x91: {  	s18 =	sld [smem:$0x3FFB];
	_ =	sdelay $0x3  }
0x92: {  	_ =	strace s18  }
0x93: {  	s3 =	sld [smem:$0x3FFC];
	_ =	sdelay $0x3  }
0x94: {  	_ =	strace s3  }
0x95: {  	s3 =	sld [smem:$0x3FFD];
	_ =	sdelay $0x3  }
0x96: {  	_ =	strace s3  }
0x97: {  	_ =	strace $0x8FFFFFFF  }
0x98: {  	s19 =	sld [smem:$0x3FDB];
	_ =	sdelay $0x1  }
0x99: {  	s4 =	simm.s32 $_scs_section_size  }
0x9a: {  	s5 =	simm.s32 $_size__tile_overlayer_lowered;
	s6 =	simm.s32 $_tile_overlayer_lowered  }
0x9b: {  	s22 =	simm.s32 $0x1BFF;
	s21 =	sshll.u32 s6, $0x1;
	s3 =	sadd.s32 s4, s19  }
0x9c: {  	s7 =	simm.s32 $0x0;
	s20 =	sshll.u32 s5, $0x1;
	s5 =	sadd.s32 s21, s3  }
0x9d: {  	[timem:s7], [sflag:s22] =	dma.local [hbm:s5], s20  }
0x9e: {  	_ =	swait.ge [sflag:s22], s20  }
0x9f: {  	s4 =	ssub.s32 $0x0, s20;
	[sflag:s22] =	ssyncset.done $0x0  }
0xa0: {  	[sflag:s22] =	ssyncadd.s32 s4;
	_ =	sdelay $0x1  }
0xa1: {  	s23 =	simm.s32 $0x1B8B  }
0xa2: {  	_ =	swait.ge [sflag:s23], $0x1  }
0xa3: {  	[sflag:s23] =	ssyncset.done $0x0  }
0xa4: {  	s25 =	simm.s32 $0x1B8E;
	s24 =	sld [smem:$0x3FFE];
	[sflag:s23] =	ssyncadd.s32 $0xFFFFFFFF  }
0xa5: {  	s26 =	simm.s32 $execute0_lowered;
	[smem:$0x3FD2] =	sst s25  }
0xa6: {  	s5 =	sshll.u32 s26, $0x1;
	_ =	strace $0x80000046;
	[dreg:$0x1] =	wrdreg $0xFFFFFFFF  }
0xa7: {  	s28 =	simm.s32 $_size_execute0_lowered;
	s3 =	sadd.s32 s3, s5;
	[dreg:$0x0] =	wrdreg $0x0  }
0xa8: {  	s5 =	sshll.u32 s28, $0x1;
	[dreg:$0x2] =	wrdreg s3  }
0xa9: {  	[dreg:$0x3] =	wrdreg s5  }
0xaa: {  	[dreg:$0x4] =	wrdreg $0xC0  }
0xab: {  	_ =	task [dreg:s7], $0x5FFFF  }
0xac: {  	[dreg:$0x1] =	wrdreg $0xFFFFFFFF  }
0xad: {  	[dreg:$0x0] =	wrdreg $0x60  }
0xae: {  	[dreg:$0x2] =	wrdreg s24  }
0xaf: {  	[dreg:$0x3] =	wrdreg s2  }
0xb0: {  	[dreg:$0x4] =	wrdreg $0x93000  }
0xb1: {  	[dreg:$0x5] =	wrdreg $0x1CB800  }
0xb2: {  	[dreg:$0x6] =	wrdreg $0x9  }
0xb3: {  	_ =	task.clear_ibuf [dreg:s7], $0x7FFFF;
	_ =	strace $0x90000046  }
0xb4: {  	s29 =	simm.s32 $0x9;
	_ =	strace $0x80000048  }
0xb5: {  	_ =	swait.ge [sflag:s29], $0x1  }
0xb6: {  	[sflag:s29] =	ssyncadd.s32 $0xFFFFFFFF  }
0xb7: {  	_ =	strace $0x90000048  }
0xb8: {  	_ =	sfence  }
0xb9: {  	s30 =	sld [smem:$0x0];
	_ =	sdelay $0x2  }
0xba: {  	s31 =	sshll.u32 s1, $0xD;
	s1 =	sshrl.u32 s1, $0x2  }
0xbb: {  	s3 =	sand.u32 $0x4000, s31;
	s1 =	sadd.s32 s1, s30  }
0xbc: {  	s0 =	sor.u32 s3, s0;
	s1 =	sshll.u32 s1, $0x11  }
0xbd: {  	s0 =	sor.u32 s1, s0  }
0xbe: {  	s0 =	sadd.s32 $0x8F2B, s0  }
0xbf: {  	[sflag:s0] =	ssyncadd.remote.s32 $0x1  }
0xc0: {  	_ =	sfence.sel $0xFFFF  }
0xc1: {  	[dreg:$0x0] =	wrdreg $0xFFFFFFFF;
	(pc) =	sbr.abs _section_cstart, $3  }
0xc2: {  	[dreg:$0x1] =	wrdreg $0xFFFFFFFF  }
0xc3: {  	_ =	task.clear_ibuf [dreg:s7], $0x2FFFF;
	_ =	strace $0x9FFFFFFF  }
0xc4: {  	(tm) =	ssettm $0x7FFFFFFF  }
0xc5: {  	_ =	shalt  }
tec
execute0_lowered:
.L_overlay_start_1:
0x0: {  	(tag) =	ssettag $0x1  }
0x1: {  	s0 =	rddreg [dreg:$0x0]  }
0x2: {  	s2 =	rddreg [dreg:$0x2]  }
0x3: {  	s3 =	rddreg [dreg:$0x3]  }
0x4: {  	s4 =	simm.s32 $0x0;
	s1 =	srdreg.scid;
	s17 =	stileid.u32  }
0x5: {  	s28 =	simm.s32 $0x80;
	s29 =	simm.s32 $0x8F80;
	s30 =	simm.s32 $0x9000  }
0x6: {  	s31 =	simm.s32 $0x1;
	[smem:$0x7FF] =	sst s4;
	s5 =	sadd.s32 $0x33A00, s0  }
0x7: {  	s6 =	sadd.s32 $0x29C00, s0;
	s7 =	sadd.s32 $0x29600, s0;
	s9 =	sadd.s32 $0x2400, s0  }
0x8: {  	s1 =	sand.u32 $0x1, s1;
	s11 =	sshll.u32 s17, $0x1;
	s15 =	smul.u32 $0x280, s17  }
0x9: {  	p0 =	slt.u32 s17, $0xE;
	s18 =	smin.u32 s17, $0xE;
	s20 =	sadd.s32 $0x2580, s3  }
0xa: {  	s21 =	sshll.u32 s17, $0x12;
	p1 =	seq.s32 s17, $0xF;
	_ =	strace $0x80000047  }
0xb: {  	[dreg:$0x5] =	wrdreg s7;
	s7 =	sadd.s32 $0x3E200, s0;
	s8 =	ssub.s32 $0x2, s1  }
0xc: {  	s0 =	sadd.s32 $0x3D800, s0;
	s12 =	sor.u32 s1, s11;
	s19 =	smul.u32 $0x138800, s1  }
0xd: {  	s11 =	sadd.s32 $0x138000, s2;
	s1 =	smul.u32 $0x2710, s1;
	[dreg:$0x8] =	wrdreg s20  }
0xe: {  	s20 =	sshll.u32 s17, $0x10;
	s22 =	sshll.u32 s18, $0x10;
	s18 =	sshll.u32 s18, $0xE  }
0xf: {  	s10 =	sshrl.u32 s8, $0x1;
	s13 =	smul.u32 $0x4E, s12;
	s14 =	smin.u32 s12, $0x4  }
0x10: {  	s12 =	sadd.s32 s15, s3;
	s23 =	sadd.s32 s22, s21;
	s22 =	simm.s32 $0x4F00  }
0x11: {  	s8 =	ssub.s32 s8, s10;
	s10 =	simm.s32 $0x5;
	s15 =	sadd.s32 s15, s1  }
0x12: {  	s16 =	sshrl.u32 s19, $0x3;
	s1 =	sshrl.u32 s1, $0x3;
	s19 =	sadd.s32 s20, s19  }
0x13: {  	s25 =	sshrl.u32 s23, $0x2;
	s23 =	simm.s32 $0x2;
	s10 =	simm.s32 @!p0 $0x4  }
0x14: {  	s13 =	sadd.s32 s14, s13;
	p0 =	slt.u32 s17, $0x2;
	s14 =	simm.s32 $0x4F  }
0x15: {  	s15 =	sshrl.u32 s15, $0x3;
	s16 =	sadd.s32 s7, s16;
	s24 =	sadd.s32 s18, s19  }
0x16: {  	s19 =	smax.u32 s8, $0x1;
	s20 =	sadd.s32 s25, s2;
	s25 =	simm.s32 $0x2780  }
0x17: {  	s14 =	simm.s32 @!p0 $0x4E;
	s15 =	sadd.s32 s0, s15;
	s16 =	sadd.s32 $0x27000, s16  }
0x18: {  	s0 =	sadd.s32 s0, s1;
	s26 =	sshrl.u32 s24, $0x3;
	[dreg:$0x6] =	wrdreg s15  }
0x19: {  	p0 =	sne.s32 s17, $0xF;
	[dreg:$0x7] =	wrdreg s16;
	s18 =	sadd.s32 $0x4B0, s0  }
0x1a: {  	v0 =	vimm.f32 $0.0e+00;
	s21 =	sadd.s32 s26, s7;
	s26 =	simm.s32 $0x8F00;
	s0 =	simm.s32 $0x0  }
.LBB2_1:
0x1b: {  	s1 =	simm.s32 $0x0;
	s7 =	simm.s32 $0x200  }
.LBB2_2:
0x1c: {  	p2 =	sne.s32 s7, $0xFE00;
	[tilespmem:s1+$0x4F70] =	vst v0  }
0x1d: {  	[tilespmem:s1+$0x4F00] =	vst v0  }
0x1e: {  	[tilespmem:s1+$0x4F10] =	vst v0  }
.Ltmp0:
0x1f: {  	[tilespmem:s1+$0x4F20] =	vst v0;
	(pc) =	sbr.rel @p2 .LBB2_2-.Ltmp0, $4  }
0x20: {  	[tilespmem:s1+$0x4F30] =	vst v0  }
0x21: {  	[tilespmem:s1+$0x4F40] =	vst v0  }
0x22: {  	[tilespmem:s1+$0x4F50] =	vst v0  }
0x23: {  	[tilespmem:s1+$0x4F60] =	vst v0;
	s1 =	sshra.s32 s7, $0x2;
	s7 =	sadd.s32 $0x200, s7  }
0x24: {  	[tilespmem:s1+$0x4F70] =	vst v0  }
0x25: {  	[tilespmem:s1+$0x4F00] =	vst v0  }
0x26: {  	[tilespmem:s1+$0x4F10] =	vst v0  }
0x27: {  	[tilespmem:s1+$0x4F20] =	vst v0  }
0x28: {  	[tilespmem:s1+$0x4F30] =	vst v0  }
0x29: {  	[tilespmem:s1+$0x4F40] =	vst v0  }
0x2a: {  	[tilespmem:s1+$0x4F50] =	vst v0  }
0x2b: {  	[tilespmem:s1+$0x4F60] =	vst v0  }
0x2c: {  	[tilespmem:$0x9080] =	vst v0  }
0x2d: {  	[tilespmem:$0x9090] =	vst v0  }
0x2e: {  	[tilespmem:$0x90A0] =	vst v0  }
0x2f: {  	[tilespmem:$0x90B0] =	vst v0  }
0x30: {  	[tilespmem:$0x90C0] =	vst v0  }
0x31: {  	[tilespmem:$0x90D0] =	vst v0  }
0x32: {  	[tilespmem:$0x90E0] =	vst v0  }
0x33: {  	[tilespmem:$0x90F0] =	vst v0  }
0x34: {  	[tilespmem:$0x9100] =	vst v0  }
0x35: {  	[tilespmem:$0x9110] =	vst v0  }
0x36: {  	[tilespmem:$0x9120] =	vst v0  }
0x37: {  	[tilespmem:$0x9130] =	vst v0  }
0x38: {  	[tilespmem:$0x9140] =	vst v0  }
0x39: {  	[tilespmem:$0x9150] =	vst v0  }
0x3a: {  	[tilespmem:$0x9160] =	vst v0  }
0x3b: {  	[tilespmem:$0x9170] =	vst v0  }
0x3c: {  	[tilespmem:$0x9180] =	vst v0  }
0x3d: {  	[tilespmem:$0x9190] =	vst v0  }
0x3e: {  	[tilespmem:$0x91A0] =	vst v0  }
0x3f: {  	[tilespmem:$0x91B0] =	vst v0  }
0x40: {  	[tilespmem:$0x91C0] =	vst v0  }
0x41: {  	[tilespmem:$0x91D0] =	vst v0  }
0x42: {  	[tilespmem:$0x91E0] =	vst v0  }
0x43: {  	[tilespmem:$0x91F0] =	vst v0  }
0x44: {  	[tilespmem:$0x9200] =	vst v0  }
0x45: {  	[tilespmem:$0x9210] =	vst v0  }
0x46: {  	[tilespmem:$0x9220] =	vst v0  }
0x47: {  	[tilespmem:$0x9230] =	vst v0  }
0x48: {  	[tilespmem:$0x9240] =	vst v0  }
0x49: {  	[tilespmem:$0x9250] =	vst v0  }
0x4a: {  	[tilespmem:$0x9260] =	vst v0  }
0x4b: {  	[tilespmem:$0x9270] =	vst v0  }
0x4c: {  	[tilespmem:$0x9280] =	vst v0  }
0x4d: {  	[tilespmem:$0x9290] =	vst v0  }
0x4e: {  	[tilespmem:$0x92A0] =	vst v0  }
0x4f: {  	[tilespmem:$0x92B0] =	vst v0  }
0x50: {  	[tilespmem:$0x92C0] =	vst v0  }
0x51: {  	p2 =	sne.s32 s10, $0x1;
	[tilespmem:$0x92D0] =	vst v0  }
.Ltmp1:
0x52: {  	[tilespmem:$0x92E0] =	vst v0;
	(pc) =	sbr.rel @!p2 .LBB2_5-.Ltmp1, $4  }
0x53: {  	[tilespmem:$0x92F0] =	vst v0  }
0x54: {  	[spmem:s20] =	stream.linear.scatter [tilespmem:s22], [sflag:$0x2], $0x4000, $0x38;
	[tilespmem:$0x1CE00] =	vst v63  }
0x55: {  	_ =	swait.ge [sflag:s23], $0x4000  }
0x56: {  	s1 =	sadd.s32 $0xFFFFFFFF, s10;
	s7 =	smov.u32 s20;
	[sflag:s23] =	ssyncset.done $0x0  }
.LBB2_4:
0x57: {  	p3 =	sne.s32 s1, $0x1;
	[sflag:s23] =	ssyncadd.s32 $0xFFFFC000;
	s7 =	sadd.s32 $0x4000, s7  }
.Ltmp2:
0x58: {  	s1 =	sadd.s32 $0xFFFFFFFF, s1;
	(pc) =	sbr.rel @p3 .LBB2_4-.Ltmp2, $4  }
0x59: {  	_ = 	snop  }
0x5a: {  	[spmem:s7] =	stream.linear.scatter [tilespmem:s22], [sflag:$0x2], $0x4000, $0x38;
	[tilespmem:$0x1CE00] =	vst v63  }
0x5b: {  	_ =	swait.ge [sflag:s23], $0x4000  }
0x5c: {  	[sflag:s23] =	ssyncset.done $0x0  }
.LBB2_5:
0x5d: {  	[sflag:s23] =	ssyncadd.s32 $0xFFFFC000;
	s1 =	simm.s32 @!p0 $0x4F00  }
0x5e: {  	[spmem:s11] =	stream.linear.scatter @!p0 [tilespmem:s1], [sflag:$0x2], $0x800, $0x38;
	[tilespmem:$0x1CE00] =	vst v63  }
0x5f: {  	s1 =	simm.s32 @!p0 $0x2  }
0x60: {  	_ =	swait.ge @!p0 [sflag:s1], $0x800  }
0x61: {  	[sflag:s1] =	ssyncset.done @!p0 $0x0  }
0x62: {  	s16 =	simm.s32 $0x9080;
	[sflag:s1] =	ssyncadd.s32 @!p0 $0xFFFFF800  }
0x63: {  	[spmem:s12] =	stream.linear.scatter [tilespmem:s16], [sflag:$0x2], $0x280, $0x38;
	[tilespmem:$0x1CE00] =	vst v63  }
0x64: {  	_ =	swait.ge [sflag:s23], $0x280  }
0x65: {  	[sflag:s23] =	ssyncset.done $0x0  }
0x66: {  	[sflag:s23] =	ssyncadd.s32 $0xFFFFFD80  }
0x67: {  	s7 =	simm.s32 $0x0;
	s17 =	rddreg [dreg:$0x1]  }
0x68: {  	[tilespmem:s7], [sflag:$0x2] =	stream.linear.gather [hbm4b:s17+s7], $0x2780, $0x38;
	[tilespmem:$0x1CE00] =	vst v63  }
0x69: {  	_ =	swait.ge [sflag:s23], $0x2780  }
0x6a: {  	[sflag:s23] =	ssyncset.done $0x0  }
0x6b: {  	s24 =	rddreg [dreg:$0x5];
	[sflag:s23] =	ssyncadd.s32 $0xFFFFD880  }
0x6c: {  	[tilespmem:s25], [sflag:$0x2] =	stream.linear.gather [hbm4b:s24+s7], $0x2780, $0x38;
	[tilespmem:$0x1CE00] =	vst v63  }
0x6d: {  	_ =	swait.ge [sflag:s23], $0x2780  }
0x6e: {  	[sflag:s23] =	ssyncset.done $0x0  }
0x6f: {  	[sflag:s23] =	ssyncadd.s32 $0xFFFFD880  }
0x70: {  	s1 =	simm.s32 $0x0;
	[bflag:$0x0] =	sbarrier.arrive $0xFFFF  }
.LBB2_6:
0x71: {  	s8 =	sadd.s32 s1, s13  }
0x72: {  	s8 =	sshll.u32 s8, $0x4  }
0x73: {  	s8 =	sand.u32 $0x1FFFFFF0, s8  }
0x74: {  	s15 =	sadd.s32 s5, s8  }
0x75: {  	[tilespmem:s26], [sflag:$0x2] =	stream.linear.gather [hbm4b:s15+s7], $0x80, $0x38;
	[tilespmem:$0x1CE00] =	vst v63  }
0x76: {  	_ =	swait.ge [sflag:s23], $0x80  }
0x77: {  	[sflag:s23] =	ssyncset.done $0x0  }
0x78: {  	[sflag:s23] =	ssyncadd.s32 $0xFFFFFF80  }
0x79: {  	[tilespmem:s22], [sflag:$0x1] =	stream.indirect.gather [hbm4b:s9+s28], $0x80, s26, s28, $0xb8;
	[tilespmem:$0x1CE00] =	vst v63  }
0x7a: {  	s8 =	sadd.s32 s6, s8  }
0x7b: {  	[tilespmem:s29], [sflag:$0x2] =	stream.linear.gather [hbm4b:s8+s7], $0x80, $0x38;
	[tilespmem:$0x1CE00] =	vst v63  }
0x7c: {  	_ =	swait.ge [sflag:s23], $0x80  }
0x7d: {  	[sflag:s23] =	ssyncset.done $0x0  }
0x7e: {  	[sflag:s23] =	ssyncadd.s32 $0xFFFFFF80  }
0x7f: {  	v1 =	vld [tilespmem:$0x8F00]  }
0x80: {  	v2 =	vld [tilespmem:$0x8F80];
	_ =	sdelay $0x6  }
0x81: {  	v1 =	vld.idx.msk [tilespmem:v1+s7+$0x0], $0xffff  }
0x82: {  	v2 =	vld.idx.msk [tilespmem:v2+s25+$0x0], $0xffff;
	_ =	sdelay $0x4  }
0x83: {  	v1 =	vadd.f32 v2, v1;
	_ =	sdelay $0x1  }
0x84: {  	v2 =	vmul.f32 $2.000000030e-01, v1;
	_ =	sdelay $0x1  }
0x85: {  	v1 =	vmax.f32 v1, v2  }
0x86: {  	v1 =	vmul.f32 $1.442695020e+00, v1;
	_ =	sdelay $0x1  }
0x87: {  	(erf) = vpow2.f32 v1;
	_ =	sdelay $0x2  }
0x88: {  	v1 =	vld [tilespmem:$0x8F10]  }
0x89: {  	v2 =	vld [tilespmem:$0x8F90];
	_ =	sdelay $0x4  }
0x8a: {  	v3 =	vpop (erf)  }
0x8b: {  	[tilespmem:$0x9000] =	vst v3  }
0x8c: {  	v1 =	vld.idx.msk [tilespmem:v1+s7+$0x0], $0xffff  }
0x8d: {  	v2 =	vld.idx.msk [tilespmem:v2+s25+$0x0], $0xffff;
	_ =	sdelay $0x4  }
0x8e: {  	v1 =	vadd.f32 v2, v1;
	_ =	sdelay $0x1  }
0x8f: {  	v2 =	vmul.f32 $2.000000030e-01, v1;
	_ =	sdelay $0x1  }
0x90: {  	v1 =	vmax.f32 v1, v2  }
0x91: {  	v1 =	vmul.f32 $1.442695020e+00, v1;
	_ =	sdelay $0x1  }
0x92: {  	(erf) = vpow2.f32 v1;
	_ =	sdelay $0x2  }
0x93: {  	v1 =	vld [tilespmem:$0x8F20]  }
0x94: {  	v2 =	vld [tilespmem:$0x8FA0];
	_ =	sdelay $0x4  }
0x95: {  	v3 =	vpop (erf)  }
0x96: {  	[tilespmem:$0x9010] =	vst v3  }
0x97: {  	v1 =	vld.idx.msk [tilespmem:v1+s7+$0x0], $0xffff  }
0x98: {  	v2 =	vld.idx.msk [tilespmem:v2+s25+$0x0], $0xffff;
	_ =	sdelay $0x4  }
0x99: {  	v1 =	vadd.f32 v2, v1;
	_ =	sdelay $0x1  }
0x9a: {  	v2 =	vmul.f32 $2.000000030e-01, v1;
	_ =	sdelay $0x1  }
0x9b: {  	v1 =	vmax.f32 v1, v2  }
0x9c: {  	v1 =	vmul.f32 $1.442695020e+00, v1;
	_ =	sdelay $0x1  }
0x9d: {  	(erf) = vpow2.f32 v1;
	_ =	sdelay $0x2  }
0x9e: {  	v1 =	vld [tilespmem:$0x8F30]  }
0x9f: {  	v2 =	vld [tilespmem:$0x8FB0];
	_ =	sdelay $0x4  }
0xa0: {  	v3 =	vpop (erf)  }
0xa1: {  	[tilespmem:$0x9020] =	vst v3  }
0xa2: {  	v1 =	vld.idx.msk [tilespmem:v1+s7+$0x0], $0xffff  }
0xa3: {  	v2 =	vld.idx.msk [tilespmem:v2+s25+$0x0], $0xffff;
	_ =	sdelay $0x4  }
0xa4: {  	v1 =	vadd.f32 v2, v1;
	_ =	sdelay $0x1  }
0xa5: {  	v2 =	vmul.f32 $2.000000030e-01, v1;
	_ =	sdelay $0x1  }
0xa6: {  	v1 =	vmax.f32 v1, v2  }
0xa7: {  	v1 =	vmul.f32 $1.442695020e+00, v1;
	_ =	sdelay $0x1  }
0xa8: {  	(erf) = vpow2.f32 v1;
	_ =	sdelay $0x2  }
0xa9: {  	v1 =	vld [tilespmem:$0x8F40]  }
0xaa: {  	v2 =	vld [tilespmem:$0x8FC0];
	_ =	sdelay $0x4  }
0xab: {  	v3 =	vpop (erf)  }
0xac: {  	[tilespmem:$0x9030] =	vst v3  }
0xad: {  	v1 =	vld.idx.msk [tilespmem:v1+s7+$0x0], $0xffff  }
0xae: {  	v2 =	vld.idx.msk [tilespmem:v2+s25+$0x0], $0xffff;
	_ =	sdelay $0x4  }
0xaf: {  	v1 =	vadd.f32 v2, v1;
	_ =	sdelay $0x1  }
0xb0: {  	v2 =	vmul.f32 $2.000000030e-01, v1;
	_ =	sdelay $0x1  }
0xb1: {  	v1 =	vmax.f32 v1, v2  }
0xb2: {  	v1 =	vmul.f32 $1.442695020e+00, v1;
	_ =	sdelay $0x1  }
0xb3: {  	(erf) = vpow2.f32 v1;
	_ =	sdelay $0x2  }
0xb4: {  	v1 =	vld [tilespmem:$0x8F50]  }
0xb5: {  	v2 =	vld [tilespmem:$0x8FD0];
	_ =	sdelay $0x4  }
0xb6: {  	v3 =	vpop (erf)  }
0xb7: {  	[tilespmem:$0x9040] =	vst v3  }
0xb8: {  	v1 =	vld.idx.msk [tilespmem:v1+s7+$0x0], $0xffff  }
0xb9: {  	v2 =	vld.idx.msk [tilespmem:v2+s25+$0x0], $0xffff;
	_ =	sdelay $0x4  }
0xba: {  	v1 =	vadd.f32 v2, v1;
	_ =	sdelay $0x1  }
0xbb: {  	v2 =	vmul.f32 $2.000000030e-01, v1;
	_ =	sdelay $0x1  }
0xbc: {  	v1 =	vmax.f32 v1, v2  }
0xbd: {  	v1 =	vmul.f32 $1.442695020e+00, v1;
	_ =	sdelay $0x1  }
0xbe: {  	(erf) = vpow2.f32 v1;
	_ =	sdelay $0x2  }
0xbf: {  	v1 =	vld [tilespmem:$0x8F60]  }
0xc0: {  	v2 =	vld [tilespmem:$0x8FE0];
	_ =	sdelay $0x4  }
0xc1: {  	v3 =	vpop (erf)  }
0xc2: {  	[tilespmem:$0x9050] =	vst v3  }
0xc3: {  	v1 =	vld.idx.msk [tilespmem:v1+s7+$0x0], $0xffff  }
0xc4: {  	v2 =	vld.idx.msk [tilespmem:v2+s25+$0x0], $0xffff;
	_ =	sdelay $0x4  }
0xc5: {  	v1 =	vadd.f32 v2, v1;
	_ =	sdelay $0x1  }
0xc6: {  	v2 =	vmul.f32 $2.000000030e-01, v1;
	_ =	sdelay $0x1  }
0xc7: {  	v1 =	vmax.f32 v1, v2  }
0xc8: {  	v1 =	vmul.f32 $1.442695020e+00, v1;
	_ =	sdelay $0x1  }
0xc9: {  	(erf) = vpow2.f32 v1;
	_ =	sdelay $0x2  }
0xca: {  	v1 =	vld [tilespmem:$0x8F70]  }
0xcb: {  	v2 =	vld [tilespmem:$0x8FF0];
	_ =	sdelay $0x4  }
0xcc: {  	v3 =	vpop (erf)  }
0xcd: {  	[tilespmem:$0x9060] =	vst v3  }
0xce: {  	v1 =	vld.idx.msk [tilespmem:v1+s7+$0x0], $0xffff  }
0xcf: {  	v2 =	vld.idx.msk [tilespmem:v2+s25+$0x0], $0xffff;
	_ =	sdelay $0x4  }
0xd0: {  	v1 =	vadd.f32 v2, v1;
	_ =	sdelay $0x1  }
0xd1: {  	v2 =	vmul.f32 $2.000000030e-01, v1;
	_ =	sdelay $0x1  }
0xd2: {  	v1 =	vmax.f32 v1, v2  }
0xd3: {  	v1 =	vmul.f32 $1.442695020e+00, v1;
	_ =	sdelay $0x1  }
0xd4: {  	(erf) = vpow2.f32 v1;
	_ =	sdelay $0x8  }
0xd5: {  	v1 =	vpop (erf)  }
0xd6: {  	[tilespmem:$0x9070] =	vst v1  }
0xd7: {  	[spmem:s3] =	stream.indirect.scatter.add.f32 [tilespmem:s30], [sflag:$0x2], $0x1, s29, s28, $0xb8;
	[tilespmem:$0x1CE00] =	vst v63  }
0xd8: {  	_ =	swait.ge [sflag:s23], $0x80  }
0xd9: {  	[sflag:s23] =	ssyncset.done $0x0  }
0xda: {  	[sflag:s23] =	ssyncadd.s32 $0xFFFFFF80  }
0xdb: {  	_ =	swait.ge [sflag:s31], $0x4000  }
0xdc: {  	s17 =	simm.s32 $0x1;
	[sflag:s31] =	ssyncset.done $0x0  }
0xdd: {  	s24 =	simm.s32 $0x4F80;
	v1 =	vmov s17;
	[sflag:s31] =	ssyncadd.s32 $0xFFFFC000  }
0xde: {  	v6 =	vld [tilespmem:s24+$0xFFFFFFF0]  }
0xdf: {  	v5 =	vld [tilespmem:s24+$0x60]  }
0xe0: {  	v3 =	vld [tilespmem:s24+$0x50]  }
0xe1: {  	v2 =	vmov s7;
	v9 =	vld [tilespmem:s24+$0xFFFFFFD0]  }
0xe2: {  	v2 =	vand.u32 $0xFFFFFFFE, v2;
	v7 =	vld.idx.msk [tilespmem:v1+s30+$0x0], $0xffff  }
0xe3: {  	v1 =	vbroadcast v2, $0x0;
	v2 =	vld [tilespmem:s24+$0x0]  }
0xe4: {  	v4 =	vld [tilespmem:s24+$0x10]  }
0xe5: {  	v8 =	vld [tilespmem:s24+$0x20]  }
0xe6: {  	v10 =	vld [tilespmem:s24+$0x30]  }
0xe7: {  	v11 =	vld [tilespmem:s24+$0x40]  }
0xe8: {  	v12 =	vld [tilespmem:s24+$0x70]  }
0xe9: {  	v14 =	vld [tilespmem:s24+$0xFFFFFF80];
	v13 =	vmul.f32 v2, v7  }
0xea: {  	v62 =	vld [tilespmem:s24+$0xFFFFFFA0];
	v63 =	vmul.f32 v5, v7  }
0xeb: {  	v2 =	vld.idx.msk [tilespmem:v1+s30+$0x0], $0xffff;
	v1 =	vmul.f32 v4, v7;
	v4 =	vmul.f32 v8, v7;
	[tilespmem:s24+$0x0] =	vst v13  }
0xec: {  	v5 =	vld [tilespmem:s24+$0xFFFFFF90];
	v8 =	vmul.f32 v10, v7;
	v10 =	vmul.f32 v11, v7;
	[tilespmem:s24+$0x60] =	vst v63  }
0xed: {  	v11 =	vmul.f32 v3, v7;
	v3 =	vmul.f32 v12, v7;
	v7 =	vld [tilespmem:s24+$0xFFFFFFC0];
	[tilespmem:s24+$0x10] =	vst v1  }
0xee: {  	[tilespmem:s24+$0x20] =	vst v4;
	v4 =	vld [tilespmem:s24+$0xFFFFFFE0]  }
0xef: {  	v1 =	vld [tilespmem:s24+$0xFFFFFFB0];
	[tilespmem:s24+$0x30] =	vst v8  }
0xf0: {  	[tilespmem:s24+$0x40] =	vst v10;
	v8 =	vmul.f32 v14, v2;
	v10 =	vmul.f32 v6, v2  }
0xf1: {  	s15 =	simm.s32 $0x4F80;
	s8 =	simm.s32 $0x2;
	[tilespmem:s24+$0x50] =	vst v11;
	v6 =	vmul.f32 v62, v2;
	v9 =	vmul.f32 v9, v2  }
.LBB2_7:
0xf2: {  	p3 =	sne.s32 s8, $0x7E  }
0xf3: {  	v5 =	vmul.f32 v5, v2;
	v4 =	vmul.f32 v4, v2;
	[tilespmem:s24+$0x70] =	vst v3;
	s15 =	sadd.s32 $0x100, s15;
	s16 =	smov.u32 s8;
	s8 =	sadd.s32 $0x2, s8  }
0xf4: {  	v1 =	vmul.f32 v1, v2;
	v2 =	vmul.f32 v7, v2;
	[tilespmem:s24+$0xFFFFFFF0] =	vst v10  }
0xf5: {  	[tilespmem:s24+$0xFFFFFF80] =	vst v8  }
0xf6: {  	s17 =	sadd.s32 $0x1, s16;
	v10 =	vld [tilespmem:s15+$0xFFFFFFF0];
	[tilespmem:s24+$0xFFFFFFD0] =	vst v9  }
0xf7: {  	v3 =	vmov s17;
	v8 =	vld [tilespmem:s15+$0x60];
	[tilespmem:s24+$0xFFFFFFA0] =	vst v6  }
0xf8: {  	v6 =	vld [tilespmem:s15+$0x50];
	[tilespmem:s24+$0xFFFFFFB0] =	vst v1  }
0xf9: {  	v1 =	vld [tilespmem:s15+$0xFFFFFFB0];
	[tilespmem:s24+$0xFFFFFFC0] =	vst v2  }
0xfa: {  	v9 =	vld [tilespmem:s15+$0xFFFFFFD0];
	[tilespmem:s24+$0xFFFFFFE0] =	vst v4  }
0xfb: {  	v2 =	vmov s16;
	v4 =	vld [tilespmem:s15+$0x70];
	[tilespmem:s24+$0xFFFFFF90] =	vst v5;
	s24 =	smov.u32 s15  }
0xfc: {  	v2 =	vand.u32 $0xFFFFFFFE, v2;
	v11 =	vld.idx.msk [tilespmem:v3+s30+$0x0], $0xffff  }
0xfd: {  	v2 =	vbroadcast v2, $0x0;
	v3 =	vld [tilespmem:s15+$0x0]  }
0xfe: {  	v5 =	vld [tilespmem:s15+$0x10]  }
0xff: {  	v7 =	vld [tilespmem:s15+$0x20]  }
0x100: {  	v12 =	vld [tilespmem:s15+$0x30]  }
0x101: {  	v13 =	vld [tilespmem:s15+$0x40]  }
0x102: {  	v14 =	vld [tilespmem:s15+$0xFFFFFF80];
	v15 =	vmul.f32 v3, v11;
	v3 =	vmul.f32 v4, v11  }
0x103: {  	v2 =	vld.idx.msk [tilespmem:v2+s30+$0x0], $0xffff;
	v4 =	vmul.f32 v5, v11  }
0x104: {  	[tilespmem:s15+$0x0] =	vst v15;
	v15 =	vld [tilespmem:s15+$0xFFFFFFA0];
	v7 =	vmul.f32 v7, v11  }
0x105: {  	[tilespmem:s15+$0x10] =	vst v4;
	v12 =	vmul.f32 v12, v11;
	v4 =	vld [tilespmem:s15+$0xFFFFFFE0]  }
.Ltmp3:
0x106: {  	v5 =	vld [tilespmem:s15+$0xFFFFFF90];
	[tilespmem:s15+$0x20] =	vst v7;
	v13 =	vmul.f32 v13, v11;
	(pc) =	sbr.rel @p3 .LBB2_7-.Ltmp3, $4  }
0x107: {  	v6 =	vmul.f32 v6, v11;
	[tilespmem:s15+$0x30] =	vst v12;
	v7 =	vld [tilespmem:s15+$0xFFFFFFC0]  }
0x108: {  	v11 =	vmul.f32 v8, v11;
	[tilespmem:s15+$0x40] =	vst v13  }
0x109: {  	v8 =	vmul.f32 v14, v2;
	v10 =	vmul.f32 v10, v2;
	[tilespmem:s15+$0x50] =	vst v6  }
0x10a: {  	v9 =	vmul.f32 v9, v2;
	v6 =	vmul.f32 v15, v2;
	[tilespmem:s15+$0x60] =	vst v11  }
0x10b: {  	[tilespmem:s24+$0x70] =	vst v3  }
0x10c: {  	[tilespmem:s24+$0xFFFFFFF0] =	vst v10  }
0x10d: {  	[tilespmem:s24+$0xFFFFFF80] =	vst v8  }
0x10e: {  	v1 =	vmul.f32 v1, v2;
	[tilespmem:s24+$0xFFFFFFD0] =	vst v9  }
0x10f: {  	v4 =	vmul.f32 v4, v2;
	[tilespmem:s24+$0xFFFFFFA0] =	vst v6  }
0x110: {  	v3 =	vmul.f32 v7, v2;
	[tilespmem:s24+$0xFFFFFFB0] =	vst v1  }
0x111: {  	s1 =	sadd.s32 $0x1, s1;
	v1 =	vmul.f32 v5, v2;
	[tilespmem:s24+$0xFFFFFFE0] =	vst v4  }
0x112: {  	p3 =	sne.s32 s1, s14;
	[tilespmem:s24+$0xFFFFFFC0] =	vst v3  }
.Ltmp4:
0x113: {  	[tilespmem:s24+$0xFFFFFF90] =	vst v1;
	(pc) =	sbr.rel @p3 .LBB2_6-.Ltmp4, $4  }
0x114: {  	[spmem:s2] =	stream.indirect.scatter.add.f32 [tilespmem:s22], [sflag:$0x2], $0x80, s29, s28, $0xb8;
	[tilespmem:$0x1CE00] =	vst v63  }
0x115: {  	_ =	swait.ge [sflag:s23], $0x4000  }
0x116: {  	[sflag:s23] =	ssyncset.done $0x0  }
0x117: {  	[sflag:s23] =	ssyncadd.s32 $0xFFFFC000  }
0x118: {  	[bflag:$0x0] =	sbarrier.arrive $0xFFFF  }
0x119: {  	[tilespmem:s22], [sflag:$0x2] =	stream.linear.gather [spmem:s20], $0x4000, $0x38;
	[tilespmem:$0x1CE00] =	vst v63  }
0x11a: {  	_ =	swait.ge [sflag:s23], $0x4000  }
.Ltmp5:
0x11b: {  	[sflag:s23] =	ssyncset.done $0x0;
	(pc) =	sbr.rel @!p2 .LBB2_11-.Ltmp5, $4  }
0x11c: {  	[sflag:s23] =	ssyncadd.s32 $0xFFFFC000  }
0x11d: {  	[hbm4b:s21+s4] =	stream.linear.scatter [tilespmem:s22], [sflag:$0x2], $0x4000, $0x38;
	[tilespmem:$0x1CE00] =	vst v63  }
0x11e: {  	s1 =	sadd.s32 $0xFFFFFFFF, s10;
	_ =	swait.ge [sflag:s23], $0x4000  }
0x11f: {  	s7 =	smov.u32 s21;
	s8 =	smov.u32 s20;
	[sflag:s23] =	ssyncset.done $0x0  }
.LBB2_10:
0x120: {  	[sflag:s23] =	ssyncadd.s32 $0xFFFFC000;
	s7 =	sadd.s32 $0x800, s7;
	s8 =	sadd.s32 $0x4000, s8  }
0x121: {  	[tilespmem:s22], [sflag:$0x2] =	stream.linear.gather [spmem:s8], $0x4000, $0x38;
	[tilespmem:$0x1CE00] =	vst v63  }
0x122: {  	p2 =	sne.s32 s1, $0x1;
	s1 =	sadd.s32 $0xFFFFFFFF, s1;
	_ =	swait.ge [sflag:s23], $0x4000  }
.Ltmp6:
0x123: {  	[sflag:s23] =	ssyncset.done $0x0;
	(pc) =	sbr.rel @p2 .LBB2_10-.Ltmp6, $4  }
0x124: {  	[sflag:s23] =	ssyncadd.s32 $0xFFFFC000  }
0x125: {  	[hbm4b:s7+s4] =	stream.linear.scatter [tilespmem:s22], [sflag:$0x2], $0x4000, $0x38;
	[tilespmem:$0x1CE00] =	vst v63  }
0x126: {  	_ =	swait.ge [sflag:s23], $0x4000  }
0x127: {  	[sflag:s23] =	ssyncset.done $0x0  }
.LBB2_11:
0x128: {  	[sflag:s23] =	ssyncadd.s32 $0xFFFFC000;
	s1 =	simm.s32 @p1 $0x4F00;
	s7 =	simm.s32 @p1 $0x2  }
0x129: {  	[tilespmem:s1], [sflag:$0x2] =	stream.linear.gather @p1 [spmem:s11], $0x800, $0x38;
	[tilespmem:$0x1CE00] =	vst v63  }
0x12a: {  	_ =	swait.ge @p1 [sflag:s7], $0x800  }
0x12b: {  	[sflag:s7] =	ssyncset.done @p1 $0x0  }
0x12c: {  	s8 =	simm.s32 @p1 $0x0;
	s15 =	rddreg [dreg:$0x7];
	[sflag:s7] =	ssyncadd.s32 @p1 $0xFFFFF800  }
0x12d: {  	[hbm4b:s15+s8] =	stream.linear.scatter @p1 [tilespmem:s1], [sflag:$0x2], $0x800, $0x38;
	[tilespmem:$0x1CE00] =	vst v63  }
0x12e: {  	_ =	swait.ge @p1 [sflag:s7], $0x800  }
0x12f: {  	[sflag:s7] =	ssyncset.done @p1 $0x0  }
0x130: {  	s1 =	simm.s32 @p1 $0x9080;
	s15 =	rddreg [dreg:$0x8];
	[sflag:s7] =	ssyncadd.s32 @p1 $0xFFFFF800  }
0x131: {  	[tilespmem:s1], [sflag:$0x2] =	stream.linear.gather @p1 [spmem:s15], $0x190, $0x38;
	[tilespmem:$0x1CE00] =	vst v63  }
0x132: {  	_ =	swait.ge @p1 [sflag:s7], $0x190  }
0x133: {  	[sflag:s7] =	ssyncset.done @p1 $0x0  }
0x134: {  	[sflag:s7] =	ssyncadd.s32 @p1 $0xFFFFFE70  }
0x135: {  	[hbm4b:s18+s8] =	stream.linear.scatter @p1 [tilespmem:s1], [sflag:$0x2], $0x190, $0x38;
	[tilespmem:$0x1CE00] =	vst v63  }
0x136: {  	_ =	swait.ge @p1 [sflag:s7], $0x190  }
0x137: {  	[sflag:s7] =	ssyncset.done @p1 $0x0  }
0x138: {  	s1 =	simm.s32 @!p1 $0x9080;
	[sflag:s7] =	ssyncadd.s32 @p1 $0xFFFFFE70;
	s7 =	simm.s32 @!p1 $0x2  }
0x139: {  	[tilespmem:s1], [sflag:$0x2] =	stream.linear.gather @!p1 [spmem:s12], $0x280, $0x38;
	[tilespmem:$0x1CE00] =	vst v63  }
0x13a: {  	s0 =	sadd.s32 $0x1, s0;
	_ =	swait.ge @!p1 [sflag:s7], $0x280  }
0x13b: {  	p2 =	sne.s32 s0, s19;
	s8 =	simm.s32 @!p1 $0x0;
	[sflag:s7] =	ssyncset.done @!p1 $0x0  }
.Ltmp7:
0x13c: {  	s15 =	rddreg [dreg:$0x6];
	[sflag:s7] =	ssyncadd.s32 @!p1 $0xFFFFFD80;
	(pc) =	sbr.rel @p2 .LBB2_1-.Ltmp7, $4  }
0x13d: {  	[hbm4b:s15+s8] =	stream.linear.scatter @!p1 [tilespmem:s1], [sflag:$0x2], $0x280, $0x38;
	[tilespmem:$0x1CE00] =	vst v63  }
0x13e: {  	_ =	swait.ge @!p1 [sflag:s7], $0x280  }
0x13f: {  	[sflag:s7] =	ssyncset.done @!p1 $0x0  }
0x140: {  	[sflag:s7] =	ssyncadd.s32 @!p1 $0xFFFFFD80  }
0x141: {  	_ =	sfence.sel $0x180000  }
0x142: {  	[bflag:$0x0] =	sbarrier.arrive $0xFFFF  }
0x143: {  	_ =	strace $0x90000047  }
0x144: {  	s0 =	stileid.u32;
	[bflag:$0x2] =	sbarrier.arrive $0xFFFF  }
0x145: {  	p0 =	sne.s32 s0, $0x0;
	s0 =	rddreg [dreg:$0x4]  }
0x146: {  	s0 =	sadd.s32 @!p0 $0x100000, s0  }
0x147: {  	[sflag:s0] =	ssyncadd.tile.s32 @!p0 $0x1;
	_ =	shalt  }
.Lfunc_end2:
_tile_overlayer_lowered:
.L_overlay_start_2:
0x148: {  	(tag) =	ssettag $0x2  }
0x149: {  	s0 =	rddreg [dreg:$0x0];
	s2 =	stileid.u32  }
0x14a: {  	s1 =	rddreg [dreg:$0x1];
	p0 =	sne.s32 s2, $0x0  }
0x14b: {  	s3 =	rddreg [dreg:$0x2];
	[bflag:$0x3] =	sbarrier.arrive $0xFFFF;
	s2 =	simm.s32 @!p0 $0x1C02  }
0x14c: {  	[timem:s3], [sflag:s2] =	dma.local @!p0 [hbm:s0], s1  }
0x14d: {  	s0 =	simm.s32 @!p0 $0x2  }
0x14e: {  	_ =	swait.ge @!p0 [sflag:s0], s1  }
0x14f: {  	s1 =	ssub.s32 @!p0 $0x0, s1;
	[sflag:s0] =	ssyncset.done @!p0 $0x0  }
0x150: {  	[sflag:s0] =	ssyncadd.s32 @!p0 s1  }
0x151: {  	[bflag:$0x3] =	sbarrier.arrive $0xFFFF  }
0x152: {  	_ =	shalt  }

// kernel: kernel.13.cloned.1.call-start
scs
__scs_entry_jumppad:
0x0: {  	(pc) =	sbr.rel $0x88, $3  }
0x1: {  	(tag) =	ssettag $0x0;
	lr =	simm.s32 $0x1  }
0x2: {  	[smem:$0x3F92] =	sst lr;
	_ =	strace $0xD0000000  }
0x3: {  	_ = 	snop  }
0x4: {  	_ = 	snop  }
0x5: {  	_ = 	snop  }
0x6: {  	_ = 	snop  }
0x7: {  	_ = 	snop  }
__scs_overlays_trampoline_lowered:
0x8: {  	[smem:$0x3FA1] =	sst s0  }
0x9: {  	[smem:$0x3FA2] =	sst s1  }
0xa: {  	[smem:$0x3FA3] =	sst s2  }
0xb: {  	[smem:$0x3FA4] =	sst s3  }
0xc: {  	[smem:$0x3FA5] =	sst s4  }
0xd: {  	[smem:$0x3FA6] =	sst s5  }
0xe: {  	[smem:$0x3FA7] =	sst s6  }
0xf: {  	[smem:$0x3FA8] =	sst s7  }
0x10: {  	[smem:$0x3FA9] =	sst s8  }
0x11: {  	[smem:$0x3FAA] =	sst s9;
	s0 =	simm.s32 @!p0 $0x0  }
0x12: {  	s1 =	sld [smem:$0x3F90];
	s0 =	simm.s32 @p0 $0x1  }
0x13: {  	[smem:$0x3FAB] =	sst s0;
	s0 =	simm.s32 @!p1 $0x0  }
0x14: {  	s2 =	sld [smem:$0x3F8F];
	s0 =	simm.s32 @p1 $0x1  }
0x15: {  	[smem:$0x3FAC] =	sst s0;
	s0 =	simm.s32 @!p2 $0x0  }
0x16: {  	s3 =	sld [smem:$0x3FDB];
	s0 =	simm.s32 @p2 $0x1  }
0x17: {  	s4 =	simm.s32 $0x1BF5;
	[smem:$0x3FAE] =	sst s0  }
0x18: {  	s0 =	sld [smem:$0x3F91];
	_ =	swait.ge [sflag:s4], $0x0  }
0x19: {  	s7 =	sld [smem:$0x3F92]  }
0x1a: {  	s8 =	sadd.s32 $0xFFFFE003, lr  }
0x1b: {  	s9 =	sadd.s32 $0xFFFFFEF7, lr;
	s5 =	simm.s32 $0xFFFFFFFF;
	p2 =	slt.u32 s8, $0xFFFFF086  }
0x1c: {  	p1 =	slt.u32 s9, $0xF7A;
	s5 =	simm.s32 @!p2 $0x0  }
0x1d: {  	s5 =	simm.s32 @p1 $0x1;
	p0 =	seq.s32 s7, s2  }
0x1e: {  	s7 =	smul.u32 @!p0 $0xF7A, s2;
	p2 =	seq.s32 @!p0 s5, $0x0  }
0x1f: {  	s9 =	smul.u32 $0xF7A, s1;
	s8 =	simm.s32 @!p0 $0x1BF5;
	p2 =	por !p2, p0  }
0x20: {  	[sflag:s8] =	ssyncset.s32 @!p0 $0xFFFFF086;
	s6 =	sadd.s32 @!p0 s3, s7;
	s7 =	simm.s32 @!p0 $0x108  }
0x21: {  	s3 =	sadd.s32 s3, s9;
	s6 =	sadd.s32 @!p0 $0x88, s6;
	s7 =	simm.s32 @p2 $0x1082  }
0x22: {  	[simem:s7], [sflag:s8] =	dma.local @!p0 [hbm:s6], $0xF7A  }
0x23: {  	s9 =	sor.u32 $0xD0000000, s2;
	s6 =	simm.s32 $0x108;
	_ =	swait.ge @!p0 [sflag:s8], $0x0  }
0x24: {  	s3 =	sadd.s32 $0x88, s3;
	s6 =	simm.s32 @!p1 $0x1082;
	[sflag:s4] =	ssyncset.s32 $0xFFFFF086  }
0x25: {  	[simem:s6], [sflag:s4] =	dma.local [hbm:s3], $0xF7A  }
0x26: {  	[smem:$0x3F92] =	sst s1;
	(tag) =	ssettag s2;
	_ =	strace s9  }
0x27: {  	s1 =	sld [smem:$0x3FA2]  }
0x28: {  	s2 =	sld [smem:$0x3FA3]  }
0x29: {  	s4 =	sld [smem:$0x3FA5]  }
0x2a: {  	p0 =	seq.s32 s5, $0x0;
	s5 =	sld [smem:$0x3FA6]  }
0x2b: {  	s6 =	sld [smem:$0x3FA7]  }
0x2c: {  	s7 =	sld [smem:$0x3FA8]  }
0x2d: {  	s3 =	simm.s32 $0x108;
	s8 =	sld [smem:$0x3FA9]  }
0x2e: {  	s3 =	simm.s32 @!p0 $0x1082;
	s9 =	sld [smem:$0x3FAA]  }
0x2f: {  	lr =	sadd.s32 s0, s3;
	s0 =	sld [smem:$0x3FA1]  }
0x30: {  	s3 =	sld [smem:$0x3FA4]  }
0x31: {  	[smem:$0x3FAD] =	sst s10  }
0x32: {  	s10 =	sld [smem:$0x3FAB];
	_ =	sdelay $0x3  }
0x33: {  	p0 =	seq.s32 s10, $0x1;
	s10 =	sld [smem:$0x3FAD];
	_ =	sdelay $0x3  }
0x34: {  	[smem:$0x3FAD] =	sst s10  }
0x35: {  	s10 =	sld [smem:$0x3FAC];
	_ =	sdelay $0x3  }
0x36: {  	p1 =	seq.s32 s10, $0x1;
	s10 =	sld [smem:$0x3FAD];
	_ =	sdelay $0x3  }
0x37: {  	[smem:$0x3FAD] =	sst s10  }
0x38: {  	s10 =	sld [smem:$0x3FAE]  }
0x39: {  	_ = 	snop;
	(pc) =	sbr.ind lr, $3  }
0x3a: {  	_ = 	snop  }
0x3b: {  	_ = 	snop  }
0x3c: {  	p2 =	seq.s32 s10, $0x1;
	s10 =	sld [smem:$0x3FAD]  }
0x3d: {  	_ =	shalt  }
0x3e: {  	_ =	shalt  }
0x3f: {  	_ =	shalt  }
0x40: {  	_ =	shalt  }
0x41: {  	_ =	shalt  }
0x42: {  	_ =	shalt  }
0x43: {  	_ =	shalt  }
0x44: {  	_ =	shalt  }
0x45: {  	_ =	shalt  }
0x46: {  	_ =	shalt  }
0x47: {  	_ =	shalt  }
0x48: {  	_ =	shalt  }
0x49: {  	_ =	shalt  }
0x4a: {  	_ =	shalt  }
0x4b: {  	_ =	shalt  }
0x4c: {  	_ =	shalt  }
0x4d: {  	_ =	shalt  }
0x4e: {  	_ =	shalt  }
0x4f: {  	_ =	shalt  }
0x50: {  	_ =	shalt  }
0x51: {  	_ =	shalt  }
0x52: {  	_ =	shalt  }
0x53: {  	_ =	shalt  }
0x54: {  	_ =	shalt  }
0x55: {  	_ =	shalt  }
0x56: {  	_ =	shalt  }
0x57: {  	_ =	shalt  }
0x58: {  	_ =	shalt  }
0x59: {  	_ =	shalt  }
0x5a: {  	_ =	shalt  }
0x5b: {  	_ =	shalt  }
0x5c: {  	_ =	shalt  }
0x5d: {  	_ =	shalt  }
0x5e: {  	_ =	shalt  }
0x5f: {  	_ =	shalt  }
0x60: {  	_ =	shalt  }
0x61: {  	_ =	shalt  }
0x62: {  	_ =	shalt  }
0x63: {  	_ =	shalt  }
0x64: {  	_ =	shalt  }
0x65: {  	_ =	shalt  }
0x66: {  	_ =	shalt  }
0x67: {  	_ =	shalt  }
0x68: {  	_ =	shalt  }
0x69: {  	_ =	shalt  }
0x6a: {  	_ =	shalt  }
0x6b: {  	_ =	shalt  }
0x6c: {  	_ =	shalt  }
0x6d: {  	_ =	shalt  }
0x6e: {  	_ =	shalt  }
0x6f: {  	_ =	shalt  }
0x70: {  	_ =	shalt  }
0x71: {  	_ =	shalt  }
0x72: {  	_ =	shalt  }
0x73: {  	_ =	shalt  }
0x74: {  	_ =	shalt  }
0x75: {  	_ =	shalt  }
0x76: {  	_ =	shalt  }
0x77: {  	_ =	shalt  }
0x78: {  	_ =	shalt  }
0x79: {  	_ =	shalt  }
0x7a: {  	_ =	shalt  }
0x7b: {  	_ =	shalt  }
0x7c: {  	_ =	shalt  }
0x7d: {  	_ =	shalt  }
0x7e: {  	_ =	shalt  }
0x7f: {  	_ =	shalt  }
0x80: {  	_ =	shalt  }
0x81: {  	_ =	shalt  }
0x82: {  	_ =	shalt  }
0x83: {  	_ =	shalt  }
0x84: {  	_ =	shalt  }
0x85: {  	_ =	shalt  }
0x86: {  	_ =	shalt  }
0x87: {  	_ =	shalt  }
.Lfunc_end0:
.L_simem_size_0:
called_computation.1_lowered:
.L_overlay_start_0:
0x88: {  	s2 =	sld [smem:$0x3FD9]  }
0x89: {  	s3 =	sld [smem:$0x3FFE];
	_ =	sdelay $0x1  }
0x8a: {  	s1 =	srdreg.scid  }
0x8b: {  	s0 =	sand.u32 $0x1, s1  }
0x8c: {  	s17 =	sshll.u32 s0, $0xA;
	s2 =	sadd.s32 s3, s2  }
0x8d: {  	s2 =	sadd.s32 s2, s17  }
0x8e: {  	[smem:$0x3FB9] =	sst s2  }
0x8f: {  	_ = 	snop  }
0x90: {  	s2 =	sld [smem:$0x3FD0];
	(tm) =	ssettm $0x1  }
0x91: {  	s18 =	sld [smem:$0x3FFB];
	_ =	sdelay $0x3  }
0x92: {  	_ =	strace s18  }
0x93: {  	s3 =	sld [smem:$0x3FFC];
	_ =	sdelay $0x3  }
0x94: {  	_ =	strace s3  }
0x95: {  	s3 =	sld [smem:$0x3FFD];
	_ =	sdelay $0x3  }
0x96: {  	_ =	strace s3  }
0x97: {  	_ =	strace $0x8FFFFFFF  }
0x98: {  	s19 =	sld [smem:$0x3FDB];
	_ =	sdelay $0x1  }
0x99: {  	s4 =	simm.s32 $_scs_section_size  }
0x9a: {  	s5 =	simm.s32 $_size__tile_overlayer_lowered;
	s6 =	simm.s32 $_tile_overlayer_lowered  }
0x9b: {  	s22 =	simm.s32 $0x1BFF;
	s21 =	sshll.u32 s6, $0x1;
	s3 =	sadd.s32 s4, s19  }
0x9c: {  	s7 =	simm.s32 $0x0;
	s20 =	sshll.u32 s5, $0x1;
	s5 =	sadd.s32 s21, s3  }
0x9d: {  	[timem:s7], [sflag:s22] =	dma.local [hbm:s5], s20  }
0x9e: {  	_ =	swait.ge [sflag:s22], s20  }
0x9f: {  	s4 =	ssub.s32 $0x0, s20;
	[sflag:s22] =	ssyncset.done $0x0  }
0xa0: {  	[sflag:s22] =	ssyncadd.s32 s4;
	_ =	sdelay $0x1  }
0xa1: {  	s23 =	simm.s32 $0x1B8B  }
0xa2: {  	_ =	swait.ge [sflag:s23], $0x1  }
0xa3: {  	[sflag:s23] =	ssyncset.done $0x0  }
0xa4: {  	s25 =	simm.s32 $0x1B8E;
	s24 =	sld [smem:$0x3FFE];
	[sflag:s23] =	ssyncadd.s32 $0xFFFFFFFF  }
0xa5: {  	s26 =	simm.s32 $execute0_lowered;
	[smem:$0x3FD2] =	sst s25  }
0xa6: {  	s5 =	sshll.u32 s26, $0x1;
	_ =	strace $0x80000049;
	[dreg:$0x1] =	wrdreg $0xFFFFFFFF  }
0xa7: {  	s28 =	simm.s32 $_size_execute0_lowered;
	s3 =	sadd.s32 s3, s5;
	[dreg:$0x0] =	wrdreg $0x0  }
0xa8: {  	s5 =	sshll.u32 s28, $0x1;
	[dreg:$0x2] =	wrdreg s3  }
0xa9: {  	[dreg:$0x3] =	wrdreg s5  }
0xaa: {  	[dreg:$0x4] =	wrdreg $0xC0  }
0xab: {  	_ =	task [dreg:s7], $0x5FFFF  }
0xac: {  	[dreg:$0x1] =	wrdreg $0xFFFFFFFF  }
0xad: {  	[dreg:$0x0] =	wrdreg $0x60  }
0xae: {  	[dreg:$0x2] =	wrdreg s24  }
0xaf: {  	[dreg:$0x3] =	wrdreg s2  }
0xb0: {  	[dreg:$0x4] =	wrdreg $0x93000  }
0xb1: {  	[dreg:$0x5] =	wrdreg $0x1CB800  }
0xb2: {  	[dreg:$0x6] =	wrdreg $0x9  }
0xb3: {  	_ =	task.clear_ibuf [dreg:s7], $0x7FFFF;
	_ =	strace $0x90000049  }
0xb4: {  	s29 =	simm.s32 $0x9;
	_ =	strace $0x8000004B  }
0xb5: {  	_ =	swait.ge [sflag:s29], $0x1  }
0xb6: {  	[sflag:s29] =	ssyncadd.s32 $0xFFFFFFFF  }
0xb7: {  	_ =	strace $0x9000004B  }
0xb8: {  	_ =	sfence  }
0xb9: {  	s30 =	sld [smem:$0x0];
	_ =	sdelay $0x2  }
0xba: {  	s31 =	sshll.u32 s1, $0xD;
	s1 =	sshrl.u32 s1, $0x2  }
0xbb: {  	s3 =	sand.u32 $0x4000, s31;
	s1 =	sadd.s32 s1, s30  }
0xbc: {  	s0 =	sor.u32 s3, s0;
	s1 =	sshll.u32 s1, $0x11  }
0xbd: {  	s0 =	sor.u32 s1, s0  }
0xbe: {  	s0 =	sadd.s32 $0x8F2B, s0  }
0xbf: {  	[sflag:s0] =	ssyncadd.remote.s32 $0x1  }
0xc0: {  	_ =	sfence.sel $0xFFFF  }
0xc1: {  	[dreg:$0x0] =	wrdreg $0xFFFFFFFF;
	(pc) =	sbr.abs _section_cstart, $3  }
0xc2: {  	[dreg:$0x1] =	wrdreg $0xFFFFFFFF  }
0xc3: {  	_ =	task.clear_ibuf [dreg:s7], $0x2FFFF;
	_ =	strace $0x9FFFFFFF  }
0xc4: {  	(tm) =	ssettm $0x7FFFFFFF  }
0xc5: {  	_ =	shalt  }
tec
execute0_lowered:
.L_overlay_start_1:
0x0: {  	(tag) =	ssettag $0x1  }
0x1: {  	s0 =	rddreg [dreg:$0x0]  }
0x2: {  	s2 =	rddreg [dreg:$0x2]  }
0x3: {  	s3 =	rddreg [dreg:$0x3]  }
0x4: {  	s4 =	simm.s32 $0x0;
	s1 =	srdreg.scid;
	s17 =	stileid.u32  }
0x5: {  	s28 =	simm.s32 $0x80;
	s29 =	simm.s32 $0x8F80;
	s30 =	simm.s32 $0x9000  }
0x6: {  	s31 =	simm.s32 $0x1;
	[smem:$0x7FF] =	sst s4;
	s5 =	sadd.s32 $0x33A00, s0  }
0x7: {  	s6 =	sadd.s32 $0x29C00, s0;
	s7 =	sadd.s32 $0x29600, s0;
	s9 =	sadd.s32 $0x2400, s0  }
0x8: {  	s1 =	sand.u32 $0x1, s1;
	s11 =	sshll.u32 s17, $0x1;
	s15 =	smul.u32 $0x280, s17  }
0x9: {  	p0 =	slt.u32 s17, $0xE;
	s18 =	smin.u32 s17, $0xE;
	s20 =	sadd.s32 $0x2580, s3  }
0xa: {  	s21 =	sshll.u32 s17, $0x12;
	p1 =	seq.s32 s17, $0xF;
	_ =	strace $0x8000004A  }
0xb: {  	[dreg:$0x5] =	wrdreg s7;
	s7 =	sadd.s32 $0x3E200, s0;
	s8 =	ssub.s32 $0x2, s1  }
0xc: {  	s0 =	sadd.s32 $0x3D800, s0;
	s12 =	sor.u32 s1, s11;
	s19 =	smul.u32 $0x138800, s1  }
0xd: {  	s11 =	sadd.s32 $0x138000, s2;
	s1 =	smul.u32 $0x2710, s1;
	[dreg:$0x8] =	wrdreg s20  }
0xe: {  	s20 =	sshll.u32 s17, $0x10;
	s22 =	sshll.u32 s18, $0x10;
	s18 =	sshll.u32 s18, $0xE  }
0xf: {  	s10 =	sshrl.u32 s8, $0x1;
	s13 =	smul.u32 $0x4E, s12;
	s14 =	smin.u32 s12, $0x4  }
0x10: {  	s12 =	sadd.s32 s15, s3;
	s23 =	sadd.s32 s22, s21;
	s22 =	simm.s32 $0x4F00  }
0x11: {  	s8 =	ssub.s32 s8, s10;
	s10 =	simm.s32 $0x5;
	s15 =	sadd.s32 s15, s1  }
0x12: {  	s16 =	sshrl.u32 s19, $0x3;
	s1 =	sshrl.u32 s1, $0x3;
	s19 =	sadd.s32 s20, s19  }
0x13: {  	s25 =	sshrl.u32 s23, $0x2;
	s23 =	simm.s32 $0x2;
	s10 =	simm.s32 @!p0 $0x4  }
0x14: {  	s13 =	sadd.s32 s14, s13;
	p0 =	slt.u32 s17, $0x2;
	s14 =	simm.s32 $0x4F  }
0x15: {  	s15 =	sshrl.u32 s15, $0x3;
	s16 =	sadd.s32 s7, s16;
	s24 =	sadd.s32 s18, s19  }
0x16: {  	s19 =	smax.u32 s8, $0x1;
	s20 =	sadd.s32 s25, s2;
	s25 =	simm.s32 $0x2780  }
0x17: {  	s14 =	simm.s32 @!p0 $0x4E;
	s15 =	sadd.s32 s0, s15;
	s16 =	sadd.s32 $0x27000, s16  }
0x18: {  	s0 =	sadd.s32 s0, s1;
	s26 =	sshrl.u32 s24, $0x3;
	[dreg:$0x6] =	wrdreg s15  }
0x19: {  	p0 =	sne.s32 s17, $0xF;
	[dreg:$0x7] =	wrdreg s16;
	s18 =	sadd.s32 $0x4B0, s0  }
0x1a: {  	v0 =	vimm.f32 $0.0e+00;
	s21 =	sadd.s32 s26, s7;
	s26 =	simm.s32 $0x8F00;
	s0 =	simm.s32 $0x0  }
.LBB2_1:
0x1b: {  	s1 =	simm.s32 $0x0;
	s7 =	simm.s32 $0x200  }
.LBB2_2:
0x1c: {  	p2 =	sne.s32 s7, $0xFE00;
	[tilespmem:s1+$0x4F70] =	vst v0  }
0x1d: {  	[tilespmem:s1+$0x4F00] =	vst v0  }
0x1e: {  	[tilespmem:s1+$0x4F10] =	vst v0  }
.Ltmp0:
0x1f: {  	[tilespmem:s1+$0x4F20] =	vst v0;
	(pc) =	sbr.rel @p2 .LBB2_2-.Ltmp0, $4  }
0x20: {  	[tilespmem:s1+$0x4F30] =	vst v0  }
0x21: {  	[tilespmem:s1+$0x4F40] =	vst v0  }
0x22: {  	[tilespmem:s1+$0x4F50] =	vst v0  }
0x23: {  	[tilespmem:s1+$0x4F60] =	vst v0;
	s1 =	sshra.s32 s7, $0x2;
	s7 =	sadd.s32 $0x200, s7  }
0x24: {  	[tilespmem:s1+$0x4F70] =	vst v0  }
0x25: {  	[tilespmem:s1+$0x4F00] =	vst v0  }
0x26: {  	[tilespmem:s1+$0x4F10] =	vst v0  }
0x27: {  	[tilespmem:s1+$0x4F20] =	vst v0  }
0x28: {  	[tilespmem:s1+$0x4F30] =	vst v0  }
0x29: {  	[tilespmem:s1+$0x4F40] =	vst v0  }
0x2a: {  	[tilespmem:s1+$0x4F50] =	vst v0  }
0x2b: {  	[tilespmem:s1+$0x4F60] =	vst v0  }
0x2c: {  	[tilespmem:$0x9080] =	vst v0  }
0x2d: {  	[tilespmem:$0x9090] =	vst v0  }
0x2e: {  	[tilespmem:$0x90A0] =	vst v0  }
0x2f: {  	[tilespmem:$0x90B0] =	vst v0  }
0x30: {  	[tilespmem:$0x90C0] =	vst v0  }
0x31: {  	[tilespmem:$0x90D0] =	vst v0  }
0x32: {  	[tilespmem:$0x90E0] =	vst v0  }
0x33: {  	[tilespmem:$0x90F0] =	vst v0  }
0x34: {  	[tilespmem:$0x9100] =	vst v0  }
0x35: {  	[tilespmem:$0x9110] =	vst v0  }
0x36: {  	[tilespmem:$0x9120] =	vst v0  }
0x37: {  	[tilespmem:$0x9130] =	vst v0  }
0x38: {  	[tilespmem:$0x9140] =	vst v0  }
0x39: {  	[tilespmem:$0x9150] =	vst v0  }
0x3a: {  	[tilespmem:$0x9160] =	vst v0  }
0x3b: {  	[tilespmem:$0x9170] =	vst v0  }
0x3c: {  	[tilespmem:$0x9180] =	vst v0  }
0x3d: {  	[tilespmem:$0x9190] =	vst v0  }
0x3e: {  	[tilespmem:$0x91A0] =	vst v0  }
0x3f: {  	[tilespmem:$0x91B0] =	vst v0  }
0x40: {  	[tilespmem:$0x91C0] =	vst v0  }
0x41: {  	[tilespmem:$0x91D0] =	vst v0  }
0x42: {  	[tilespmem:$0x91E0] =	vst v0  }
0x43: {  	[tilespmem:$0x91F0] =	vst v0  }
0x44: {  	[tilespmem:$0x9200] =	vst v0  }
0x45: {  	[tilespmem:$0x9210] =	vst v0  }
0x46: {  	[tilespmem:$0x9220] =	vst v0  }
0x47: {  	[tilespmem:$0x9230] =	vst v0  }
0x48: {  	[tilespmem:$0x9240] =	vst v0  }
0x49: {  	[tilespmem:$0x9250] =	vst v0  }
0x4a: {  	[tilespmem:$0x9260] =	vst v0  }
0x4b: {  	[tilespmem:$0x9270] =	vst v0  }
0x4c: {  	[tilespmem:$0x9280] =	vst v0  }
0x4d: {  	[tilespmem:$0x9290] =	vst v0  }
0x4e: {  	[tilespmem:$0x92A0] =	vst v0  }
0x4f: {  	[tilespmem:$0x92B0] =	vst v0  }
0x50: {  	[tilespmem:$0x92C0] =	vst v0  }
0x51: {  	p2 =	sne.s32 s10, $0x1;
	[tilespmem:$0x92D0] =	vst v0  }
.Ltmp1:
0x52: {  	[tilespmem:$0x92E0] =	vst v0;
	(pc) =	sbr.rel @!p2 .LBB2_5-.Ltmp1, $4  }
0x53: {  	[tilespmem:$0x92F0] =	vst v0  }
0x54: {  	[spmem:s20] =	stream.linear.scatter [tilespmem:s22], [sflag:$0x2], $0x4000, $0x38;
	[tilespmem:$0x1CE00] =	vst v63  }
0x55: {  	_ =	swait.ge [sflag:s23], $0x4000  }
0x56: {  	s1 =	sadd.s32 $0xFFFFFFFF, s10;
	s7 =	smov.u32 s20;
	[sflag:s23] =	ssyncset.done $0x0  }
.LBB2_4:
0x57: {  	p3 =	sne.s32 s1, $0x1;
	[sflag:s23] =	ssyncadd.s32 $0xFFFFC000;
	s7 =	sadd.s32 $0x4000, s7  }
.Ltmp2:
0x58: {  	s1 =	sadd.s32 $0xFFFFFFFF, s1;
	(pc) =	sbr.rel @p3 .LBB2_4-.Ltmp2, $4  }
0x59: {  	_ = 	snop  }
0x5a: {  	[spmem:s7] =	stream.linear.scatter [tilespmem:s22], [sflag:$0x2], $0x4000, $0x38;
	[tilespmem:$0x1CE00] =	vst v63  }
0x5b: {  	_ =	swait.ge [sflag:s23], $0x4000  }
0x5c: {  	[sflag:s23] =	ssyncset.done $0x0  }
.LBB2_5:
0x5d: {  	[sflag:s23] =	ssyncadd.s32 $0xFFFFC000;
	s1 =	simm.s32 @!p0 $0x4F00  }
0x5e: {  	[spmem:s11] =	stream.linear.scatter @!p0 [tilespmem:s1], [sflag:$0x2], $0x800, $0x38;
	[tilespmem:$0x1CE00] =	vst v63  }
0x5f: {  	s1 =	simm.s32 @!p0 $0x2  }
0x60: {  	_ =	swait.ge @!p0 [sflag:s1], $0x800  }
0x61: {  	[sflag:s1] =	ssyncset.done @!p0 $0x0  }
0x62: {  	s16 =	simm.s32 $0x9080;
	[sflag:s1] =	ssyncadd.s32 @!p0 $0xFFFFF800  }
0x63: {  	[spmem:s12] =	stream.linear.scatter [tilespmem:s16], [sflag:$0x2], $0x280, $0x38;
	[tilespmem:$0x1CE00] =	vst v63  }
0x64: {  	_ =	swait.ge [sflag:s23], $0x280  }
0x65: {  	[sflag:s23] =	ssyncset.done $0x0  }
0x66: {  	[sflag:s23] =	ssyncadd.s32 $0xFFFFFD80  }
0x67: {  	s7 =	simm.s32 $0x0;
	s17 =	rddreg [dreg:$0x1]  }
0x68: {  	[tilespmem:s7], [sflag:$0x2] =	stream.linear.gather [hbm4b:s17+s7], $0x2780, $0x38;
	[tilespmem:$0x1CE00] =	vst v63  }
0x69: {  	_ =	swait.ge [sflag:s23], $0x2780  }
0x6a: {  	[sflag:s23] =	ssyncset.done $0x0  }
0x6b: {  	s24 =	rddreg [dreg:$0x5];
	[sflag:s23] =	ssyncadd.s32 $0xFFFFD880  }
0x6c: {  	[tilespmem:s25], [sflag:$0x2] =	stream.linear.gather [hbm4b:s24+s7], $0x2780, $0x38;
	[tilespmem:$0x1CE00] =	vst v63  }
0x6d: {  	_ =	swait.ge [sflag:s23], $0x2780  }
0x6e: {  	[sflag:s23] =	ssyncset.done $0x0  }
0x6f: {  	[sflag:s23] =	ssyncadd.s32 $0xFFFFD880  }
0x70: {  	s1 =	simm.s32 $0x0;
	[bflag:$0x0] =	sbarrier.arrive $0xFFFF  }
.LBB2_6:
0x71: {  	s8 =	sadd.s32 s1, s13  }
0x72: {  	s8 =	sshll.u32 s8, $0x4  }
0x73: {  	s8 =	sand.u32 $0x1FFFFFF0, s8  }
0x74: {  	s15 =	sadd.s32 s5, s8  }
0x75: {  	[tilespmem:s26], [sflag:$0x2] =	stream.linear.gather [hbm4b:s15+s7], $0x80, $0x38;
	[tilespmem:$0x1CE00] =	vst v63  }
0x76: {  	_ =	swait.ge [sflag:s23], $0x80  }
0x77: {  	[sflag:s23] =	ssyncset.done $0x0  }
0x78: {  	[sflag:s23] =	ssyncadd.s32 $0xFFFFFF80  }
0x79: {  	[tilespmem:s22], [sflag:$0x1] =	stream.indirect.gather [hbm4b:s9+s28], $0x80, s26, s28, $0xb8;
	[tilespmem:$0x1CE00] =	vst v63  }
0x7a: {  	s8 =	sadd.s32 s6, s8  }
0x7b: {  	[tilespmem:s29], [sflag:$0x2] =	stream.linear.gather [hbm4b:s8+s7], $0x80, $0x38;
	[tilespmem:$0x1CE00] =	vst v63  }
0x7c: {  	_ =	swait.ge [sflag:s23], $0x80  }
0x7d: {  	[sflag:s23] =	ssyncset.done $0x0  }
0x7e: {  	[sflag:s23] =	ssyncadd.s32 $0xFFFFFF80  }
0x7f: {  	v1 =	vld [tilespmem:$0x8F00]  }
0x80: {  	v2 =	vld [tilespmem:$0x8F80];
	_ =	sdelay $0x6  }
0x81: {  	v1 =	vld.idx.msk [tilespmem:v1+s7+$0x0], $0xffff  }
0x82: {  	v2 =	vld.idx.msk [tilespmem:v2+s25+$0x0], $0xffff;
	_ =	sdelay $0x4  }
0x83: {  	v1 =	vadd.f32 v2, v1;
	_ =	sdelay $0x1  }
0x84: {  	v2 =	vmul.f32 $2.000000030e-01, v1;
	_ =	sdelay $0x1  }
0x85: {  	v1 =	vmax.f32 v1, v2  }
0x86: {  	v1 =	vmul.f32 $1.442695020e+00, v1;
	_ =	sdelay $0x1  }
0x87: {  	(erf) = vpow2.f32 v1;
	_ =	sdelay $0x2  }
0x88: {  	v1 =	vld [tilespmem:$0x8F10]  }
0x89: {  	v2 =	vld [tilespmem:$0x8F90];
	_ =	sdelay $0x4  }
0x8a: {  	v3 =	vpop (erf)  }
0x8b: {  	[tilespmem:$0x9000] =	vst v3  }
0x8c: {  	v1 =	vld.idx.msk [tilespmem:v1+s7+$0x0], $0xffff  }
0x8d: {  	v2 =	vld.idx.msk [tilespmem:v2+s25+$0x0], $0xffff;
	_ =	sdelay $0x4  }
0x8e: {  	v1 =	vadd.f32 v2, v1;
	_ =	sdelay $0x1  }
0x8f: {  	v2 =	vmul.f32 $2.000000030e-01, v1;
	_ =	sdelay $0x1  }
0x90: {  	v1 =	vmax.f32 v1, v2  }
0x91: {  	v1 =	vmul.f32 $1.442695020e+00, v1;
	_ =	sdelay $0x1  }
0x92: {  	(erf) = vpow2.f32 v1;
	_ =	sdelay $0x2  }
0x93: {  	v1 =	vld [tilespmem:$0x8F20]  }
0x94: {  	v2 =	vld [tilespmem:$0x8FA0];
	_ =	sdelay $0x4  }
0x95: {  	v3 =	vpop (erf)  }
0x96: {  	[tilespmem:$0x9010] =	vst v3  }
0x97: {  	v1 =	vld.idx.msk [tilespmem:v1+s7+$0x0], $0xffff  }
0x98: {  	v2 =	vld.idx.msk [tilespmem:v2+s25+$0x0], $0xffff;
	_ =	sdelay $0x4  }
0x99: {  	v1 =	vadd.f32 v2, v1;
	_ =	sdelay $0x1  }
0x9a: {  	v2 =	vmul.f32 $2.000000030e-01, v1;
	_ =	sdelay $0x1  }
0x9b: {  	v1 =	vmax.f32 v1, v2  }
0x9c: {  	v1 =	vmul.f32 $1.442695020e+00, v1;
	_ =	sdelay $0x1  }
0x9d: {  	(erf) = vpow2.f32 v1;
	_ =	sdelay $0x2  }
0x9e: {  	v1 =	vld [tilespmem:$0x8F30]  }
0x9f: {  	v2 =	vld [tilespmem:$0x8FB0];
	_ =	sdelay $0x4  }
0xa0: {  	v3 =	vpop (erf)  }
0xa1: {  	[tilespmem:$0x9020] =	vst v3  }
0xa2: {  	v1 =	vld.idx.msk [tilespmem:v1+s7+$0x0], $0xffff  }
0xa3: {  	v2 =	vld.idx.msk [tilespmem:v2+s25+$0x0], $0xffff;
	_ =	sdelay $0x4  }
0xa4: {  	v1 =	vadd.f32 v2, v1;
	_ =	sdelay $0x1  }
0xa5: {  	v2 =	vmul.f32 $2.000000030e-01, v1;
	_ =	sdelay $0x1  }
0xa6: {  	v1 =	vmax.f32 v1, v2  }
0xa7: {  	v1 =	vmul.f32 $1.442695020e+00, v1;
	_ =	sdelay $0x1  }
0xa8: {  	(erf) = vpow2.f32 v1;
	_ =	sdelay $0x2  }
0xa9: {  	v1 =	vld [tilespmem:$0x8F40]  }
0xaa: {  	v2 =	vld [tilespmem:$0x8FC0];
	_ =	sdelay $0x4  }
0xab: {  	v3 =	vpop (erf)  }
0xac: {  	[tilespmem:$0x9030] =	vst v3  }
0xad: {  	v1 =	vld.idx.msk [tilespmem:v1+s7+$0x0], $0xffff  }
0xae: {  	v2 =	vld.idx.msk [tilespmem:v2+s25+$0x0], $0xffff;
	_ =	sdelay $0x4  }
0xaf: {  	v1 =	vadd.f32 v2, v1;
	_ =	sdelay $0x1  }
0xb0: {  	v2 =	vmul.f32 $2.000000030e-01, v1;
	_ =	sdelay $0x1  }
0xb1: {  	v1 =	vmax.f32 v1, v2  }
0xb2: {  	v1 =	vmul.f32 $1.442695020e+00, v1;
	_ =	sdelay $0x1  }
0xb3: {  	(erf) = vpow2.f32 v1;
	_ =	sdelay $0x2  }
0xb4: {  	v1 =	vld [tilespmem:$0x8F50]  }
0xb5: {  	v2 =	vld [tilespmem:$0x8FD0];
	_ =	sdelay $0x4  }
0xb6: {  	v3 =	vpop (erf)  }
0xb7: {  	[tilespmem:$0x9040] =	vst v3  }
0xb8: {  	v1 =	vld.idx.msk [tilespmem:v1+s7+$0x0], $0xffff  }
0xb9: {  	v2 =	vld.idx.msk [tilespmem:v2+s25+$0x0], $0xffff;
	_ =	sdelay $0x4  }
0xba: {  	v1 =	vadd.f32 v2, v1;
	_ =	sdelay $0x1  }
0xbb: {  	v2 =	vmul.f32 $2.000000030e-01, v1;
	_ =	sdelay $0x1  }
0xbc: {  	v1 =	vmax.f32 v1, v2  }
0xbd: {  	v1 =	vmul.f32 $1.442695020e+00, v1;
	_ =	sdelay $0x1  }
0xbe: {  	(erf) = vpow2.f32 v1;
	_ =	sdelay $0x2  }
0xbf: {  	v1 =	vld [tilespmem:$0x8F60]  }
0xc0: {  	v2 =	vld [tilespmem:$0x8FE0];
	_ =	sdelay $0x4  }
0xc1: {  	v3 =	vpop (erf)  }
0xc2: {  	[tilespmem:$0x9050] =	vst v3  }
0xc3: {  	v1 =	vld.idx.msk [tilespmem:v1+s7+$0x0], $0xffff  }
0xc4: {  	v2 =	vld.idx.msk [tilespmem:v2+s25+$0x0], $0xffff;
	_ =	sdelay $0x4  }
0xc5: {  	v1 =	vadd.f32 v2, v1;
	_ =	sdelay $0x1  }
0xc6: {  	v2 =	vmul.f32 $2.000000030e-01, v1;
	_ =	sdelay $0x1  }
0xc7: {  	v1 =	vmax.f32 v1, v2  }
0xc8: {  	v1 =	vmul.f32 $1.442695020e+00, v1;
	_ =	sdelay $0x1  }
0xc9: {  	(erf) = vpow2.f32 v1;
	_ =	sdelay $0x2  }
0xca: {  	v1 =	vld [tilespmem:$0x8F70]  }
0xcb: {  	v2 =	vld [tilespmem:$0x8FF0];
	_ =	sdelay $0x4  }
0xcc: {  	v3 =	vpop (erf)  }
0xcd: {  	[tilespmem:$0x9060] =	vst v3  }
0xce: {  	v1 =	vld.idx.msk [tilespmem:v1+s7+$0x0], $0xffff  }
0xcf: {  	v2 =	vld.idx.msk [tilespmem:v2+s25+$0x0], $0xffff;
	_ =	sdelay $0x4  }
0xd0: {  	v1 =	vadd.f32 v2, v1;
	_ =	sdelay $0x1  }
0xd1: {  	v2 =	vmul.f32 $2.000000030e-01, v1;
	_ =	sdelay $0x1  }
0xd2: {  	v1 =	vmax.f32 v1, v2  }
0xd3: {  	v1 =	vmul.f32 $1.442695020e+00, v1;
	_ =	sdelay $0x1  }
0xd4: {  	(erf) = vpow2.f32 v1;
	_ =	sdelay $0x8  }
0xd5: {  	v1 =	vpop (erf)  }
0xd6: {  	[tilespmem:$0x9070] =	vst v1  }
0xd7: {  	[spmem:s3] =	stream.indirect.scatter.add.f32 [tilespmem:s30], [sflag:$0x2], $0x1, s29, s28, $0xb8;
	[tilespmem:$0x1CE00] =	vst v63  }
0xd8: {  	_ =	swait.ge [sflag:s23], $0x80  }
0xd9: {  	[sflag:s23] =	ssyncset.done $0x0  }
0xda: {  	[sflag:s23] =	ssyncadd.s32 $0xFFFFFF80  }
0xdb: {  	_ =	swait.ge [sflag:s31], $0x4000  }
0xdc: {  	s17 =	simm.s32 $0x1;
	[sflag:s31] =	ssyncset.done $0x0  }
0xdd: {  	s24 =	simm.s32 $0x4F80;
	v1 =	vmov s17;
	[sflag:s31] =	ssyncadd.s32 $0xFFFFC000  }
0xde: {  	v6 =	vld [tilespmem:s24+$0xFFFFFFF0]  }
0xdf: {  	v5 =	vld [tilespmem:s24+$0x60]  }
0xe0: {  	v3 =	vld [tilespmem:s24+$0x50]  }
0xe1: {  	v2 =	vmov s7;
	v9 =	vld [tilespmem:s24+$0xFFFFFFD0]  }
0xe2: {  	v2 =	vand.u32 $0xFFFFFFFE, v2;
	v7 =	vld.idx.msk [tilespmem:v1+s30+$0x0], $0xffff  }
0xe3: {  	v1 =	vbroadcast v2, $0x0;
	v2 =	vld [tilespmem:s24+$0x0]  }
0xe4: {  	v4 =	vld [tilespmem:s24+$0x10]  }
0xe5: {  	v8 =	vld [tilespmem:s24+$0x20]  }
0xe6: {  	v10 =	vld [tilespmem:s24+$0x30]  }
0xe7: {  	v11 =	vld [tilespmem:s24+$0x40]  }
0xe8: {  	v12 =	vld [tilespmem:s24+$0x70]  }
0xe9: {  	v14 =	vld [tilespmem:s24+$0xFFFFFF80];
	v13 =	vmul.f32 v2, v7  }
0xea: {  	v62 =	vld [tilespmem:s24+$0xFFFFFFA0];
	v63 =	vmul.f32 v5, v7  }
0xeb: {  	v2 =	vld.idx.msk [tilespmem:v1+s30+$0x0], $0xffff;
	v1 =	vmul.f32 v4, v7;
	v4 =	vmul.f32 v8, v7;
	[tilespmem:s24+$0x0] =	vst v13  }
0xec: {  	v5 =	vld [tilespmem:s24+$0xFFFFFF90];
	v8 =	vmul.f32 v10, v7;
	v10 =	vmul.f32 v11, v7;
	[tilespmem:s24+$0x60] =	vst v63  }
0xed: {  	v11 =	vmul.f32 v3, v7;
	v3 =	vmul.f32 v12, v7;
	v7 =	vld [tilespmem:s24+$0xFFFFFFC0];
	[tilespmem:s24+$0x10] =	vst v1  }
0xee: {  	[tilespmem:s24+$0x20] =	vst v4;
	v4 =	vld [tilespmem:s24+$0xFFFFFFE0]  }
0xef: {  	v1 =	vld [tilespmem:s24+$0xFFFFFFB0];
	[tilespmem:s24+$0x30] =	vst v8  }
0xf0: {  	[tilespmem:s24+$0x40] =	vst v10;
	v8 =	vmul.f32 v14, v2;
	v10 =	vmul.f32 v6, v2  }
0xf1: {  	s15 =	simm.s32 $0x4F80;
	s8 =	simm.s32 $0x2;
	[tilespmem:s24+$0x50] =	vst v11;
	v6 =	vmul.f32 v62, v2;
	v9 =	vmul.f32 v9, v2  }
.LBB2_7:
0xf2: {  	p3 =	sne.s32 s8, $0x7E  }
0xf3: {  	v5 =	vmul.f32 v5, v2;
	v4 =	vmul.f32 v4, v2;
	[tilespmem:s24+$0x70] =	vst v3;
	s15 =	sadd.s32 $0x100, s15;
	s16 =	smov.u32 s8;
	s8 =	sadd.s32 $0x2, s8  }
0xf4: {  	v1 =	vmul.f32 v1, v2;
	v2 =	vmul.f32 v7, v2;
	[tilespmem:s24+$0xFFFFFFF0] =	vst v10  }
0xf5: {  	[tilespmem:s24+$0xFFFFFF80] =	vst v8  }
0xf6: {  	s17 =	sadd.s32 $0x1, s16;
	v10 =	vld [tilespmem:s15+$0xFFFFFFF0];
	[tilespmem:s24+$0xFFFFFFD0] =	vst v9  }
0xf7: {  	v3 =	vmov s17;
	v8 =	vld [tilespmem:s15+$0x60];
	[tilespmem:s24+$0xFFFFFFA0] =	vst v6  }
0xf8: {  	v6 =	vld [tilespmem:s15+$0x50];
	[tilespmem:s24+$0xFFFFFFB0] =	vst v1  }
0xf9: {  	v1 =	vld [tilespmem:s15+$0xFFFFFFB0];
	[tilespmem:s24+$0xFFFFFFC0] =	vst v2  }
0xfa: {  	v9 =	vld [tilespmem:s15+$0xFFFFFFD0];
	[tilespmem:s24+$0xFFFFFFE0] =	vst v4  }
0xfb: {  	v2 =	vmov s16;
	v4 =	vld [tilespmem:s15+$0x70];
	[tilespmem:s24+$0xFFFFFF90] =	vst v5;
	s24 =	smov.u32 s15  }
0xfc: {  	v2 =	vand.u32 $0xFFFFFFFE, v2;
	v11 =	vld.idx.msk [tilespmem:v3+s30+$0x0], $0xffff  }
0xfd: {  	v2 =	vbroadcast v2, $0x0;
	v3 =	vld [tilespmem:s15+$0x0]  }
0xfe: {  	v5 =	vld [tilespmem:s15+$0x10]  }
0xff: {  	v7 =	vld [tilespmem:s15+$0x20]  }
0x100: {  	v12 =	vld [tilespmem:s15+$0x30]  }
0x101: {  	v13 =	vld [tilespmem:s15+$0x40]  }
0x102: {  	v14 =	vld [tilespmem:s15+$0xFFFFFF80];
	v15 =	vmul.f32 v3, v11;
	v3 =	vmul.f32 v4, v11  }
0x103: {  	v2 =	vld.idx.msk [tilespmem:v2+s30+$0x0], $0xffff;
	v4 =	vmul.f32 v5, v11  }
0x104: {  	[tilespmem:s15+$0x0] =	vst v15;
	v15 =	vld [tilespmem:s15+$0xFFFFFFA0];
	v7 =	vmul.f32 v7, v11  }
0x105: {  	[tilespmem:s15+$0x10] =	vst v4;
	v12 =	vmul.f32 v12, v11;
	v4 =	vld [tilespmem:s15+$0xFFFFFFE0]  }
.Ltmp3:
0x106: {  	v5 =	vld [tilespmem:s15+$0xFFFFFF90];
	[tilespmem:s15+$0x20] =	vst v7;
	v13 =	vmul.f32 v13, v11;
	(pc) =	sbr.rel @p3 .LBB2_7-.Ltmp3, $4  }
0x107: {  	v6 =	vmul.f32 v6, v11;
	[tilespmem:s15+$0x30] =	vst v12;
	v7 =	vld [tilespmem:s15+$0xFFFFFFC0]  }
0x108: {  	v11 =	vmul.f32 v8, v11;
	[tilespmem:s15+$0x40] =	vst v13  }
0x109: {  	v8 =	vmul.f32 v14, v2;
	v10 =	vmul.f32 v10, v2;
	[tilespmem:s15+$0x50] =	vst v6  }
0x10a: {  	v9 =	vmul.f32 v9, v2;
	v6 =	vmul.f32 v15, v2;
	[tilespmem:s15+$0x60] =	vst v11  }
0x10b: {  	[tilespmem:s24+$0x70] =	vst v3  }
0x10c: {  	[tilespmem:s24+$0xFFFFFFF0] =	vst v10  }
0x10d: {  	[tilespmem:s24+$0xFFFFFF80] =	vst v8  }
0x10e: {  	v1 =	vmul.f32 v1, v2;
	[tilespmem:s24+$0xFFFFFFD0] =	vst v9  }
0x10f: {  	v4 =	vmul.f32 v4, v2;
	[tilespmem:s24+$0xFFFFFFA0] =	vst v6  }
0x110: {  	v3 =	vmul.f32 v7, v2;
	[tilespmem:s24+$0xFFFFFFB0] =	vst v1  }
0x111: {  	s1 =	sadd.s32 $0x1, s1;
	v1 =	vmul.f32 v5, v2;
	[tilespmem:s24+$0xFFFFFFE0] =	vst v4  }
0x112: {  	p3 =	sne.s32 s1, s14;
	[tilespmem:s24+$0xFFFFFFC0] =	vst v3  }
.Ltmp4:
0x113: {  	[tilespmem:s24+$0xFFFFFF90] =	vst v1;
	(pc) =	sbr.rel @p3 .LBB2_6-.Ltmp4, $4  }
0x114: {  	[spmem:s2] =	stream.indirect.scatter.add.f32 [tilespmem:s22], [sflag:$0x2], $0x80, s29, s28, $0xb8;
	[tilespmem:$0x1CE00] =	vst v63  }
0x115: {  	_ =	swait.ge [sflag:s23], $0x4000  }
0x116: {  	[sflag:s23] =	ssyncset.done $0x0  }
0x117: {  	[sflag:s23] =	ssyncadd.s32 $0xFFFFC000  }
0x118: {  	[bflag:$0x0] =	sbarrier.arrive $0xFFFF  }
0x119: {  	[tilespmem:s22], [sflag:$0x2] =	stream.linear.gather [spmem:s20], $0x4000, $0x38;
	[tilespmem:$0x1CE00] =	vst v63  }
0x11a: {  	_ =	swait.ge [sflag:s23], $0x4000  }
.Ltmp5:
0x11b: {  	[sflag:s23] =	ssyncset.done $0x0;
	(pc) =	sbr.rel @!p2 .LBB2_11-.Ltmp5, $4  }
0x11c: {  	[sflag:s23] =	ssyncadd.s32 $0xFFFFC000  }
0x11d: {  	[hbm4b:s21+s4] =	stream.linear.scatter [tilespmem:s22], [sflag:$0x2], $0x4000, $0x38;
	[tilespmem:$0x1CE00] =	vst v63  }
0x11e: {  	s1 =	sadd.s32 $0xFFFFFFFF, s10;
	_ =	swait.ge [sflag:s23], $0x4000  }
0x11f: {  	s7 =	smov.u32 s21;
	s8 =	smov.u32 s20;
	[sflag:s23] =	ssyncset.done $0x0  }
.LBB2_10:
0x120: {  	[sflag:s23] =	ssyncadd.s32 $0xFFFFC000;
	s7 =	sadd.s32 $0x800, s7;
	s8 =	sadd.s32 $0x4000, s8  }
0x121: {  	[tilespmem:s22], [sflag:$0x2] =	stream.linear.gather [spmem:s8], $0x4000, $0x38;
	[tilespmem:$0x1CE00] =	vst v63  }
0x122: {  	p2 =	sne.s32 s1, $0x1;
	s1 =	sadd.s32 $0xFFFFFFFF, s1;
	_ =	swait.ge [sflag:s23], $0x4000  }
.Ltmp6:
0x123: {  	[sflag:s23] =	ssyncset.done $0x0;
	(pc) =	sbr.rel @p2 .LBB2_10-.Ltmp6, $4  }
0x124: {  	[sflag:s23] =	ssyncadd.s32 $0xFFFFC000  }
0x125: {  	[hbm4b:s7+s4] =	stream.linear.scatter [tilespmem:s22], [sflag:$0x2], $0x4000, $0x38;
	[tilespmem:$0x1CE00] =	vst v63  }
0x126: {  	_ =	swait.ge [sflag:s23], $0x4000  }
0x127: {  	[sflag:s23] =	ssyncset.done $0x0  }
.LBB2_11:
0x128: {  	[sflag:s23] =	ssyncadd.s32 $0xFFFFC000;
	s1 =	simm.s32 @p1 $0x4F00;
	s7 =	simm.s32 @p1 $0x2  }
0x129: {  	[tilespmem:s1], [sflag:$0x2] =	stream.linear.gather @p1 [spmem:s11], $0x800, $0x38;
	[tilespmem:$0x1CE00] =	vst v63  }
0x12a: {  	_ =	swait.ge @p1 [sflag:s7], $0x800  }
0x12b: {  	[sflag:s7] =	ssyncset.done @p1 $0x0  }
0x12c: {  	s8 =	simm.s32 @p1 $0x0;
	s15 =	rddreg [dreg:$0x7];
	[sflag:s7] =	ssyncadd.s32 @p1 $0xFFFFF800  }
0x12d: {  	[hbm4b:s15+s8] =	stream.linear.scatter @p1 [tilespmem:s1], [sflag:$0x2], $0x800, $0x38;
	[tilespmem:$0x1CE00] =	vst v63  }
0x12e: {  	_ =	swait.ge @p1 [sflag:s7], $0x800  }
0x12f: {  	[sflag:s7] =	ssyncset.done @p1 $0x0  }
0x130: {  	s1 =	simm.s32 @p1 $0x9080;
	s15 =	rddreg [dreg:$0x8];
	[sflag:s7] =	ssyncadd.s32 @p1 $0xFFFFF800  }
0x131: {  	[tilespmem:s1], [sflag:$0x2] =	stream.linear.gather @p1 [spmem:s15], $0x190, $0x38;
	[tilespmem:$0x1CE00] =	vst v63  }
0x132: {  	_ =	swait.ge @p1 [sflag:s7], $0x190  }
0x133: {  	[sflag:s7] =	ssyncset.done @p1 $0x0  }
0x134: {  	[sflag:s7] =	ssyncadd.s32 @p1 $0xFFFFFE70  }
0x135: {  	[hbm4b:s18+s8] =	stream.linear.scatter @p1 [tilespmem:s1], [sflag:$0x2], $0x190, $0x38;
	[tilespmem:$0x1CE00] =	vst v63  }
0x136: {  	_ =	swait.ge @p1 [sflag:s7], $0x190  }
0x137: {  	[sflag:s7] =	ssyncset.done @p1 $0x0  }
0x138: {  	s1 =	simm.s32 @!p1 $0x9080;
	[sflag:s7] =	ssyncadd.s32 @p1 $0xFFFFFE70;
	s7 =	simm.s32 @!p1 $0x2  }
0x139: {  	[tilespmem:s1], [sflag:$0x2] =	stream.linear.gather @!p1 [spmem:s12], $0x280, $0x38;
	[tilespmem:$0x1CE00] =	vst v63  }
0x13a: {  	s0 =	sadd.s32 $0x1, s0;
	_ =	swait.ge @!p1 [sflag:s7], $0x280  }
0x13b: {  	p2 =	sne.s32 s0, s19;
	s8 =	simm.s32 @!p1 $0x0;
	[sflag:s7] =	ssyncset.done @!p1 $0x0  }
.Ltmp7:
0x13c: {  	s15 =	rddreg [dreg:$0x6];
	[sflag:s7] =	ssyncadd.s32 @!p1 $0xFFFFFD80;
	(pc) =	sbr.rel @p2 .LBB2_1-.Ltmp7, $4  }
0x13d: {  	[hbm4b:s15+s8] =	stream.linear.scatter @!p1 [tilespmem:s1], [sflag:$0x2], $0x280, $0x38;
	[tilespmem:$0x1CE00] =	vst v63  }
0x13e: {  	_ =	swait.ge @!p1 [sflag:s7], $0x280  }
0x13f: {  	[sflag:s7] =	ssyncset.done @!p1 $0x0  }
0x140: {  	[sflag:s7] =	ssyncadd.s32 @!p1 $0xFFFFFD80  }
0x141: {  	_ =	sfence.sel $0x180000  }
0x142: {  	[bflag:$0x0] =	sbarrier.arrive $0xFFFF  }
0x143: {  	_ =	strace $0x9000004A  }
0x144: {  	s0 =	stileid.u32;
	[bflag:$0x2] =	sbarrier.arrive $0xFFFF  }
0x145: {  	p0 =	sne.s32 s0, $0x0;
	s0 =	rddreg [dreg:$0x4]  }
0x146: {  	s0 =	sadd.s32 @!p0 $0x100000, s0  }
0x147: {  	[sflag:s0] =	ssyncadd.tile.s32 @!p0 $0x1;
	_ =	shalt  }
.Lfunc_end2:
_tile_overlayer_lowered:
.L_overlay_start_2:
0x148: {  	(tag) =	ssettag $0x2  }
0x149: {  	s0 =	rddreg [dreg:$0x0];
	s2 =	stileid.u32  }
0x14a: {  	s1 =	rddreg [dreg:$0x1];
	p0 =	sne.s32 s2, $0x0  }
0x14b: {  	s3 =	rddreg [dreg:$0x2];
	[bflag:$0x3] =	sbarrier.arrive $0xFFFF;
	s2 =	simm.s32 @!p0 $0x1C02  }
0x14c: {  	[timem:s3], [sflag:s2] =	dma.local @!p0 [hbm:s0], s1  }
0x14d: {  	s0 =	simm.s32 @!p0 $0x2  }
0x14e: {  	_ =	swait.ge @!p0 [sflag:s0], s1  }
0x14f: {  	s1 =	ssub.s32 @!p0 $0x0, s1;
	[sflag:s0] =	ssyncset.done @!p0 $0x0  }
0x150: {  	[sflag:s0] =	ssyncadd.s32 @!p0 s1  }
0x151: {  	[bflag:$0x3] =	sbarrier.arrive $0xFFFF  }
0x152: {  	_ =	shalt  }

// kernel: kernel.16.cloned.1.call-start
scs
__scs_entry_jumppad:
0x0: {  	(pc) =	sbr.rel $0x88, $3  }
0x1: {  	(tag) =	ssettag $0x0;
	lr =	simm.s32 $0x1  }
0x2: {  	[smem:$0x3F92] =	sst lr;
	_ =	strace $0xD0000000  }
0x3: {  	_ = 	snop  }
0x4: {  	_ = 	snop  }
0x5: {  	_ = 	snop  }
0x6: {  	_ = 	snop  }
0x7: {  	_ = 	snop  }
__scs_overlays_trampoline_lowered:
0x8: {  	[smem:$0x3FA1] =	sst s0  }
0x9: {  	[smem:$0x3FA2] =	sst s1  }
0xa: {  	[smem:$0x3FA3] =	sst s2  }
0xb: {  	[smem:$0x3FA4] =	sst s3  }
0xc: {  	[smem:$0x3FA5] =	sst s4  }
0xd: {  	[smem:$0x3FA6] =	sst s5  }
0xe: {  	[smem:$0x3FA7] =	sst s6  }
0xf: {  	[smem:$0x3FA8] =	sst s7  }
0x10: {  	[smem:$0x3FA9] =	sst s8  }
0x11: {  	[smem:$0x3FAA] =	sst s9;
	s0 =	simm.s32 @!p0 $0x0  }
0x12: {  	s1 =	sld [smem:$0x3F90];
	s0 =	simm.s32 @p0 $0x1  }
0x13: {  	[smem:$0x3FAB] =	sst s0;
	s0 =	simm.s32 @!p1 $0x0  }
0x14: {  	s2 =	sld [smem:$0x3F8F];
	s0 =	simm.s32 @p1 $0x1  }
0x15: {  	[smem:$0x3FAC] =	sst s0;
	s0 =	simm.s32 @!p2 $0x0  }
0x16: {  	s3 =	sld [smem:$0x3FDB];
	s0 =	simm.s32 @p2 $0x1  }
0x17: {  	s4 =	simm.s32 $0x1BF5;
	[smem:$0x3FAE] =	sst s0  }
0x18: {  	s0 =	sld [smem:$0x3F91];
	_ =	swait.ge [sflag:s4], $0x0  }
0x19: {  	s7 =	sld [smem:$0x3F92]  }
0x1a: {  	s8 =	sadd.s32 $0xFFFFE003, lr  }
0x1b: {  	s9 =	sadd.s32 $0xFFFFFEF7, lr;
	s5 =	simm.s32 $0xFFFFFFFF;
	p2 =	slt.u32 s8, $0xFFFFF086  }
0x1c: {  	p1 =	slt.u32 s9, $0xF7A;
	s5 =	simm.s32 @!p2 $0x0  }
0x1d: {  	s5 =	simm.s32 @p1 $0x1;
	p0 =	seq.s32 s7, s2  }
0x1e: {  	s7 =	smul.u32 @!p0 $0xF7A, s2;
	p2 =	seq.s32 @!p0 s5, $0x0  }
0x1f: {  	s9 =	smul.u32 $0xF7A, s1;
	s8 =	simm.s32 @!p0 $0x1BF5;
	p2 =	por !p2, p0  }
0x20: {  	[sflag:s8] =	ssyncset.s32 @!p0 $0xFFFFF086;
	s6 =	sadd.s32 @!p0 s3, s7;
	s7 =	simm.s32 @!p0 $0x108  }
0x21: {  	s3 =	sadd.s32 s3, s9;
	s6 =	sadd.s32 @!p0 $0x88, s6;
	s7 =	simm.s32 @p2 $0x1082  }
0x22: {  	[simem:s7], [sflag:s8] =	dma.local @!p0 [hbm:s6], $0xF7A  }
0x23: {  	s9 =	sor.u32 $0xD0000000, s2;
	s6 =	simm.s32 $0x108;
	_ =	swait.ge @!p0 [sflag:s8], $0x0  }
0x24: {  	s3 =	sadd.s32 $0x88, s3;
	s6 =	simm.s32 @!p1 $0x1082;
	[sflag:s4] =	ssyncset.s32 $0xFFFFF086  }
0x25: {  	[simem:s6], [sflag:s4] =	dma.local [hbm:s3], $0xF7A  }
0x26: {  	[smem:$0x3F92] =	sst s1;
	(tag) =	ssettag s2;
	_ =	strace s9  }
0x27: {  	s1 =	sld [smem:$0x3FA2]  }
0x28: {  	s2 =	sld [smem:$0x3FA3]  }
0x29: {  	s4 =	sld [smem:$0x3FA5]  }
0x2a: {  	p0 =	seq.s32 s5, $0x0;
	s5 =	sld [smem:$0x3FA6]  }
0x2b: {  	s6 =	sld [smem:$0x3FA7]  }
0x2c: {  	s7 =	sld [smem:$0x3FA8]  }
0x2d: {  	s3 =	simm.s32 $0x108;
	s8 =	sld [smem:$0x3FA9]  }
0x2e: {  	s3 =	simm.s32 @!p0 $0x1082;
	s9 =	sld [smem:$0x3FAA]  }
0x2f: {  	lr =	sadd.s32 s0, s3;
	s0 =	sld [smem:$0x3FA1]  }
0x30: {  	s3 =	sld [smem:$0x3FA4]  }
0x31: {  	[smem:$0x3FAD] =	sst s10  }
0x32: {  	s10 =	sld [smem:$0x3FAB];
	_ =	sdelay $0x3  }
0x33: {  	p0 =	seq.s32 s10, $0x1;
	s10 =	sld [smem:$0x3FAD];
	_ =	sdelay $0x3  }
0x34: {  	[smem:$0x3FAD] =	sst s10  }
0x35: {  	s10 =	sld [smem:$0x3FAC];
	_ =	sdelay $0x3  }
0x36: {  	p1 =	seq.s32 s10, $0x1;
	s10 =	sld [smem:$0x3FAD];
	_ =	sdelay $0x3  }
0x37: {  	[smem:$0x3FAD] =	sst s10  }
0x38: {  	s10 =	sld [smem:$0x3FAE]  }
0x39: {  	_ = 	snop;
	(pc) =	sbr.ind lr, $3  }
0x3a: {  	_ = 	snop  }
0x3b: {  	_ = 	snop  }
0x3c: {  	p2 =	seq.s32 s10, $0x1;
	s10 =	sld [smem:$0x3FAD]  }
0x3d: {  	_ =	shalt  }
0x3e: {  	_ =	shalt  }
0x3f: {  	_ =	shalt  }
0x40: {  	_ =	shalt  }
0x41: {  	_ =	shalt  }
0x42: {  	_ =	shalt  }
0x43: {  	_ =	shalt  }
0x44: {  	_ =	shalt  }
0x45: {  	_ =	shalt  }
0x46: {  	_ =	shalt  }
0x47: {  	_ =	shalt  }
0x48: {  	_ =	shalt  }
0x49: {  	_ =	shalt  }
0x4a: {  	_ =	shalt  }
0x4b: {  	_ =	shalt  }
0x4c: {  	_ =	shalt  }
0x4d: {  	_ =	shalt  }
0x4e: {  	_ =	shalt  }
0x4f: {  	_ =	shalt  }
0x50: {  	_ =	shalt  }
0x51: {  	_ =	shalt  }
0x52: {  	_ =	shalt  }
0x53: {  	_ =	shalt  }
0x54: {  	_ =	shalt  }
0x55: {  	_ =	shalt  }
0x56: {  	_ =	shalt  }
0x57: {  	_ =	shalt  }
0x58: {  	_ =	shalt  }
0x59: {  	_ =	shalt  }
0x5a: {  	_ =	shalt  }
0x5b: {  	_ =	shalt  }
0x5c: {  	_ =	shalt  }
0x5d: {  	_ =	shalt  }
0x5e: {  	_ =	shalt  }
0x5f: {  	_ =	shalt  }
0x60: {  	_ =	shalt  }
0x61: {  	_ =	shalt  }
0x62: {  	_ =	shalt  }
0x63: {  	_ =	shalt  }
0x64: {  	_ =	shalt  }
0x65: {  	_ =	shalt  }
0x66: {  	_ =	shalt  }
0x67: {  	_ =	shalt  }
0x68: {  	_ =	shalt  }
0x69: {  	_ =	shalt  }
0x6a: {  	_ =	shalt  }
0x6b: {  	_ =	shalt  }
0x6c: {  	_ =	shalt  }
0x6d: {  	_ =	shalt  }
0x6e: {  	_ =	shalt  }
0x6f: {  	_ =	shalt  }
0x70: {  	_ =	shalt  }
0x71: {  	_ =	shalt  }
0x72: {  	_ =	shalt  }
0x73: {  	_ =	shalt  }
0x74: {  	_ =	shalt  }
0x75: {  	_ =	shalt  }
0x76: {  	_ =	shalt  }
0x77: {  	_ =	shalt  }
0x78: {  	_ =	shalt  }
0x79: {  	_ =	shalt  }
0x7a: {  	_ =	shalt  }
0x7b: {  	_ =	shalt  }
0x7c: {  	_ =	shalt  }
0x7d: {  	_ =	shalt  }
0x7e: {  	_ =	shalt  }
0x7f: {  	_ =	shalt  }
0x80: {  	_ =	shalt  }
0x81: {  	_ =	shalt  }
0x82: {  	_ =	shalt  }
0x83: {  	_ =	shalt  }
0x84: {  	_ =	shalt  }
0x85: {  	_ =	shalt  }
0x86: {  	_ =	shalt  }
0x87: {  	_ =	shalt  }
.Lfunc_end0:
.L_simem_size_0:
called_computation.2_lowered:
.L_overlay_start_0:
0x88: {  	s2 =	sld [smem:$0x3FD9]  }
0x89: {  	s3 =	sld [smem:$0x3FFE];
	_ =	sdelay $0x1  }
0x8a: {  	s1 =	srdreg.scid  }
0x8b: {  	s0 =	sand.u32 $0x1, s1  }
0x8c: {  	s17 =	sshll.u32 s0, $0xA;
	s2 =	sadd.s32 s3, s2  }
0x8d: {  	s2 =	sadd.s32 s2, s17  }
0x8e: {  	[smem:$0x3FB9] =	sst s2  }
0x8f: {  	_ = 	snop  }
0x90: {  	s2 =	sld [smem:$0x3FC7];
	(tm) =	ssettm $0x1  }
0x91: {  	s18 =	sld [smem:$0x3FFB];
	_ =	sdelay $0x3  }
0x92: {  	_ =	strace s18  }
0x93: {  	s3 =	sld [smem:$0x3FFC];
	_ =	sdelay $0x3  }
0x94: {  	_ =	strace s3  }
0x95: {  	s3 =	sld [smem:$0x3FFD];
	_ =	sdelay $0x3  }
0x96: {  	_ =	strace s3  }
0x97: {  	_ =	strace $0x8FFFFFFF  }
0x98: {  	s19 =	sld [smem:$0x3FDB];
	_ =	sdelay $0x1  }
0x99: {  	s4 =	simm.s32 $_scs_section_size  }
0x9a: {  	s5 =	simm.s32 $_size__tile_overlayer_lowered;
	s6 =	simm.s32 $_tile_overlayer_lowered  }
0x9b: {  	s22 =	simm.s32 $0x1BFF;
	s21 =	sshll.u32 s6, $0x1;
	s3 =	sadd.s32 s4, s19  }
0x9c: {  	s7 =	simm.s32 $0x0;
	s20 =	sshll.u32 s5, $0x1;
	s5 =	sadd.s32 s21, s3  }
0x9d: {  	[timem:s7], [sflag:s22] =	dma.local [hbm:s5], s20  }
0x9e: {  	_ =	swait.ge [sflag:s22], s20  }
0x9f: {  	s4 =	ssub.s32 $0x0, s20;
	[sflag:s22] =	ssyncset.done $0x0  }
0xa0: {  	[sflag:s22] =	ssyncadd.s32 s4;
	_ =	sdelay $0x1  }
0xa1: {  	s23 =	simm.s32 $0x1B8B  }
0xa2: {  	_ =	swait.ge [sflag:s23], $0x1  }
0xa3: {  	[sflag:s23] =	ssyncset.done $0x0  }
0xa4: {  	s25 =	simm.s32 $0x1B8E;
	s24 =	sld [smem:$0x3FFE];
	[sflag:s23] =	ssyncadd.s32 $0xFFFFFFFF  }
0xa5: {  	s26 =	simm.s32 $execute0_lowered;
	[smem:$0x3FD2] =	sst s25  }
0xa6: {  	s5 =	sshll.u32 s26, $0x1;
	_ =	strace $0x8000004C;
	[dreg:$0x1] =	wrdreg $0xFFFFFFFF  }
0xa7: {  	s28 =	simm.s32 $_size_execute0_lowered;
	s3 =	sadd.s32 s3, s5;
	[dreg:$0x0] =	wrdreg $0x0  }
0xa8: {  	s5 =	sshll.u32 s28, $0x1;
	[dreg:$0x2] =	wrdreg s3  }
0xa9: {  	[dreg:$0x3] =	wrdreg s5  }
0xaa: {  	[dreg:$0x4] =	wrdreg $0xC0  }
0xab: {  	_ =	task [dreg:s7], $0x5FFFF  }
0xac: {  	[dreg:$0x1] =	wrdreg $0xFFFFFFFF  }
0xad: {  	[dreg:$0x0] =	wrdreg $0x60  }
0xae: {  	[dreg:$0x2] =	wrdreg s24  }
0xaf: {  	[dreg:$0x3] =	wrdreg s2  }
0xb0: {  	[dreg:$0x4] =	wrdreg $0x9  }
0xb1: {  	_ =	task.clear_ibuf [dreg:s7], $0x5FFFF;
	_ =	strace $0x9000004C  }
0xb2: {  	s29 =	simm.s32 $0x9;
	_ =	strace $0x8000004E  }
0xb3: {  	_ =	swait.ge [sflag:s29], $0x1  }
0xb4: {  	[sflag:s29] =	ssyncadd.s32 $0xFFFFFFFF  }
0xb5: {  	_ =	strace $0x9000004E  }
0xb6: {  	_ =	sfence  }
0xb7: {  	s30 =	sld [smem:$0x0];
	_ =	sdelay $0x2  }
0xb8: {  	s31 =	sshll.u32 s1, $0xD;
	s1 =	sshrl.u32 s1, $0x2  }
0xb9: {  	s3 =	sand.u32 $0x4000, s31;
	s1 =	sadd.s32 s1, s30  }
0xba: {  	s0 =	sor.u32 s3, s0;
	s1 =	sshll.u32 s1, $0x11  }
0xbb: {  	s0 =	sor.u32 s1, s0  }
0xbc: {  	s0 =	sadd.s32 $0x8F2B, s0  }
0xbd: {  	[sflag:s0] =	ssyncadd.remote.s32 $0x1  }
0xbe: {  	_ =	sfence.sel $0xFFFF  }
0xbf: {  	[dreg:$0x0] =	wrdreg $0xFFFFFFFF;
	(pc) =	sbr.abs _section_cstart, $3  }
0xc0: {  	[dreg:$0x1] =	wrdreg $0xFFFFFFFF  }
0xc1: {  	_ =	task.clear_ibuf [dreg:s7], $0x2FFFF;
	_ =	strace $0x9FFFFFFF  }
0xc2: {  	(tm) =	ssettm $0x7FFFFFFF  }
0xc3: {  	_ =	shalt  }
tec
execute0_lowered:
.L_overlay_start_1:
0x0: {  	(tag) =	ssettag $0x1  }
0x1: {  	s1 =	srdreg.scid;
	s9 =	rddreg [dreg:$0x0]  }
0x2: {  	s0 =	stileid.u32;
	s3 =	rddreg [dreg:$0x1]  }
0x3: {  	s2 =	simm.s32 $0x0;
	s7 =	simm.s32 $0x80;
	s6 =	sand.u32 $0x1, s1  }
0x4: {  	s4 =	sshll.u32 s0, $0x6;
	s1 =	rddreg [dreg:$0x2];
	s5 =	sshll.u32 s6, $0x5  }
0x5: {  	s8 =	simm.s32 $0x1;
	[smem:$0x7FF] =	sst s2;
	s10 =	sor.u32 s5, s4  }
0x6: {  	_ =	strace $0x8000004D;
	s11 =	ssub.s32 $0x2, s6;
	s4 =	sshrl.u32 s10, $0x3  }
0x7: {  	s6 =	simm.s32 $0x20;
	s4 =	sadd.s32 s3, s4;
	s3 =	simm.s32 $0x2  }
0x8: {  	[tilespmem:s2], [sflag:$0x2] =	stream.linear.gather [hbm4b:s4+s2], $0x20, $0x38;
	[tilespmem:$0x1080] =	vst v63  }
0x9: {  	s5 =	sadd.s32 $0x2400, s9;
	s12 =	sshrl.u32 s11, $0x1;
	_ =	swait.ge [sflag:s3], $0x20  }
0xa: {  	s10 =	sshll.u32 s10, $0x4;
	s31 =	ssub.s32 s11, s12;
	[sflag:s3] =	ssyncset.done $0x0  }
0xb: {  	s9 =	sadd.s32 s10, s9;
	s10 =	smax.u32 s31, $0x1;
	[sflag:s3] =	ssyncadd.s32 $0xFFFFFFE0  }
0xc: {  	[tilespmem:s7], [sflag:$0x1] =	stream.indirect.gather [hbm4b:s5+s6], $0x80, s2, s6, $0xb8;
	[tilespmem:$0x1080] =	vst v63  }
0xd: {  	p0 =	sne.s32 s10, $0x1;
	_ =	swait.ge [sflag:s8], $0x1000  }
.Ltmp0:
0xe: {  	[sflag:s8] =	ssyncset.done $0x0;
	(pc) =	sbr.rel @!p0 .LBB2_2-.Ltmp0, $4  }
0xf: {  	s9 =	sadd.s32 $0x29600, s9;
	[sflag:s8] =	ssyncadd.s32 $0xFFFFF000  }
0x10: {  	[hbm4b:s9+s2] =	stream.linear.scatter [tilespmem:s7], [sflag:$0x2], $0x1000, $0x38;
	[tilespmem:$0x1080] =	vst v63  }
0x11: {  	_ =	swait.ge [sflag:s3], $0x1000  }
0x12: {  	s10 =	sadd.s32 $0xFFFFFFFF, s10;
	[sflag:s3] =	ssyncset.done $0x0  }
.LBB2_1:
0x13: {  	p0 =	sne.s32 s10, $0x1;
	s10 =	sadd.s32 $0xFFFFFFFF, s10;
	[sflag:s3] =	ssyncadd.s32 $0xFFFFF000  }
0x14: {  	[tilespmem:s2], [sflag:$0x2] =	stream.linear.gather [hbm4b:s4+s2], $0x20, $0x38;
	[tilespmem:$0x1080] =	vst v63  }
0x15: {  	_ =	swait.ge [sflag:s3], $0x20  }
0x16: {  	[sflag:s3] =	ssyncset.done $0x0  }
0x17: {  	[sflag:s3] =	ssyncadd.s32 $0xFFFFFFE0  }
0x18: {  	[tilespmem:s7], [sflag:$0x1] =	stream.indirect.gather [hbm4b:s5+s6], $0x80, s2, s6, $0xb8;
	[tilespmem:$0x1080] =	vst v63  }
0x19: {  	_ =	swait.ge [sflag:s8], $0x1000  }
.Ltmp1:
0x1a: {  	[sflag:s8] =	ssyncset.done $0x0;
	(pc) =	sbr.rel @p0 .LBB2_1-.Ltmp1, $4  }
0x1b: {  	[sflag:s8] =	ssyncadd.s32 $0xFFFFF000  }
0x1c: {  	[hbm4b:s9+s2] =	stream.linear.scatter [tilespmem:s7], [sflag:$0x2], $0x1000, $0x38;
	[tilespmem:$0x1080] =	vst v63  }
0x1d: {  	_ =	swait.ge [sflag:s3], $0x1000  }
0x1e: {  	[sflag:s3] =	ssyncset.done $0x0  }
.LBB2_2:
0x1f: {  	[sflag:s3] =	ssyncadd.s32 $0xFFFFF000  }
0x20: {  	_ =	sfence.sel $0x180000  }
0x21: {  	[bflag:$0x0] =	sbarrier.arrive $0xFFFF  }
0x22: {  	p0 =	sne.s32 s0, $0x0;
	_ =	strace $0x9000004D  }
0x23: {  	s0 =	sadd.s32 @!p0 $0x100000, s1;
	[bflag:$0x2] =	sbarrier.arrive $0xFFFF  }
0x24: {  	[sflag:s0] =	ssyncadd.tile.s32 @!p0 $0x1;
	_ =	shalt  }
.Lfunc_end2:
_tile_overlayer_lowered:
.L_overlay_start_2:
0x25: {  	(tag) =	ssettag $0x2  }
0x26: {  	s0 =	rddreg [dreg:$0x0];
	s2 =	stileid.u32  }
0x27: {  	s1 =	rddreg [dreg:$0x1];
	p0 =	sne.s32 s2, $0x0  }
0x28: {  	s3 =	rddreg [dreg:$0x2];
	[bflag:$0x3] =	sbarrier.arrive $0xFFFF;
	s2 =	simm.s32 @!p0 $0x1C02  }
0x29: {  	[timem:s3], [sflag:s2] =	dma.local @!p0 [hbm:s0], s1  }
0x2a: {  	s0 =	simm.s32 @!p0 $0x2  }
0x2b: {  	_ =	swait.ge @!p0 [sflag:s0], s1  }
0x2c: {  	s1 =	ssub.s32 @!p0 $0x0, s1;
	[sflag:s0] =	ssyncset.done @!p0 $0x0  }
0x2d: {  	[sflag:s0] =	ssyncadd.s32 @!p0 s1  }
0x2e: {  	[bflag:$0x3] =	sbarrier.arrive $0xFFFF  }
0x2f: {  	_ =	shalt  }

</sc_bundles>
